<compile_context>
chip_gen: v7x
topology: tpu7x:2x2x1
jax: 0.10.2.dev20260603
libtpu: 0.0.44.dev20260713+nightly
codegen_flags: <defaults>
</compile_context>

<pallas_src>
import functools

import jax
import jax.numpy as jnp
from jax import lax
from jax.experimental import pallas as pl
from jax.experimental.pallas import tpu as pltpu
from jax.experimental.pallas import tpu_sc as plsc

B = 2
NV = 6890
RES = 128
VOL = RES * RES * RES
SIG2 = 0.05 * 0.05
NS = 16
VPS = 432
NVPAD = NS * VPS
NVREG = VPS // 16
NCON = VPS * 27
NCHUNK = 96
CPAD = NCHUNK * 128
GRP = 8
NGRP = NCHUNK // GRP
GROWS = GRP * 128
RING = 3
NPASSES = 8
PROWS = VOL // 2 // NPASSES
SROWS = PROWS // NS
EPR = 256
EPV = EPR * 2
NEP = SROWS // EPR
ZR = 2048

_OFFS = [(a, b, c) for a in (-1, 0, 1) for b in (-1, 0, 1) for c in (-1, 0, 1)]


def _floor_i32(x):
    t = x.astype(jnp.int32)
    return t - jnp.where(x < t.astype(jnp.float32), 1, 0).astype(jnp.int32)


def _sc_body(vx, vy, vz, c0, c1, c2, zeros_in, out,
             px, py, pz, q0, q1, q2, rows_all, stage, vbuf, lidx, acc_in,
             out_buf, vals_hbm, psem, ssem, zsem, esem, osem, acc):
    core = lax.axis_index("c")
    sub = lax.axis_index("s")
    wid = core * NS + sub
    vbase = core * NVPAD + sub * VPS
    iota = lax.iota(jnp.int32, 16)
    i2 = lax.shift_right_logical(iota, 1)
    p4 = (iota & 1) * 4

    pltpu.sync_copy(vx.at[pl.ds(vbase, VPS)], px)
    pltpu.sync_copy(vy.at[pl.ds(vbase, VPS)], py)
    pltpu.sync_copy(vz.at[pl.ds(vbase, VPS)], pz)
    pltpu.sync_copy(c0.at[pl.ds(vbase, VPS)], q0)
    pltpu.sync_copy(c1.at[pl.ds(vbase, VPS)], q1)
    pltpu.sync_copy(c2.at[pl.ds(vbase, VPS)], q2)

    for m in range((CPAD - NCON) // 16):
        rows_all[pl.ds(NCON + m * 16, 16)] = jnp.full((16,), 1 << 29,
                                                      jnp.int32)
    pltpu.sync_copy(zeros_in.at[pl.ds(0, CPAD - NCON)],
                    vals_hbm.at[wid, pl.ds(NCON, CPAD - NCON)])

    def gen(i, _):
        r16 = i * 16
        wx = px[pl.ds(r16, 16)]
        wy = py[pl.ds(r16, 16)]
        wz = pz[pl.ds(r16, 16)]
        a0 = q0[pl.ds(r16, 16)]
        a1 = q1[pl.ds(r16, 16)]
        a2 = q2[pl.ds(r16, 16)]
        bx = _floor_i32((wx * 0.5 + 0.5) * RES)
        by = _floor_i32((wy * 0.5 + 0.5) * RES)
        bz = _floor_i32((wz * 0.5 + 0.5) * RES)
        zero = jnp.zeros((16,), jnp.float32)
        for o, (oa, ob, oc) in enumerate(_OFFS):
            nx = jnp.clip(bx + oa, 0, RES - 1)
            ny = jnp.clip(by + ob, 0, RES - 1)
            nz = jnp.clip(bz + oc, 0, RES - 1)
            dx = (nx.astype(jnp.float32) + 0.5) * (2.0 / RES) - 1.0 - wx
            dy = (ny.astype(jnp.float32) + 0.5) * (2.0 / RES) - 1.0 - wy
            dz = (nz.astype(jnp.float32) + 0.5) * (2.0 / RES) - 1.0 - wz
            w = jnp.exp((dx * dx + dy * dy + dz * dz) * (-1.0 / SIG2))
            g = (nx * RES + ny) * RES + nz
            rows_all[pl.ds(i * VPS + o * 16, 16)] = (
                lax.shift_right_logical(g, 1))
            rvec = o * 16 + iota
            half = (g & 1) * 4
            anti = 4 - half
            for ch, val in enumerate((w * a0, w * a1, w * a2, w)):
                plsc.store_scatter(stage, [rvec, half + ch], val)
                plsc.store_scatter(stage, [rvec, anti + ch], zero)
        pltpu.sync_copy(stage, vals_hbm.at[wid, pl.ds(i * VPS, VPS)])
        return 0

    lax.fori_loop(0, NVREG, gen, 0)

    def one_pass(p, _):
        row_lo = p * PROWS
        for k in range(SROWS // ZR):
            pltpu.async_copy(zeros_in,
                             acc.at[pl.ds(sub * SROWS + k * ZR, ZR)], zsem)
        for k in range(SROWS // ZR):
            pltpu.make_async_copy(
                zeros_in, acc.at[pl.ds(sub * SROWS + k * ZR, ZR)],
                zsem).wait()

        def remap(j, _):
            for k in range(8):
                r = rows_all[pl.ds(j * 128 + k * 16, 16)]
                rel = r - row_lo
                match = (rel >= 0) & (rel < PROWS)
                trash = PROWS + k * 16 + iota
                lidx[j, pl.ds(k * 16, 16)] = jnp.where(match, rel, trash)
            return 0

        lax.fori_loop(0, NCHUNK, remap, 0)
        plsc.subcore_barrier()

        for r in range(RING - 1):
            pltpu.async_copy(vals_hbm.at[wid, pl.ds(r * GROWS, GROWS)],
                             vbuf.at[r], psem)

        def scat_grp(g, _):
            bi = lax.rem(g, RING)
            pltpu.make_async_copy(vals_hbm.at[wid, pl.ds(g * GROWS, GROWS)],
                                  vbuf.at[bi], psem).wait()
            for cc in range(GRP):
                pltpu.async_copy(vbuf.at[bi, pl.ds(cc * 128, 128)],
                                 acc.at[lidx.at[g * GRP + cc]], ssem,
                                 add=True)

            @pl.when(g >= 1)
            def _():
                pg = g - 1
                pbi = lax.rem(pg, RING)
                for cc in range(GRP):
                    pltpu.make_async_copy(
                        vbuf.at[pbi, pl.ds(cc * 128, 128)],
                        acc.at[lidx.at[pg * GRP + cc]], ssem).wait()

            @pl.when(g + RING - 1 < NGRP)
            def _():
                pltpu.async_copy(
                    vals_hbm.at[wid, pl.ds((g + RING - 1) * GROWS, GROWS)],
                    vbuf.at[lax.rem(g + RING - 1, RING)], psem)
            return 0

        lax.fori_loop(0, NGRP, scat_grp, 0)
        for cc in range(GRP):
            pltpu.make_async_copy(
                vbuf.at[(NGRP - 1) % RING, pl.ds(cc * 128, 128)],
                acc.at[lidx.at[(NGRP - 1) * GRP + cc]], ssem).wait()
        plsc.subcore_barrier()

        sbase = sub * SROWS

        def _ep_in(k, bi):
            pltpu.async_copy(acc.at[pl.ds(sbase + k * EPR, EPR)],
                             acc_in.at[bi], esem)

        def _ep_out(k, bi, start):
            vox = (row_lo + sbase + k * EPR) * 2
            for ch in range(3):
                d = pltpu.make_async_copy(
                    out_buf.at[bi, pl.ds(ch * EPV, EPV)],
                    out.at[pl.ds((core * 3 + ch) * VOL + vox, EPV)], osem)
                if start:
                    d.start()
                else:
                    d.wait()

        _ep_in(0, 0)

        def epi(k, _):
            bi = lax.rem(k, 2)
            pltpu.make_async_copy(acc.at[pl.ds(sbase + k * EPR, EPR)],
                                  acc_in.at[bi], esem).wait()

            @pl.when(k + 1 < NEP)
            def _():
                _ep_in(k + 1, lax.rem(k + 1, 2))

            @pl.when(k >= 2)
            def _():
                _ep_out(k - 2, bi, False)

            @plsc.parallel_loop(0, EPV // 16, unroll=4)
            def norm(m):
                rr = m * 8 + i2
                ws = plsc.load_gather(acc_in.at[bi], [rr, p4 + 3])
                inv = 1.0 / (ws + 0.001)
                for ch in range(3):
                    s = plsc.load_gather(acc_in.at[bi], [rr, p4 + ch])
                    out_buf[bi, pl.ds(ch * EPV + m * 16, 16)] = s * inv
            _ep_out(k, bi, True)
            return 0

        lax.fori_loop(0, NEP, epi, 0)
        _ep_out(NEP - 2, 0, False)
        _ep_out(NEP - 1, 1, False)
        plsc.subcore_barrier()
        return 0

    lax.fori_loop(0, NPASSES, one_pass, 0)


_sc_vox = functools.partial(
    pl.kernel,
    out_type=jax.ShapeDtypeStruct((B * 3 * VOL,), jnp.float32),
    mesh=plsc.VectorSubcoreMesh(core_axis_name="c", subcore_axis_name="s"),
    compiler_params=pltpu.CompilerParams(needs_layout_passes=False,
                                         use_tc_tiling_on_sc=False),
    scratch_types=[
        pltpu.VMEM((VPS,), jnp.float32),
        pltpu.VMEM((VPS,), jnp.float32),
        pltpu.VMEM((VPS,), jnp.float32),
        pltpu.VMEM((VPS,), jnp.float32),
        pltpu.VMEM((VPS,), jnp.float32),
        pltpu.VMEM((VPS,), jnp.float32),
        pltpu.VMEM((CPAD,), jnp.int32),
        pltpu.VMEM((VPS, 8), jnp.float32),
        pltpu.VMEM((RING, GROWS, 8), jnp.float32),
        pltpu.VMEM((NCHUNK, 128), jnp.int32),
        pltpu.VMEM((2, EPR, 8), jnp.float32),
        pltpu.VMEM((2, 3 * EPV), jnp.float32),
        pltpu.HBM((B * NS, CPAD, 8), jnp.float32),
        pltpu.SemaphoreType.DMA,
        pltpu.SemaphoreType.DMA,
        pltpu.SemaphoreType.DMA,
        pltpu.SemaphoreType.DMA,
        pltpu.SemaphoreType.DMA,
        pltpu.VMEM_SHARED((PROWS + 128, 8), jnp.float32),
    ],
)(_sc_body)


def kernel(smpl_vertices, smpl_vertex_code, smpl_face_code,
           smpl_face_indices, smpl_tetrahedron_indices):
    del smpl_face_code, smpl_face_indices, smpl_tetrahedron_indices
    pad = NVPAD - NV
    v = jnp.pad(smpl_vertices, ((0, 0), (0, pad), (0, 0)),
                constant_values=1e6)
    cde = jnp.pad(smpl_vertex_code, ((0, 0), (0, pad), (0, 0)))
    zeros_in = jnp.zeros((ZR, 8), jnp.float32)
    out = _sc_vox(v[:, :, 0].reshape(-1), v[:, :, 1].reshape(-1),
                  v[:, :, 2].reshape(-1), cde[:, :, 0].reshape(-1),
                  cde[:, :, 1].reshape(-1), cde[:, :, 2].reshape(-1),
                  zeros_in)
    return out.reshape(B, 3, RES, RES, RES)

# --- scband reference (transcript-rebuilt; emitter-appended) ---
"""Pipeline reference for scband-voxelization-2164663517790 (READ-ONLY COPY).

The authoritative reference and input builder live on the scoring server;
editing this copy changes nothing except your own understanding.
"""

import jax, jax.numpy as jnp
import numpy as np

B = 2
NV = 6890
NF = 13776
NT = 20000
RES = 128
SIGMA = 0.05
K = 3


def setup_inputs(seed: int = 0) -> dict:
    key = jax.random.key(seed)
    k0, k1, k2, k3, k4 = jax.random.split(key, 5)
    smpl_vertices = jax.random.normal(k0, (B, NV, 3), dtype=jnp.float32)
    vertex_code = jax.random.uniform(k1, (NV, 3), dtype=jnp.float32)
    face_code = jax.random.uniform(k2, (NF, 3), dtype=jnp.float32)
    face_idx = jax.random.randint(k3, (NF, 3), 0, NV, dtype=jnp.int32)
    tet_idx = jax.random.randint(k4, (NT, 4), 0, NV, dtype=jnp.int32)
    return {
        "smpl_vertices": smpl_vertices,
        "smpl_vertex_code": jnp.tile(vertex_code[None], (B, 1, 1)),
        "smpl_face_code": jnp.tile(face_code[None], (B, 1, 1)),
        "smpl_face_indices": jnp.tile(face_idx[None], (B, 1, 1)),
        "smpl_tetrahedron_indices": jnp.tile(tet_idx[None], (B, 1, 1)),
    }


def reference(smpl_vertices, smpl_vertex_code, smpl_face_code, smpl_face_indices, smpl_tetrahedron_indices):
    bs, nv = smpl_vertices.shape[0], smpl_vertices.shape[1]
    verts_flat = smpl_vertices.reshape(bs * nv, 3)
    offset = (jnp.arange(bs, dtype=jnp.int32) * nv)[:, None, None]
    # vertices_to_faces / vertices_to_tetrahedrons (gathers)
    face = (smpl_face_indices + offset).astype(jnp.int32)
    face_verts = verts_flat[face]
    tets = verts_flat[(smpl_tetrahedron_indices + offset).astype(jnp.int32)]
    # calc_face_centers
    face_centers = (face_verts[:, :, 0, :] + face_verts[:, :, 1, :] + face_verts[:, :, 2, :]) / 3.0
    # calc_face_normals
    fv = face_verts.reshape(bs * face_verts.shape[1], 3, 3)
    v10 = fv[:, 0] - fv[:, 1]
    v12 = fv[:, 2] - fv[:, 1]
    cr = jnp.cross(v10, v12)
    face_normals = cr / jnp.maximum(jnp.linalg.norm(cr, axis=-1, keepdims=True), 1e-05)
    face_normals = face_normals.reshape(bs, -1, 3)
    # forward_semantic_voxelization: gaussian splat of vertex codes into volume
    pos01 = smpl_vertices * 0.5 + 0.5
    base = jnp.floor(pos01 * RES).astype(jnp.int32)
    r = K // 2
    ax = jnp.arange(-r, r + 1, dtype=jnp.int32)
    offs = jnp.stack(jnp.meshgrid(ax, ax, ax, indexing="ij"), axis=-1).reshape(-1, 3)
    nbr = jnp.clip(base[:, :, None, :] + offs[None, None, :, :], 0, RES - 1)
    centers = (nbr.astype(jnp.float32) + 0.5) / RES * 2.0 - 1.0
    d2 = jnp.sum((centers - smpl_vertices[:, :, None, :]) ** 2, axis=-1)
    w = jnp.exp(-d2 / (SIGMA * SIGMA))
    nk = offs.shape[0]
    bidx = jnp.broadcast_to(jnp.arange(bs, dtype=jnp.int32)[:, None, None], (bs, nv, nk))
    flat = (((bidx * RES + nbr[..., 0]) * RES + nbr[..., 1]) * RES + nbr[..., 2]).reshape(-1)
    wf = w.reshape(-1)
    codes = jnp.broadcast_to(smpl_vertex_code[:, :, None, :], (bs, nv, nk, 3)).reshape(-1, 3)
    semantic = jnp.zeros((bs * RES * RES * RES, 3), dtype=jnp.float32).at[flat].add(wf[:, None] * codes)
    wsum = jnp.full((bs * RES * RES * RES,), 0.001, dtype=jnp.float32).at[flat].add(wf)
    semantic = semantic / wsum[:, None]
    # occupancy scatter from tetrahedron centroids (computed by kernel; not in returned volume)
    tc = jnp.mean(tets, axis=2)
    tpos = jnp.clip(jnp.floor((tc * 0.5 + 0.5) * RES).astype(jnp.int32), 0, RES - 1)
    tb = jnp.broadcast_to(jnp.arange(bs, dtype=jnp.int32)[:, None], (bs, tc.shape[1]))
    tflat = (((tb * RES + tpos[..., 0]) * RES + tpos[..., 1]) * RES + tpos[..., 2]).reshape(-1)
    occ = jnp.zeros((bs * RES * RES * RES,), dtype=jnp.float32).at[tflat].set(1.0)
    vol = semantic.reshape(bs, RES, RES, RES, 3)
    out = jnp.transpose(vol, (0, 4, 1, 2, 3))
    return out

if __name__ == "__main__":
    import jax
    _d = setup_inputs()
    print(jax.jit(kernel)(*tuple(_d.values())))

</pallas_src>

<mosaic_0001>
#map = affine_map<(d0, d1) -> (0)>
#map1 = affine_map<(d0, d1) -> (0, 0)>
module attributes {stable_mosaic.version = 14 : i64} {
  func.func @_sc_body(%arg0: i32, %arg1: i32, %arg2: memref<13824xf32, #tpu.memory_space<hbm>>, %arg3: memref<13824xf32, #tpu.memory_space<hbm>>, %arg4: memref<13824xf32, #tpu.memory_space<hbm>>, %arg5: memref<13824xf32, #tpu.memory_space<hbm>>, %arg6: memref<13824xf32, #tpu.memory_space<hbm>>, %arg7: memref<13824xf32, #tpu.memory_space<hbm>>, %arg8: memref<2048x8xf32, #tpu.memory_space<hbm>>, %arg9: memref<12582912xf32, #tpu.memory_space<hbm>>, %arg10: memref<432xf32, #tpu.memory_space<vmem>>, %arg11: memref<432xf32, #tpu.memory_space<vmem>>, %arg12: memref<432xf32, #tpu.memory_space<vmem>>, %arg13: memref<432xf32, #tpu.memory_space<vmem>>, %arg14: memref<432xf32, #tpu.memory_space<vmem>>, %arg15: memref<432xf32, #tpu.memory_space<vmem>>, %arg16: memref<12288xi32, #tpu.memory_space<vmem>>, %arg17: memref<432x8xf32, #tpu.memory_space<vmem>>, %arg18: memref<3x1024x8xf32, #tpu.memory_space<vmem>>, %arg19: memref<96x128xi32, #tpu.memory_space<vmem>>, %arg20: memref<2x256x8xf32, #tpu.memory_space<vmem>>, %arg21: memref<2x1536xf32, #tpu.memory_space<vmem>>, %arg22: memref<32x12288x8xf32, #tpu.memory_space<hbm>>, %arg23: memref<!tpu.dma_semaphore, #tpu.memory_space<semaphore_mem>>, %arg24: memref<!tpu.dma_semaphore, #tpu.memory_space<semaphore_mem>>, %arg25: memref<!tpu.dma_semaphore, #tpu.memory_space<semaphore_mem>>, %arg26: memref<!tpu.dma_semaphore, #tpu.memory_space<semaphore_mem>>, %arg27: memref<!tpu.dma_semaphore, #tpu.memory_space<semaphore_mem>>, %arg28: memref<131200x8xf32, #tpu.memory_space<vmem_shared>>) attributes {dimension_semantics = [#tpu.dimension_semantics<core_parallel>, #tpu.dimension_semantics<subcore_parallel>], iteration_bounds = array<i64: 2, 16>, scalar_prefetch = 0 : i64, scratch_operands = 19 : i64, tpu.core_type = #tpu.core_type<sc_vector_subcore>, window_params = [{transform_indices = #map}, {transform_indices = #map}, {transform_indices = #map}, {transform_indices = #map}, {transform_indices = #map}, {transform_indices = #map}, {transform_indices = #map1}, {transform_indices = #map}]} {
    %mul3A = arith.constant 16 : i32
    %mul3A_0 = arith.muli %arg0, %mul3A : i32
    %add3A = arith.addi %mul3A_0, %arg1 : i32
    %mul3A_1 = arith.constant 6912 : i32
    %mul3A_2 = arith.muli %arg0, %mul3A_1 : i32
    %mul3A_3 = arith.constant 432 : i32
    %mul3A_4 = arith.muli %arg1, %mul3A_3 : i32
    %add3A_5 = arith.addi %mul3A_2, %mul3A_4 : i32
    %iota3A = tpu.iota {dimensions = array<i32: 0>} : vector<16xi32>
    %shift_right_logical3A = arith.constant 1 : i32
    %shift_right_logical3A_6 = vector.broadcast %shift_right_logical3A : i32 to vector<16xi32>
    %shift_right_logical3A_7 = arith.shrui %iota3A, %shift_right_logical3A_6 : vector<16xi32>
    %and3A = arith.constant 1 : i32
    %and3A_8 = vector.broadcast %and3A : i32 to vector<16xi32>
    %and3A_9 = arith.andi %iota3A, %and3A_8 : vector<16xi32>
    %mul3A_10 = arith.constant 4 : i32
    %mul3A_11 = vector.broadcast %mul3A_10 : i32 to vector<16xi32>
    %mul3A_12 = arith.muli %and3A_9, %mul3A_11 : vector<16xi32>
    "tpu.region"() ({
      %run_scoped3A = tpu.sem_alloc : memref<!tpu.dma_semaphore, #tpu.memory_space<semaphore_mem>>
      %dma_start3A = tpu.memref_slice %arg2[%add3A_5] : memref<13824xf32, #tpu.memory_space<hbm>> -> memref<432xf32, #tpu.memory_space<hbm>>
      %dma_start3A_180 = tpu.memref_slice %arg2[%add3A_5] : memref<13824xf32, #tpu.memory_space<hbm>> -> memref<432xf32, #tpu.memory_space<hbm>>
      tpu.enqueue_dma source(%dma_start3A_180 : memref<432xf32, #tpu.memory_space<hbm>>) target(%arg10 : memref<432xf32, #tpu.memory_space<vmem>>) target_semaphore(%run_scoped3A : memref<!tpu.dma_semaphore, #tpu.memory_space<semaphore_mem>>)
      %dma_wait3A = tpu.memref_slice %arg2[%add3A_5] : memref<13824xf32, #tpu.memory_space<hbm>> -> memref<432xf32, #tpu.memory_space<hbm>>
      %dma_wait3A_181 = tpu.memref_slice %arg2[%add3A_5] : memref<13824xf32, #tpu.memory_space<hbm>> -> memref<432xf32, #tpu.memory_space<hbm>>
      tpu.wait_dma2 semaphore(%run_scoped3A : memref<!tpu.dma_semaphore, #tpu.memory_space<semaphore_mem>>) src(%dma_wait3A_181 : memref<432xf32, #tpu.memory_space<hbm>>) dst(%arg10 : memref<432xf32, #tpu.memory_space<vmem>>)
      tpu.yield
    }) : () -> ()
    "tpu.region"() ({
      %run_scoped3A = tpu.sem_alloc : memref<!tpu.dma_semaphore, #tpu.memory_space<semaphore_mem>>
      %dma_start3A = tpu.memref_slice %arg3[%add3A_5] : memref<13824xf32, #tpu.memory_space<hbm>> -> memref<432xf32, #tpu.memory_space<hbm>>
      %dma_start3A_180 = tpu.memref_slice %arg3[%add3A_5] : memref<13824xf32, #tpu.memory_space<hbm>> -> memref<432xf32, #tpu.memory_space<hbm>>
      tpu.enqueue_dma source(%dma_start3A_180 : memref<432xf32, #tpu.memory_space<hbm>>) target(%arg11 : memref<432xf32, #tpu.memory_space<vmem>>) target_semaphore(%run_scoped3A : memref<!tpu.dma_semaphore, #tpu.memory_space<semaphore_mem>>)
      %dma_wait3A = tpu.memref_slice %arg3[%add3A_5] : memref<13824xf32, #tpu.memory_space<hbm>> -> memref<432xf32, #tpu.memory_space<hbm>>
      %dma_wait3A_181 = tpu.memref_slice %arg3[%add3A_5] : memref<13824xf32, #tpu.memory_space<hbm>> -> memref<432xf32, #tpu.memory_space<hbm>>
      tpu.wait_dma2 semaphore(%run_scoped3A : memref<!tpu.dma_semaphore, #tpu.memory_space<semaphore_mem>>) src(%dma_wait3A_181 : memref<432xf32, #tpu.memory_space<hbm>>) dst(%arg11 : memref<432xf32, #tpu.memory_space<vmem>>)
      tpu.yield
    }) : () -> ()
    "tpu.region"() ({
      %run_scoped3A = tpu.sem_alloc : memref<!tpu.dma_semaphore, #tpu.memory_space<semaphore_mem>>
      %dma_start3A = tpu.memref_slice %arg4[%add3A_5] : memref<13824xf32, #tpu.memory_space<hbm>> -> memref<432xf32, #tpu.memory_space<hbm>>
      %dma_start3A_180 = tpu.memref_slice %arg4[%add3A_5] : memref<13824xf32, #tpu.memory_space<hbm>> -> memref<432xf32, #tpu.memory_space<hbm>>
      tpu.enqueue_dma source(%dma_start3A_180 : memref<432xf32, #tpu.memory_space<hbm>>) target(%arg12 : memref<432xf32, #tpu.memory_space<vmem>>) target_semaphore(%run_scoped3A : memref<!tpu.dma_semaphore, #tpu.memory_space<semaphore_mem>>)
      %dma_wait3A = tpu.memref_slice %arg4[%add3A_5] : memref<13824xf32, #tpu.memory_space<hbm>> -> memref<432xf32, #tpu.memory_space<hbm>>
      %dma_wait3A_181 = tpu.memref_slice %arg4[%add3A_5] : memref<13824xf32, #tpu.memory_space<hbm>> -> memref<432xf32, #tpu.memory_space<hbm>>
      tpu.wait_dma2 semaphore(%run_scoped3A : memref<!tpu.dma_semaphore, #tpu.memory_space<semaphore_mem>>) src(%dma_wait3A_181 : memref<432xf32, #tpu.memory_space<hbm>>) dst(%arg12 : memref<432xf32, #tpu.memory_space<vmem>>)
      tpu.yield
    }) : () -> ()
    "tpu.region"() ({
      %run_scoped3A = tpu.sem_alloc : memref<!tpu.dma_semaphore, #tpu.memory_space<semaphore_mem>>
      %dma_start3A = tpu.memref_slice %arg5[%add3A_5] : memref<13824xf32, #tpu.memory_space<hbm>> -> memref<432xf32, #tpu.memory_space<hbm>>
      %dma_start3A_180 = tpu.memref_slice %arg5[%add3A_5] : memref<13824xf32, #tpu.memory_space<hbm>> -> memref<432xf32, #tpu.memory_space<hbm>>
      tpu.enqueue_dma source(%dma_start3A_180 : memref<432xf32, #tpu.memory_space<hbm>>) target(%arg13 : memref<432xf32, #tpu.memory_space<vmem>>) target_semaphore(%run_scoped3A : memref<!tpu.dma_semaphore, #tpu.memory_space<semaphore_mem>>)
      %dma_wait3A = tpu.memref_slice %arg5[%add3A_5] : memref<13824xf32, #tpu.memory_space<hbm>> -> memref<432xf32, #tpu.memory_space<hbm>>
      %dma_wait3A_181 = tpu.memref_slice %arg5[%add3A_5] : memref<13824xf32, #tpu.memory_space<hbm>> -> memref<432xf32, #tpu.memory_space<hbm>>
      tpu.wait_dma2 semaphore(%run_scoped3A : memref<!tpu.dma_semaphore, #tpu.memory_space<semaphore_mem>>) src(%dma_wait3A_181 : memref<432xf32, #tpu.memory_space<hbm>>) dst(%arg13 : memref<432xf32, #tpu.memory_space<vmem>>)
      tpu.yield
    }) : () -> ()
    "tpu.region"() ({
      %run_scoped3A = tpu.sem_alloc : memref<!tpu.dma_semaphore, #tpu.memory_space<semaphore_mem>>
      %dma_start3A = tpu.memref_slice %arg6[%add3A_5] : memref<13824xf32, #tpu.memory_space<hbm>> -> memref<432xf32, #tpu.memory_space<hbm>>
      %dma_start3A_180 = tpu.memref_slice %arg6[%add3A_5] : memref<13824xf32, #tpu.memory_space<hbm>> -> memref<432xf32, #tpu.memory_space<hbm>>
      tpu.enqueue_dma source(%dma_start3A_180 : memref<432xf32, #tpu.memory_space<hbm>>) target(%arg14 : memref<432xf32, #tpu.memory_space<vmem>>) target_semaphore(%run_scoped3A : memref<!tpu.dma_semaphore, #tpu.memory_space<semaphore_mem>>)
      %dma_wait3A = tpu.memref_slice %arg6[%add3A_5] : memref<13824xf32, #tpu.memory_space<hbm>> -> memref<432xf32, #tpu.memory_space<hbm>>
      %dma_wait3A_181 = tpu.memref_slice %arg6[%add3A_5] : memref<13824xf32, #tpu.memory_space<hbm>> -> memref<432xf32, #tpu.memory_space<hbm>>
      tpu.wait_dma2 semaphore(%run_scoped3A : memref<!tpu.dma_semaphore, #tpu.memory_space<semaphore_mem>>) src(%dma_wait3A_181 : memref<432xf32, #tpu.memory_space<hbm>>) dst(%arg14 : memref<432xf32, #tpu.memory_space<vmem>>)
      tpu.yield
    }) : () -> ()
    "tpu.region"() ({
      %run_scoped3A = tpu.sem_alloc : memref<!tpu.dma_semaphore, #tpu.memory_space<semaphore_mem>>
      %dma_start3A = tpu.memref_slice %arg7[%add3A_5] : memref<13824xf32, #tpu.memory_space<hbm>> -> memref<432xf32, #tpu.memory_space<hbm>>
      %dma_start3A_180 = tpu.memref_slice %arg7[%add3A_5] : memref<13824xf32, #tpu.memory_space<hbm>> -> memref<432xf32, #tpu.memory_space<hbm>>
      tpu.enqueue_dma source(%dma_start3A_180 : memref<432xf32, #tpu.memory_space<hbm>>) target(%arg15 : memref<432xf32, #tpu.memory_space<vmem>>) target_semaphore(%run_scoped3A : memref<!tpu.dma_semaphore, #tpu.memory_space<semaphore_mem>>)
      %dma_wait3A = tpu.memref_slice %arg7[%add3A_5] : memref<13824xf32, #tpu.memory_space<hbm>> -> memref<432xf32, #tpu.memory_space<hbm>>
      %dma_wait3A_181 = tpu.memref_slice %arg7[%add3A_5] : memref<13824xf32, #tpu.memory_space<hbm>> -> memref<432xf32, #tpu.memory_space<hbm>>
      tpu.wait_dma2 semaphore(%run_scoped3A : memref<!tpu.dma_semaphore, #tpu.memory_space<semaphore_mem>>) src(%dma_wait3A_181 : memref<432xf32, #tpu.memory_space<hbm>>) dst(%arg15 : memref<432xf32, #tpu.memory_space<vmem>>)
      tpu.yield
    }) : () -> ()
    %broadcast_in_dim3A = arith.constant 536870912 : i32
    %broadcast_in_dim3A_13 = vector.broadcast %broadcast_in_dim3A : i32 to vector<16xi32>
    %swap3A = arith.constant 11664 : index
    %swap3A_14 = tpu.vector_load %arg16[%swap3A] {strides = array<i32>} : memref<12288xi32, #tpu.memory_space<vmem>>, vector<16xi32>,
    tpu.vector_store %arg16[%swap3A], %broadcast_in_dim3A_13 {strides = array<i32>} : memref<12288xi32, #tpu.memory_space<vmem>>, vector<16xi32>,
    %broadcast_in_dim3A_15 = arith.constant 536870912 : i32
    %broadcast_in_dim3A_16 = vector.broadcast %broadcast_in_dim3A_15 : i32 to vector<16xi32>
    %swap3A_17 = arith.constant 11680 : index
    %swap3A_18 = tpu.vector_load %arg16[%swap3A_17] {strides = array<i32>} : memref<12288xi32, #tpu.memory_space<vmem>>, vector<16xi32>,
    tpu.vector_store %arg16[%swap3A_17], %broadcast_in_dim3A_16 {strides = array<i32>} : memref<12288xi32, #tpu.memory_space<vmem>>, vector<16xi32>,
    %broadcast_in_dim3A_19 = arith.constant 536870912 : i32
    %broadcast_in_dim3A_20 = vector.broadcast %broadcast_in_dim3A_19 : i32 to vector<16xi32>
    %swap3A_21 = arith.constant 11696 : index
    %swap3A_22 = tpu.vector_load %arg16[%swap3A_21] {strides = array<i32>} : memref<12288xi32, #tpu.memory_space<vmem>>, vector<16xi32>,
    tpu.vector_store %arg16[%swap3A_21], %broadcast_in_dim3A_20 {strides = array<i32>} : memref<12288xi32, #tpu.memory_space<vmem>>, vector<16xi32>,
    %broadcast_in_dim3A_23 = arith.constant 536870912 : i32
    %broadcast_in_dim3A_24 = vector.broadcast %broadcast_in_dim3A_23 : i32 to vector<16xi32>
    %swap3A_25 = arith.constant 11712 : index
    %swap3A_26 = tpu.vector_load %arg16[%swap3A_25] {strides = array<i32>} : memref<12288xi32, #tpu.memory_space<vmem>>, vector<16xi32>,
    tpu.vector_store %arg16[%swap3A_25], %broadcast_in_dim3A_24 {strides = array<i32>} : memref<12288xi32, #tpu.memory_space<vmem>>, vector<16xi32>,
    %broadcast_in_dim3A_27 = arith.constant 536870912 : i32
    %broadcast_in_dim3A_28 = vector.broadcast %broadcast_in_dim3A_27 : i32 to vector<16xi32>
    %swap3A_29 = arith.constant 11728 : index
    %swap3A_30 = tpu.vector_load %arg16[%swap3A_29] {strides = array<i32>} : memref<12288xi32, #tpu.memory_space<vmem>>, vector<16xi32>,
    tpu.vector_store %arg16[%swap3A_29], %broadcast_in_dim3A_28 {strides = array<i32>} : memref<12288xi32, #tpu.memory_space<vmem>>, vector<16xi32>,
    %broadcast_in_dim3A_31 = arith.constant 536870912 : i32
    %broadcast_in_dim3A_32 = vector.broadcast %broadcast_in_dim3A_31 : i32 to vector<16xi32>
    %swap3A_33 = arith.constant 11744 : index
    %swap3A_34 = tpu.vector_load %arg16[%swap3A_33] {strides = array<i32>} : memref<12288xi32, #tpu.memory_space<vmem>>, vector<16xi32>,
    tpu.vector_store %arg16[%swap3A_33], %broadcast_in_dim3A_32 {strides = array<i32>} : memref<12288xi32, #tpu.memory_space<vmem>>, vector<16xi32>,
    %broadcast_in_dim3A_35 = arith.constant 536870912 : i32
    %broadcast_in_dim3A_36 = vector.broadcast %broadcast_in_dim3A_35 : i32 to vector<16xi32>
    %swap3A_37 = arith.constant 11760 : index
    %swap3A_38 = tpu.vector_load %arg16[%swap3A_37] {strides = array<i32>} : memref<12288xi32, #tpu.memory_space<vmem>>, vector<16xi32>,
    tpu.vector_store %arg16[%swap3A_37], %broadcast_in_dim3A_36 {strides = array<i32>} : memref<12288xi32, #tpu.memory_space<vmem>>, vector<16xi32>,
    %broadcast_in_dim3A_39 = arith.constant 536870912 : i32
    %broadcast_in_dim3A_40 = vector.broadcast %broadcast_in_dim3A_39 : i32 to vector<16xi32>
    %swap3A_41 = arith.constant 11776 : index
    %swap3A_42 = tpu.vector_load %arg16[%swap3A_41] {strides = array<i32>} : memref<12288xi32, #tpu.memory_space<vmem>>, vector<16xi32>,
    tpu.vector_store %arg16[%swap3A_41], %broadcast_in_dim3A_40 {strides = array<i32>} : memref<12288xi32, #tpu.memory_space<vmem>>, vector<16xi32>,
    %broadcast_in_dim3A_43 = arith.constant 536870912 : i32
    %broadcast_in_dim3A_44 = vector.broadcast %broadcast_in_dim3A_43 : i32 to vector<16xi32>
    %swap3A_45 = arith.constant 11792 : index
    %swap3A_46 = tpu.vector_load %arg16[%swap3A_45] {strides = array<i32>} : memref<12288xi32, #tpu.memory_space<vmem>>, vector<16xi32>,
    tpu.vector_store %arg16[%swap3A_45], %broadcast_in_dim3A_44 {strides = array<i32>} : memref<12288xi32, #tpu.memory_space<vmem>>, vector<16xi32>,
    %broadcast_in_dim3A_47 = arith.constant 536870912 : i32
    %broadcast_in_dim3A_48 = vector.broadcast %broadcast_in_dim3A_47 : i32 to vector<16xi32>
    %swap3A_49 = arith.constant 11808 : index
    %swap3A_50 = tpu.vector_load %arg16[%swap3A_49] {strides = array<i32>} : memref<12288xi32, #tpu.memory_space<vmem>>, vector<16xi32>,
    tpu.vector_store %arg16[%swap3A_49], %broadcast_in_dim3A_48 {strides = array<i32>} : memref<12288xi32, #tpu.memory_space<vmem>>, vector<16xi32>,
    %broadcast_in_dim3A_51 = arith.constant 536870912 : i32
    %broadcast_in_dim3A_52 = vector.broadcast %broadcast_in_dim3A_51 : i32 to vector<16xi32>
    %swap3A_53 = arith.constant 11824 : index
    %swap3A_54 = tpu.vector_load %arg16[%swap3A_53] {strides = array<i32>} : memref<12288xi32, #tpu.memory_space<vmem>>, vector<16xi32>,
    tpu.vector_store %arg16[%swap3A_53], %broadcast_in_dim3A_52 {strides = array<i32>} : memref<12288xi32, #tpu.memory_space<vmem>>, vector<16xi32>,
    %broadcast_in_dim3A_55 = arith.constant 536870912 : i32
    %broadcast_in_dim3A_56 = vector.broadcast %broadcast_in_dim3A_55 : i32 to vector<16xi32>
    %swap3A_57 = arith.constant 11840 : index
    %swap3A_58 = tpu.vector_load %arg16[%swap3A_57] {strides = array<i32>} : memref<12288xi32, #tpu.memory_space<vmem>>, vector<16xi32>,
    tpu.vector_store %arg16[%swap3A_57], %broadcast_in_dim3A_56 {strides = array<i32>} : memref<12288xi32, #tpu.memory_space<vmem>>, vector<16xi32>,
    %broadcast_in_dim3A_59 = arith.constant 536870912 : i32
    %broadcast_in_dim3A_60 = vector.broadcast %broadcast_in_dim3A_59 : i32 to vector<16xi32>
    %swap3A_61 = arith.constant 11856 : index
    %swap3A_62 = tpu.vector_load %arg16[%swap3A_61] {strides = array<i32>} : memref<12288xi32, #tpu.memory_space<vmem>>, vector<16xi32>,
    tpu.vector_store %arg16[%swap3A_61], %broadcast_in_dim3A_60 {strides = array<i32>} : memref<12288xi32, #tpu.memory_space<vmem>>, vector<16xi32>,
    %broadcast_in_dim3A_63 = arith.constant 536870912 : i32
    %broadcast_in_dim3A_64 = vector.broadcast %broadcast_in_dim3A_63 : i32 to vector<16xi32>
    %swap3A_65 = arith.constant 11872 : index
    %swap3A_66 = tpu.vector_load %arg16[%swap3A_65] {strides = array<i32>} : memref<12288xi32, #tpu.memory_space<vmem>>, vector<16xi32>,
    tpu.vector_store %arg16[%swap3A_65], %broadcast_in_dim3A_64 {strides = array<i32>} : memref<12288xi32, #tpu.memory_space<vmem>>, vector<16xi32>,
    %broadcast_in_dim3A_67 = arith.constant 536870912 : i32
    %broadcast_in_dim3A_68 = vector.broadcast %broadcast_in_dim3A_67 : i32 to vector<16xi32>
    %swap3A_69 = arith.constant 11888 : index
    %swap3A_70 = tpu.vector_load %arg16[%swap3A_69] {strides = array<i32>} : memref<12288xi32, #tpu.memory_space<vmem>>, vector<16xi32>,
    tpu.vector_store %arg16[%swap3A_69], %broadcast_in_dim3A_68 {strides = array<i32>} : memref<12288xi32, #tpu.memory_space<vmem>>, vector<16xi32>,
    %broadcast_in_dim3A_71 = arith.constant 536870912 : i32
    %broadcast_in_dim3A_72 = vector.broadcast %broadcast_in_dim3A_71 : i32 to vector<16xi32>
    %swap3A_73 = arith.constant 11904 : index
    %swap3A_74 = tpu.vector_load %arg16[%swap3A_73] {strides = array<i32>} : memref<12288xi32, #tpu.memory_space<vmem>>, vector<16xi32>,
    tpu.vector_store %arg16[%swap3A_73], %broadcast_in_dim3A_72 {strides = array<i32>} : memref<12288xi32, #tpu.memory_space<vmem>>, vector<16xi32>,
    %broadcast_in_dim3A_75 = arith.constant 536870912 : i32
    %broadcast_in_dim3A_76 = vector.broadcast %broadcast_in_dim3A_75 : i32 to vector<16xi32>
    %swap3A_77 = arith.constant 11920 : index
    %swap3A_78 = tpu.vector_load %arg16[%swap3A_77] {strides = array<i32>} : memref<12288xi32, #tpu.memory_space<vmem>>, vector<16xi32>,
    tpu.vector_store %arg16[%swap3A_77], %broadcast_in_dim3A_76 {strides = array<i32>} : memref<12288xi32, #tpu.memory_space<vmem>>, vector<16xi32>,
    %broadcast_in_dim3A_79 = arith.constant 536870912 : i32
    %broadcast_in_dim3A_80 = vector.broadcast %broadcast_in_dim3A_79 : i32 to vector<16xi32>
    %swap3A_81 = arith.constant 11936 : index
    %swap3A_82 = tpu.vector_load %arg16[%swap3A_81] {strides = array<i32>} : memref<12288xi32, #tpu.memory_space<vmem>>, vector<16xi32>,
    tpu.vector_store %arg16[%swap3A_81], %broadcast_in_dim3A_80 {strides = array<i32>} : memref<12288xi32, #tpu.memory_space<vmem>>, vector<16xi32>,
    %broadcast_in_dim3A_83 = arith.constant 536870912 : i32
    %broadcast_in_dim3A_84 = vector.broadcast %broadcast_in_dim3A_83 : i32 to vector<16xi32>
    %swap3A_85 = arith.constant 11952 : index
    %swap3A_86 = tpu.vector_load %arg16[%swap3A_85] {strides = array<i32>} : memref<12288xi32, #tpu.memory_space<vmem>>, vector<16xi32>,
    tpu.vector_store %arg16[%swap3A_85], %broadcast_in_dim3A_84 {strides = array<i32>} : memref<12288xi32, #tpu.memory_space<vmem>>, vector<16xi32>,
    %broadcast_in_dim3A_87 = arith.constant 536870912 : i32
    %broadcast_in_dim3A_88 = vector.broadcast %broadcast_in_dim3A_87 : i32 to vector<16xi32>
    %swap3A_89 = arith.constant 11968 : index
    %swap3A_90 = tpu.vector_load %arg16[%swap3A_89] {strides = array<i32>} : memref<12288xi32, #tpu.memory_space<vmem>>, vector<16xi32>,
    tpu.vector_store %arg16[%swap3A_89], %broadcast_in_dim3A_88 {strides = array<i32>} : memref<12288xi32, #tpu.memory_space<vmem>>, vector<16xi32>,
    %broadcast_in_dim3A_91 = arith.constant 536870912 : i32
    %broadcast_in_dim3A_92 = vector.broadcast %broadcast_in_dim3A_91 : i32 to vector<16xi32>
    %swap3A_93 = arith.constant 11984 : index
    %swap3A_94 = tpu.vector_load %arg16[%swap3A_93] {strides = array<i32>} : memref<12288xi32, #tpu.memory_space<vmem>>, vector<16xi32>,
    tpu.vector_store %arg16[%swap3A_93], %broadcast_in_dim3A_92 {strides = array<i32>} : memref<12288xi32, #tpu.memory_space<vmem>>, vector<16xi32>,
    %broadcast_in_dim3A_95 = arith.constant 536870912 : i32
    %broadcast_in_dim3A_96 = vector.broadcast %broadcast_in_dim3A_95 : i32 to vector<16xi32>
    %swap3A_97 = arith.constant 12000 : index
    %swap3A_98 = tpu.vector_load %arg16[%swap3A_97] {strides = array<i32>} : memref<12288xi32, #tpu.memory_space<vmem>>, vector<16xi32>,
    tpu.vector_store %arg16[%swap3A_97], %broadcast_in_dim3A_96 {strides = array<i32>} : memref<12288xi32, #tpu.memory_space<vmem>>, vector<16xi32>,
    %broadcast_in_dim3A_99 = arith.constant 536870912 : i32
    %broadcast_in_dim3A_100 = vector.broadcast %broadcast_in_dim3A_99 : i32 to vector<16xi32>
    %swap3A_101 = arith.constant 12016 : index
    %swap3A_102 = tpu.vector_load %arg16[%swap3A_101] {strides = array<i32>} : memref<12288xi32, #tpu.memory_space<vmem>>, vector<16xi32>,
    tpu.vector_store %arg16[%swap3A_101], %broadcast_in_dim3A_100 {strides = array<i32>} : memref<12288xi32, #tpu.memory_space<vmem>>, vector<16xi32>,
    %broadcast_in_dim3A_103 = arith.constant 536870912 : i32
    %broadcast_in_dim3A_104 = vector.broadcast %broadcast_in_dim3A_103 : i32 to vector<16xi32>
    %swap3A_105 = arith.constant 12032 : index
    %swap3A_106 = tpu.vector_load %arg16[%swap3A_105] {strides = array<i32>} : memref<12288xi32, #tpu.memory_space<vmem>>, vector<16xi32>,
    tpu.vector_store %arg16[%swap3A_105], %broadcast_in_dim3A_104 {strides = array<i32>} : memref<12288xi32, #tpu.memory_space<vmem>>, vector<16xi32>,
    %broadcast_in_dim3A_107 = arith.constant 536870912 : i32
    %broadcast_in_dim3A_108 = vector.broadcast %broadcast_in_dim3A_107 : i32 to vector<16xi32>
    %swap3A_109 = arith.constant 12048 : index
    %swap3A_110 = tpu.vector_load %arg16[%swap3A_109] {strides = array<i32>} : memref<12288xi32, #tpu.memory_space<vmem>>, vector<16xi32>,
    tpu.vector_store %arg16[%swap3A_109], %broadcast_in_dim3A_108 {strides = array<i32>} : memref<12288xi32, #tpu.memory_space<vmem>>, vector<16xi32>,
    %broadcast_in_dim3A_111 = arith.constant 536870912 : i32
    %broadcast_in_dim3A_112 = vector.broadcast %broadcast_in_dim3A_111 : i32 to vector<16xi32>
    %swap3A_113 = arith.constant 12064 : index
    %swap3A_114 = tpu.vector_load %arg16[%swap3A_113] {strides = array<i32>} : memref<12288xi32, #tpu.memory_space<vmem>>, vector<16xi32>,
    tpu.vector_store %arg16[%swap3A_113], %broadcast_in_dim3A_112 {strides = array<i32>} : memref<12288xi32, #tpu.memory_space<vmem>>, vector<16xi32>,
    %broadcast_in_dim3A_115 = arith.constant 536870912 : i32
    %broadcast_in_dim3A_116 = vector.broadcast %broadcast_in_dim3A_115 : i32 to vector<16xi32>
    %swap3A_117 = arith.constant 12080 : index
    %swap3A_118 = tpu.vector_load %arg16[%swap3A_117] {strides = array<i32>} : memref<12288xi32, #tpu.memory_space<vmem>>, vector<16xi32>,
    tpu.vector_store %arg16[%swap3A_117], %broadcast_in_dim3A_116 {strides = array<i32>} : memref<12288xi32, #tpu.memory_space<vmem>>, vector<16xi32>,
    %broadcast_in_dim3A_119 = arith.constant 536870912 : i32
    %broadcast_in_dim3A_120 = vector.broadcast %broadcast_in_dim3A_119 : i32 to vector<16xi32>
    %swap3A_121 = arith.constant 12096 : index
    %swap3A_122 = tpu.vector_load %arg16[%swap3A_121] {strides = array<i32>} : memref<12288xi32, #tpu.memory_space<vmem>>, vector<16xi32>,
    tpu.vector_store %arg16[%swap3A_121], %broadcast_in_dim3A_120 {strides = array<i32>} : memref<12288xi32, #tpu.memory_space<vmem>>, vector<16xi32>,
    %broadcast_in_dim3A_123 = arith.constant 536870912 : i32
    %broadcast_in_dim3A_124 = vector.broadcast %broadcast_in_dim3A_123 : i32 to vector<16xi32>
    %swap3A_125 = arith.constant 12112 : index
    %swap3A_126 = tpu.vector_load %arg16[%swap3A_125] {strides = array<i32>} : memref<12288xi32, #tpu.memory_space<vmem>>, vector<16xi32>,
    tpu.vector_store %arg16[%swap3A_125], %broadcast_in_dim3A_124 {strides = array<i32>} : memref<12288xi32, #tpu.memory_space<vmem>>, vector<16xi32>,
    %broadcast_in_dim3A_127 = arith.constant 536870912 : i32
    %broadcast_in_dim3A_128 = vector.broadcast %broadcast_in_dim3A_127 : i32 to vector<16xi32>
    %swap3A_129 = arith.constant 12128 : index
    %swap3A_130 = tpu.vector_load %arg16[%swap3A_129] {strides = array<i32>} : memref<12288xi32, #tpu.memory_space<vmem>>, vector<16xi32>,
    tpu.vector_store %arg16[%swap3A_129], %broadcast_in_dim3A_128 {strides = array<i32>} : memref<12288xi32, #tpu.memory_space<vmem>>, vector<16xi32>,
    %broadcast_in_dim3A_131 = arith.constant 536870912 : i32
    %broadcast_in_dim3A_132 = vector.broadcast %broadcast_in_dim3A_131 : i32 to vector<16xi32>
    %swap3A_133 = arith.constant 12144 : index
    %swap3A_134 = tpu.vector_load %arg16[%swap3A_133] {strides = array<i32>} : memref<12288xi32, #tpu.memory_space<vmem>>, vector<16xi32>,
    tpu.vector_store %arg16[%swap3A_133], %broadcast_in_dim3A_132 {strides = array<i32>} : memref<12288xi32, #tpu.memory_space<vmem>>, vector<16xi32>,
    %broadcast_in_dim3A_135 = arith.constant 536870912 : i32
    %broadcast_in_dim3A_136 = vector.broadcast %broadcast_in_dim3A_135 : i32 to vector<16xi32>
    %swap3A_137 = arith.constant 12160 : index
    %swap3A_138 = tpu.vector_load %arg16[%swap3A_137] {strides = array<i32>} : memref<12288xi32, #tpu.memory_space<vmem>>, vector<16xi32>,
    tpu.vector_store %arg16[%swap3A_137], %broadcast_in_dim3A_136 {strides = array<i32>} : memref<12288xi32, #tpu.memory_space<vmem>>, vector<16xi32>,
    %broadcast_in_dim3A_139 = arith.constant 536870912 : i32
    %broadcast_in_dim3A_140 = vector.broadcast %broadcast_in_dim3A_139 : i32 to vector<16xi32>
    %swap3A_141 = arith.constant 12176 : index
    %swap3A_142 = tpu.vector_load %arg16[%swap3A_141] {strides = array<i32>} : memref<12288xi32, #tpu.memory_space<vmem>>, vector<16xi32>,
    tpu.vector_store %arg16[%swap3A_141], %broadcast_in_dim3A_140 {strides = array<i32>} : memref<12288xi32, #tpu.memory_space<vmem>>, vector<16xi32>,
    %broadcast_in_dim3A_143 = arith.constant 536870912 : i32
    %broadcast_in_dim3A_144 = vector.broadcast %broadcast_in_dim3A_143 : i32 to vector<16xi32>
    %swap3A_145 = arith.constant 12192 : index
    %swap3A_146 = tpu.vector_load %arg16[%swap3A_145] {strides = array<i32>} : memref<12288xi32, #tpu.memory_space<vmem>>, vector<16xi32>,
    tpu.vector_store %arg16[%swap3A_145], %broadcast_in_dim3A_144 {strides = array<i32>} : memref<12288xi32, #tpu.memory_space<vmem>>, vector<16xi32>,
    %broadcast_in_dim3A_147 = arith.constant 536870912 : i32
    %broadcast_in_dim3A_148 = vector.broadcast %broadcast_in_dim3A_147 : i32 to vector<16xi32>
    %swap3A_149 = arith.constant 12208 : index
    %swap3A_150 = tpu.vector_load %arg16[%swap3A_149] {strides = array<i32>} : memref<12288xi32, #tpu.memory_space<vmem>>, vector<16xi32>,
    tpu.vector_store %arg16[%swap3A_149], %broadcast_in_dim3A_148 {strides = array<i32>} : memref<12288xi32, #tpu.memory_space<vmem>>, vector<16xi32>,
    %broadcast_in_dim3A_151 = arith.constant 536870912 : i32
    %broadcast_in_dim3A_152 = vector.broadcast %broadcast_in_dim3A_151 : i32 to vector<16xi32>
    %swap3A_153 = arith.constant 12224 : index
    %swap3A_154 = tpu.vector_load %arg16[%swap3A_153] {strides = array<i32>} : memref<12288xi32, #tpu.memory_space<vmem>>, vector<16xi32>,
    tpu.vector_store %arg16[%swap3A_153], %broadcast_in_dim3A_152 {strides = array<i32>} : memref<12288xi32, #tpu.memory_space<vmem>>, vector<16xi32>,
    %broadcast_in_dim3A_155 = arith.constant 536870912 : i32
    %broadcast_in_dim3A_156 = vector.broadcast %broadcast_in_dim3A_155 : i32 to vector<16xi32>
    %swap3A_157 = arith.constant 12240 : index
    %swap3A_158 = tpu.vector_load %arg16[%swap3A_157] {strides = array<i32>} : memref<12288xi32, #tpu.memory_space<vmem>>, vector<16xi32>,
    tpu.vector_store %arg16[%swap3A_157], %broadcast_in_dim3A_156 {strides = array<i32>} : memref<12288xi32, #tpu.memory_space<vmem>>, vector<16xi32>,
    %broadcast_in_dim3A_159 = arith.constant 536870912 : i32
    %broadcast_in_dim3A_160 = vector.broadcast %broadcast_in_dim3A_159 : i32 to vector<16xi32>
    %swap3A_161 = arith.constant 12256 : index
    %swap3A_162 = tpu.vector_load %arg16[%swap3A_161] {strides = array<i32>} : memref<12288xi32, #tpu.memory_space<vmem>>, vector<16xi32>,
    tpu.vector_store %arg16[%swap3A_161], %broadcast_in_dim3A_160 {strides = array<i32>} : memref<12288xi32, #tpu.memory_space<vmem>>, vector<16xi32>,
    %broadcast_in_dim3A_163 = arith.constant 536870912 : i32
    %broadcast_in_dim3A_164 = vector.broadcast %broadcast_in_dim3A_163 : i32 to vector<16xi32>
    %swap3A_165 = arith.constant 12272 : index
    %swap3A_166 = tpu.vector_load %arg16[%swap3A_165] {strides = array<i32>} : memref<12288xi32, #tpu.memory_space<vmem>>, vector<16xi32>,
    tpu.vector_store %arg16[%swap3A_165], %broadcast_in_dim3A_164 {strides = array<i32>} : memref<12288xi32, #tpu.memory_space<vmem>>, vector<16xi32>,
    "tpu.region"() ({
      %run_scoped3A = tpu.sem_alloc : memref<!tpu.dma_semaphore, #tpu.memory_space<semaphore_mem>>
      %dma_start3A = arith.constant 11664 : i32
      %dma_start3A_180 = arith.constant 0 : i32
      %dma_start3A_181 = tpu.memref_slice %arg22[%add3A, %dma_start3A, %dma_start3A_180] : memref<32x12288x8xf32, #tpu.memory_space<hbm>> -> memref<1x624x8xf32, #tpu.memory_space<hbm>>
      %dma_start3A_182 = tpu.memref_squeeze %dma_start3A_181 : memref<1x624x8xf32, #tpu.memory_space<hbm>> -> memref<624x8xf32, #tpu.memory_space<hbm>>
      %dma_start3A_183 = arith.constant 0 : i32
      %dma_start3A_184 = arith.constant 0 : i32
      %dma_start3A_185 = tpu.memref_slice %arg8[%dma_start3A_183, %dma_start3A_184] : memref<2048x8xf32, #tpu.memory_space<hbm>> -> memref<624x8xf32, #tpu.memory_space<hbm>>
      tpu.enqueue_dma source(%dma_start3A_185 : memref<624x8xf32, #tpu.memory_space<hbm>>) target(%dma_start3A_182 : memref<624x8xf32, #tpu.memory_space<hbm>>) target_semaphore(%run_scoped3A : memref<!tpu.dma_semaphore, #tpu.memory_space<semaphore_mem>>)
      %dma_wait3A = arith.constant 11664 : i32
      %dma_wait3A_186 = arith.constant 0 : i32
      %dma_wait3A_187 = tpu.memref_slice %arg22[%add3A, %dma_wait3A, %dma_wait3A_186] : memref<32x12288x8xf32, #tpu.memory_space<hbm>> -> memref<1x624x8xf32, #tpu.memory_space<hbm>>
      %dma_wait3A_188 = tpu.memref_squeeze %dma_wait3A_187 : memref<1x624x8xf32, #tpu.memory_space<hbm>> -> memref<624x8xf32, #tpu.memory_space<hbm>>
      %dma_wait3A_189 = arith.constant 0 : i32
      %dma_wait3A_190 = arith.constant 0 : i32
      %dma_wait3A_191 = tpu.memref_slice %arg8[%dma_wait3A_189, %dma_wait3A_190] : memref<2048x8xf32, #tpu.memory_space<hbm>> -> memref<624x8xf32, #tpu.memory_space<hbm>>
      tpu.wait_dma2 semaphore(%run_scoped3A : memref<!tpu.dma_semaphore, #tpu.memory_space<semaphore_mem>>) src(%dma_wait3A_191 : memref<624x8xf32, #tpu.memory_space<hbm>>) dst(%dma_wait3A_188 : memref<624x8xf32, #tpu.memory_space<hbm>>)
      tpu.yield
    }) : () -> ()
    %scan3A = arith.constant 0 : i32
    %scan3A_167 = arith.constant 0 : i32
    %scan3A_168 = arith.constant 27 : i32
    %scan3A_169 = arith.addi %scan3A_167, %scan3A_168 : i32
    %scan3A_170 = arith.constant 1 : i32
    %scan3A_171 = scf.for %scan3A_180 = %scan3A_167 to %scan3A_169 step %scan3A_170 iter_args(%scan3A_181 = %scan3A) -> (i32)  : i32 {
      %mul3A_182 = arith.constant 16 : i32
      %mul3A_183 = arith.muli %scan3A_180, %mul3A_182 : i32
      %get3A = arith.index_cast %mul3A_183 : i32 to index
      %get3A_184 = tpu.vector_load %arg10[%get3A] {strides = array<i32>} : memref<432xf32, #tpu.memory_space<vmem>>, vector<16xf32>,
      %get3A_185 = arith.index_cast %mul3A_183 : i32 to index
      %get3A_186 = tpu.vector_load %arg11[%get3A_185] {strides = array<i32>} : memref<432xf32, #tpu.memory_space<vmem>>, vector<16xf32>,
      %get3A_187 = arith.index_cast %mul3A_183 : i32 to index
      %get3A_188 = tpu.vector_load %arg12[%get3A_187] {strides = array<i32>} : memref<432xf32, #tpu.memory_space<vmem>>, vector<16xf32>,
      %get3A_189 = arith.index_cast %mul3A_183 : i32 to index
      %get3A_190 = tpu.vector_load %arg13[%get3A_189] {strides = array<i32>} : memref<432xf32, #tpu.memory_space<vmem>>, vector<16xf32>,
      %get3A_191 = arith.index_cast %mul3A_183 : i32 to index
      %get3A_192 = tpu.vector_load %arg14[%get3A_191] {strides = array<i32>} : memref<432xf32, #tpu.memory_space<vmem>>, vector<16xf32>,
      %get3A_193 = arith.index_cast %mul3A_183 : i32 to index
      %get3A_194 = tpu.vector_load %arg15[%get3A_193] {strides = array<i32>} : memref<432xf32, #tpu.memory_space<vmem>>, vector<16xf32>,
      %mul3A_195 = arith.constant 5.000000e-01 : f32
      %mul3A_196 = vector.broadcast %mul3A_195 : f32 to vector<16xf32>
      %mul3A_197 = arith.mulf %get3A_184, %mul3A_196 : vector<16xf32>
      %add3A_198 = arith.constant 5.000000e-01 : f32
      %add3A_199 = vector.broadcast %add3A_198 : f32 to vector<16xf32>
      %add3A_200 = arith.addf %mul3A_197, %add3A_199 : vector<16xf32>
      %mul3A_201 = arith.constant 1.280000e+02 : f32
      %mul3A_202 = vector.broadcast %mul3A_201 : f32 to vector<16xf32>
      %mul3A_203 = arith.mulf %add3A_200, %mul3A_202 : vector<16xf32>
      %convert_element_type3A = arith.fptosi %mul3A_203 : vector<16xf32> to vector<16xi32>
      %convert_element_type3A_204 = arith.sitofp %convert_element_type3A : vector<16xi32> to vector<16xf32>
      %lt3A = arith.cmpf olt, %mul3A_203, %convert_element_type3A_204 : vector<16xf32>
      %jit3A = arith.constant 1 : i32
      %jit3A_205 = arith.constant 0 : i32
      %broadcast_in_dim3A_206 = vector.broadcast %jit3A : i32 to vector<16xi32>
      %broadcast_in_dim3A_207 = vector.broadcast %jit3A_205 : i32 to vector<16xi32>
      %select_n3A = arith.select %lt3A, %broadcast_in_dim3A_206, %broadcast_in_dim3A_207 : vector<16xi1>, vector<16xi32>
      %sub3A = arith.subi %convert_element_type3A, %select_n3A : vector<16xi32>
      %mul3A_208 = arith.constant 5.000000e-01 : f32
      %mul3A_209 = vector.broadcast %mul3A_208 : f32 to vector<16xf32>
      %mul3A_210 = arith.mulf %get3A_186, %mul3A_209 : vector<16xf32>
      %add3A_211 = arith.constant 5.000000e-01 : f32
      %add3A_212 = vector.broadcast %add3A_211 : f32 to vector<16xf32>
      %add3A_213 = arith.addf %mul3A_210, %add3A_212 : vector<16xf32>
      %mul3A_214 = arith.constant 1.280000e+02 : f32
      %mul3A_215 = vector.broadcast %mul3A_214 : f32 to vector<16xf32>
      %mul3A_216 = arith.mulf %add3A_213, %mul3A_215 : vector<16xf32>
      %convert_element_type3A_217 = arith.fptosi %mul3A_216 : vector<16xf32> to vector<16xi32>
      %convert_element_type3A_218 = arith.sitofp %convert_element_type3A_217 : vector<16xi32> to vector<16xf32>
      %lt3A_219 = arith.cmpf olt, %mul3A_216, %convert_element_type3A_218 : vector<16xf32>
      %jit3A_220 = arith.constant 1 : i32
      %jit3A_221 = arith.constant 0 : i32
      %broadcast_in_dim3A_222 = vector.broadcast %jit3A_220 : i32 to vector<16xi32>
      %broadcast_in_dim3A_223 = vector.broadcast %jit3A_221 : i32 to vector<16xi32>
      %select_n3A_224 = arith.select %lt3A_219, %broadcast_in_dim3A_222, %broadcast_in_dim3A_223 : vector<16xi1>, vector<16xi32>
      %sub3A_225 = arith.subi %convert_element_type3A_217, %select_n3A_224 : vector<16xi32>
      %mul3A_226 = arith.constant 5.000000e-01 : f32
      %mul3A_227 = vector.broadcast %mul3A_226 : f32 to vector<16xf32>
      %mul3A_228 = arith.mulf %get3A_188, %mul3A_227 : vector<16xf32>
      %add3A_229 = arith.constant 5.000000e-01 : f32
      %add3A_230 = vector.broadcast %add3A_229 : f32 to vector<16xf32>
      %add3A_231 = arith.addf %mul3A_228, %add3A_230 : vector<16xf32>
      %mul3A_232 = arith.constant 1.280000e+02 : f32
      %mul3A_233 = vector.broadcast %mul3A_232 : f32 to vector<16xf32>
      %mul3A_234 = arith.mulf %add3A_231, %mul3A_233 : vector<16xf32>
      %convert_element_type3A_235 = arith.fptosi %mul3A_234 : vector<16xf32> to vector<16xi32>
      %convert_element_type3A_236 = arith.sitofp %convert_element_type3A_235 : vector<16xi32> to vector<16xf32>
      %lt3A_237 = arith.cmpf olt, %mul3A_234, %convert_element_type3A_236 : vector<16xf32>
      %jit3A_238 = arith.constant 1 : i32
      %jit3A_239 = arith.constant 0 : i32
      %broadcast_in_dim3A_240 = vector.broadcast %jit3A_238 : i32 to vector<16xi32>
      %broadcast_in_dim3A_241 = vector.broadcast %jit3A_239 : i32 to vector<16xi32>
      %select_n3A_242 = arith.select %lt3A_237, %broadcast_in_dim3A_240, %broadcast_in_dim3A_241 : vector<16xi1>, vector<16xi32>
      %sub3A_243 = arith.subi %convert_element_type3A_235, %select_n3A_242 : vector<16xi32>
      %broadcast_in_dim3A_244 = arith.constant 0.000000e+00 : f32
      %broadcast_in_dim3A_245 = vector.broadcast %broadcast_in_dim3A_244 : f32 to vector<16xf32>
      %add3A_246 = arith.constant -1 : i32
      %add3A_247 = vector.broadcast %add3A_246 : i32 to vector<16xi32>
      %add3A_248 = arith.addi %sub3A, %add3A_247 : vector<16xi32>
      %jit3A_249 = arith.constant 0 : i32
      %jit3A_250 = arith.constant 127 : i32
      %max3A = vector.broadcast %jit3A_249 : i32 to vector<16xi32>
      %max3A_251 = arith.maxsi %max3A, %add3A_248 : vector<16xi32>
      %min3A = vector.broadcast %jit3A_250 : i32 to vector<16xi32>
      %min3A_252 = arith.minsi %min3A, %max3A_251 : vector<16xi32>
      %add3A_253 = arith.constant -1 : i32
      %add3A_254 = vector.broadcast %add3A_253 : i32 to vector<16xi32>
      %add3A_255 = arith.addi %sub3A_225, %add3A_254 : vector<16xi32>
      %jit3A_256 = arith.constant 0 : i32
      %jit3A_257 = arith.constant 127 : i32
      %max3A_258 = vector.broadcast %jit3A_256 : i32 to vector<16xi32>
      %max3A_259 = arith.maxsi %max3A_258, %add3A_255 : vector<16xi32>
      %min3A_260 = vector.broadcast %jit3A_257 : i32 to vector<16xi32>
      %min3A_261 = arith.minsi %min3A_260, %max3A_259 : vector<16xi32>
      %add3A_262 = arith.constant -1 : i32
      %add3A_263 = vector.broadcast %add3A_262 : i32 to vector<16xi32>
      %add3A_264 = arith.addi %sub3A_243, %add3A_263 : vector<16xi32>
      %jit3A_265 = arith.constant 0 : i32
      %jit3A_266 = arith.constant 127 : i32
      %max3A_267 = vector.broadcast %jit3A_265 : i32 to vector<16xi32>
      %max3A_268 = arith.maxsi %max3A_267, %add3A_264 : vector<16xi32>
      %min3A_269 = vector.broadcast %jit3A_266 : i32 to vector<16xi32>
      %min3A_270 = arith.minsi %min3A_269, %max3A_268 : vector<16xi32>
      %convert_element_type3A_271 = arith.sitofp %min3A_252 : vector<16xi32> to vector<16xf32>
      %add3A_272 = arith.constant 5.000000e-01 : f32
      %add3A_273 = vector.broadcast %add3A_272 : f32 to vector<16xf32>
      %add3A_274 = arith.addf %convert_element_type3A_271, %add3A_273 : vector<16xf32>
      %mul3A_275 = arith.constant 1.562500e-02 : f32
      %mul3A_276 = vector.broadcast %mul3A_275 : f32 to vector<16xf32>
      %mul3A_277 = arith.mulf %add3A_274, %mul3A_276 : vector<16xf32>
      %sub3A_278 = arith.constant 1.000000e+00 : f32
      %sub3A_279 = vector.broadcast %sub3A_278 : f32 to vector<16xf32>
      %sub3A_280 = arith.subf %mul3A_277, %sub3A_279 : vector<16xf32>
      %sub3A_281 = arith.subf %sub3A_280, %get3A_184 : vector<16xf32>
      %convert_element_type3A_282 = arith.sitofp %min3A_261 : vector<16xi32> to vector<16xf32>
      %add3A_283 = arith.constant 5.000000e-01 : f32
      %add3A_284 = vector.broadcast %add3A_283 : f32 to vector<16xf32>
      %add3A_285 = arith.addf %convert_element_type3A_282, %add3A_284 : vector<16xf32>
      %mul3A_286 = arith.constant 1.562500e-02 : f32
      %mul3A_287 = vector.broadcast %mul3A_286 : f32 to vector<16xf32>
      %mul3A_288 = arith.mulf %add3A_285, %mul3A_287 : vector<16xf32>
      %sub3A_289 = arith.constant 1.000000e+00 : f32
      %sub3A_290 = vector.broadcast %sub3A_289 : f32 to vector<16xf32>
      %sub3A_291 = arith.subf %mul3A_288, %sub3A_290 : vector<16xf32>
      %sub3A_292 = arith.subf %sub3A_291, %get3A_186 : vector<16xf32>
      %convert_element_type3A_293 = arith.sitofp %min3A_270 : vector<16xi32> to vector<16xf32>
      %add3A_294 = arith.constant 5.000000e-01 : f32
      %add3A_295 = vector.broadcast %add3A_294 : f32 to vector<16xf32>
      %add3A_296 = arith.addf %convert_element_type3A_293, %add3A_295 : vector<16xf32>
      %mul3A_297 = arith.constant 1.562500e-02 : f32
      %mul3A_298 = vector.broadcast %mul3A_297 : f32 to vector<16xf32>
      %mul3A_299 = arith.mulf %add3A_296, %mul3A_298 : vector<16xf32>
      %sub3A_300 = arith.constant 1.000000e+00 : f32
      %sub3A_301 = vector.broadcast %sub3A_300 : f32 to vector<16xf32>
      %sub3A_302 = arith.subf %mul3A_299, %sub3A_301 : vector<16xf32>
      %sub3A_303 = arith.subf %sub3A_302, %get3A_188 : vector<16xf32>
      %mul3A_304 = arith.mulf %sub3A_281, %sub3A_281 : vector<16xf32>
      %mul3A_305 = arith.mulf %sub3A_292, %sub3A_292 : vector<16xf32>
      %add3A_306 = arith.addf %mul3A_304, %mul3A_305 : vector<16xf32>
      %mul3A_307 = arith.mulf %sub3A_303, %sub3A_303 : vector<16xf32>
      %add3A_308 = arith.addf %add3A_306, %mul3A_307 : vector<16xf32>
      %mul3A_309 = arith.constant -4.000000e+02 : f32
      %mul3A_310 = vector.broadcast %mul3A_309 : f32 to vector<16xf32>
      %mul3A_311 = arith.mulf %add3A_308, %mul3A_310 : vector<16xf32>
      %exp3A = math.exp %mul3A_311 : vector<16xf32>
      %mul3A_312 = arith.constant 128 : i32
      %mul3A_313 = vector.broadcast %mul3A_312 : i32 to vector<16xi32>
      %mul3A_314 = arith.muli %min3A_252, %mul3A_313 : vector<16xi32>
      %add3A_315 = arith.addi %mul3A_314, %min3A_261 : vector<16xi32>
      %mul3A_316 = arith.constant 128 : i32
      %mul3A_317 = vector.broadcast %mul3A_316 : i32 to vector<16xi32>
      %mul3A_318 = arith.muli %add3A_315, %mul3A_317 : vector<16xi32>
      %add3A_319 = arith.addi %mul3A_318, %min3A_270 : vector<16xi32>
      %shift_right_logical3A_320 = arith.constant 1 : i32
      %shift_right_logical3A_321 = vector.broadcast %shift_right_logical3A_320 : i32 to vector<16xi32>
      %shift_right_logical3A_322 = arith.shrui %add3A_319, %shift_right_logical3A_321 : vector<16xi32>
      %mul3A_323 = arith.constant 432 : i32
      %mul3A_324 = arith.muli %scan3A_180, %mul3A_323 : i32
      %add3A_325 = arith.constant 0 : i32
      %add3A_326 = arith.addi %mul3A_324, %add3A_325 : i32
      %swap3A_327 = arith.index_cast %add3A_326 : i32 to index
      %swap3A_328 = tpu.vector_load %arg16[%swap3A_327] {strides = array<i32>} : memref<12288xi32, #tpu.memory_space<vmem>>, vector<16xi32>,
      tpu.vector_store %arg16[%swap3A_327], %shift_right_logical3A_322 {strides = array<i32>} : memref<12288xi32, #tpu.memory_space<vmem>>, vector<16xi32>,
      %add3A_329 = arith.constant 0 : i32
      %add3A_330 = vector.broadcast %add3A_329 : i32 to vector<16xi32>
      %add3A_331 = arith.addi %add3A_330, %iota3A : vector<16xi32>
      %and3A_332 = arith.constant 1 : i32
      %and3A_333 = vector.broadcast %and3A_332 : i32 to vector<16xi32>
      %and3A_334 = arith.andi %add3A_319, %and3A_333 : vector<16xi32>
      %mul3A_335 = arith.constant 4 : i32
      %mul3A_336 = vector.broadcast %mul3A_335 : i32 to vector<16xi32>
      %mul3A_337 = arith.muli %and3A_334, %mul3A_336 : vector<16xi32>
      %sub3A_338 = arith.constant 4 : i32
      %sub3A_339 = vector.broadcast %sub3A_338 : i32 to vector<16xi32>
      %sub3A_340 = arith.subi %sub3A_339, %mul3A_337 : vector<16xi32>
      %mul3A_341 = arith.mulf %exp3A, %get3A_190 : vector<16xf32>
      %mul3A_342 = arith.mulf %exp3A, %get3A_192 : vector<16xf32>
      %mul3A_343 = arith.mulf %exp3A, %get3A_194 : vector<16xf32>
      %add3A_344 = arith.constant 0 : i32
      %add3A_345 = vector.broadcast %add3A_344 : i32 to vector<16xi32>
      %add3A_346 = arith.addi %mul3A_337, %add3A_345 : vector<16xi32>
      tpu.vector_store_idx %arg17[%add3A_331, %add3A_346], %mul3A_341 : memref<432x8xf32, #tpu.memory_space<vmem>>[vector<16xi32>, vector<16xi32>], vector<16xf32>,
      %add3A_347 = arith.constant 0 : i32
      %add3A_348 = vector.broadcast %add3A_347 : i32 to vector<16xi32>
      %add3A_349 = arith.addi %sub3A_340, %add3A_348 : vector<16xi32>
      tpu.vector_store_idx %arg17[%add3A_331, %add3A_349], %broadcast_in_dim3A_245 : memref<432x8xf32, #tpu.memory_space<vmem>>[vector<16xi32>, vector<16xi32>], vector<16xf32>,
      %add3A_350 = arith.constant 1 : i32
      %add3A_351 = vector.broadcast %add3A_350 : i32 to vector<16xi32>
      %add3A_352 = arith.addi %mul3A_337, %add3A_351 : vector<16xi32>
      tpu.vector_store_idx %arg17[%add3A_331, %add3A_352], %mul3A_342 : memref<432x8xf32, #tpu.memory_space<vmem>>[vector<16xi32>, vector<16xi32>], vector<16xf32>,
      %add3A_353 = arith.constant 1 : i32
      %add3A_354 = vector.broadcast %add3A_353 : i32 to vector<16xi32>
      %add3A_355 = arith.addi %sub3A_340, %add3A_354 : vector<16xi32>
      tpu.vector_store_idx %arg17[%add3A_331, %add3A_355], %broadcast_in_dim3A_245 : memref<432x8xf32, #tpu.memory_space<vmem>>[vector<16xi32>, vector<16xi32>], vector<16xf32>,
      %add3A_356 = arith.constant 2 : i32
      %add3A_357 = vector.broadcast %add3A_356 : i32 to vector<16xi32>
      %add3A_358 = arith.addi %mul3A_337, %add3A_357 : vector<16xi32>
      tpu.vector_store_idx %arg17[%add3A_331, %add3A_358], %mul3A_343 : memref<432x8xf32, #tpu.memory_space<vmem>>[vector<16xi32>, vector<16xi32>], vector<16xf32>,
      %add3A_359 = arith.constant 2 : i32
      %add3A_360 = vector.broadcast %add3A_359 : i32 to vector<16xi32>
      %add3A_361 = arith.addi %sub3A_340, %add3A_360 : vector<16xi32>
      tpu.vector_store_idx %arg17[%add3A_331, %add3A_361], %broadcast_in_dim3A_245 : memref<432x8xf32, #tpu.memory_space<vmem>>[vector<16xi32>, vector<16xi32>], vector<16xf32>,
      %add3A_362 = arith.constant 3 : i32
      %add3A_363 = vector.broadcast %add3A_362 : i32 to vector<16xi32>
      %add3A_364 = arith.addi %mul3A_337, %add3A_363 : vector<16xi32>
      tpu.vector_store_idx %arg17[%add3A_331, %add3A_364], %exp3A : memref<432x8xf32, #tpu.memory_space<vmem>>[vector<16xi32>, vector<16xi32>], vector<16xf32>,
      %add3A_365 = arith.constant 3 : i32
      %add3A_366 = vector.broadcast %add3A_365 : i32 to vector<16xi32>
      %add3A_367 = arith.addi %sub3A_340, %add3A_366 : vector<16xi32>
      tpu.vector_store_idx %arg17[%add3A_331, %add3A_367], %broadcast_in_dim3A_245 : memref<432x8xf32, #tpu.memory_space<vmem>>[vector<16xi32>, vector<16xi32>], vector<16xf32>,
      %add3A_368 = arith.constant -1 : i32
      %add3A_369 = vector.broadcast %add3A_368 : i32 to vector<16xi32>
      %add3A_370 = arith.addi %sub3A, %add3A_369 : vector<16xi32>
      %jit3A_371 = arith.constant 0 : i32
      %jit3A_372 = arith.constant 127 : i32
      %max3A_373 = vector.broadcast %jit3A_371 : i32 to vector<16xi32>
      %max3A_374 = arith.maxsi %max3A_373, %add3A_370 : vector<16xi32>
      %min3A_375 = vector.broadcast %jit3A_372 : i32 to vector<16xi32>
      %min3A_376 = arith.minsi %min3A_375, %max3A_374 : vector<16xi32>
      %add3A_377 = arith.constant -1 : i32
      %add3A_378 = vector.broadcast %add3A_377 : i32 to vector<16xi32>
      %add3A_379 = arith.addi %sub3A_225, %add3A_378 : vector<16xi32>
      %jit3A_380 = arith.constant 0 : i32
      %jit3A_381 = arith.constant 127 : i32
      %max3A_382 = vector.broadcast %jit3A_380 : i32 to vector<16xi32>
      %max3A_383 = arith.maxsi %max3A_382, %add3A_379 : vector<16xi32>
      %min3A_384 = vector.broadcast %jit3A_381 : i32 to vector<16xi32>
      %min3A_385 = arith.minsi %min3A_384, %max3A_383 : vector<16xi32>
      %add3A_386 = arith.constant 0 : i32
      %add3A_387 = vector.broadcast %add3A_386 : i32 to vector<16xi32>
      %add3A_388 = arith.addi %sub3A_243, %add3A_387 : vector<16xi32>
      %jit3A_389 = arith.constant 0 : i32
      %jit3A_390 = arith.constant 127 : i32
      %max3A_391 = vector.broadcast %jit3A_389 : i32 to vector<16xi32>
      %max3A_392 = arith.maxsi %max3A_391, %add3A_388 : vector<16xi32>
      %min3A_393 = vector.broadcast %jit3A_390 : i32 to vector<16xi32>
      %min3A_394 = arith.minsi %min3A_393, %max3A_392 : vector<16xi32>
      %convert_element_type3A_395 = arith.sitofp %min3A_376 : vector<16xi32> to vector<16xf32>
      %add3A_396 = arith.constant 5.000000e-01 : f32
      %add3A_397 = vector.broadcast %add3A_396 : f32 to vector<16xf32>
      %add3A_398 = arith.addf %convert_element_type3A_395, %add3A_397 : vector<16xf32>
      %mul3A_399 = arith.constant 1.562500e-02 : f32
      %mul3A_400 = vector.broadcast %mul3A_399 : f32 to vector<16xf32>
      %mul3A_401 = arith.mulf %add3A_398, %mul3A_400 : vector<16xf32>
      %sub3A_402 = arith.constant 1.000000e+00 : f32
      %sub3A_403 = vector.broadcast %sub3A_402 : f32 to vector<16xf32>
      %sub3A_404 = arith.subf %mul3A_401, %sub3A_403 : vector<16xf32>
      %sub3A_405 = arith.subf %sub3A_404, %get3A_184 : vector<16xf32>
      %convert_element_type3A_406 = arith.sitofp %min3A_385 : vector<16xi32> to vector<16xf32>
      %add3A_407 = arith.constant 5.000000e-01 : f32
      %add3A_408 = vector.broadcast %add3A_407 : f32 to vector<16xf32>
      %add3A_409 = arith.addf %convert_element_type3A_406, %add3A_408 : vector<16xf32>
      %mul3A_410 = arith.constant 1.562500e-02 : f32
      %mul3A_411 = vector.broadcast %mul3A_410 : f32 to vector<16xf32>
      %mul3A_412 = arith.mulf %add3A_409, %mul3A_411 : vector<16xf32>
      %sub3A_413 = arith.constant 1.000000e+00 : f32
      %sub3A_414 = vector.broadcast %sub3A_413 : f32 to vector<16xf32>
      %sub3A_415 = arith.subf %mul3A_412, %sub3A_414 : vector<16xf32>
      %sub3A_416 = arith.subf %sub3A_415, %get3A_186 : vector<16xf32>
      %convert_element_type3A_417 = arith.sitofp %min3A_394 : vector<16xi32> to vector<16xf32>
      %add3A_418 = arith.constant 5.000000e-01 : f32
      %add3A_419 = vector.broadcast %add3A_418 : f32 to vector<16xf32>
      %add3A_420 = arith.addf %convert_element_type3A_417, %add3A_419 : vector<16xf32>
      %mul3A_421 = arith.constant 1.562500e-02 : f32
      %mul3A_422 = vector.broadcast %mul3A_421 : f32 to vector<16xf32>
      %mul3A_423 = arith.mulf %add3A_420, %mul3A_422 : vector<16xf32>
      %sub3A_424 = arith.constant 1.000000e+00 : f32
      %sub3A_425 = vector.broadcast %sub3A_424 : f32 to vector<16xf32>
      %sub3A_426 = arith.subf %mul3A_423, %sub3A_425 : vector<16xf32>
      %sub3A_427 = arith.subf %sub3A_426, %get3A_188 : vector<16xf32>
      %mul3A_428 = arith.mulf %sub3A_405, %sub3A_405 : vector<16xf32>
      %mul3A_429 = arith.mulf %sub3A_416, %sub3A_416 : vector<16xf32>
      %add3A_430 = arith.addf %mul3A_428, %mul3A_429 : vector<16xf32>
      %mul3A_431 = arith.mulf %sub3A_427, %sub3A_427 : vector<16xf32>
      %add3A_432 = arith.addf %add3A_430, %mul3A_431 : vector<16xf32>
      %mul3A_433 = arith.constant -4.000000e+02 : f32
      %mul3A_434 = vector.broadcast %mul3A_433 : f32 to vector<16xf32>
      %mul3A_435 = arith.mulf %add3A_432, %mul3A_434 : vector<16xf32>
      %exp3A_436 = math.exp %mul3A_435 : vector<16xf32>
      %mul3A_437 = arith.constant 128 : i32
      %mul3A_438 = vector.broadcast %mul3A_437 : i32 to vector<16xi32>
      %mul3A_439 = arith.muli %min3A_376, %mul3A_438 : vector<16xi32>
      %add3A_440 = arith.addi %mul3A_439, %min3A_385 : vector<16xi32>
      %mul3A_441 = arith.constant 128 : i32
      %mul3A_442 = vector.broadcast %mul3A_441 : i32 to vector<16xi32>
      %mul3A_443 = arith.muli %add3A_440, %mul3A_442 : vector<16xi32>
      %add3A_444 = arith.addi %mul3A_443, %min3A_394 : vector<16xi32>
      %shift_right_logical3A_445 = arith.constant 1 : i32
      %shift_right_logical3A_446 = vector.broadcast %shift_right_logical3A_445 : i32 to vector<16xi32>
      %shift_right_logical3A_447 = arith.shrui %add3A_444, %shift_right_logical3A_446 : vector<16xi32>
      %mul3A_448 = arith.constant 432 : i32
      %mul3A_449 = arith.muli %scan3A_180, %mul3A_448 : i32
      %add3A_450 = arith.constant 16 : i32
      %add3A_451 = arith.addi %mul3A_449, %add3A_450 : i32
      %swap3A_452 = arith.index_cast %add3A_451 : i32 to index
      %swap3A_453 = tpu.vector_load %arg16[%swap3A_452] {strides = array<i32>} : memref<12288xi32, #tpu.memory_space<vmem>>, vector<16xi32>,
      tpu.vector_store %arg16[%swap3A_452], %shift_right_logical3A_447 {strides = array<i32>} : memref<12288xi32, #tpu.memory_space<vmem>>, vector<16xi32>,
      %add3A_454 = arith.constant 16 : i32
      %add3A_455 = vector.broadcast %add3A_454 : i32 to vector<16xi32>
      %add3A_456 = arith.addi %add3A_455, %iota3A : vector<16xi32>
      %and3A_457 = arith.constant 1 : i32
      %and3A_458 = vector.broadcast %and3A_457 : i32 to vector<16xi32>
      %and3A_459 = arith.andi %add3A_444, %and3A_458 : vector<16xi32>
      %mul3A_460 = arith.constant 4 : i32
      %mul3A_461 = vector.broadcast %mul3A_460 : i32 to vector<16xi32>
      %mul3A_462 = arith.muli %and3A_459, %mul3A_461 : vector<16xi32>
      %sub3A_463 = arith.constant 4 : i32
      %sub3A_464 = vector.broadcast %sub3A_463 : i32 to vector<16xi32>
      %sub3A_465 = arith.subi %sub3A_464, %mul3A_462 : vector<16xi32>
      %mul3A_466 = arith.mulf %exp3A_436, %get3A_190 : vector<16xf32>
      %mul3A_467 = arith.mulf %exp3A_436, %get3A_192 : vector<16xf32>
      %mul3A_468 = arith.mulf %exp3A_436, %get3A_194 : vector<16xf32>
      %add3A_469 = arith.constant 0 : i32
      %add3A_470 = vector.broadcast %add3A_469 : i32 to vector<16xi32>
      %add3A_471 = arith.addi %mul3A_462, %add3A_470 : vector<16xi32>
      tpu.vector_store_idx %arg17[%add3A_456, %add3A_471], %mul3A_466 : memref<432x8xf32, #tpu.memory_space<vmem>>[vector<16xi32>, vector<16xi32>], vector<16xf32>,
      %add3A_472 = arith.constant 0 : i32
      %add3A_473 = vector.broadcast %add3A_472 : i32 to vector<16xi32>
      %add3A_474 = arith.addi %sub3A_465, %add3A_473 : vector<16xi32>
      tpu.vector_store_idx %arg17[%add3A_456, %add3A_474], %broadcast_in_dim3A_245 : memref<432x8xf32, #tpu.memory_space<vmem>>[vector<16xi32>, vector<16xi32>], vector<16xf32>,
      %add3A_475 = arith.constant 1 : i32
      %add3A_476 = vector.broadcast %add3A_475 : i32 to vector<16xi32>
      %add3A_477 = arith.addi %mul3A_462, %add3A_476 : vector<16xi32>
      tpu.vector_store_idx %arg17[%add3A_456, %add3A_477], %mul3A_467 : memref<432x8xf32, #tpu.memory_space<vmem>>[vector<16xi32>, vector<16xi32>], vector<16xf32>,
      %add3A_478 = arith.constant 1 : i32
      %add3A_479 = vector.broadcast %add3A_478 : i32 to vector<16xi32>
      %add3A_480 = arith.addi %sub3A_465, %add3A_479 : vector<16xi32>
      tpu.vector_store_idx %arg17[%add3A_456, %add3A_480], %broadcast_in_dim3A_245 : memref<432x8xf32, #tpu.memory_space<vmem>>[vector<16xi32>, vector<16xi32>], vector<16xf32>,
      %add3A_481 = arith.constant 2 : i32
      %add3A_482 = vector.broadcast %add3A_481 : i32 to vector<16xi32>
      %add3A_483 = arith.addi %mul3A_462, %add3A_482 : vector<16xi32>
      tpu.vector_store_idx %arg17[%add3A_456, %add3A_483], %mul3A_468 : memref<432x8xf32, #tpu.memory_space<vmem>>[vector<16xi32>, vector<16xi32>], vector<16xf32>,
      %add3A_484 = arith.constant 2 : i32
      %add3A_485 = vector.broadcast %add3A_484 : i32 to vector<16xi32>
      %add3A_486 = arith.addi %sub3A_465, %add3A_485 : vector<16xi32>
      tpu.vector_store_idx %arg17[%add3A_456, %add3A_486], %broadcast_in_dim3A_245 : memref<432x8xf32, #tpu.memory_space<vmem>>[vector<16xi32>, vector<16xi32>], vector<16xf32>,
      %add3A_487 = arith.constant 3 : i32
      %add3A_488 = vector.broadcast %add3A_487 : i32 to vector<16xi32>
      %add3A_489 = arith.addi %mul3A_462, %add3A_488 : vector<16xi32>
      tpu.vector_store_idx %arg17[%add3A_456, %add3A_489], %exp3A_436 : memref<432x8xf32, #tpu.memory_space<vmem>>[vector<16xi32>, vector<16xi32>], vector<16xf32>,
      %add3A_490 = arith.constant 3 : i32
      %add3A_491 = vector.broadcast %add3A_490 : i32 to vector<16xi32>
      %add3A_492 = arith.addi %sub3A_465, %add3A_491 : vector<16xi32>
      tpu.vector_store_idx %arg17[%add3A_456, %add3A_492], %broadcast_in_dim3A_245 : memref<432x8xf32, #tpu.memory_space<vmem>>[vector<16xi32>, vector<16xi32>], vector<16xf32>,
      %add3A_493 = arith.constant -1 : i32
      %add3A_494 = vector.broadcast %add3A_493 : i32 to vector<16xi32>
      %add3A_495 = arith.addi %sub3A, %add3A_494 : vector<16xi32>
      %jit3A_496 = arith.constant 0 : i32
      %jit3A_497 = arith.constant 127 : i32
      %max3A_498 = vector.broadcast %jit3A_496 : i32 to vector<16xi32>
      %max3A_499 = arith.maxsi %max3A_498, %add3A_495 : vector<16xi32>
      %min3A_500 = vector.broadcast %jit3A_497 : i32 to vector<16xi32>
      %min3A_501 = arith.minsi %min3A_500, %max3A_499 : vector<16xi32>
      %add3A_502 = arith.constant -1 : i32
      %add3A_503 = vector.broadcast %add3A_502 : i32 to vector<16xi32>
      %add3A_504 = arith.addi %sub3A_225, %add3A_503 : vector<16xi32>
      %jit3A_505 = arith.constant 0 : i32
      %jit3A_506 = arith.constant 127 : i32
      %max3A_507 = vector.broadcast %jit3A_505 : i32 to vector<16xi32>
      %max3A_508 = arith.maxsi %max3A_507, %add3A_504 : vector<16xi32>
      %min3A_509 = vector.broadcast %jit3A_506 : i32 to vector<16xi32>
      %min3A_510 = arith.minsi %min3A_509, %max3A_508 : vector<16xi32>
      %add3A_511 = arith.constant 1 : i32
      %add3A_512 = vector.broadcast %add3A_511 : i32 to vector<16xi32>
      %add3A_513 = arith.addi %sub3A_243, %add3A_512 : vector<16xi32>
      %jit3A_514 = arith.constant 0 : i32
      %jit3A_515 = arith.constant 127 : i32
      %max3A_516 = vector.broadcast %jit3A_514 : i32 to vector<16xi32>
      %max3A_517 = arith.maxsi %max3A_516, %add3A_513 : vector<16xi32>
      %min3A_518 = vector.broadcast %jit3A_515 : i32 to vector<16xi32>
      %min3A_519 = arith.minsi %min3A_518, %max3A_517 : vector<16xi32>
      %convert_element_type3A_520 = arith.sitofp %min3A_501 : vector<16xi32> to vector<16xf32>
      %add3A_521 = arith.constant 5.000000e-01 : f32
      %add3A_522 = vector.broadcast %add3A_521 : f32 to vector<16xf32>
      %add3A_523 = arith.addf %convert_element_type3A_520, %add3A_522 : vector<16xf32>
      %mul3A_524 = arith.constant 1.562500e-02 : f32
      %mul3A_525 = vector.broadcast %mul3A_524 : f32 to vector<16xf32>
      %mul3A_526 = arith.mulf %add3A_523, %mul3A_525 : vector<16xf32>
      %sub3A_527 = arith.constant 1.000000e+00 : f32
      %sub3A_528 = vector.broadcast %sub3A_527 : f32 to vector<16xf32>
      %sub3A_529 = arith.subf %mul3A_526, %sub3A_528 : vector<16xf32>
      %sub3A_530 = arith.subf %sub3A_529, %get3A_184 : vector<16xf32>
      %convert_element_type3A_531 = arith.sitofp %min3A_510 : vector<16xi32> to vector<16xf32>
      %add3A_532 = arith.constant 5.000000e-01 : f32
      %add3A_533 = vector.broadcast %add3A_532 : f32 to vector<16xf32>
      %add3A_534 = arith.addf %convert_element_type3A_531, %add3A_533 : vector<16xf32>
      %mul3A_535 = arith.constant 1.562500e-02 : f32
      %mul3A_536 = vector.broadcast %mul3A_535 : f32 to vector<16xf32>
      %mul3A_537 = arith.mulf %add3A_534, %mul3A_536 : vector<16xf32>
      %sub3A_538 = arith.constant 1.000000e+00 : f32
      %sub3A_539 = vector.broadcast %sub3A_538 : f32 to vector<16xf32>
      %sub3A_540 = arith.subf %mul3A_537, %sub3A_539 : vector<16xf32>
      %sub3A_541 = arith.subf %sub3A_540, %get3A_186 : vector<16xf32>
      %convert_element_type3A_542 = arith.sitofp %min3A_519 : vector<16xi32> to vector<16xf32>
      %add3A_543 = arith.constant 5.000000e-01 : f32
      %add3A_544 = vector.broadcast %add3A_543 : f32 to vector<16xf32>
      %add3A_545 = arith.addf %convert_element_type3A_542, %add3A_544 : vector<16xf32>
      %mul3A_546 = arith.constant 1.562500e-02 : f32
      %mul3A_547 = vector.broadcast %mul3A_546 : f32 to vector<16xf32>
      %mul3A_548 = arith.mulf %add3A_545, %mul3A_547 : vector<16xf32>
      %sub3A_549 = arith.constant 1.000000e+00 : f32
      %sub3A_550 = vector.broadcast %sub3A_549 : f32 to vector<16xf32>
      %sub3A_551 = arith.subf %mul3A_548, %sub3A_550 : vector<16xf32>
      %sub3A_552 = arith.subf %sub3A_551, %get3A_188 : vector<16xf32>
      %mul3A_553 = arith.mulf %sub3A_530, %sub3A_530 : vector<16xf32>
      %mul3A_554 = arith.mulf %sub3A_541, %sub3A_541 : vector<16xf32>
      %add3A_555 = arith.addf %mul3A_553, %mul3A_554 : vector<16xf32>
      %mul3A_556 = arith.mulf %sub3A_552, %sub3A_552 : vector<16xf32>
      %add3A_557 = arith.addf %add3A_555, %mul3A_556 : vector<16xf32>
      %mul3A_558 = arith.constant -4.000000e+02 : f32
      %mul3A_559 = vector.broadcast %mul3A_558 : f32 to vector<16xf32>
      %mul3A_560 = arith.mulf %add3A_557, %mul3A_559 : vector<16xf32>
      %exp3A_561 = math.exp %mul3A_560 : vector<16xf32>
      %mul3A_562 = arith.constant 128 : i32
      %mul3A_563 = vector.broadcast %mul3A_562 : i32 to vector<16xi32>
      %mul3A_564 = arith.muli %min3A_501, %mul3A_563 : vector<16xi32>
      %add3A_565 = arith.addi %mul3A_564, %min3A_510 : vector<16xi32>
      %mul3A_566 = arith.constant 128 : i32
      %mul3A_567 = vector.broadcast %mul3A_566 : i32 to vector<16xi32>
      %mul3A_568 = arith.muli %add3A_565, %mul3A_567 : vector<16xi32>
      %add3A_569 = arith.addi %mul3A_568, %min3A_519 : vector<16xi32>
      %shift_right_logical3A_570 = arith.constant 1 : i32
      %shift_right_logical3A_571 = vector.broadcast %shift_right_logical3A_570 : i32 to vector<16xi32>
      %shift_right_logical3A_572 = arith.shrui %add3A_569, %shift_right_logical3A_571 : vector<16xi32>
      %mul3A_573 = arith.constant 432 : i32
      %mul3A_574 = arith.muli %scan3A_180, %mul3A_573 : i32
      %add3A_575 = arith.constant 32 : i32
      %add3A_576 = arith.addi %mul3A_574, %add3A_575 : i32
      %swap3A_577 = arith.index_cast %add3A_576 : i32 to index
      %swap3A_578 = tpu.vector_load %arg16[%swap3A_577] {strides = array<i32>} : memref<12288xi32, #tpu.memory_space<vmem>>, vector<16xi32>,
      tpu.vector_store %arg16[%swap3A_577], %shift_right_logical3A_572 {strides = array<i32>} : memref<12288xi32, #tpu.memory_space<vmem>>, vector<16xi32>,
      %add3A_579 = arith.constant 32 : i32
      %add3A_580 = vector.broadcast %add3A_579 : i32 to vector<16xi32>
      %add3A_581 = arith.addi %add3A_580, %iota3A : vector<16xi32>
      %and3A_582 = arith.constant 1 : i32
      %and3A_583 = vector.broadcast %and3A_582 : i32 to vector<16xi32>
      %and3A_584 = arith.andi %add3A_569, %and3A_583 : vector<16xi32>
      %mul3A_585 = arith.constant 4 : i32
      %mul3A_586 = vector.broadcast %mul3A_585 : i32 to vector<16xi32>
      %mul3A_587 = arith.muli %and3A_584, %mul3A_586 : vector<16xi32>
      %sub3A_588 = arith.constant 4 : i32
      %sub3A_589 = vector.broadcast %sub3A_588 : i32 to vector<16xi32>
      %sub3A_590 = arith.subi %sub3A_589, %mul3A_587 : vector<16xi32>
      %mul3A_591 = arith.mulf %exp3A_561, %get3A_190 : vector<16xf32>
      %mul3A_592 = arith.mulf %exp3A_561, %get3A_192 : vector<16xf32>
      %mul3A_593 = arith.mulf %exp3A_561, %get3A_194 : vector<16xf32>
      %add3A_594 = arith.constant 0 : i32
      %add3A_595 = vector.broadcast %add3A_594 : i32 to vector<16xi32>
      %add3A_596 = arith.addi %mul3A_587, %add3A_595 : vector<16xi32>
      tpu.vector_store_idx %arg17[%add3A_581, %add3A_596], %mul3A_591 : memref<432x8xf32, #tpu.memory_space<vmem>>[vector<16xi32>, vector<16xi32>], vector<16xf32>,
      %add3A_597 = arith.constant 0 : i32
      %add3A_598 = vector.broadcast %add3A_597 : i32 to vector<16xi32>
      %add3A_599 = arith.addi %sub3A_590, %add3A_598 : vector<16xi32>
      tpu.vector_store_idx %arg17[%add3A_581, %add3A_599], %broadcast_in_dim3A_245 : memref<432x8xf32, #tpu.memory_space<vmem>>[vector<16xi32>, vector<16xi32>], vector<16xf32>,
      %add3A_600 = arith.constant 1 : i32
      %add3A_601 = vector.broadcast %add3A_600 : i32 to vector<16xi32>
      %add3A_602 = arith.addi %mul3A_587, %add3A_601 : vector<16xi32>
      tpu.vector_store_idx %arg17[%add3A_581, %add3A_602], %mul3A_592 : memref<432x8xf32, #tpu.memory_space<vmem>>[vector<16xi32>, vector<16xi32>], vector<16xf32>,
      %add3A_603 = arith.constant 1 : i32
      %add3A_604 = vector.broadcast %add3A_603 : i32 to vector<16xi32>
      %add3A_605 = arith.addi %sub3A_590, %add3A_604 : vector<16xi32>
      tpu.vector_store_idx %arg17[%add3A_581, %add3A_605], %broadcast_in_dim3A_245 : memref<432x8xf32, #tpu.memory_space<vmem>>[vector<16xi32>, vector<16xi32>], vector<16xf32>,
      %add3A_606 = arith.constant 2 : i32
      %add3A_607 = vector.broadcast %add3A_606 : i32 to vector<16xi32>
      %add3A_608 = arith.addi %mul3A_587, %add3A_607 : vector<16xi32>
      tpu.vector_store_idx %arg17[%add3A_581, %add3A_608], %mul3A_593 : memref<432x8xf32, #tpu.memory_space<vmem>>[vector<16xi32>, vector<16xi32>], vector<16xf32>,
      %add3A_609 = arith.constant 2 : i32
      %add3A_610 = vector.broadcast %add3A_609 : i32 to vector<16xi32>
      %add3A_611 = arith.addi %sub3A_590, %add3A_610 : vector<16xi32>
      tpu.vector_store_idx %arg17[%add3A_581, %add3A_611], %broadcast_in_dim3A_245 : memref<432x8xf32, #tpu.memory_space<vmem>>[vector<16xi32>, vector<16xi32>], vector<16xf32>,
      %add3A_612 = arith.constant 3 : i32
      %add3A_613 = vector.broadcast %add3A_612 : i32 to vector<16xi32>
      %add3A_614 = arith.addi %mul3A_587, %add3A_613 : vector<16xi32>
      tpu.vector_store_idx %arg17[%add3A_581, %add3A_614], %exp3A_561 : memref<432x8xf32, #tpu.memory_space<vmem>>[vector<16xi32>, vector<16xi32>], vector<16xf32>,
      %add3A_615 = arith.constant 3 : i32
      %add3A_616 = vector.broadcast %add3A_615 : i32 to vector<16xi32>
      %add3A_617 = arith.addi %sub3A_590, %add3A_616 : vector<16xi32>
      tpu.vector_store_idx %arg17[%add3A_581, %add3A_617], %broadcast_in_dim3A_245 : memref<432x8xf32, #tpu.memory_space<vmem>>[vector<16xi32>, vector<16xi32>], vector<16xf32>,
      %add3A_618 = arith.constant -1 : i32
      %add3A_619 = vector.broadcast %add3A_618 : i32 to vector<16xi32>
      %add3A_620 = arith.addi %sub3A, %add3A_619 : vector<16xi32>
      %jit3A_621 = arith.constant 0 : i32
      %jit3A_622 = arith.constant 127 : i32
      %max3A_623 = vector.broadcast %jit3A_621 : i32 to vector<16xi32>
      %max3A_624 = arith.maxsi %max3A_623, %add3A_620 : vector<16xi32>
      %min3A_625 = vector.broadcast %jit3A_622 : i32 to vector<16xi32>
      %min3A_626 = arith.minsi %min3A_625, %max3A_624 : vector<16xi32>
      %add3A_627 = arith.constant 0 : i32
      %add3A_628 = vector.broadcast %add3A_627 : i32 to vector<16xi32>
      %add3A_629 = arith.addi %sub3A_225, %add3A_628 : vector<16xi32>
      %jit3A_630 = arith.constant 0 : i32
      %jit3A_631 = arith.constant 127 : i32
      %max3A_632 = vector.broadcast %jit3A_630 : i32 to vector<16xi32>
      %max3A_633 = arith.maxsi %max3A_632, %add3A_629 : vector<16xi32>
      %min3A_634 = vector.broadcast %jit3A_631 : i32 to vector<16xi32>
      %min3A_635 = arith.minsi %min3A_634, %max3A_633 : vector<16xi32>
      %add3A_636 = arith.constant -1 : i32
      %add3A_637 = vector.broadcast %add3A_636 : i32 to vector<16xi32>
      %add3A_638 = arith.addi %sub3A_243, %add3A_637 : vector<16xi32>
      %jit3A_639 = arith.constant 0 : i32
      %jit3A_640 = arith.constant 127 : i32
      %max3A_641 = vector.broadcast %jit3A_639 : i32 to vector<16xi32>
      %max3A_642 = arith.maxsi %max3A_641, %add3A_638 : vector<16xi32>
      %min3A_643 = vector.broadcast %jit3A_640 : i32 to vector<16xi32>
      %min3A_644 = arith.minsi %min3A_643, %max3A_642 : vector<16xi32>
      %convert_element_type3A_645 = arith.sitofp %min3A_626 : vector<16xi32> to vector<16xf32>
      %add3A_646 = arith.constant 5.000000e-01 : f32
      %add3A_647 = vector.broadcast %add3A_646 : f32 to vector<16xf32>
      %add3A_648 = arith.addf %convert_element_type3A_645, %add3A_647 : vector<16xf32>
      %mul3A_649 = arith.constant 1.562500e-02 : f32
      %mul3A_650 = vector.broadcast %mul3A_649 : f32 to vector<16xf32>
      %mul3A_651 = arith.mulf %add3A_648, %mul3A_650 : vector<16xf32>
      %sub3A_652 = arith.constant 1.000000e+00 : f32
      %sub3A_653 = vector.broadcast %sub3A_652 : f32 to vector<16xf32>
      %sub3A_654 = arith.subf %mul3A_651, %sub3A_653 : vector<16xf32>
      %sub3A_655 = arith.subf %sub3A_654, %get3A_184 : vector<16xf32>
      %convert_element_type3A_656 = arith.sitofp %min3A_635 : vector<16xi32> to vector<16xf32>
      %add3A_657 = arith.constant 5.000000e-01 : f32
      %add3A_658 = vector.broadcast %add3A_657 : f32 to vector<16xf32>
      %add3A_659 = arith.addf %convert_element_type3A_656, %add3A_658 : vector<16xf32>
      %mul3A_660 = arith.constant 1.562500e-02 : f32
      %mul3A_661 = vector.broadcast %mul3A_660 : f32 to vector<16xf32>
      %mul3A_662 = arith.mulf %add3A_659, %mul3A_661 : vector<16xf32>
      %sub3A_663 = arith.constant 1.000000e+00 : f32
      %sub3A_664 = vector.broadcast %sub3A_663 : f32 to vector<16xf32>
      %sub3A_665 = arith.subf %mul3A_662, %sub3A_664 : vector<16xf32>
      %sub3A_666 = arith.subf %sub3A_665, %get3A_186 : vector<16xf32>
      %convert_element_type3A_667 = arith.sitofp %min3A_644 : vector<16xi32> to vector<16xf32>
      %add3A_668 = arith.constant 5.000000e-01 : f32
      %add3A_669 = vector.broadcast %add3A_668 : f32 to vector<16xf32>
      %add3A_670 = arith.addf %convert_element_type3A_667, %add3A_669 : vector<16xf32>
      %mul3A_671 = arith.constant 1.562500e-02 : f32
      %mul3A_672 = vector.broadcast %mul3A_671 : f32 to vector<16xf32>
      %mul3A_673 = arith.mulf %add3A_670, %mul3A_672 : vector<16xf32>
      %sub3A_674 = arith.constant 1.000000e+00 : f32
      %sub3A_675 = vector.broadcast %sub3A_674 : f32 to vector<16xf32>
      %sub3A_676 = arith.subf %mul3A_673, %sub3A_675 : vector<16xf32>
      %sub3A_677 = arith.subf %sub3A_676, %get3A_188 : vector<16xf32>
      %mul3A_678 = arith.mulf %sub3A_655, %sub3A_655 : vector<16xf32>
      %mul3A_679 = arith.mulf %sub3A_666, %sub3A_666 : vector<16xf32>
      %add3A_680 = arith.addf %mul3A_678, %mul3A_679 : vector<16xf32>
      %mul3A_681 = arith.mulf %sub3A_677, %sub3A_677 : vector<16xf32>
      %add3A_682 = arith.addf %add3A_680, %mul3A_681 : vector<16xf32>
      %mul3A_683 = arith.constant -4.000000e+02 : f32
      %mul3A_684 = vector.broadcast %mul3A_683 : f32 to vector<16xf32>
      %mul3A_685 = arith.mulf %add3A_682, %mul3A_684 : vector<16xf32>
      %exp3A_686 = math.exp %mul3A_685 : vector<16xf32>
      %mul3A_687 = arith.constant 128 : i32
      %mul3A_688 = vector.broadcast %mul3A_687 : i32 to vector<16xi32>
      %mul3A_689 = arith.muli %min3A_626, %mul3A_688 : vector<16xi32>
      %add3A_690 = arith.addi %mul3A_689, %min3A_635 : vector<16xi32>
      %mul3A_691 = arith.constant 128 : i32
      %mul3A_692 = vector.broadcast %mul3A_691 : i32 to vector<16xi32>
      %mul3A_693 = arith.muli %add3A_690, %mul3A_692 : vector<16xi32>
      %add3A_694 = arith.addi %mul3A_693, %min3A_644 : vector<16xi32>
      %shift_right_logical3A_695 = arith.constant 1 : i32
      %shift_right_logical3A_696 = vector.broadcast %shift_right_logical3A_695 : i32 to vector<16xi32>
      %shift_right_logical3A_697 = arith.shrui %add3A_694, %shift_right_logical3A_696 : vector<16xi32>
      %mul3A_698 = arith.constant 432 : i32
      %mul3A_699 = arith.muli %scan3A_180, %mul3A_698 : i32
      %add3A_700 = arith.constant 48 : i32
      %add3A_701 = arith.addi %mul3A_699, %add3A_700 : i32
      %swap3A_702 = arith.index_cast %add3A_701 : i32 to index
      %swap3A_703 = tpu.vector_load %arg16[%swap3A_702] {strides = array<i32>} : memref<12288xi32, #tpu.memory_space<vmem>>, vector<16xi32>,
      tpu.vector_store %arg16[%swap3A_702], %shift_right_logical3A_697 {strides = array<i32>} : memref<12288xi32, #tpu.memory_space<vmem>>, vector<16xi32>,
      %add3A_704 = arith.constant 48 : i32
      %add3A_705 = vector.broadcast %add3A_704 : i32 to vector<16xi32>
      %add3A_706 = arith.addi %add3A_705, %iota3A : vector<16xi32>
      %and3A_707 = arith.constant 1 : i32
      %and3A_708 = vector.broadcast %and3A_707 : i32 to vector<16xi32>
      %and3A_709 = arith.andi %add3A_694, %and3A_708 : vector<16xi32>
      %mul3A_710 = arith.constant 4 : i32
      %mul3A_711 = vector.broadcast %mul3A_710 : i32 to vector<16xi32>
      %mul3A_712 = arith.muli %and3A_709, %mul3A_711 : vector<16xi32>
      %sub3A_713 = arith.constant 4 : i32
      %sub3A_714 = vector.broadcast %sub3A_713 : i32 to vector<16xi32>
      %sub3A_715 = arith.subi %sub3A_714, %mul3A_712 : vector<16xi32>
      %mul3A_716 = arith.mulf %exp3A_686, %get3A_190 : vector<16xf32>
      %mul3A_717 = arith.mulf %exp3A_686, %get3A_192 : vector<16xf32>
      %mul3A_718 = arith.mulf %exp3A_686, %get3A_194 : vector<16xf32>
      %add3A_719 = arith.constant 0 : i32
      %add3A_720 = vector.broadcast %add3A_719 : i32 to vector<16xi32>
      %add3A_721 = arith.addi %mul3A_712, %add3A_720 : vector<16xi32>
      tpu.vector_store_idx %arg17[%add3A_706, %add3A_721], %mul3A_716 : memref<432x8xf32, #tpu.memory_space<vmem>>[vector<16xi32>, vector<16xi32>], vector<16xf32>,
      %add3A_722 = arith.constant 0 : i32
      %add3A_723 = vector.broadcast %add3A_722 : i32 to vector<16xi32>
      %add3A_724 = arith.addi %sub3A_715, %add3A_723 : vector<16xi32>
      tpu.vector_store_idx %arg17[%add3A_706, %add3A_724], %broadcast_in_dim3A_245 : memref<432x8xf32, #tpu.memory_space<vmem>>[vector<16xi32>, vector<16xi32>], vector<16xf32>,
      %add3A_725 = arith.constant 1 : i32
      %add3A_726 = vector.broadcast %add3A_725 : i32 to vector<16xi32>
      %add3A_727 = arith.addi %mul3A_712, %add3A_726 : vector<16xi32>
      tpu.vector_store_idx %arg17[%add3A_706, %add3A_727], %mul3A_717 : memref<432x8xf32, #tpu.memory_space<vmem>>[vector<16xi32>, vector<16xi32>], vector<16xf32>,
      %add3A_728 = arith.constant 1 : i32
      %add3A_729 = vector.broadcast %add3A_728 : i32 to vector<16xi32>
      %add3A_730 = arith.addi %sub3A_715, %add3A_729 : vector<16xi32>
      tpu.vector_store_idx %arg17[%add3A_706, %add3A_730], %broadcast_in_dim3A_245 : memref<432x8xf32, #tpu.memory_space<vmem>>[vector<16xi32>, vector<16xi32>], vector<16xf32>,
      %add3A_731 = arith.constant 2 : i32
      %add3A_732 = vector.broadcast %add3A_731 : i32 to vector<16xi32>
      %add3A_733 = arith.addi %mul3A_712, %add3A_732 : vector<16xi32>
      tpu.vector_store_idx %arg17[%add3A_706, %add3A_733], %mul3A_718 : memref<432x8xf32, #tpu.memory_space<vmem>>[vector<16xi32>, vector<16xi32>], vector<16xf32>,
      %add3A_734 = arith.constant 2 : i32
      %add3A_735 = vector.broadcast %add3A_734 : i32 to vector<16xi32>
      %add3A_736 = arith.addi %sub3A_715, %add3A_735 : vector<16xi32>
      tpu.vector_store_idx %arg17[%add3A_706, %add3A_736], %broadcast_in_dim3A_245 : memref<432x8xf32, #tpu.memory_space<vmem>>[vector<16xi32>, vector<16xi32>], vector<16xf32>,
      %add3A_737 = arith.constant 3 : i32
      %add3A_738 = vector.broadcast %add3A_737 : i32 to vector<16xi32>
      %add3A_739 = arith.addi %mul3A_712, %add3A_738 : vector<16xi32>
      tpu.vector_store_idx %arg17[%add3A_706, %add3A_739], %exp3A_686 : memref<432x8xf32, #tpu.memory_space<vmem>>[vector<16xi32>, vector<16xi32>], vector<16xf32>,
      %add3A_740 = arith.constant 3 : i32
      %add3A_741 = vector.broadcast %add3A_740 : i32 to vector<16xi32>
      %add3A_742 = arith.addi %sub3A_715, %add3A_741 : vector<16xi32>
      tpu.vector_store_idx %arg17[%add3A_706, %add3A_742], %broadcast_in_dim3A_245 : memref<432x8xf32, #tpu.memory_space<vmem>>[vector<16xi32>, vector<16xi32>], vector<16xf32>,
      %add3A_743 = arith.constant -1 : i32
      %add3A_744 = vector.broadcast %add3A_743 : i32 to vector<16xi32>
      %add3A_745 = arith.addi %sub3A, %add3A_744 : vector<16xi32>
      %jit3A_746 = arith.constant 0 : i32
      %jit3A_747 = arith.constant 127 : i32
      %max3A_748 = vector.broadcast %jit3A_746 : i32 to vector<16xi32>
      %max3A_749 = arith.maxsi %max3A_748, %add3A_745 : vector<16xi32>
      %min3A_750 = vector.broadcast %jit3A_747 : i32 to vector<16xi32>
      %min3A_751 = arith.minsi %min3A_750, %max3A_749 : vector<16xi32>
      %add3A_752 = arith.constant 0 : i32
      %add3A_753 = vector.broadcast %add3A_752 : i32 to vector<16xi32>
      %add3A_754 = arith.addi %sub3A_225, %add3A_753 : vector<16xi32>
      %jit3A_755 = arith.constant 0 : i32
      %jit3A_756 = arith.constant 127 : i32
      %max3A_757 = vector.broadcast %jit3A_755 : i32 to vector<16xi32>
      %max3A_758 = arith.maxsi %max3A_757, %add3A_754 : vector<16xi32>
      %min3A_759 = vector.broadcast %jit3A_756 : i32 to vector<16xi32>
      %min3A_760 = arith.minsi %min3A_759, %max3A_758 : vector<16xi32>
      %add3A_761 = arith.constant 0 : i32
      %add3A_762 = vector.broadcast %add3A_761 : i32 to vector<16xi32>
      %add3A_763 = arith.addi %sub3A_243, %add3A_762 : vector<16xi32>
      %jit3A_764 = arith.constant 0 : i32
      %jit3A_765 = arith.constant 127 : i32
      %max3A_766 = vector.broadcast %jit3A_764 : i32 to vector<16xi32>
      %max3A_767 = arith.maxsi %max3A_766, %add3A_763 : vector<16xi32>
      %min3A_768 = vector.broadcast %jit3A_765 : i32 to vector<16xi32>
      %min3A_769 = arith.minsi %min3A_768, %max3A_767 : vector<16xi32>
      %convert_element_type3A_770 = arith.sitofp %min3A_751 : vector<16xi32> to vector<16xf32>
      %add3A_771 = arith.constant 5.000000e-01 : f32
      %add3A_772 = vector.broadcast %add3A_771 : f32 to vector<16xf32>
      %add3A_773 = arith.addf %convert_element_type3A_770, %add3A_772 : vector<16xf32>
      %mul3A_774 = arith.constant 1.562500e-02 : f32
      %mul3A_775 = vector.broadcast %mul3A_774 : f32 to vector<16xf32>
      %mul3A_776 = arith.mulf %add3A_773, %mul3A_775 : vector<16xf32>
      %sub3A_777 = arith.constant 1.000000e+00 : f32
      %sub3A_778 = vector.broadcast %sub3A_777 : f32 to vector<16xf32>
      %sub3A_779 = arith.subf %mul3A_776, %sub3A_778 : vector<16xf32>
      %sub3A_780 = arith.subf %sub3A_779, %get3A_184 : vector<16xf32>
      %convert_element_type3A_781 = arith.sitofp %min3A_760 : vector<16xi32> to vector<16xf32>
      %add3A_782 = arith.constant 5.000000e-01 : f32
      %add3A_783 = vector.broadcast %add3A_782 : f32 to vector<16xf32>
      %add3A_784 = arith.addf %convert_element_type3A_781, %add3A_783 : vector<16xf32>
      %mul3A_785 = arith.constant 1.562500e-02 : f32
      %mul3A_786 = vector.broadcast %mul3A_785 : f32 to vector<16xf32>
      %mul3A_787 = arith.mulf %add3A_784, %mul3A_786 : vector<16xf32>
      %sub3A_788 = arith.constant 1.000000e+00 : f32
      %sub3A_789 = vector.broadcast %sub3A_788 : f32 to vector<16xf32>
      %sub3A_790 = arith.subf %mul3A_787, %sub3A_789 : vector<16xf32>
      %sub3A_791 = arith.subf %sub3A_790, %get3A_186 : vector<16xf32>
      %convert_element_type3A_792 = arith.sitofp %min3A_769 : vector<16xi32> to vector<16xf32>
      %add3A_793 = arith.constant 5.000000e-01 : f32
      %add3A_794 = vector.broadcast %add3A_793 : f32 to vector<16xf32>
      %add3A_795 = arith.addf %convert_element_type3A_792, %add3A_794 : vector<16xf32>
      %mul3A_796 = arith.constant 1.562500e-02 : f32
      %mul3A_797 = vector.broadcast %mul3A_796 : f32 to vector<16xf32>
      %mul3A_798 = arith.mulf %add3A_795, %mul3A_797 : vector<16xf32>
      %sub3A_799 = arith.constant 1.000000e+00 : f32
      %sub3A_800 = vector.broadcast %sub3A_799 : f32 to vector<16xf32>
      %sub3A_801 = arith.subf %mul3A_798, %sub3A_800 : vector<16xf32>
      %sub3A_802 = arith.subf %sub3A_801, %get3A_188 : vector<16xf32>
      %mul3A_803 = arith.mulf %sub3A_780, %sub3A_780 : vector<16xf32>
      %mul3A_804 = arith.mulf %sub3A_791, %sub3A_791 : vector<16xf32>
      %add3A_805 = arith.addf %mul3A_803, %mul3A_804 : vector<16xf32>
      %mul3A_806 = arith.mulf %sub3A_802, %sub3A_802 : vector<16xf32>
      %add3A_807 = arith.addf %add3A_805, %mul3A_806 : vector<16xf32>
      %mul3A_808 = arith.constant -4.000000e+02 : f32
      %mul3A_809 = vector.broadcast %mul3A_808 : f32 to vector<16xf32>
      %mul3A_810 = arith.mulf %add3A_807, %mul3A_809 : vector<16xf32>
      %exp3A_811 = math.exp %mul3A_810 : vector<16xf32>
      %mul3A_812 = arith.constant 128 : i32
      %mul3A_813 = vector.broadcast %mul3A_812 : i32 to vector<16xi32>
      %mul3A_814 = arith.muli %min3A_751, %mul3A_813 : vector<16xi32>
      %add3A_815 = arith.addi %mul3A_814, %min3A_760 : vector<16xi32>
      %mul3A_816 = arith.constant 128 : i32
      %mul3A_817 = vector.broadcast %mul3A_816 : i32 to vector<16xi32>
      %mul3A_818 = arith.muli %add3A_815, %mul3A_817 : vector<16xi32>
      %add3A_819 = arith.addi %mul3A_818, %min3A_769 : vector<16xi32>
      %shift_right_logical3A_820 = arith.constant 1 : i32
      %shift_right_logical3A_821 = vector.broadcast %shift_right_logical3A_820 : i32 to vector<16xi32>
      %shift_right_logical3A_822 = arith.shrui %add3A_819, %shift_right_logical3A_821 : vector<16xi32>
      %mul3A_823 = arith.constant 432 : i32
      %mul3A_824 = arith.muli %scan3A_180, %mul3A_823 : i32
      %add3A_825 = arith.constant 64 : i32
      %add3A_826 = arith.addi %mul3A_824, %add3A_825 : i32
      %swap3A_827 = arith.index_cast %add3A_826 : i32 to index
      %swap3A_828 = tpu.vector_load %arg16[%swap3A_827] {strides = array<i32>} : memref<12288xi32, #tpu.memory_space<vmem>>, vector<16xi32>,
      tpu.vector_store %arg16[%swap3A_827], %shift_right_logical3A_822 {strides = array<i32>} : memref<12288xi32, #tpu.memory_space<vmem>>, vector<16xi32>,
      %add3A_829 = arith.constant 64 : i32
      %add3A_830 = vector.broadcast %add3A_829 : i32 to vector<16xi32>
      %add3A_831 = arith.addi %add3A_830, %iota3A : vector<16xi32>
      %and3A_832 = arith.constant 1 : i32
      %and3A_833 = vector.broadcast %and3A_832 : i32 to vector<16xi32>
      %and3A_834 = arith.andi %add3A_819, %and3A_833 : vector<16xi32>
      %mul3A_835 = arith.constant 4 : i32
      %mul3A_836 = vector.broadcast %mul3A_835 : i32 to vector<16xi32>
      %mul3A_837 = arith.muli %and3A_834, %mul3A_836 : vector<16xi32>
      %sub3A_838 = arith.constant 4 : i32
      %sub3A_839 = vector.broadcast %sub3A_838 : i32 to vector<16xi32>
      %sub3A_840 = arith.subi %sub3A_839, %mul3A_837 : vector<16xi32>
      %mul3A_841 = arith.mulf %exp3A_811, %get3A_190 : vector<16xf32>
      %mul3A_842 = arith.mulf %exp3A_811, %get3A_192 : vector<16xf32>
      %mul3A_843 = arith.mulf %exp3A_811, %get3A_194 : vector<16xf32>
      %add3A_844 = arith.constant 0 : i32
      %add3A_845 = vector.broadcast %add3A_844 : i32 to vector<16xi32>
      %add3A_846 = arith.addi %mul3A_837, %add3A_845 : vector<16xi32>
      tpu.vector_store_idx %arg17[%add3A_831, %add3A_846], %mul3A_841 : memref<432x8xf32, #tpu.memory_space<vmem>>[vector<16xi32>, vector<16xi32>], vector<16xf32>,
      %add3A_847 = arith.constant 0 : i32
      %add3A_848 = vector.broadcast %add3A_847 : i32 to vector<16xi32>
      %add3A_849 = arith.addi %sub3A_840, %add3A_848 : vector<16xi32>
      tpu.vector_store_idx %arg17[%add3A_831, %add3A_849], %broadcast_in_dim3A_245 : memref<432x8xf32, #tpu.memory_space<vmem>>[vector<16xi32>, vector<16xi32>], vector<16xf32>,
      %add3A_850 = arith.constant 1 : i32
      %add3A_851 = vector.broadcast %add3A_850 : i32 to vector<16xi32>
      %add3A_852 = arith.addi %mul3A_837, %add3A_851 : vector<16xi32>
      tpu.vector_store_idx %arg17[%add3A_831, %add3A_852], %mul3A_842 : memref<432x8xf32, #tpu.memory_space<vmem>>[vector<16xi32>, vector<16xi32>], vector<16xf32>,
      %add3A_853 = arith.constant 1 : i32
      %add3A_854 = vector.broadcast %add3A_853 : i32 to vector<16xi32>
      %add3A_855 = arith.addi %sub3A_840, %add3A_854 : vector<16xi32>
      tpu.vector_store_idx %arg17[%add3A_831, %add3A_855], %broadcast_in_dim3A_245 : memref<432x8xf32, #tpu.memory_space<vmem>>[vector<16xi32>, vector<16xi32>], vector<16xf32>,
      %add3A_856 = arith.constant 2 : i32
      %add3A_857 = vector.broadcast %add3A_856 : i32 to vector<16xi32>
      %add3A_858 = arith.addi %mul3A_837, %add3A_857 : vector<16xi32>
      tpu.vector_store_idx %arg17[%add3A_831, %add3A_858], %mul3A_843 : memref<432x8xf32, #tpu.memory_space<vmem>>[vector<16xi32>, vector<16xi32>], vector<16xf32>,
      %add3A_859 = arith.constant 2 : i32
      %add3A_860 = vector.broadcast %add3A_859 : i32 to vector<16xi32>
      %add3A_861 = arith.addi %sub3A_840, %add3A_860 : vector<16xi32>
      tpu.vector_store_idx %arg17[%add3A_831, %add3A_861], %broadcast_in_dim3A_245 : memref<432x8xf32, #tpu.memory_space<vmem>>[vector<16xi32>, vector<16xi32>], vector<16xf32>,
      %add3A_862 = arith.constant 3 : i32
      %add3A_863 = vector.broadcast %add3A_862 : i32 to vector<16xi32>
      %add3A_864 = arith.addi %mul3A_837, %add3A_863 : vector<16xi32>
      tpu.vector_store_idx %arg17[%add3A_831, %add3A_864], %exp3A_811 : memref<432x8xf32, #tpu.memory_space<vmem>>[vector<16xi32>, vector<16xi32>], vector<16xf32>,
      %add3A_865 = arith.constant 3 : i32
      %add3A_866 = vector.broadcast %add3A_865 : i32 to vector<16xi32>
      %add3A_867 = arith.addi %sub3A_840, %add3A_866 : vector<16xi32>
      tpu.vector_store_idx %arg17[%add3A_831, %add3A_867], %broadcast_in_dim3A_245 : memref<432x8xf32, #tpu.memory_space<vmem>>[vector<16xi32>, vector<16xi32>], vector<16xf32>,
      %add3A_868 = arith.constant -1 : i32
      %add3A_869 = vector.broadcast %add3A_868 : i32 to vector<16xi32>
      %add3A_870 = arith.addi %sub3A, %add3A_869 : vector<16xi32>
      %jit3A_871 = arith.constant 0 : i32
      %jit3A_872 = arith.constant 127 : i32
      %max3A_873 = vector.broadcast %jit3A_871 : i32 to vector<16xi32>
      %max3A_874 = arith.maxsi %max3A_873, %add3A_870 : vector<16xi32>
      %min3A_875 = vector.broadcast %jit3A_872 : i32 to vector<16xi32>
      %min3A_876 = arith.minsi %min3A_875, %max3A_874 : vector<16xi32>
      %add3A_877 = arith.constant 0 : i32
      %add3A_878 = vector.broadcast %add3A_877 : i32 to vector<16xi32>
      %add3A_879 = arith.addi %sub3A_225, %add3A_878 : vector<16xi32>
      %jit3A_880 = arith.constant 0 : i32
      %jit3A_881 = arith.constant 127 : i32
      %max3A_882 = vector.broadcast %jit3A_880 : i32 to vector<16xi32>
      %max3A_883 = arith.maxsi %max3A_882, %add3A_879 : vector<16xi32>
      %min3A_884 = vector.broadcast %jit3A_881 : i32 to vector<16xi32>
      %min3A_885 = arith.minsi %min3A_884, %max3A_883 : vector<16xi32>
      %add3A_886 = arith.constant 1 : i32
      %add3A_887 = vector.broadcast %add3A_886 : i32 to vector<16xi32>
      %add3A_888 = arith.addi %sub3A_243, %add3A_887 : vector<16xi32>
      %jit3A_889 = arith.constant 0 : i32
      %jit3A_890 = arith.constant 127 : i32
      %max3A_891 = vector.broadcast %jit3A_889 : i32 to vector<16xi32>
      %max3A_892 = arith.maxsi %max3A_891, %add3A_888 : vector<16xi32>
      %min3A_893 = vector.broadcast %jit3A_890 : i32 to vector<16xi32>
      %min3A_894 = arith.minsi %min3A_893, %max3A_892 : vector<16xi32>
      %convert_element_type3A_895 = arith.sitofp %min3A_876 : vector<16xi32> to vector<16xf32>
      %add3A_896 = arith.constant 5.000000e-01 : f32
      %add3A_897 = vector.broadcast %add3A_896 : f32 to vector<16xf32>
      %add3A_898 = arith.addf %convert_element_type3A_895, %add3A_897 : vector<16xf32>
      %mul3A_899 = arith.constant 1.562500e-02 : f32
      %mul3A_900 = vector.broadcast %mul3A_899 : f32 to vector<16xf32>
      %mul3A_901 = arith.mulf %add3A_898, %mul3A_900 : vector<16xf32>
      %sub3A_902 = arith.constant 1.000000e+00 : f32
      %sub3A_903 = vector.broadcast %sub3A_902 : f32 to vector<16xf32>
      %sub3A_904 = arith.subf %mul3A_901, %sub3A_903 : vector<16xf32>
      %sub3A_905 = arith.subf %sub3A_904, %get3A_184 : vector<16xf32>
      %convert_element_type3A_906 = arith.sitofp %min3A_885 : vector<16xi32> to vector<16xf32>
      %add3A_907 = arith.constant 5.000000e-01 : f32
      %add3A_908 = vector.broadcast %add3A_907 : f32 to vector<16xf32>
      %add3A_909 = arith.addf %convert_element_type3A_906, %add3A_908 : vector<16xf32>
      %mul3A_910 = arith.constant 1.562500e-02 : f32
      %mul3A_911 = vector.broadcast %mul3A_910 : f32 to vector<16xf32>
      %mul3A_912 = arith.mulf %add3A_909, %mul3A_911 : vector<16xf32>
      %sub3A_913 = arith.constant 1.000000e+00 : f32
      %sub3A_914 = vector.broadcast %sub3A_913 : f32 to vector<16xf32>
      %sub3A_915 = arith.subf %mul3A_912, %sub3A_914 : vector<16xf32>
      %sub3A_916 = arith.subf %sub3A_915, %get3A_186 : vector<16xf32>
      %convert_element_type3A_917 = arith.sitofp %min3A_894 : vector<16xi32> to vector<16xf32>
      %add3A_918 = arith.constant 5.000000e-01 : f32
      %add3A_919 = vector.broadcast %add3A_918 : f32 to vector<16xf32>
      %add3A_920 = arith.addf %convert_element_type3A_917, %add3A_919 : vector<16xf32>
      %mul3A_921 = arith.constant 1.562500e-02 : f32
      %mul3A_922 = vector.broadcast %mul3A_921 : f32 to vector<16xf32>
      %mul3A_923 = arith.mulf %add3A_920, %mul3A_922 : vector<16xf32>
      %sub3A_924 = arith.constant 1.000000e+00 : f32
      %sub3A_925 = vector.broadcast %sub3A_924 : f32 to vector<16xf32>
      %sub3A_926 = arith.subf %mul3A_923, %sub3A_925 : vector<16xf32>
      %sub3A_927 = arith.subf %sub3A_926, %get3A_188 : vector<16xf32>
      %mul3A_928 = arith.mulf %sub3A_905, %sub3A_905 : vector<16xf32>
      %mul3A_929 = arith.mulf %sub3A_916, %sub3A_916 : vector<16xf32>
      %add3A_930 = arith.addf %mul3A_928, %mul3A_929 : vector<16xf32>
      %mul3A_931 = arith.mulf %sub3A_927, %sub3A_927 : vector<16xf32>
      %add3A_932 = arith.addf %add3A_930, %mul3A_931 : vector<16xf32>
      %mul3A_933 = arith.constant -4.000000e+02 : f32
      %mul3A_934 = vector.broadcast %mul3A_933 : f32 to vector<16xf32>
      %mul3A_935 = arith.mulf %add3A_932, %mul3A_934 : vector<16xf32>
      %exp3A_936 = math.exp %mul3A_935 : vector<16xf32>
      %mul3A_937 = arith.constant 128 : i32
      %mul3A_938 = vector.broadcast %mul3A_937 : i32 to vector<16xi32>
      %mul3A_939 = arith.muli %min3A_876, %mul3A_938 : vector<16xi32>
      %add3A_940 = arith.addi %mul3A_939, %min3A_885 : vector<16xi32>
      %mul3A_941 = arith.constant 128 : i32
      %mul3A_942 = vector.broadcast %mul3A_941 : i32 to vector<16xi32>
      %mul3A_943 = arith.muli %add3A_940, %mul3A_942 : vector<16xi32>
      %add3A_944 = arith.addi %mul3A_943, %min3A_894 : vector<16xi32>
      %shift_right_logical3A_945 = arith.constant 1 : i32
      %shift_right_logical3A_946 = vector.broadcast %shift_right_logical3A_945 : i32 to vector<16xi32>
      %shift_right_logical3A_947 = arith.shrui %add3A_944, %shift_right_logical3A_946 : vector<16xi32>
      %mul3A_948 = arith.constant 432 : i32
      %mul3A_949 = arith.muli %scan3A_180, %mul3A_948 : i32
      %add3A_950 = arith.constant 80 : i32
      %add3A_951 = arith.addi %mul3A_949, %add3A_950 : i32
      %swap3A_952 = arith.index_cast %add3A_951 : i32 to index
      %swap3A_953 = tpu.vector_load %arg16[%swap3A_952] {strides = array<i32>} : memref<12288xi32, #tpu.memory_space<vmem>>, vector<16xi32>,
      tpu.vector_store %arg16[%swap3A_952], %shift_right_logical3A_947 {strides = array<i32>} : memref<12288xi32, #tpu.memory_space<vmem>>, vector<16xi32>,
      %add3A_954 = arith.constant 80 : i32
      %add3A_955 = vector.broadcast %add3A_954 : i32 to vector<16xi32>
      %add3A_956 = arith.addi %add3A_955, %iota3A : vector<16xi32>
      %and3A_957 = arith.constant 1 : i32
      %and3A_958 = vector.broadcast %and3A_957 : i32 to vector<16xi32>
      %and3A_959 = arith.andi %add3A_944, %and3A_958 : vector<16xi32>
      %mul3A_960 = arith.constant 4 : i32
      %mul3A_961 = vector.broadcast %mul3A_960 : i32 to vector<16xi32>
      %mul3A_962 = arith.muli %and3A_959, %mul3A_961 : vector<16xi32>
      %sub3A_963 = arith.constant 4 : i32
      %sub3A_964 = vector.broadcast %sub3A_963 : i32 to vector<16xi32>
      %sub3A_965 = arith.subi %sub3A_964, %mul3A_962 : vector<16xi32>
      %mul3A_966 = arith.mulf %exp3A_936, %get3A_190 : vector<16xf32>
      %mul3A_967 = arith.mulf %exp3A_936, %get3A_192 : vector<16xf32>
      %mul3A_968 = arith.mulf %exp3A_936, %get3A_194 : vector<16xf32>
      %add3A_969 = arith.constant 0 : i32
      %add3A_970 = vector.broadcast %add3A_969 : i32 to vector<16xi32>
      %add3A_971 = arith.addi %mul3A_962, %add3A_970 : vector<16xi32>
      tpu.vector_store_idx %arg17[%add3A_956, %add3A_971], %mul3A_966 : memref<432x8xf32, #tpu.memory_space<vmem>>[vector<16xi32>, vector<16xi32>], vector<16xf32>,
      %add3A_972 = arith.constant 0 : i32
      %add3A_973 = vector.broadcast %add3A_972 : i32 to vector<16xi32>
      %add3A_974 = arith.addi %sub3A_965, %add3A_973 : vector<16xi32>
      tpu.vector_store_idx %arg17[%add3A_956, %add3A_974], %broadcast_in_dim3A_245 : memref<432x8xf32, #tpu.memory_space<vmem>>[vector<16xi32>, vector<16xi32>], vector<16xf32>,
      %add3A_975 = arith.constant 1 : i32
      %add3A_976 = vector.broadcast %add3A_975 : i32 to vector<16xi32>
      %add3A_977 = arith.addi %mul3A_962, %add3A_976 : vector<16xi32>
      tpu.vector_store_idx %arg17[%add3A_956, %add3A_977], %mul3A_967 : memref<432x8xf32, #tpu.memory_space<vmem>>[vector<16xi32>, vector<16xi32>], vector<16xf32>,
      %add3A_978 = arith.constant 1 : i32
      %add3A_979 = vector.broadcast %add3A_978 : i32 to vector<16xi32>
      %add3A_980 = arith.addi %sub3A_965, %add3A_979 : vector<16xi32>
      tpu.vector_store_idx %arg17[%add3A_956, %add3A_980], %broadcast_in_dim3A_245 : memref<432x8xf32, #tpu.memory_space<vmem>>[vector<16xi32>, vector<16xi32>], vector<16xf32>,
      %add3A_981 = arith.constant 2 : i32
      %add3A_982 = vector.broadcast %add3A_981 : i32 to vector<16xi32>
      %add3A_983 = arith.addi %mul3A_962, %add3A_982 : vector<16xi32>
      tpu.vector_store_idx %arg17[%add3A_956, %add3A_983], %mul3A_968 : memref<432x8xf32, #tpu.memory_space<vmem>>[vector<16xi32>, vector<16xi32>], vector<16xf32>,
      %add3A_984 = arith.constant 2 : i32
      %add3A_985 = vector.broadcast %add3A_984 : i32 to vector<16xi32>
      %add3A_986 = arith.addi %sub3A_965, %add3A_985 : vector<16xi32>
      tpu.vector_store_idx %arg17[%add3A_956, %add3A_986], %broadcast_in_dim3A_245 : memref<432x8xf32, #tpu.memory_space<vmem>>[vector<16xi32>, vector<16xi32>], vector<16xf32>,
      %add3A_987 = arith.constant 3 : i32
      %add3A_988 = vector.broadcast %add3A_987 : i32 to vector<16xi32>
      %add3A_989 = arith.addi %mul3A_962, %add3A_988 : vector<16xi32>
      tpu.vector_store_idx %arg17[%add3A_956, %add3A_989], %exp3A_936 : memref<432x8xf32, #tpu.memory_space<vmem>>[vector<16xi32>, vector<16xi32>], vector<16xf32>,
      %add3A_990 = arith.constant 3 : i32
      %add3A_991 = vector.broadcast %add3A_990 : i32 to vector<16xi32>
      %add3A_992 = arith.addi %sub3A_965, %add3A_991 : vector<16xi32>
      tpu.vector_store_idx %arg17[%add3A_956, %add3A_992], %broadcast_in_dim3A_245 : memref<432x8xf32, #tpu.memory_space<vmem>>[vector<16xi32>, vector<16xi32>], vector<16xf32>,
      %add3A_993 = arith.constant -1 : i32
      %add3A_994 = vector.broadcast %add3A_993 : i32 to vector<16xi32>
      %add3A_995 = arith.addi %sub3A, %add3A_994 : vector<16xi32>
      %jit3A_996 = arith.constant 0 : i32
      %jit3A_997 = arith.constant 127 : i32
      %max3A_998 = vector.broadcast %jit3A_996 : i32 to vector<16xi32>
      %max3A_999 = arith.maxsi %max3A_998, %add3A_995 : vector<16xi32>
      %min3A_1000 = vector.broadcast %jit3A_997 : i32 to vector<16xi32>
      %min3A_1001 = arith.minsi %min3A_1000, %max3A_999 : vector<16xi32>
      %add3A_1002 = arith.constant 1 : i32
      %add3A_1003 = vector.broadcast %add3A_1002 : i32 to vector<16xi32>
      %add3A_1004 = arith.addi %sub3A_225, %add3A_1003 : vector<16xi32>
      %jit3A_1005 = arith.constant 0 : i32
      %jit3A_1006 = arith.constant 127 : i32
      %max3A_1007 = vector.broadcast %jit3A_1005 : i32 to vector<16xi32>
      %max3A_1008 = arith.maxsi %max3A_1007, %add3A_1004 : vector<16xi32>
      %min3A_1009 = vector.broadcast %jit3A_1006 : i32 to vector<16xi32>
      %min3A_1010 = arith.minsi %min3A_1009, %max3A_1008 : vector<16xi32>
      %add3A_1011 = arith.constant -1 : i32
      %add3A_1012 = vector.broadcast %add3A_1011 : i32 to vector<16xi32>
      %add3A_1013 = arith.addi %sub3A_243, %add3A_1012 : vector<16xi32>
      %jit3A_1014 = arith.constant 0 : i32
      %jit3A_1015 = arith.constant 127 : i32
      %max3A_1016 = vector.broadcast %jit3A_1014 : i32 to vector<16xi32>
      %max3A_1017 = arith.maxsi %max3A_1016, %add3A_1013 : vector<16xi32>
      %min3A_1018 = vector.broadcast %jit3A_1015 : i32 to vector<16xi32>
      %min3A_1019 = arith.minsi %min3A_1018, %max3A_1017 : vector<16xi32>
      %convert_element_type3A_1020 = arith.sitofp %min3A_1001 : vector<16xi32> to vector<16xf32>
      %add3A_1021 = arith.constant 5.000000e-01 : f32
      %add3A_1022 = vector.broadcast %add3A_1021 : f32 to vector<16xf32>
      %add3A_1023 = arith.addf %convert_element_type3A_1020, %add3A_1022 : vector<16xf32>
      %mul3A_1024 = arith.constant 1.562500e-02 : f32
      %mul3A_1025 = vector.broadcast %mul3A_1024 : f32 to vector<16xf32>
      %mul3A_1026 = arith.mulf %add3A_1023, %mul3A_1025 : vector<16xf32>
      %sub3A_1027 = arith.constant 1.000000e+00 : f32
      %sub3A_1028 = vector.broadcast %sub3A_1027 : f32 to vector<16xf32>
      %sub3A_1029 = arith.subf %mul3A_1026, %sub3A_1028 : vector<16xf32>
      %sub3A_1030 = arith.subf %sub3A_1029, %get3A_184 : vector<16xf32>
      %convert_element_type3A_1031 = arith.sitofp %min3A_1010 : vector<16xi32> to vector<16xf32>
      %add3A_1032 = arith.constant 5.000000e-01 : f32
      %add3A_1033 = vector.broadcast %add3A_1032 : f32 to vector<16xf32>
      %add3A_1034 = arith.addf %convert_element_type3A_1031, %add3A_1033 : vector<16xf32>
      %mul3A_1035 = arith.constant 1.562500e-02 : f32
      %mul3A_1036 = vector.broadcast %mul3A_1035 : f32 to vector<16xf32>
      %mul3A_1037 = arith.mulf %add3A_1034, %mul3A_1036 : vector<16xf32>
      %sub3A_1038 = arith.constant 1.000000e+00 : f32
      %sub3A_1039 = vector.broadcast %sub3A_1038 : f32 to vector<16xf32>
      %sub3A_1040 = arith.subf %mul3A_1037, %sub3A_1039 : vector<16xf32>
      %sub3A_1041 = arith.subf %sub3A_1040, %get3A_186 : vector<16xf32>
      %convert_element_type3A_1042 = arith.sitofp %min3A_1019 : vector<16xi32> to vector<16xf32>
      %add3A_1043 = arith.constant 5.000000e-01 : f32
      %add3A_1044 = vector.broadcast %add3A_1043 : f32 to vector<16xf32>
      %add3A_1045 = arith.addf %convert_element_type3A_1042, %add3A_1044 : vector<16xf32>
      %mul3A_1046 = arith.constant 1.562500e-02 : f32
      %mul3A_1047 = vector.broadcast %mul3A_1046 : f32 to vector<16xf32>
      %mul3A_1048 = arith.mulf %add3A_1045, %mul3A_1047 : vector<16xf32>
      %sub3A_1049 = arith.constant 1.000000e+00 : f32
      %sub3A_1050 = vector.broadcast %sub3A_1049 : f32 to vector<16xf32>
      %sub3A_1051 = arith.subf %mul3A_1048, %sub3A_1050 : vector<16xf32>
      %sub3A_1052 = arith.subf %sub3A_1051, %get3A_188 : vector<16xf32>
      %mul3A_1053 = arith.mulf %sub3A_1030, %sub3A_1030 : vector<16xf32>
      %mul3A_1054 = arith.mulf %sub3A_1041, %sub3A_1041 : vector<16xf32>
      %add3A_1055 = arith.addf %mul3A_1053, %mul3A_1054 : vector<16xf32>
      %mul3A_1056 = arith.mulf %sub3A_1052, %sub3A_1052 : vector<16xf32>
      %add3A_1057 = arith.addf %add3A_1055, %mul3A_1056 : vector<16xf32>
      %mul3A_1058 = arith.constant -4.000000e+02 : f32
      %mul3A_1059 = vector.broadcast %mul3A_1058 : f32 to vector<16xf32>
      %mul3A_1060 = arith.mulf %add3A_1057, %mul3A_1059 : vector<16xf32>
      %exp3A_1061 = math.exp %mul3A_1060 : vector<16xf32>
      %mul3A_1062 = arith.constant 128 : i32
      %mul3A_1063 = vector.broadcast %mul3A_1062 : i32 to vector<16xi32>
      %mul3A_1064 = arith.muli %min3A_1001, %mul3A_1063 : vector<16xi32>
      %add3A_1065 = arith.addi %mul3A_1064, %min3A_1010 : vector<16xi32>
      %mul3A_1066 = arith.constant 128 : i32
      %mul3A_1067 = vector.broadcast %mul3A_1066 : i32 to vector<16xi32>
      %mul3A_1068 = arith.muli %add3A_1065, %mul3A_1067 : vector<16xi32>
      %add3A_1069 = arith.addi %mul3A_1068, %min3A_1019 : vector<16xi32>
      %shift_right_logical3A_1070 = arith.constant 1 : i32
      %shift_right_logical3A_1071 = vector.broadcast %shift_right_logical3A_1070 : i32 to vector<16xi32>
      %shift_right_logical3A_1072 = arith.shrui %add3A_1069, %shift_right_logical3A_1071 : vector<16xi32>
      %mul3A_1073 = arith.constant 432 : i32
      %mul3A_1074 = arith.muli %scan3A_180, %mul3A_1073 : i32
      %add3A_1075 = arith.constant 96 : i32
      %add3A_1076 = arith.addi %mul3A_1074, %add3A_1075 : i32
      %swap3A_1077 = arith.index_cast %add3A_1076 : i32 to index
      %swap3A_1078 = tpu.vector_load %arg16[%swap3A_1077] {strides = array<i32>} : memref<12288xi32, #tpu.memory_space<vmem>>, vector<16xi32>,
      tpu.vector_store %arg16[%swap3A_1077], %shift_right_logical3A_1072 {strides = array<i32>} : memref<12288xi32, #tpu.memory_space<vmem>>, vector<16xi32>,
      %add3A_1079 = arith.constant 96 : i32
      %add3A_1080 = vector.broadcast %add3A_1079 : i32 to vector<16xi32>
      %add3A_1081 = arith.addi %add3A_1080, %iota3A : vector<16xi32>
      %and3A_1082 = arith.constant 1 : i32
      %and3A_1083 = vector.broadcast %and3A_1082 : i32 to vector<16xi32>
      %and3A_1084 = arith.andi %add3A_1069, %and3A_1083 : vector<16xi32>
      %mul3A_1085 = arith.constant 4 : i32
      %mul3A_1086 = vector.broadcast %mul3A_1085 : i32 to vector<16xi32>
      %mul3A_1087 = arith.muli %and3A_1084, %mul3A_1086 : vector<16xi32>
      %sub3A_1088 = arith.constant 4 : i32
      %sub3A_1089 = vector.broadcast %sub3A_1088 : i32 to vector<16xi32>
      %sub3A_1090 = arith.subi %sub3A_1089, %mul3A_1087 : vector<16xi32>
      %mul3A_1091 = arith.mulf %exp3A_1061, %get3A_190 : vector<16xf32>
      %mul3A_1092 = arith.mulf %exp3A_1061, %get3A_192 : vector<16xf32>
      %mul3A_1093 = arith.mulf %exp3A_1061, %get3A_194 : vector<16xf32>
      %add3A_1094 = arith.constant 0 : i32
      %add3A_1095 = vector.broadcast %add3A_1094 : i32 to vector<16xi32>
      %add3A_1096 = arith.addi %mul3A_1087, %add3A_1095 : vector<16xi32>
      tpu.vector_store_idx %arg17[%add3A_1081, %add3A_1096], %mul3A_1091 : memref<432x8xf32, #tpu.memory_space<vmem>>[vector<16xi32>, vector<16xi32>], vector<16xf32>,
      %add3A_1097 = arith.constant 0 : i32
      %add3A_1098 = vector.broadcast %add3A_1097 : i32 to vector<16xi32>
      %add3A_1099 = arith.addi %sub3A_1090, %add3A_1098 : vector<16xi32>
      tpu.vector_store_idx %arg17[%add3A_1081, %add3A_1099], %broadcast_in_dim3A_245 : memref<432x8xf32, #tpu.memory_space<vmem>>[vector<16xi32>, vector<16xi32>], vector<16xf32>,
      %add3A_1100 = arith.constant 1 : i32
      %add3A_1101 = vector.broadcast %add3A_1100 : i32 to vector<16xi32>
      %add3A_1102 = arith.addi %mul3A_1087, %add3A_1101 : vector<16xi32>
      tpu.vector_store_idx %arg17[%add3A_1081, %add3A_1102], %mul3A_1092 : memref<432x8xf32, #tpu.memory_space<vmem>>[vector<16xi32>, vector<16xi32>], vector<16xf32>,
      %add3A_1103 = arith.constant 1 : i32
      %add3A_1104 = vector.broadcast %add3A_1103 : i32 to vector<16xi32>
      %add3A_1105 = arith.addi %sub3A_1090, %add3A_1104 : vector<16xi32>
      tpu.vector_store_idx %arg17[%add3A_1081, %add3A_1105], %broadcast_in_dim3A_245 : memref<432x8xf32, #tpu.memory_space<vmem>>[vector<16xi32>, vector<16xi32>], vector<16xf32>,
      %add3A_1106 = arith.constant 2 : i32
      %add3A_1107 = vector.broadcast %add3A_1106 : i32 to vector<16xi32>
      %add3A_1108 = arith.addi %mul3A_1087, %add3A_1107 : vector<16xi32>
      tpu.vector_store_idx %arg17[%add3A_1081, %add3A_1108], %mul3A_1093 : memref<432x8xf32, #tpu.memory_space<vmem>>[vector<16xi32>, vector<16xi32>], vector<16xf32>,
      %add3A_1109 = arith.constant 2 : i32
      %add3A_1110 = vector.broadcast %add3A_1109 : i32 to vector<16xi32>
      %add3A_1111 = arith.addi %sub3A_1090, %add3A_1110 : vector<16xi32>
      tpu.vector_store_idx %arg17[%add3A_1081, %add3A_1111], %broadcast_in_dim3A_245 : memref<432x8xf32, #tpu.memory_space<vmem>>[vector<16xi32>, vector<16xi32>], vector<16xf32>,
      %add3A_1112 = arith.constant 3 : i32
      %add3A_1113 = vector.broadcast %add3A_1112 : i32 to vector<16xi32>
      %add3A_1114 = arith.addi %mul3A_1087, %add3A_1113 : vector<16xi32>
      tpu.vector_store_idx %arg17[%add3A_1081, %add3A_1114], %exp3A_1061 : memref<432x8xf32, #tpu.memory_space<vmem>>[vector<16xi32>, vector<16xi32>], vector<16xf32>,
      %add3A_1115 = arith.constant 3 : i32
      %add3A_1116 = vector.broadcast %add3A_1115 : i32 to vector<16xi32>
      %add3A_1117 = arith.addi %sub3A_1090, %add3A_1116 : vector<16xi32>
      tpu.vector_store_idx %arg17[%add3A_1081, %add3A_1117], %broadcast_in_dim3A_245 : memref<432x8xf32, #tpu.memory_space<vmem>>[vector<16xi32>, vector<16xi32>], vector<16xf32>,
      %add3A_1118 = arith.constant -1 : i32
      %add3A_1119 = vector.broadcast %add3A_1118 : i32 to vector<16xi32>
      %add3A_1120 = arith.addi %sub3A, %add3A_1119 : vector<16xi32>
      %jit3A_1121 = arith.constant 0 : i32
      %jit3A_1122 = arith.constant 127 : i32
      %max3A_1123 = vector.broadcast %jit3A_1121 : i32 to vector<16xi32>
      %max3A_1124 = arith.maxsi %max3A_1123, %add3A_1120 : vector<16xi32>
      %min3A_1125 = vector.broadcast %jit3A_1122 : i32 to vector<16xi32>
      %min3A_1126 = arith.minsi %min3A_1125, %max3A_1124 : vector<16xi32>
      %add3A_1127 = arith.constant 1 : i32
      %add3A_1128 = vector.broadcast %add3A_1127 : i32 to vector<16xi32>
      %add3A_1129 = arith.addi %sub3A_225, %add3A_1128 : vector<16xi32>
      %jit3A_1130 = arith.constant 0 : i32
      %jit3A_1131 = arith.constant 127 : i32
      %max3A_1132 = vector.broadcast %jit3A_1130 : i32 to vector<16xi32>
      %max3A_1133 = arith.maxsi %max3A_1132, %add3A_1129 : vector<16xi32>
      %min3A_1134 = vector.broadcast %jit3A_1131 : i32 to vector<16xi32>
      %min3A_1135 = arith.minsi %min3A_1134, %max3A_1133 : vector<16xi32>
      %add3A_1136 = arith.constant 0 : i32
      %add3A_1137 = vector.broadcast %add3A_1136 : i32 to vector<16xi32>
      %add3A_1138 = arith.addi %sub3A_243, %add3A_1137 : vector<16xi32>
      %jit3A_1139 = arith.constant 0 : i32
      %jit3A_1140 = arith.constant 127 : i32
      %max3A_1141 = vector.broadcast %jit3A_1139 : i32 to vector<16xi32>
      %max3A_1142 = arith.maxsi %max3A_1141, %add3A_1138 : vector<16xi32>
      %min3A_1143 = vector.broadcast %jit3A_1140 : i32 to vector<16xi32>
      %min3A_1144 = arith.minsi %min3A_1143, %max3A_1142 : vector<16xi32>
      %convert_element_type3A_1145 = arith.sitofp %min3A_1126 : vector<16xi32> to vector<16xf32>
      %add3A_1146 = arith.constant 5.000000e-01 : f32
      %add3A_1147 = vector.broadcast %add3A_1146 : f32 to vector<16xf32>
      %add3A_1148 = arith.addf %convert_element_type3A_1145, %add3A_1147 : vector<16xf32>
      %mul3A_1149 = arith.constant 1.562500e-02 : f32
      %mul3A_1150 = vector.broadcast %mul3A_1149 : f32 to vector<16xf32>
      %mul3A_1151 = arith.mulf %add3A_1148, %mul3A_1150 : vector<16xf32>
      %sub3A_1152 = arith.constant 1.000000e+00 : f32
      %sub3A_1153 = vector.broadcast %sub3A_1152 : f32 to vector<16xf32>
      %sub3A_1154 = arith.subf %mul3A_1151, %sub3A_1153 : vector<16xf32>
      %sub3A_1155 = arith.subf %sub3A_1154, %get3A_184 : vector<16xf32>
      %convert_element_type3A_1156 = arith.sitofp %min3A_1135 : vector<16xi32> to vector<16xf32>
      %add3A_1157 = arith.constant 5.000000e-01 : f32
      %add3A_1158 = vector.broadcast %add3A_1157 : f32 to vector<16xf32>
      %add3A_1159 = arith.addf %convert_element_type3A_1156, %add3A_1158 : vector<16xf32>
      %mul3A_1160 = arith.constant 1.562500e-02 : f32
      %mul3A_1161 = vector.broadcast %mul3A_1160 : f32 to vector<16xf32>
      %mul3A_1162 = arith.mulf %add3A_1159, %mul3A_1161 : vector<16xf32>
      %sub3A_1163 = arith.constant 1.000000e+00 : f32
      %sub3A_1164 = vector.broadcast %sub3A_1163 : f32 to vector<16xf32>
      %sub3A_1165 = arith.subf %mul3A_1162, %sub3A_1164 : vector<16xf32>
      %sub3A_1166 = arith.subf %sub3A_1165, %get3A_186 : vector<16xf32>
      %convert_element_type3A_1167 = arith.sitofp %min3A_1144 : vector<16xi32> to vector<16xf32>
      %add3A_1168 = arith.constant 5.000000e-01 : f32
      %add3A_1169 = vector.broadcast %add3A_1168 : f32 to vector<16xf32>
      %add3A_1170 = arith.addf %convert_element_type3A_1167, %add3A_1169 : vector<16xf32>
      %mul3A_1171 = arith.constant 1.562500e-02 : f32
      %mul3A_1172 = vector.broadcast %mul3A_1171 : f32 to vector<16xf32>
      %mul3A_1173 = arith.mulf %add3A_1170, %mul3A_1172 : vector<16xf32>
      %sub3A_1174 = arith.constant 1.000000e+00 : f32
      %sub3A_1175 = vector.broadcast %sub3A_1174 : f32 to vector<16xf32>
      %sub3A_1176 = arith.subf %mul3A_1173, %sub3A_1175 : vector<16xf32>
      %sub3A_1177 = arith.subf %sub3A_1176, %get3A_188 : vector<16xf32>
      %mul3A_1178 = arith.mulf %sub3A_1155, %sub3A_1155 : vector<16xf32>
      %mul3A_1179 = arith.mulf %sub3A_1166, %sub3A_1166 : vector<16xf32>
      %add3A_1180 = arith.addf %mul3A_1178, %mul3A_1179 : vector<16xf32>
      %mul3A_1181 = arith.mulf %sub3A_1177, %sub3A_1177 : vector<16xf32>
      %add3A_1182 = arith.addf %add3A_1180, %mul3A_1181 : vector<16xf32>
      %mul3A_1183 = arith.constant -4.000000e+02 : f32
      %mul3A_1184 = vector.broadcast %mul3A_1183 : f32 to vector<16xf32>
      %mul3A_1185 = arith.mulf %add3A_1182, %mul3A_1184 : vector<16xf32>
      %exp3A_1186 = math.exp %mul3A_1185 : vector<16xf32>
      %mul3A_1187 = arith.constant 128 : i32
      %mul3A_1188 = vector.broadcast %mul3A_1187 : i32 to vector<16xi32>
      %mul3A_1189 = arith.muli %min3A_1126, %mul3A_1188 : vector<16xi32>
      %add3A_1190 = arith.addi %mul3A_1189, %min3A_1135 : vector<16xi32>
      %mul3A_1191 = arith.constant 128 : i32
      %mul3A_1192 = vector.broadcast %mul3A_1191 : i32 to vector<16xi32>
      %mul3A_1193 = arith.muli %add3A_1190, %mul3A_1192 : vector<16xi32>
      %add3A_1194 = arith.addi %mul3A_1193, %min3A_1144 : vector<16xi32>
      %shift_right_logical3A_1195 = arith.constant 1 : i32
      %shift_right_logical3A_1196 = vector.broadcast %shift_right_logical3A_1195 : i32 to vector<16xi32>
      %shift_right_logical3A_1197 = arith.shrui %add3A_1194, %shift_right_logical3A_1196 : vector<16xi32>
      %mul3A_1198 = arith.constant 432 : i32
      %mul3A_1199 = arith.muli %scan3A_180, %mul3A_1198 : i32
      %add3A_1200 = arith.constant 112 : i32
      %add3A_1201 = arith.addi %mul3A_1199, %add3A_1200 : i32
      %swap3A_1202 = arith.index_cast %add3A_1201 : i32 to index
      %swap3A_1203 = tpu.vector_load %arg16[%swap3A_1202] {strides = array<i32>} : memref<12288xi32, #tpu.memory_space<vmem>>, vector<16xi32>,
      tpu.vector_store %arg16[%swap3A_1202], %shift_right_logical3A_1197 {strides = array<i32>} : memref<12288xi32, #tpu.memory_space<vmem>>, vector<16xi32>,
      %add3A_1204 = arith.constant 112 : i32
      %add3A_1205 = vector.broadcast %add3A_1204 : i32 to vector<16xi32>
      %add3A_1206 = arith.addi %add3A_1205, %iota3A : vector<16xi32>
      %and3A_1207 = arith.constant 1 : i32
      %and3A_1208 = vector.broadcast %and3A_1207 : i32 to vector<16xi32>
      %and3A_1209 = arith.andi %add3A_1194, %and3A_1208 : vector<16xi32>
      %mul3A_1210 = arith.constant 4 : i32
      %mul3A_1211 = vector.broadcast %mul3A_1210 : i32 to vector<16xi32>
      %mul3A_1212 = arith.muli %and3A_1209, %mul3A_1211 : vector<16xi32>
      %sub3A_1213 = arith.constant 4 : i32
      %sub3A_1214 = vector.broadcast %sub3A_1213 : i32 to vector<16xi32>
      %sub3A_1215 = arith.subi %sub3A_1214, %mul3A_1212 : vector<16xi32>
      %mul3A_1216 = arith.mulf %exp3A_1186, %get3A_190 : vector<16xf32>
      %mul3A_1217 = arith.mulf %exp3A_1186, %get3A_192 : vector<16xf32>
      %mul3A_1218 = arith.mulf %exp3A_1186, %get3A_194 : vector<16xf32>
      %add3A_1219 = arith.constant 0 : i32
      %add3A_1220 = vector.broadcast %add3A_1219 : i32 to vector<16xi32>
      %add3A_1221 = arith.addi %mul3A_1212, %add3A_1220 : vector<16xi32>
      tpu.vector_store_idx %arg17[%add3A_1206, %add3A_1221], %mul3A_1216 : memref<432x8xf32, #tpu.memory_space<vmem>>[vector<16xi32>, vector<16xi32>], vector<16xf32>,
      %add3A_1222 = arith.constant 0 : i32
      %add3A_1223 = vector.broadcast %add3A_1222 : i32 to vector<16xi32>
      %add3A_1224 = arith.addi %sub3A_1215, %add3A_1223 : vector<16xi32>
      tpu.vector_store_idx %arg17[%add3A_1206, %add3A_1224], %broadcast_in_dim3A_245 : memref<432x8xf32, #tpu.memory_space<vmem>>[vector<16xi32>, vector<16xi32>], vector<16xf32>,
      %add3A_1225 = arith.constant 1 : i32
      %add3A_1226 = vector.broadcast %add3A_1225 : i32 to vector<16xi32>
      %add3A_1227 = arith.addi %mul3A_1212, %add3A_1226 : vector<16xi32>
      tpu.vector_store_idx %arg17[%add3A_1206, %add3A_1227], %mul3A_1217 : memref<432x8xf32, #tpu.memory_space<vmem>>[vector<16xi32>, vector<16xi32>], vector<16xf32>,
      %add3A_1228 = arith.constant 1 : i32
      %add3A_1229 = vector.broadcast %add3A_1228 : i32 to vector<16xi32>
      %add3A_1230 = arith.addi %sub3A_1215, %add3A_1229 : vector<16xi32>
      tpu.vector_store_idx %arg17[%add3A_1206, %add3A_1230], %broadcast_in_dim3A_245 : memref<432x8xf32, #tpu.memory_space<vmem>>[vector<16xi32>, vector<16xi32>], vector<16xf32>,
      %add3A_1231 = arith.constant 2 : i32
      %add3A_1232 = vector.broadcast %add3A_1231 : i32 to vector<16xi32>
      %add3A_1233 = arith.addi %mul3A_1212, %add3A_1232 : vector<16xi32>
      tpu.vector_store_idx %arg17[%add3A_1206, %add3A_1233], %mul3A_1218 : memref<432x8xf32, #tpu.memory_space<vmem>>[vector<16xi32>, vector<16xi32>], vector<16xf32>,
      %add3A_1234 = arith.constant 2 : i32
      %add3A_1235 = vector.broadcast %add3A_1234 : i32 to vector<16xi32>
      %add3A_1236 = arith.addi %sub3A_1215, %add3A_1235 : vector<16xi32>
      tpu.vector_store_idx %arg17[%add3A_1206, %add3A_1236], %broadcast_in_dim3A_245 : memref<432x8xf32, #tpu.memory_space<vmem>>[vector<16xi32>, vector<16xi32>], vector<16xf32>,
      %add3A_1237 = arith.constant 3 : i32
      %add3A_1238 = vector.broadcast %add3A_1237 : i32 to vector<16xi32>
      %add3A_1239 = arith.addi %mul3A_1212, %add3A_1238 : vector<16xi32>
      tpu.vector_store_idx %arg17[%add3A_1206, %add3A_1239], %exp3A_1186 : memref<432x8xf32, #tpu.memory_space<vmem>>[vector<16xi32>, vector<16xi32>], vector<16xf32>,
      %add3A_1240 = arith.constant 3 : i32
      %add3A_1241 = vector.broadcast %add3A_1240 : i32 to vector<16xi32>
      %add3A_1242 = arith.addi %sub3A_1215, %add3A_1241 : vector<16xi32>
      tpu.vector_store_idx %arg17[%add3A_1206, %add3A_1242], %broadcast_in_dim3A_245 : memref<432x8xf32, #tpu.memory_space<vmem>>[vector<16xi32>, vector<16xi32>], vector<16xf32>,
      %add3A_1243 = arith.constant -1 : i32
      %add3A_1244 = vector.broadcast %add3A_1243 : i32 to vector<16xi32>
      %add3A_1245 = arith.addi %sub3A, %add3A_1244 : vector<16xi32>
      %jit3A_1246 = arith.constant 0 : i32
      %jit3A_1247 = arith.constant 127 : i32
      %max3A_1248 = vector.broadcast %jit3A_1246 : i32 to vector<16xi32>
      %max3A_1249 = arith.maxsi %max3A_1248, %add3A_1245 : vector<16xi32>
      %min3A_1250 = vector.broadcast %jit3A_1247 : i32 to vector<16xi32>
      %min3A_1251 = arith.minsi %min3A_1250, %max3A_1249 : vector<16xi32>
      %add3A_1252 = arith.constant 1 : i32
      %add3A_1253 = vector.broadcast %add3A_1252 : i32 to vector<16xi32>
      %add3A_1254 = arith.addi %sub3A_225, %add3A_1253 : vector<16xi32>
      %jit3A_1255 = arith.constant 0 : i32
      %jit3A_1256 = arith.constant 127 : i32
      %max3A_1257 = vector.broadcast %jit3A_1255 : i32 to vector<16xi32>
      %max3A_1258 = arith.maxsi %max3A_1257, %add3A_1254 : vector<16xi32>
      %min3A_1259 = vector.broadcast %jit3A_1256 : i32 to vector<16xi32>
      %min3A_1260 = arith.minsi %min3A_1259, %max3A_1258 : vector<16xi32>
      %add3A_1261 = arith.constant 1 : i32
      %add3A_1262 = vector.broadcast %add3A_1261 : i32 to vector<16xi32>
      %add3A_1263 = arith.addi %sub3A_243, %add3A_1262 : vector<16xi32>
      %jit3A_1264 = arith.constant 0 : i32
      %jit3A_1265 = arith.constant 127 : i32
      %max3A_1266 = vector.broadcast %jit3A_1264 : i32 to vector<16xi32>
      %max3A_1267 = arith.maxsi %max3A_1266, %add3A_1263 : vector<16xi32>
      %min3A_1268 = vector.broadcast %jit3A_1265 : i32 to vector<16xi32>
      %min3A_1269 = arith.minsi %min3A_1268, %max3A_1267 : vector<16xi32>
      %convert_element_type3A_1270 = arith.sitofp %min3A_1251 : vector<16xi32> to vector<16xf32>
      %add3A_1271 = arith.constant 5.000000e-01 : f32
      %add3A_1272 = vector.broadcast %add3A_1271 : f32 to vector<16xf32>
      %add3A_1273 = arith.addf %convert_element_type3A_1270, %add3A_1272 : vector<16xf32>
      %mul3A_1274 = arith.constant 1.562500e-02 : f32
      %mul3A_1275 = vector.broadcast %mul3A_1274 : f32 to vector<16xf32>
      %mul3A_1276 = arith.mulf %add3A_1273, %mul3A_1275 : vector<16xf32>
      %sub3A_1277 = arith.constant 1.000000e+00 : f32
      %sub3A_1278 = vector.broadcast %sub3A_1277 : f32 to vector<16xf32>
      %sub3A_1279 = arith.subf %mul3A_1276, %sub3A_1278 : vector<16xf32>
      %sub3A_1280 = arith.subf %sub3A_1279, %get3A_184 : vector<16xf32>
      %convert_element_type3A_1281 = arith.sitofp %min3A_1260 : vector<16xi32> to vector<16xf32>
      %add3A_1282 = arith.constant 5.000000e-01 : f32
      %add3A_1283 = vector.broadcast %add3A_1282 : f32 to vector<16xf32>
      %add3A_1284 = arith.addf %convert_element_type3A_1281, %add3A_1283 : vector<16xf32>
      %mul3A_1285 = arith.constant 1.562500e-02 : f32
      %mul3A_1286 = vector.broadcast %mul3A_1285 : f32 to vector<16xf32>
      %mul3A_1287 = arith.mulf %add3A_1284, %mul3A_1286 : vector<16xf32>
      %sub3A_1288 = arith.constant 1.000000e+00 : f32
      %sub3A_1289 = vector.broadcast %sub3A_1288 : f32 to vector<16xf32>
      %sub3A_1290 = arith.subf %mul3A_1287, %sub3A_1289 : vector<16xf32>
      %sub3A_1291 = arith.subf %sub3A_1290, %get3A_186 : vector<16xf32>
      %convert_element_type3A_1292 = arith.sitofp %min3A_1269 : vector<16xi32> to vector<16xf32>
      %add3A_1293 = arith.constant 5.000000e-01 : f32
      %add3A_1294 = vector.broadcast %add3A_1293 : f32 to vector<16xf32>
      %add3A_1295 = arith.addf %convert_element_type3A_1292, %add3A_1294 : vector<16xf32>
      %mul3A_1296 = arith.constant 1.562500e-02 : f32
      %mul3A_1297 = vector.broadcast %mul3A_1296 : f32 to vector<16xf32>
      %mul3A_1298 = arith.mulf %add3A_1295, %mul3A_1297 : vector<16xf32>
      %sub3A_1299 = arith.constant 1.000000e+00 : f32
      %sub3A_1300 = vector.broadcast %sub3A_1299 : f32 to vector<16xf32>
      %sub3A_1301 = arith.subf %mul3A_1298, %sub3A_1300 : vector<16xf32>
      %sub3A_1302 = arith.subf %sub3A_1301, %get3A_188 : vector<16xf32>
      %mul3A_1303 = arith.mulf %sub3A_1280, %sub3A_1280 : vector<16xf32>
      %mul3A_1304 = arith.mulf %sub3A_1291, %sub3A_1291 : vector<16xf32>
      %add3A_1305 = arith.addf %mul3A_1303, %mul3A_1304 : vector<16xf32>
      %mul3A_1306 = arith.mulf %sub3A_1302, %sub3A_1302 : vector<16xf32>
      %add3A_1307 = arith.addf %add3A_1305, %mul3A_1306 : vector<16xf32>
      %mul3A_1308 = arith.constant -4.000000e+02 : f32
      %mul3A_1309 = vector.broadcast %mul3A_1308 : f32 to vector<16xf32>
      %mul3A_1310 = arith.mulf %add3A_1307, %mul3A_1309 : vector<16xf32>
      %exp3A_1311 = math.exp %mul3A_1310 : vector<16xf32>
      %mul3A_1312 = arith.constant 128 : i32
      %mul3A_1313 = vector.broadcast %mul3A_1312 : i32 to vector<16xi32>
      %mul3A_1314 = arith.muli %min3A_1251, %mul3A_1313 : vector<16xi32>
      %add3A_1315 = arith.addi %mul3A_1314, %min3A_1260 : vector<16xi32>
      %mul3A_1316 = arith.constant 128 : i32
      %mul3A_1317 = vector.broadcast %mul3A_1316 : i32 to vector<16xi32>
      %mul3A_1318 = arith.muli %add3A_1315, %mul3A_1317 : vector<16xi32>
      %add3A_1319 = arith.addi %mul3A_1318, %min3A_1269 : vector<16xi32>
      %shift_right_logical3A_1320 = arith.constant 1 : i32
      %shift_right_logical3A_1321 = vector.broadcast %shift_right_logical3A_1320 : i32 to vector<16xi32>
      %shift_right_logical3A_1322 = arith.shrui %add3A_1319, %shift_right_logical3A_1321 : vector<16xi32>
      %mul3A_1323 = arith.constant 432 : i32
      %mul3A_1324 = arith.muli %scan3A_180, %mul3A_1323 : i32
      %add3A_1325 = arith.constant 128 : i32
      %add3A_1326 = arith.addi %mul3A_1324, %add3A_1325 : i32
      %swap3A_1327 = arith.index_cast %add3A_1326 : i32 to index
      %swap3A_1328 = tpu.vector_load %arg16[%swap3A_1327] {strides = array<i32>} : memref<12288xi32, #tpu.memory_space<vmem>>, vector<16xi32>,
      tpu.vector_store %arg16[%swap3A_1327], %shift_right_logical3A_1322 {strides = array<i32>} : memref<12288xi32, #tpu.memory_space<vmem>>, vector<16xi32>,
      %add3A_1329 = arith.constant 128 : i32
      %add3A_1330 = vector.broadcast %add3A_1329 : i32 to vector<16xi32>
      %add3A_1331 = arith.addi %add3A_1330, %iota3A : vector<16xi32>
      %and3A_1332 = arith.constant 1 : i32
      %and3A_1333 = vector.broadcast %and3A_1332 : i32 to vector<16xi32>
      %and3A_1334 = arith.andi %add3A_1319, %and3A_1333 : vector<16xi32>
      %mul3A_1335 = arith.constant 4 : i32
      %mul3A_1336 = vector.broadcast %mul3A_1335 : i32 to vector<16xi32>
      %mul3A_1337 = arith.muli %and3A_1334, %mul3A_1336 : vector<16xi32>
      %sub3A_1338 = arith.constant 4 : i32
      %sub3A_1339 = vector.broadcast %sub3A_1338 : i32 to vector<16xi32>
      %sub3A_1340 = arith.subi %sub3A_1339, %mul3A_1337 : vector<16xi32>
      %mul3A_1341 = arith.mulf %exp3A_1311, %get3A_190 : vector<16xf32>
      %mul3A_1342 = arith.mulf %exp3A_1311, %get3A_192 : vector<16xf32>
      %mul3A_1343 = arith.mulf %exp3A_1311, %get3A_194 : vector<16xf32>
      %add3A_1344 = arith.constant 0 : i32
      %add3A_1345 = vector.broadcast %add3A_1344 : i32 to vector<16xi32>
      %add3A_1346 = arith.addi %mul3A_1337, %add3A_1345 : vector<16xi32>
      tpu.vector_store_idx %arg17[%add3A_1331, %add3A_1346], %mul3A_1341 : memref<432x8xf32, #tpu.memory_space<vmem>>[vector<16xi32>, vector<16xi32>], vector<16xf32>,
      %add3A_1347 = arith.constant 0 : i32
      %add3A_1348 = vector.broadcast %add3A_1347 : i32 to vector<16xi32>
      %add3A_1349 = arith.addi %sub3A_1340, %add3A_1348 : vector<16xi32>
      tpu.vector_store_idx %arg17[%add3A_1331, %add3A_1349], %broadcast_in_dim3A_245 : memref<432x8xf32, #tpu.memory_space<vmem>>[vector<16xi32>, vector<16xi32>], vector<16xf32>,
      %add3A_1350 = arith.constant 1 : i32
      %add3A_1351 = vector.broadcast %add3A_1350 : i32 to vector<16xi32>
      %add3A_1352 = arith.addi %mul3A_1337, %add3A_1351 : vector<16xi32>
      tpu.vector_store_idx %arg17[%add3A_1331, %add3A_1352], %mul3A_1342 : memref<432x8xf32, #tpu.memory_space<vmem>>[vector<16xi32>, vector<16xi32>], vector<16xf32>,
      %add3A_1353 = arith.constant 1 : i32
      %add3A_1354 = vector.broadcast %add3A_1353 : i32 to vector<16xi32>
      %add3A_1355 = arith.addi %sub3A_1340, %add3A_1354 : vector<16xi32>
      tpu.vector_store_idx %arg17[%add3A_1331, %add3A_1355], %broadcast_in_dim3A_245 : memref<432x8xf32, #tpu.memory_space<vmem>>[vector<16xi32>, vector<16xi32>], vector<16xf32>,
      %add3A_1356 = arith.constant 2 : i32
      %add3A_1357 = vector.broadcast %add3A_1356 : i32 to vector<16xi32>
      %add3A_1358 = arith.addi %mul3A_1337, %add3A_1357 : vector<16xi32>
      tpu.vector_store_idx %arg17[%add3A_1331, %add3A_1358], %mul3A_1343 : memref<432x8xf32, #tpu.memory_space<vmem>>[vector<16xi32>, vector<16xi32>], vector<16xf32>,
      %add3A_1359 = arith.constant 2 : i32
      %add3A_1360 = vector.broadcast %add3A_1359 : i32 to vector<16xi32>
      %add3A_1361 = arith.addi %sub3A_1340, %add3A_1360 : vector<16xi32>
      tpu.vector_store_idx %arg17[%add3A_1331, %add3A_1361], %broadcast_in_dim3A_245 : memref<432x8xf32, #tpu.memory_space<vmem>>[vector<16xi32>, vector<16xi32>], vector<16xf32>,
      %add3A_1362 = arith.constant 3 : i32
      %add3A_1363 = vector.broadcast %add3A_1362 : i32 to vector<16xi32>
      %add3A_1364 = arith.addi %mul3A_1337, %add3A_1363 : vector<16xi32>
      tpu.vector_store_idx %arg17[%add3A_1331, %add3A_1364], %exp3A_1311 : memref<432x8xf32, #tpu.memory_space<vmem>>[vector<16xi32>, vector<16xi32>], vector<16xf32>,
      %add3A_1365 = arith.constant 3 : i32
      %add3A_1366 = vector.broadcast %add3A_1365 : i32 to vector<16xi32>
      %add3A_1367 = arith.addi %sub3A_1340, %add3A_1366 : vector<16xi32>
      tpu.vector_store_idx %arg17[%add3A_1331, %add3A_1367], %broadcast_in_dim3A_245 : memref<432x8xf32, #tpu.memory_space<vmem>>[vector<16xi32>, vector<16xi32>], vector<16xf32>,
      %add3A_1368 = arith.constant 0 : i32
      %add3A_1369 = vector.broadcast %add3A_1368 : i32 to vector<16xi32>
      %add3A_1370 = arith.addi %sub3A, %add3A_1369 : vector<16xi32>
      %jit3A_1371 = arith.constant 0 : i32
      %jit3A_1372 = arith.constant 127 : i32
      %max3A_1373 = vector.broadcast %jit3A_1371 : i32 to vector<16xi32>
      %max3A_1374 = arith.maxsi %max3A_1373, %add3A_1370 : vector<16xi32>
      %min3A_1375 = vector.broadcast %jit3A_1372 : i32 to vector<16xi32>
      %min3A_1376 = arith.minsi %min3A_1375, %max3A_1374 : vector<16xi32>
      %add3A_1377 = arith.constant -1 : i32
      %add3A_1378 = vector.broadcast %add3A_1377 : i32 to vector<16xi32>
      %add3A_1379 = arith.addi %sub3A_225, %add3A_1378 : vector<16xi32>
      %jit3A_1380 = arith.constant 0 : i32
      %jit3A_1381 = arith.constant 127 : i32
      %max3A_1382 = vector.broadcast %jit3A_1380 : i32 to vector<16xi32>
      %max3A_1383 = arith.maxsi %max3A_1382, %add3A_1379 : vector<16xi32>
      %min3A_1384 = vector.broadcast %jit3A_1381 : i32 to vector<16xi32>
      %min3A_1385 = arith.minsi %min3A_1384, %max3A_1383 : vector<16xi32>
      %add3A_1386 = arith.constant -1 : i32
      %add3A_1387 = vector.broadcast %add3A_1386 : i32 to vector<16xi32>
      %add3A_1388 = arith.addi %sub3A_243, %add3A_1387 : vector<16xi32>
      %jit3A_1389 = arith.constant 0 : i32
      %jit3A_1390 = arith.constant 127 : i32
      %max3A_1391 = vector.broadcast %jit3A_1389 : i32 to vector<16xi32>
      %max3A_1392 = arith.maxsi %max3A_1391, %add3A_1388 : vector<16xi32>
      %min3A_1393 = vector.broadcast %jit3A_1390 : i32 to vector<16xi32>
      %min3A_1394 = arith.minsi %min3A_1393, %max3A_1392 : vector<16xi32>
      %convert_element_type3A_1395 = arith.sitofp %min3A_1376 : vector<16xi32> to vector<16xf32>
      %add3A_1396 = arith.constant 5.000000e-01 : f32
      %add3A_1397 = vector.broadcast %add3A_1396 : f32 to vector<16xf32>
      %add3A_1398 = arith.addf %convert_element_type3A_1395, %add3A_1397 : vector<16xf32>
      %mul3A_1399 = arith.constant 1.562500e-02 : f32
      %mul3A_1400 = vector.broadcast %mul3A_1399 : f32 to vector<16xf32>
      %mul3A_1401 = arith.mulf %add3A_1398, %mul3A_1400 : vector<16xf32>
      %sub3A_1402 = arith.constant 1.000000e+00 : f32
      %sub3A_1403 = vector.broadcast %sub3A_1402 : f32 to vector<16xf32>
      %sub3A_1404 = arith.subf %mul3A_1401, %sub3A_1403 : vector<16xf32>
      %sub3A_1405 = arith.subf %sub3A_1404, %get3A_184 : vector<16xf32>
      %convert_element_type3A_1406 = arith.sitofp %min3A_1385 : vector<16xi32> to vector<16xf32>
      %add3A_1407 = arith.constant 5.000000e-01 : f32
      %add3A_1408 = vector.broadcast %add3A_1407 : f32 to vector<16xf32>
      %add3A_1409 = arith.addf %convert_element_type3A_1406, %add3A_1408 : vector<16xf32>
      %mul3A_1410 = arith.constant 1.562500e-02 : f32
      %mul3A_1411 = vector.broadcast %mul3A_1410 : f32 to vector<16xf32>
      %mul3A_1412 = arith.mulf %add3A_1409, %mul3A_1411 : vector<16xf32>
      %sub3A_1413 = arith.constant 1.000000e+00 : f32
      %sub3A_1414 = vector.broadcast %sub3A_1413 : f32 to vector<16xf32>
      %sub3A_1415 = arith.subf %mul3A_1412, %sub3A_1414 : vector<16xf32>
      %sub3A_1416 = arith.subf %sub3A_1415, %get3A_186 : vector<16xf32>
      %convert_element_type3A_1417 = arith.sitofp %min3A_1394 : vector<16xi32> to vector<16xf32>
      %add3A_1418 = arith.constant 5.000000e-01 : f32
      %add3A_1419 = vector.broadcast %add3A_1418 : f32 to vector<16xf32>
      %add3A_1420 = arith.addf %convert_element_type3A_1417, %add3A_1419 : vector<16xf32>
      %mul3A_1421 = arith.constant 1.562500e-02 : f32
      %mul3A_1422 = vector.broadcast %mul3A_1421 : f32 to vector<16xf32>
      %mul3A_1423 = arith.mulf %add3A_1420, %mul3A_1422 : vector<16xf32>
      %sub3A_1424 = arith.constant 1.000000e+00 : f32
      %sub3A_1425 = vector.broadcast %sub3A_1424 : f32 to vector<16xf32>
      %sub3A_1426 = arith.subf %mul3A_1423, %sub3A_1425 : vector<16xf32>
      %sub3A_1427 = arith.subf %sub3A_1426, %get3A_188 : vector<16xf32>
      %mul3A_1428 = arith.mulf %sub3A_1405, %sub3A_1405 : vector<16xf32>
      %mul3A_1429 = arith.mulf %sub3A_1416, %sub3A_1416 : vector<16xf32>
      %add3A_1430 = arith.addf %mul3A_1428, %mul3A_1429 : vector<16xf32>
      %mul3A_1431 = arith.mulf %sub3A_1427, %sub3A_1427 : vector<16xf32>
      %add3A_1432 = arith.addf %add3A_1430, %mul3A_1431 : vector<16xf32>
      %mul3A_1433 = arith.constant -4.000000e+02 : f32
      %mul3A_1434 = vector.broadcast %mul3A_1433 : f32 to vector<16xf32>
      %mul3A_1435 = arith.mulf %add3A_1432, %mul3A_1434 : vector<16xf32>
      %exp3A_1436 = math.exp %mul3A_1435 : vector<16xf32>
      %mul3A_1437 = arith.constant 128 : i32
      %mul3A_1438 = vector.broadcast %mul3A_1437 : i32 to vector<16xi32>
      %mul3A_1439 = arith.muli %min3A_1376, %mul3A_1438 : vector<16xi32>
      %add3A_1440 = arith.addi %mul3A_1439, %min3A_1385 : vector<16xi32>
      %mul3A_1441 = arith.constant 128 : i32
      %mul3A_1442 = vector.broadcast %mul3A_1441 : i32 to vector<16xi32>
      %mul3A_1443 = arith.muli %add3A_1440, %mul3A_1442 : vector<16xi32>
      %add3A_1444 = arith.addi %mul3A_1443, %min3A_1394 : vector<16xi32>
      %shift_right_logical3A_1445 = arith.constant 1 : i32
      %shift_right_logical3A_1446 = vector.broadcast %shift_right_logical3A_1445 : i32 to vector<16xi32>
      %shift_right_logical3A_1447 = arith.shrui %add3A_1444, %shift_right_logical3A_1446 : vector<16xi32>
      %mul3A_1448 = arith.constant 432 : i32
      %mul3A_1449 = arith.muli %scan3A_180, %mul3A_1448 : i32
      %add3A_1450 = arith.constant 144 : i32
      %add3A_1451 = arith.addi %mul3A_1449, %add3A_1450 : i32
      %swap3A_1452 = arith.index_cast %add3A_1451 : i32 to index
      %swap3A_1453 = tpu.vector_load %arg16[%swap3A_1452] {strides = array<i32>} : memref<12288xi32, #tpu.memory_space<vmem>>, vector<16xi32>,
      tpu.vector_store %arg16[%swap3A_1452], %shift_right_logical3A_1447 {strides = array<i32>} : memref<12288xi32, #tpu.memory_space<vmem>>, vector<16xi32>,
      %add3A_1454 = arith.constant 144 : i32
      %add3A_1455 = vector.broadcast %add3A_1454 : i32 to vector<16xi32>
      %add3A_1456 = arith.addi %add3A_1455, %iota3A : vector<16xi32>
      %and3A_1457 = arith.constant 1 : i32
      %and3A_1458 = vector.broadcast %and3A_1457 : i32 to vector<16xi32>
      %and3A_1459 = arith.andi %add3A_1444, %and3A_1458 : vector<16xi32>
      %mul3A_1460 = arith.constant 4 : i32
      %mul3A_1461 = vector.broadcast %mul3A_1460 : i32 to vector<16xi32>
      %mul3A_1462 = arith.muli %and3A_1459, %mul3A_1461 : vector<16xi32>
      %sub3A_1463 = arith.constant 4 : i32
      %sub3A_1464 = vector.broadcast %sub3A_1463 : i32 to vector<16xi32>
      %sub3A_1465 = arith.subi %sub3A_1464, %mul3A_1462 : vector<16xi32>
      %mul3A_1466 = arith.mulf %exp3A_1436, %get3A_190 : vector<16xf32>
      %mul3A_1467 = arith.mulf %exp3A_1436, %get3A_192 : vector<16xf32>
      %mul3A_1468 = arith.mulf %exp3A_1436, %get3A_194 : vector<16xf32>
      %add3A_1469 = arith.constant 0 : i32
      %add3A_1470 = vector.broadcast %add3A_1469 : i32 to vector<16xi32>
      %add3A_1471 = arith.addi %mul3A_1462, %add3A_1470 : vector<16xi32>
      tpu.vector_store_idx %arg17[%add3A_1456, %add3A_1471], %mul3A_1466 : memref<432x8xf32, #tpu.memory_space<vmem>>[vector<16xi32>, vector<16xi32>], vector<16xf32>,
      %add3A_1472 = arith.constant 0 : i32
      %add3A_1473 = vector.broadcast %add3A_1472 : i32 to vector<16xi32>
      %add3A_1474 = arith.addi %sub3A_1465, %add3A_1473 : vector<16xi32>
      tpu.vector_store_idx %arg17[%add3A_1456, %add3A_1474], %broadcast_in_dim3A_245 : memref<432x8xf32, #tpu.memory_space<vmem>>[vector<16xi32>, vector<16xi32>], vector<16xf32>,
      %add3A_1475 = arith.constant 1 : i32
      %add3A_1476 = vector.broadcast %add3A_1475 : i32 to vector<16xi32>
      %add3A_1477 = arith.addi %mul3A_1462, %add3A_1476 : vector<16xi32>
      tpu.vector_store_idx %arg17[%add3A_1456, %add3A_1477], %mul3A_1467 : memref<432x8xf32, #tpu.memory_space<vmem>>[vector<16xi32>, vector<16xi32>], vector<16xf32>,
      %add3A_1478 = arith.constant 1 : i32
      %add3A_1479 = vector.broadcast %add3A_1478 : i32 to vector<16xi32>
      %add3A_1480 = arith.addi %sub3A_1465, %add3A_1479 : vector<16xi32>
      tpu.vector_store_idx %arg17[%add3A_1456, %add3A_1480], %broadcast_in_dim3A_245 : memref<432x8xf32, #tpu.memory_space<vmem>>[vector<16xi32>, vector<16xi32>], vector<16xf32>,
      %add3A_1481 = arith.constant 2 : i32
      %add3A_1482 = vector.broadcast %add3A_1481 : i32 to vector<16xi32>
      %add3A_1483 = arith.addi %mul3A_1462, %add3A_1482 : vector<16xi32>
      tpu.vector_store_idx %arg17[%add3A_1456, %add3A_1483], %mul3A_1468 : memref<432x8xf32, #tpu.memory_space<vmem>>[vector<16xi32>, vector<16xi32>], vector<16xf32>,
      %add3A_1484 = arith.constant 2 : i32
      %add3A_1485 = vector.broadcast %add3A_1484 : i32 to vector<16xi32>
      %add3A_1486 = arith.addi %sub3A_1465, %add3A_1485 : vector<16xi32>
      tpu.vector_store_idx %arg17[%add3A_1456, %add3A_1486], %broadcast_in_dim3A_245 : memref<432x8xf32, #tpu.memory_space<vmem>>[vector<16xi32>, vector<16xi32>], vector<16xf32>,
      %add3A_1487 = arith.constant 3 : i32
      %add3A_1488 = vector.broadcast %add3A_1487 : i32 to vector<16xi32>
      %add3A_1489 = arith.addi %mul3A_1462, %add3A_1488 : vector<16xi32>
      tpu.vector_store_idx %arg17[%add3A_1456, %add3A_1489], %exp3A_1436 : memref<432x8xf32, #tpu.memory_space<vmem>>[vector<16xi32>, vector<16xi32>], vector<16xf32>,
      %add3A_1490 = arith.constant 3 : i32
      %add3A_1491 = vector.broadcast %add3A_1490 : i32 to vector<16xi32>
      %add3A_1492 = arith.addi %sub3A_1465, %add3A_1491 : vector<16xi32>
      tpu.vector_store_idx %arg17[%add3A_1456, %add3A_1492], %broadcast_in_dim3A_245 : memref<432x8xf32, #tpu.memory_space<vmem>>[vector<16xi32>, vector<16xi32>], vector<16xf32>,
      %add3A_1493 = arith.constant 0 : i32
      %add3A_1494 = vector.broadcast %add3A_1493 : i32 to vector<16xi32>
      %add3A_1495 = arith.addi %sub3A, %add3A_1494 : vector<16xi32>
      %jit3A_1496 = arith.constant 0 : i32
      %jit3A_1497 = arith.constant 127 : i32
      %max3A_1498 = vector.broadcast %jit3A_1496 : i32 to vector<16xi32>
      %max3A_1499 = arith.maxsi %max3A_1498, %add3A_1495 : vector<16xi32>
      %min3A_1500 = vector.broadcast %jit3A_1497 : i32 to vector<16xi32>
      %min3A_1501 = arith.minsi %min3A_1500, %max3A_1499 : vector<16xi32>
      %add3A_1502 = arith.constant -1 : i32
      %add3A_1503 = vector.broadcast %add3A_1502 : i32 to vector<16xi32>
      %add3A_1504 = arith.addi %sub3A_225, %add3A_1503 : vector<16xi32>
      %jit3A_1505 = arith.constant 0 : i32
      %jit3A_1506 = arith.constant 127 : i32
      %max3A_1507 = vector.broadcast %jit3A_1505 : i32 to vector<16xi32>
      %max3A_1508 = arith.maxsi %max3A_1507, %add3A_1504 : vector<16xi32>
      %min3A_1509 = vector.broadcast %jit3A_1506 : i32 to vector<16xi32>
      %min3A_1510 = arith.minsi %min3A_1509, %max3A_1508 : vector<16xi32>
      %add3A_1511 = arith.constant 0 : i32
      %add3A_1512 = vector.broadcast %add3A_1511 : i32 to vector<16xi32>
      %add3A_1513 = arith.addi %sub3A_243, %add3A_1512 : vector<16xi32>
      %jit3A_1514 = arith.constant 0 : i32
      %jit3A_1515 = arith.constant 127 : i32
      %max3A_1516 = vector.broadcast %jit3A_1514 : i32 to vector<16xi32>
      %max3A_1517 = arith.maxsi %max3A_1516, %add3A_1513 : vector<16xi32>
      %min3A_1518 = vector.broadcast %jit3A_1515 : i32 to vector<16xi32>
      %min3A_1519 = arith.minsi %min3A_1518, %max3A_1517 : vector<16xi32>
      %convert_element_type3A_1520 = arith.sitofp %min3A_1501 : vector<16xi32> to vector<16xf32>
      %add3A_1521 = arith.constant 5.000000e-01 : f32
      %add3A_1522 = vector.broadcast %add3A_1521 : f32 to vector<16xf32>
      %add3A_1523 = arith.addf %convert_element_type3A_1520, %add3A_1522 : vector<16xf32>
      %mul3A_1524 = arith.constant 1.562500e-02 : f32
      %mul3A_1525 = vector.broadcast %mul3A_1524 : f32 to vector<16xf32>
      %mul3A_1526 = arith.mulf %add3A_1523, %mul3A_1525 : vector<16xf32>
      %sub3A_1527 = arith.constant 1.000000e+00 : f32
      %sub3A_1528 = vector.broadcast %sub3A_1527 : f32 to vector<16xf32>
      %sub3A_1529 = arith.subf %mul3A_1526, %sub3A_1528 : vector<16xf32>
      %sub3A_1530 = arith.subf %sub3A_1529, %get3A_184 : vector<16xf32>
      %convert_element_type3A_1531 = arith.sitofp %min3A_1510 : vector<16xi32> to vector<16xf32>
      %add3A_1532 = arith.constant 5.000000e-01 : f32
      %add3A_1533 = vector.broadcast %add3A_1532 : f32 to vector<16xf32>
      %add3A_1534 = arith.addf %convert_element_type3A_1531, %add3A_1533 : vector<16xf32>
      %mul3A_1535 = arith.constant 1.562500e-02 : f32
      %mul3A_1536 = vector.broadcast %mul3A_1535 : f32 to vector<16xf32>
      %mul3A_1537 = arith.mulf %add3A_1534, %mul3A_1536 : vector<16xf32>
      %sub3A_1538 = arith.constant 1.000000e+00 : f32
      %sub3A_1539 = vector.broadcast %sub3A_1538 : f32 to vector<16xf32>
      %sub3A_1540 = arith.subf %mul3A_1537, %sub3A_1539 : vector<16xf32>
      %sub3A_1541 = arith.subf %sub3A_1540, %get3A_186 : vector<16xf32>
      %convert_element_type3A_1542 = arith.sitofp %min3A_1519 : vector<16xi32> to vector<16xf32>
      %add3A_1543 = arith.constant 5.000000e-01 : f32
      %add3A_1544 = vector.broadcast %add3A_1543 : f32 to vector<16xf32>
      %add3A_1545 = arith.addf %convert_element_type3A_1542, %add3A_1544 : vector<16xf32>
      %mul3A_1546 = arith.constant 1.562500e-02 : f32
      %mul3A_1547 = vector.broadcast %mul3A_1546 : f32 to vector<16xf32>
      %mul3A_1548 = arith.mulf %add3A_1545, %mul3A_1547 : vector<16xf32>
      %sub3A_1549 = arith.constant 1.000000e+00 : f32
      %sub3A_1550 = vector.broadcast %sub3A_1549 : f32 to vector<16xf32>
      %sub3A_1551 = arith.subf %mul3A_1548, %sub3A_1550 : vector<16xf32>
      %sub3A_1552 = arith.subf %sub3A_1551, %get3A_188 : vector<16xf32>
      %mul3A_1553 = arith.mulf %sub3A_1530, %sub3A_1530 : vector<16xf32>
      %mul3A_1554 = arith.mulf %sub3A_1541, %sub3A_1541 : vector<16xf32>
      %add3A_1555 = arith.addf %mul3A_1553, %mul3A_1554 : vector<16xf32>
      %mul3A_1556 = arith.mulf %sub3A_1552, %sub3A_1552 : vector<16xf32>
      %add3A_1557 = arith.addf %add3A_1555, %mul3A_1556 : vector<16xf32>
      %mul3A_1558 = arith.constant -4.000000e+02 : f32
      %mul3A_1559 = vector.broadcast %mul3A_1558 : f32 to vector<16xf32>
      %mul3A_1560 = arith.mulf %add3A_1557, %mul3A_1559 : vector<16xf32>
      %exp3A_1561 = math.exp %mul3A_1560 : vector<16xf32>
      %mul3A_1562 = arith.constant 128 : i32
      %mul3A_1563 = vector.broadcast %mul3A_1562 : i32 to vector<16xi32>
      %mul3A_1564 = arith.muli %min3A_1501, %mul3A_1563 : vector<16xi32>
      %add3A_1565 = arith.addi %mul3A_1564, %min3A_1510 : vector<16xi32>
      %mul3A_1566 = arith.constant 128 : i32
      %mul3A_1567 = vector.broadcast %mul3A_1566 : i32 to vector<16xi32>
      %mul3A_1568 = arith.muli %add3A_1565, %mul3A_1567 : vector<16xi32>
      %add3A_1569 = arith.addi %mul3A_1568, %min3A_1519 : vector<16xi32>
      %shift_right_logical3A_1570 = arith.constant 1 : i32
      %shift_right_logical3A_1571 = vector.broadcast %shift_right_logical3A_1570 : i32 to vector<16xi32>
      %shift_right_logical3A_1572 = arith.shrui %add3A_1569, %shift_right_logical3A_1571 : vector<16xi32>
      %mul3A_1573 = arith.constant 432 : i32
      %mul3A_1574 = arith.muli %scan3A_180, %mul3A_1573 : i32
      %add3A_1575 = arith.constant 160 : i32
      %add3A_1576 = arith.addi %mul3A_1574, %add3A_1575 : i32
      %swap3A_1577 = arith.index_cast %add3A_1576 : i32 to index
      %swap3A_1578 = tpu.vector_load %arg16[%swap3A_1577] {strides = array<i32>} : memref<12288xi32, #tpu.memory_space<vmem>>, vector<16xi32>,
      tpu.vector_store %arg16[%swap3A_1577], %shift_right_logical3A_1572 {strides = array<i32>} : memref<12288xi32, #tpu.memory_space<vmem>>, vector<16xi32>,
      %add3A_1579 = arith.constant 160 : i32
      %add3A_1580 = vector.broadcast %add3A_1579 : i32 to vector<16xi32>
      %add3A_1581 = arith.addi %add3A_1580, %iota3A : vector<16xi32>
      %and3A_1582 = arith.constant 1 : i32
      %and3A_1583 = vector.broadcast %and3A_1582 : i32 to vector<16xi32>
      %and3A_1584 = arith.andi %add3A_1569, %and3A_1583 : vector<16xi32>
      %mul3A_1585 = arith.constant 4 : i32
      %mul3A_1586 = vector.broadcast %mul3A_1585 : i32 to vector<16xi32>
      %mul3A_1587 = arith.muli %and3A_1584, %mul3A_1586 : vector<16xi32>
      %sub3A_1588 = arith.constant 4 : i32
      %sub3A_1589 = vector.broadcast %sub3A_1588 : i32 to vector<16xi32>
      %sub3A_1590 = arith.subi %sub3A_1589, %mul3A_1587 : vector<16xi32>
      %mul3A_1591 = arith.mulf %exp3A_1561, %get3A_190 : vector<16xf32>
      %mul3A_1592 = arith.mulf %exp3A_1561, %get3A_192 : vector<16xf32>
      %mul3A_1593 = arith.mulf %exp3A_1561, %get3A_194 : vector<16xf32>
      %add3A_1594 = arith.constant 0 : i32
      %add3A_1595 = vector.broadcast %add3A_1594 : i32 to vector<16xi32>
      %add3A_1596 = arith.addi %mul3A_1587, %add3A_1595 : vector<16xi32>
      tpu.vector_store_idx %arg17[%add3A_1581, %add3A_1596], %mul3A_1591 : memref<432x8xf32, #tpu.memory_space<vmem>>[vector<16xi32>, vector<16xi32>], vector<16xf32>,
      %add3A_1597 = arith.constant 0 : i32
      %add3A_1598 = vector.broadcast %add3A_1597 : i32 to vector<16xi32>
      %add3A_1599 = arith.addi %sub3A_1590, %add3A_1598 : vector<16xi32>
      tpu.vector_store_idx %arg17[%add3A_1581, %add3A_1599], %broadcast_in_dim3A_245 : memref<432x8xf32, #tpu.memory_space<vmem>>[vector<16xi32>, vector<16xi32>], vector<16xf32>,
      %add3A_1600 = arith.constant 1 : i32
      %add3A_1601 = vector.broadcast %add3A_1600 : i32 to vector<16xi32>
      %add3A_1602 = arith.addi %mul3A_1587, %add3A_1601 : vector<16xi32>
      tpu.vector_store_idx %arg17[%add3A_1581, %add3A_1602], %mul3A_1592 : memref<432x8xf32, #tpu.memory_space<vmem>>[vector<16xi32>, vector<16xi32>], vector<16xf32>,
      %add3A_1603 = arith.constant 1 : i32
      %add3A_1604 = vector.broadcast %add3A_1603 : i32 to vector<16xi32>
      %add3A_1605 = arith.addi %sub3A_1590, %add3A_1604 : vector<16xi32>
      tpu.vector_store_idx %arg17[%add3A_1581, %add3A_1605], %broadcast_in_dim3A_245 : memref<432x8xf32, #tpu.memory_space<vmem>>[vector<16xi32>, vector<16xi32>], vector<16xf32>,
      %add3A_1606 = arith.constant 2 : i32
      %add3A_1607 = vector.broadcast %add3A_1606 : i32 to vector<16xi32>
      %add3A_1608 = arith.addi %mul3A_1587, %add3A_1607 : vector<16xi32>
      tpu.vector_store_idx %arg17[%add3A_1581, %add3A_1608], %mul3A_1593 : memref<432x8xf32, #tpu.memory_space<vmem>>[vector<16xi32>, vector<16xi32>], vector<16xf32>,
      %add3A_1609 = arith.constant 2 : i32
      %add3A_1610 = vector.broadcast %add3A_1609 : i32 to vector<16xi32>
      %add3A_1611 = arith.addi %sub3A_1590, %add3A_1610 : vector<16xi32>
      tpu.vector_store_idx %arg17[%add3A_1581, %add3A_1611], %broadcast_in_dim3A_245 : memref<432x8xf32, #tpu.memory_space<vmem>>[vector<16xi32>, vector<16xi32>], vector<16xf32>,
      %add3A_1612 = arith.constant 3 : i32
      %add3A_1613 = vector.broadcast %add3A_1612 : i32 to vector<16xi32>
      %add3A_1614 = arith.addi %mul3A_1587, %add3A_1613 : vector<16xi32>
      tpu.vector_store_idx %arg17[%add3A_1581, %add3A_1614], %exp3A_1561 : memref<432x8xf32, #tpu.memory_space<vmem>>[vector<16xi32>, vector<16xi32>], vector<16xf32>,
      %add3A_1615 = arith.constant 3 : i32
      %add3A_1616 = vector.broadcast %add3A_1615 : i32 to vector<16xi32>
      %add3A_1617 = arith.addi %sub3A_1590, %add3A_1616 : vector<16xi32>
      tpu.vector_store_idx %arg17[%add3A_1581, %add3A_1617], %broadcast_in_dim3A_245 : memref<432x8xf32, #tpu.memory_space<vmem>>[vector<16xi32>, vector<16xi32>], vector<16xf32>,
      %add3A_1618 = arith.constant 0 : i32
      %add3A_1619 = vector.broadcast %add3A_1618 : i32 to vector<16xi32>
      %add3A_1620 = arith.addi %sub3A, %add3A_1619 : vector<16xi32>
      %jit3A_1621 = arith.constant 0 : i32
      %jit3A_1622 = arith.constant 127 : i32
      %max3A_1623 = vector.broadcast %jit3A_1621 : i32 to vector<16xi32>
      %max3A_1624 = arith.maxsi %max3A_1623, %add3A_1620 : vector<16xi32>
      %min3A_1625 = vector.broadcast %jit3A_1622 : i32 to vector<16xi32>
      %min3A_1626 = arith.minsi %min3A_1625, %max3A_1624 : vector<16xi32>
      %add3A_1627 = arith.constant -1 : i32
      %add3A_1628 = vector.broadcast %add3A_1627 : i32 to vector<16xi32>
      %add3A_1629 = arith.addi %sub3A_225, %add3A_1628 : vector<16xi32>
      %jit3A_1630 = arith.constant 0 : i32
      %jit3A_1631 = arith.constant 127 : i32
      %max3A_1632 = vector.broadcast %jit3A_1630 : i32 to vector<16xi32>
      %max3A_1633 = arith.maxsi %max3A_1632, %add3A_1629 : vector<16xi32>
      %min3A_1634 = vector.broadcast %jit3A_1631 : i32 to vector<16xi32>
      %min3A_1635 = arith.minsi %min3A_1634, %max3A_1633 : vector<16xi32>
      %add3A_1636 = arith.constant 1 : i32
      %add3A_1637 = vector.broadcast %add3A_1636 : i32 to vector<16xi32>
      %add3A_1638 = arith.addi %sub3A_243, %add3A_1637 : vector<16xi32>
      %jit3A_1639 = arith.constant 0 : i32
      %jit3A_1640 = arith.constant 127 : i32
      %max3A_1641 = vector.broadcast %jit3A_1639 : i32 to vector<16xi32>
      %max3A_1642 = arith.maxsi %max3A_1641, %add3A_1638 : vector<16xi32>
      %min3A_1643 = vector.broadcast %jit3A_1640 : i32 to vector<16xi32>
      %min3A_1644 = arith.minsi %min3A_1643, %max3A_1642 : vector<16xi32>
      %convert_element_type3A_1645 = arith.sitofp %min3A_1626 : vector<16xi32> to vector<16xf32>
      %add3A_1646 = arith.constant 5.000000e-01 : f32
      %add3A_1647 = vector.broadcast %add3A_1646 : f32 to vector<16xf32>
      %add3A_1648 = arith.addf %convert_element_type3A_1645, %add3A_1647 : vector<16xf32>
      %mul3A_1649 = arith.constant 1.562500e-02 : f32
      %mul3A_1650 = vector.broadcast %mul3A_1649 : f32 to vector<16xf32>
      %mul3A_1651 = arith.mulf %add3A_1648, %mul3A_1650 : vector<16xf32>
      %sub3A_1652 = arith.constant 1.000000e+00 : f32
      %sub3A_1653 = vector.broadcast %sub3A_1652 : f32 to vector<16xf32>
      %sub3A_1654 = arith.subf %mul3A_1651, %sub3A_1653 : vector<16xf32>
      %sub3A_1655 = arith.subf %sub3A_1654, %get3A_184 : vector<16xf32>
      %convert_element_type3A_1656 = arith.sitofp %min3A_1635 : vector<16xi32> to vector<16xf32>
      %add3A_1657 = arith.constant 5.000000e-01 : f32
      %add3A_1658 = vector.broadcast %add3A_1657 : f32 to vector<16xf32>
      %add3A_1659 = arith.addf %convert_element_type3A_1656, %add3A_1658 : vector<16xf32>
      %mul3A_1660 = arith.constant 1.562500e-02 : f32
      %mul3A_1661 = vector.broadcast %mul3A_1660 : f32 to vector<16xf32>
      %mul3A_1662 = arith.mulf %add3A_1659, %mul3A_1661 : vector<16xf32>
      %sub3A_1663 = arith.constant 1.000000e+00 : f32
      %sub3A_1664 = vector.broadcast %sub3A_1663 : f32 to vector<16xf32>
      %sub3A_1665 = arith.subf %mul3A_1662, %sub3A_1664 : vector<16xf32>
      %sub3A_1666 = arith.subf %sub3A_1665, %get3A_186 : vector<16xf32>
      %convert_element_type3A_1667 = arith.sitofp %min3A_1644 : vector<16xi32> to vector<16xf32>
      %add3A_1668 = arith.constant 5.000000e-01 : f32
      %add3A_1669 = vector.broadcast %add3A_1668 : f32 to vector<16xf32>
      %add3A_1670 = arith.addf %convert_element_type3A_1667, %add3A_1669 : vector<16xf32>
      %mul3A_1671 = arith.constant 1.562500e-02 : f32
      %mul3A_1672 = vector.broadcast %mul3A_1671 : f32 to vector<16xf32>
      %mul3A_1673 = arith.mulf %add3A_1670, %mul3A_1672 : vector<16xf32>
      %sub3A_1674 = arith.constant 1.000000e+00 : f32
      %sub3A_1675 = vector.broadcast %sub3A_1674 : f32 to vector<16xf32>
      %sub3A_1676 = arith.subf %mul3A_1673, %sub3A_1675 : vector<16xf32>
      %sub3A_1677 = arith.subf %sub3A_1676, %get3A_188 : vector<16xf32>
      %mul3A_1678 = arith.mulf %sub3A_1655, %sub3A_1655 : vector<16xf32>
      %mul3A_1679 = arith.mulf %sub3A_1666, %sub3A_1666 : vector<16xf32>
      %add3A_1680 = arith.addf %mul3A_1678, %mul3A_1679 : vector<16xf32>
      %mul3A_1681 = arith.mulf %sub3A_1677, %sub3A_1677 : vector<16xf32>
      %add3A_1682 = arith.addf %add3A_1680, %mul3A_1681 : vector<16xf32>
      %mul3A_1683 = arith.constant -4.000000e+02 : f32
      %mul3A_1684 = vector.broadcast %mul3A_1683 : f32 to vector<16xf32>
      %mul3A_1685 = arith.mulf %add3A_1682, %mul3A_1684 : vector<16xf32>
      %exp3A_1686 = math.exp %mul3A_1685 : vector<16xf32>
      %mul3A_1687 = arith.constant 128 : i32
      %mul3A_1688 = vector.broadcast %mul3A_1687 : i32 to vector<16xi32>
      %mul3A_1689 = arith.muli %min3A_1626, %mul3A_1688 : vector<16xi32>
      %add3A_1690 = arith.addi %mul3A_1689, %min3A_1635 : vector<16xi32>
      %mul3A_1691 = arith.constant 128 : i32
      %mul3A_1692 = vector.broadcast %mul3A_1691 : i32 to vector<16xi32>
      %mul3A_1693 = arith.muli %add3A_1690, %mul3A_1692 : vector<16xi32>
      %add3A_1694 = arith.addi %mul3A_1693, %min3A_1644 : vector<16xi32>
      %shift_right_logical3A_1695 = arith.constant 1 : i32
      %shift_right_logical3A_1696 = vector.broadcast %shift_right_logical3A_1695 : i32 to vector<16xi32>
      %shift_right_logical3A_1697 = arith.shrui %add3A_1694, %shift_right_logical3A_1696 : vector<16xi32>
      %mul3A_1698 = arith.constant 432 : i32
      %mul3A_1699 = arith.muli %scan3A_180, %mul3A_1698 : i32
      %add3A_1700 = arith.constant 176 : i32
      %add3A_1701 = arith.addi %mul3A_1699, %add3A_1700 : i32
      %swap3A_1702 = arith.index_cast %add3A_1701 : i32 to index
      %swap3A_1703 = tpu.vector_load %arg16[%swap3A_1702] {strides = array<i32>} : memref<12288xi32, #tpu.memory_space<vmem>>, vector<16xi32>,
      tpu.vector_store %arg16[%swap3A_1702], %shift_right_logical3A_1697 {strides = array<i32>} : memref<12288xi32, #tpu.memory_space<vmem>>, vector<16xi32>,
      %add3A_1704 = arith.constant 176 : i32
      %add3A_1705 = vector.broadcast %add3A_1704 : i32 to vector<16xi32>
      %add3A_1706 = arith.addi %add3A_1705, %iota3A : vector<16xi32>
      %and3A_1707 = arith.constant 1 : i32
      %and3A_1708 = vector.broadcast %and3A_1707 : i32 to vector<16xi32>
      %and3A_1709 = arith.andi %add3A_1694, %and3A_1708 : vector<16xi32>
      %mul3A_1710 = arith.constant 4 : i32
      %mul3A_1711 = vector.broadcast %mul3A_1710 : i32 to vector<16xi32>
      %mul3A_1712 = arith.muli %and3A_1709, %mul3A_1711 : vector<16xi32>
      %sub3A_1713 = arith.constant 4 : i32
      %sub3A_1714 = vector.broadcast %sub3A_1713 : i32 to vector<16xi32>
      %sub3A_1715 = arith.subi %sub3A_1714, %mul3A_1712 : vector<16xi32>
      %mul3A_1716 = arith.mulf %exp3A_1686, %get3A_190 : vector<16xf32>
      %mul3A_1717 = arith.mulf %exp3A_1686, %get3A_192 : vector<16xf32>
      %mul3A_1718 = arith.mulf %exp3A_1686, %get3A_194 : vector<16xf32>
      %add3A_1719 = arith.constant 0 : i32
      %add3A_1720 = vector.broadcast %add3A_1719 : i32 to vector<16xi32>
      %add3A_1721 = arith.addi %mul3A_1712, %add3A_1720 : vector<16xi32>
      tpu.vector_store_idx %arg17[%add3A_1706, %add3A_1721], %mul3A_1716 : memref<432x8xf32, #tpu.memory_space<vmem>>[vector<16xi32>, vector<16xi32>], vector<16xf32>,
      %add3A_1722 = arith.constant 0 : i32
      %add3A_1723 = vector.broadcast %add3A_1722 : i32 to vector<16xi32>
      %add3A_1724 = arith.addi %sub3A_1715, %add3A_1723 : vector<16xi32>
      tpu.vector_store_idx %arg17[%add3A_1706, %add3A_1724], %broadcast_in_dim3A_245 : memref<432x8xf32, #tpu.memory_space<vmem>>[vector<16xi32>, vector<16xi32>], vector<16xf32>,
      %add3A_1725 = arith.constant 1 : i32
      %add3A_1726 = vector.broadcast %add3A_1725 : i32 to vector<16xi32>
      %add3A_1727 = arith.addi %mul3A_1712, %add3A_1726 : vector<16xi32>
      tpu.vector_store_idx %arg17[%add3A_1706, %add3A_1727], %mul3A_1717 : memref<432x8xf32, #tpu.memory_space<vmem>>[vector<16xi32>, vector<16xi32>], vector<16xf32>,
      %add3A_1728 = arith.constant 1 : i32
      %add3A_1729 = vector.broadcast %add3A_1728 : i32 to vector<16xi32>
      %add3A_1730 = arith.addi %sub3A_1715, %add3A_1729 : vector<16xi32>
      tpu.vector_store_idx %arg17[%add3A_1706, %add3A_1730], %broadcast_in_dim3A_245 : memref<432x8xf32, #tpu.memory_space<vmem>>[vector<16xi32>, vector<16xi32>], vector<16xf32>,
      %add3A_1731 = arith.constant 2 : i32
      %add3A_1732 = vector.broadcast %add3A_1731 : i32 to vector<16xi32>
      %add3A_1733 = arith.addi %mul3A_1712, %add3A_1732 : vector<16xi32>
      tpu.vector_store_idx %arg17[%add3A_1706, %add3A_1733], %mul3A_1718 : memref<432x8xf32, #tpu.memory_space<vmem>>[vector<16xi32>, vector<16xi32>], vector<16xf32>,
      %add3A_1734 = arith.constant 2 : i32
      %add3A_1735 = vector.broadcast %add3A_1734 : i32 to vector<16xi32>
      %add3A_1736 = arith.addi %sub3A_1715, %add3A_1735 : vector<16xi32>
      tpu.vector_store_idx %arg17[%add3A_1706, %add3A_1736], %broadcast_in_dim3A_245 : memref<432x8xf32, #tpu.memory_space<vmem>>[vector<16xi32>, vector<16xi32>], vector<16xf32>,
      %add3A_1737 = arith.constant 3 : i32
      %add3A_1738 = vector.broadcast %add3A_1737 : i32 to vector<16xi32>
      %add3A_1739 = arith.addi %mul3A_1712, %add3A_1738 : vector<16xi32>
      tpu.vector_store_idx %arg17[%add3A_1706, %add3A_1739], %exp3A_1686 : memref<432x8xf32, #tpu.memory_space<vmem>>[vector<16xi32>, vector<16xi32>], vector<16xf32>,
      %add3A_1740 = arith.constant 3 : i32
      %add3A_1741 = vector.broadcast %add3A_1740 : i32 to vector<16xi32>
      %add3A_1742 = arith.addi %sub3A_1715, %add3A_1741 : vector<16xi32>
      tpu.vector_store_idx %arg17[%add3A_1706, %add3A_1742], %broadcast_in_dim3A_245 : memref<432x8xf32, #tpu.memory_space<vmem>>[vector<16xi32>, vector<16xi32>], vector<16xf32>,
      %add3A_1743 = arith.constant 0 : i32
      %add3A_1744 = vector.broadcast %add3A_1743 : i32 to vector<16xi32>
      %add3A_1745 = arith.addi %sub3A, %add3A_1744 : vector<16xi32>
      %jit3A_1746 = arith.constant 0 : i32
      %jit3A_1747 = arith.constant 127 : i32
      %max3A_1748 = vector.broadcast %jit3A_1746 : i32 to vector<16xi32>
      %max3A_1749 = arith.maxsi %max3A_1748, %add3A_1745 : vector<16xi32>
      %min3A_1750 = vector.broadcast %jit3A_1747 : i32 to vector<16xi32>
      %min3A_1751 = arith.minsi %min3A_1750, %max3A_1749 : vector<16xi32>
      %add3A_1752 = arith.constant 0 : i32
      %add3A_1753 = vector.broadcast %add3A_1752 : i32 to vector<16xi32>
      %add3A_1754 = arith.addi %sub3A_225, %add3A_1753 : vector<16xi32>
      %jit3A_1755 = arith.constant 0 : i32
      %jit3A_1756 = arith.constant 127 : i32
      %max3A_1757 = vector.broadcast %jit3A_1755 : i32 to vector<16xi32>
      %max3A_1758 = arith.maxsi %max3A_1757, %add3A_1754 : vector<16xi32>
      %min3A_1759 = vector.broadcast %jit3A_1756 : i32 to vector<16xi32>
      %min3A_1760 = arith.minsi %min3A_1759, %max3A_1758 : vector<16xi32>
      %add3A_1761 = arith.constant -1 : i32
      %add3A_1762 = vector.broadcast %add3A_1761 : i32 to vector<16xi32>
      %add3A_1763 = arith.addi %sub3A_243, %add3A_1762 : vector<16xi32>
      %jit3A_1764 = arith.constant 0 : i32
      %jit3A_1765 = arith.constant 127 : i32
      %max3A_1766 = vector.broadcast %jit3A_1764 : i32 to vector<16xi32>
      %max3A_1767 = arith.maxsi %max3A_1766, %add3A_1763 : vector<16xi32>
      %min3A_1768 = vector.broadcast %jit3A_1765 : i32 to vector<16xi32>
      %min3A_1769 = arith.minsi %min3A_1768, %max3A_1767 : vector<16xi32>
      %convert_element_type3A_1770 = arith.sitofp %min3A_1751 : vector<16xi32> to vector<16xf32>
      %add3A_1771 = arith.constant 5.000000e-01 : f32
      %add3A_1772 = vector.broadcast %add3A_1771 : f32 to vector<16xf32>
      %add3A_1773 = arith.addf %convert_element_type3A_1770, %add3A_1772 : vector<16xf32>
      %mul3A_1774 = arith.constant 1.562500e-02 : f32
      %mul3A_1775 = vector.broadcast %mul3A_1774 : f32 to vector<16xf32>
      %mul3A_1776 = arith.mulf %add3A_1773, %mul3A_1775 : vector<16xf32>
      %sub3A_1777 = arith.constant 1.000000e+00 : f32
      %sub3A_1778 = vector.broadcast %sub3A_1777 : f32 to vector<16xf32>
      %sub3A_1779 = arith.subf %mul3A_1776, %sub3A_1778 : vector<16xf32>
      %sub3A_1780 = arith.subf %sub3A_1779, %get3A_184 : vector<16xf32>
      %convert_element_type3A_1781 = arith.sitofp %min3A_1760 : vector<16xi32> to vector<16xf32>
      %add3A_1782 = arith.constant 5.000000e-01 : f32
      %add3A_1783 = vector.broadcast %add3A_1782 : f32 to vector<16xf32>
      %add3A_1784 = arith.addf %convert_element_type3A_1781, %add3A_1783 : vector<16xf32>
      %mul3A_1785 = arith.constant 1.562500e-02 : f32
      %mul3A_1786 = vector.broadcast %mul3A_1785 : f32 to vector<16xf32>
      %mul3A_1787 = arith.mulf %add3A_1784, %mul3A_1786 : vector<16xf32>
      %sub3A_1788 = arith.constant 1.000000e+00 : f32
      %sub3A_1789 = vector.broadcast %sub3A_1788 : f32 to vector<16xf32>
      %sub3A_1790 = arith.subf %mul3A_1787, %sub3A_1789 : vector<16xf32>
      %sub3A_1791 = arith.subf %sub3A_1790, %get3A_186 : vector<16xf32>
      %convert_element_type3A_1792 = arith.sitofp %min3A_1769 : vector<16xi32> to vector<16xf32>
      %add3A_1793 = arith.constant 5.000000e-01 : f32
      %add3A_1794 = vector.broadcast %add3A_1793 : f32 to vector<16xf32>
      %add3A_1795 = arith.addf %convert_element_type3A_1792, %add3A_1794 : vector<16xf32>
      %mul3A_1796 = arith.constant 1.562500e-02 : f32
      %mul3A_1797 = vector.broadcast %mul3A_1796 : f32 to vector<16xf32>
      %mul3A_1798 = arith.mulf %add3A_1795, %mul3A_1797 : vector<16xf32>
      %sub3A_1799 = arith.constant 1.000000e+00 : f32
      %sub3A_1800 = vector.broadcast %sub3A_1799 : f32 to vector<16xf32>
      %sub3A_1801 = arith.subf %mul3A_1798, %sub3A_1800 : vector<16xf32>
      %sub3A_1802 = arith.subf %sub3A_1801, %get3A_188 : vector<16xf32>
      %mul3A_1803 = arith.mulf %sub3A_1780, %sub3A_1780 : vector<16xf32>
      %mul3A_1804 = arith.mulf %sub3A_1791, %sub3A_1791 : vector<16xf32>
      %add3A_1805 = arith.addf %mul3A_1803, %mul3A_1804 : vector<16xf32>
      %mul3A_1806 = arith.mulf %sub3A_1802, %sub3A_1802 : vector<16xf32>
      %add3A_1807 = arith.addf %add3A_1805, %mul3A_1806 : vector<16xf32>
      %mul3A_1808 = arith.constant -4.000000e+02 : f32
      %mul3A_1809 = vector.broadcast %mul3A_1808 : f32 to vector<16xf32>
      %mul3A_1810 = arith.mulf %add3A_1807, %mul3A_1809 : vector<16xf32>
      %exp3A_1811 = math.exp %mul3A_1810 : vector<16xf32>
      %mul3A_1812 = arith.constant 128 : i32
      %mul3A_1813 = vector.broadcast %mul3A_1812 : i32 to vector<16xi32>
      %mul3A_1814 = arith.muli %min3A_1751, %mul3A_1813 : vector<16xi32>
      %add3A_1815 = arith.addi %mul3A_1814, %min3A_1760 : vector<16xi32>
      %mul3A_1816 = arith.constant 128 : i32
      %mul3A_1817 = vector.broadcast %mul3A_1816 : i32 to vector<16xi32>
      %mul3A_1818 = arith.muli %add3A_1815, %mul3A_1817 : vector<16xi32>
      %add3A_1819 = arith.addi %mul3A_1818, %min3A_1769 : vector<16xi32>
      %shift_right_logical3A_1820 = arith.constant 1 : i32
      %shift_right_logical3A_1821 = vector.broadcast %shift_right_logical3A_1820 : i32 to vector<16xi32>
      %shift_right_logical3A_1822 = arith.shrui %add3A_1819, %shift_right_logical3A_1821 : vector<16xi32>
      %mul3A_1823 = arith.constant 432 : i32
      %mul3A_1824 = arith.muli %scan3A_180, %mul3A_1823 : i32
      %add3A_1825 = arith.constant 192 : i32
      %add3A_1826 = arith.addi %mul3A_1824, %add3A_1825 : i32
      %swap3A_1827 = arith.index_cast %add3A_1826 : i32 to index
      %swap3A_1828 = tpu.vector_load %arg16[%swap3A_1827] {strides = array<i32>} : memref<12288xi32, #tpu.memory_space<vmem>>, vector<16xi32>,
      tpu.vector_store %arg16[%swap3A_1827], %shift_right_logical3A_1822 {strides = array<i32>} : memref<12288xi32, #tpu.memory_space<vmem>>, vector<16xi32>,
      %add3A_1829 = arith.constant 192 : i32
      %add3A_1830 = vector.broadcast %add3A_1829 : i32 to vector<16xi32>
      %add3A_1831 = arith.addi %add3A_1830, %iota3A : vector<16xi32>
      %and3A_1832 = arith.constant 1 : i32
      %and3A_1833 = vector.broadcast %and3A_1832 : i32 to vector<16xi32>
      %and3A_1834 = arith.andi %add3A_1819, %and3A_1833 : vector<16xi32>
      %mul3A_1835 = arith.constant 4 : i32
      %mul3A_1836 = vector.broadcast %mul3A_1835 : i32 to vector<16xi32>
      %mul3A_1837 = arith.muli %and3A_1834, %mul3A_1836 : vector<16xi32>
      %sub3A_1838 = arith.constant 4 : i32
      %sub3A_1839 = vector.broadcast %sub3A_1838 : i32 to vector<16xi32>
      %sub3A_1840 = arith.subi %sub3A_1839, %mul3A_1837 : vector<16xi32>
      %mul3A_1841 = arith.mulf %exp3A_1811, %get3A_190 : vector<16xf32>
      %mul3A_1842 = arith.mulf %exp3A_1811, %get3A_192 : vector<16xf32>
      %mul3A_1843 = arith.mulf %exp3A_1811, %get3A_194 : vector<16xf32>
      %add3A_1844 = arith.constant 0 : i32
      %add3A_1845 = vector.broadcast %add3A_1844 : i32 to vector<16xi32>
      %add3A_1846 = arith.addi %mul3A_1837, %add3A_1845 : vector<16xi32>
      tpu.vector_store_idx %arg17[%add3A_1831, %add3A_1846], %mul3A_1841 : memref<432x8xf32, #tpu.memory_space<vmem>>[vector<16xi32>, vector<16xi32>], vector<16xf32>,
      %add3A_1847 = arith.constant 0 : i32
      %add3A_1848 = vector.broadcast %add3A_1847 : i32 to vector<16xi32>
      %add3A_1849 = arith.addi %sub3A_1840, %add3A_1848 : vector<16xi32>
      tpu.vector_store_idx %arg17[%add3A_1831, %add3A_1849], %broadcast_in_dim3A_245 : memref<432x8xf32, #tpu.memory_space<vmem>>[vector<16xi32>, vector<16xi32>], vector<16xf32>,
      %add3A_1850 = arith.constant 1 : i32
      %add3A_1851 = vector.broadcast %add3A_1850 : i32 to vector<16xi32>
      %add3A_1852 = arith.addi %mul3A_1837, %add3A_1851 : vector<16xi32>
      tpu.vector_store_idx %arg17[%add3A_1831, %add3A_1852], %mul3A_1842 : memref<432x8xf32, #tpu.memory_space<vmem>>[vector<16xi32>, vector<16xi32>], vector<16xf32>,
      %add3A_1853 = arith.constant 1 : i32
      %add3A_1854 = vector.broadcast %add3A_1853 : i32 to vector<16xi32>
      %add3A_1855 = arith.addi %sub3A_1840, %add3A_1854 : vector<16xi32>
      tpu.vector_store_idx %arg17[%add3A_1831, %add3A_1855], %broadcast_in_dim3A_245 : memref<432x8xf32, #tpu.memory_space<vmem>>[vector<16xi32>, vector<16xi32>], vector<16xf32>,
      %add3A_1856 = arith.constant 2 : i32
      %add3A_1857 = vector.broadcast %add3A_1856 : i32 to vector<16xi32>
      %add3A_1858 = arith.addi %mul3A_1837, %add3A_1857 : vector<16xi32>
      tpu.vector_store_idx %arg17[%add3A_1831, %add3A_1858], %mul3A_1843 : memref<432x8xf32, #tpu.memory_space<vmem>>[vector<16xi32>, vector<16xi32>], vector<16xf32>,
      %add3A_1859 = arith.constant 2 : i32
      %add3A_1860 = vector.broadcast %add3A_1859 : i32 to vector<16xi32>
      %add3A_1861 = arith.addi %sub3A_1840, %add3A_1860 : vector<16xi32>
      tpu.vector_store_idx %arg17[%add3A_1831, %add3A_1861], %broadcast_in_dim3A_245 : memref<432x8xf32, #tpu.memory_space<vmem>>[vector<16xi32>, vector<16xi32>], vector<16xf32>,
      %add3A_1862 = arith.constant 3 : i32
      %add3A_1863 = vector.broadcast %add3A_1862 : i32 to vector<16xi32>
      %add3A_1864 = arith.addi %mul3A_1837, %add3A_1863 : vector<16xi32>
      tpu.vector_store_idx %arg17[%add3A_1831, %add3A_1864], %exp3A_1811 : memref<432x8xf32, #tpu.memory_space<vmem>>[vector<16xi32>, vector<16xi32>], vector<16xf32>,
      %add3A_1865 = arith.constant 3 : i32
      %add3A_1866 = vector.broadcast %add3A_1865 : i32 to vector<16xi32>
      %add3A_1867 = arith.addi %sub3A_1840, %add3A_1866 : vector<16xi32>
      tpu.vector_store_idx %arg17[%add3A_1831, %add3A_1867], %broadcast_in_dim3A_245 : memref<432x8xf32, #tpu.memory_space<vmem>>[vector<16xi32>, vector<16xi32>], vector<16xf32>,
      %add3A_1868 = arith.constant 0 : i32
      %add3A_1869 = vector.broadcast %add3A_1868 : i32 to vector<16xi32>
      %add3A_1870 = arith.addi %sub3A, %add3A_1869 : vector<16xi32>
      %jit3A_1871 = arith.constant 0 : i32
      %jit3A_1872 = arith.constant 127 : i32
      %max3A_1873 = vector.broadcast %jit3A_1871 : i32 to vector<16xi32>
      %max3A_1874 = arith.maxsi %max3A_1873, %add3A_1870 : vector<16xi32>
      %min3A_1875 = vector.broadcast %jit3A_1872 : i32 to vector<16xi32>
      %min3A_1876 = arith.minsi %min3A_1875, %max3A_1874 : vector<16xi32>
      %add3A_1877 = arith.constant 0 : i32
      %add3A_1878 = vector.broadcast %add3A_1877 : i32 to vector<16xi32>
      %add3A_1879 = arith.addi %sub3A_225, %add3A_1878 : vector<16xi32>
      %jit3A_1880 = arith.constant 0 : i32
      %jit3A_1881 = arith.constant 127 : i32
      %max3A_1882 = vector.broadcast %jit3A_1880 : i32 to vector<16xi32>
      %max3A_1883 = arith.maxsi %max3A_1882, %add3A_1879 : vector<16xi32>
      %min3A_1884 = vector.broadcast %jit3A_1881 : i32 to vector<16xi32>
      %min3A_1885 = arith.minsi %min3A_1884, %max3A_1883 : vector<16xi32>
      %add3A_1886 = arith.constant 0 : i32
      %add3A_1887 = vector.broadcast %add3A_1886 : i32 to vector<16xi32>
      %add3A_1888 = arith.addi %sub3A_243, %add3A_1887 : vector<16xi32>
      %jit3A_1889 = arith.constant 0 : i32
      %jit3A_1890 = arith.constant 127 : i32
      %max3A_1891 = vector.broadcast %jit3A_1889 : i32 to vector<16xi32>
      %max3A_1892 = arith.maxsi %max3A_1891, %add3A_1888 : vector<16xi32>
      %min3A_1893 = vector.broadcast %jit3A_1890 : i32 to vector<16xi32>
      %min3A_1894 = arith.minsi %min3A_1893, %max3A_1892 : vector<16xi32>
      %convert_element_type3A_1895 = arith.sitofp %min3A_1876 : vector<16xi32> to vector<16xf32>
      %add3A_1896 = arith.constant 5.000000e-01 : f32
      %add3A_1897 = vector.broadcast %add3A_1896 : f32 to vector<16xf32>
      %add3A_1898 = arith.addf %convert_element_type3A_1895, %add3A_1897 : vector<16xf32>
      %mul3A_1899 = arith.constant 1.562500e-02 : f32
      %mul3A_1900 = vector.broadcast %mul3A_1899 : f32 to vector<16xf32>
      %mul3A_1901 = arith.mulf %add3A_1898, %mul3A_1900 : vector<16xf32>
      %sub3A_1902 = arith.constant 1.000000e+00 : f32
      %sub3A_1903 = vector.broadcast %sub3A_1902 : f32 to vector<16xf32>
      %sub3A_1904 = arith.subf %mul3A_1901, %sub3A_1903 : vector<16xf32>
      %sub3A_1905 = arith.subf %sub3A_1904, %get3A_184 : vector<16xf32>
      %convert_element_type3A_1906 = arith.sitofp %min3A_1885 : vector<16xi32> to vector<16xf32>
      %add3A_1907 = arith.constant 5.000000e-01 : f32
      %add3A_1908 = vector.broadcast %add3A_1907 : f32 to vector<16xf32>
      %add3A_1909 = arith.addf %convert_element_type3A_1906, %add3A_1908 : vector<16xf32>
      %mul3A_1910 = arith.constant 1.562500e-02 : f32
      %mul3A_1911 = vector.broadcast %mul3A_1910 : f32 to vector<16xf32>
      %mul3A_1912 = arith.mulf %add3A_1909, %mul3A_1911 : vector<16xf32>
      %sub3A_1913 = arith.constant 1.000000e+00 : f32
      %sub3A_1914 = vector.broadcast %sub3A_1913 : f32 to vector<16xf32>
      %sub3A_1915 = arith.subf %mul3A_1912, %sub3A_1914 : vector<16xf32>
      %sub3A_1916 = arith.subf %sub3A_1915, %get3A_186 : vector<16xf32>
      %convert_element_type3A_1917 = arith.sitofp %min3A_1894 : vector<16xi32> to vector<16xf32>
      %add3A_1918 = arith.constant 5.000000e-01 : f32
      %add3A_1919 = vector.broadcast %add3A_1918 : f32 to vector<16xf32>
      %add3A_1920 = arith.addf %convert_element_type3A_1917, %add3A_1919 : vector<16xf32>
      %mul3A_1921 = arith.constant 1.562500e-02 : f32
      %mul3A_1922 = vector.broadcast %mul3A_1921 : f32 to vector<16xf32>
      %mul3A_1923 = arith.mulf %add3A_1920, %mul3A_1922 : vector<16xf32>
      %sub3A_1924 = arith.constant 1.000000e+00 : f32
      %sub3A_1925 = vector.broadcast %sub3A_1924 : f32 to vector<16xf32>
      %sub3A_1926 = arith.subf %mul3A_1923, %sub3A_1925 : vector<16xf32>
      %sub3A_1927 = arith.subf %sub3A_1926, %get3A_188 : vector<16xf32>
      %mul3A_1928 = arith.mulf %sub3A_1905, %sub3A_1905 : vector<16xf32>
      %mul3A_1929 = arith.mulf %sub3A_1916, %sub3A_1916 : vector<16xf32>
      %add3A_1930 = arith.addf %mul3A_1928, %mul3A_1929 : vector<16xf32>
      %mul3A_1931 = arith.mulf %sub3A_1927, %sub3A_1927 : vector<16xf32>
      %add3A_1932 = arith.addf %add3A_1930, %mul3A_1931 : vector<16xf32>
      %mul3A_1933 = arith.constant -4.000000e+02 : f32
      %mul3A_1934 = vector.broadcast %mul3A_1933 : f32 to vector<16xf32>
      %mul3A_1935 = arith.mulf %add3A_1932, %mul3A_1934 : vector<16xf32>
      %exp3A_1936 = math.exp %mul3A_1935 : vector<16xf32>
      %mul3A_1937 = arith.constant 128 : i32
      %mul3A_1938 = vector.broadcast %mul3A_1937 : i32 to vector<16xi32>
      %mul3A_1939 = arith.muli %min3A_1876, %mul3A_1938 : vector<16xi32>
      %add3A_1940 = arith.addi %mul3A_1939, %min3A_1885 : vector<16xi32>
      %mul3A_1941 = arith.constant 128 : i32
      %mul3A_1942 = vector.broadcast %mul3A_1941 : i32 to vector<16xi32>
      %mul3A_1943 = arith.muli %add3A_1940, %mul3A_1942 : vector<16xi32>
      %add3A_1944 = arith.addi %mul3A_1943, %min3A_1894 : vector<16xi32>
      %shift_right_logical3A_1945 = arith.constant 1 : i32
      %shift_right_logical3A_1946 = vector.broadcast %shift_right_logical3A_1945 : i32 to vector<16xi32>
      %shift_right_logical3A_1947 = arith.shrui %add3A_1944, %shift_right_logical3A_1946 : vector<16xi32>
      %mul3A_1948 = arith.constant 432 : i32
      %mul3A_1949 = arith.muli %scan3A_180, %mul3A_1948 : i32
      %add3A_1950 = arith.constant 208 : i32
      %add3A_1951 = arith.addi %mul3A_1949, %add3A_1950 : i32
      %swap3A_1952 = arith.index_cast %add3A_1951 : i32 to index
      %swap3A_1953 = tpu.vector_load %arg16[%swap3A_1952] {strides = array<i32>} : memref<12288xi32, #tpu.memory_space<vmem>>, vector<16xi32>,
      tpu.vector_store %arg16[%swap3A_1952], %shift_right_logical3A_1947 {strides = array<i32>} : memref<12288xi32, #tpu.memory_space<vmem>>, vector<16xi32>,
      %add3A_1954 = arith.constant 208 : i32
      %add3A_1955 = vector.broadcast %add3A_1954 : i32 to vector<16xi32>
      %add3A_1956 = arith.addi %add3A_1955, %iota3A : vector<16xi32>
      %and3A_1957 = arith.constant 1 : i32
      %and3A_1958 = vector.broadcast %and3A_1957 : i32 to vector<16xi32>
      %and3A_1959 = arith.andi %add3A_1944, %and3A_1958 : vector<16xi32>
      %mul3A_1960 = arith.constant 4 : i32
      %mul3A_1961 = vector.broadcast %mul3A_1960 : i32 to vector<16xi32>
      %mul3A_1962 = arith.muli %and3A_1959, %mul3A_1961 : vector<16xi32>
      %sub3A_1963 = arith.constant 4 : i32
      %sub3A_1964 = vector.broadcast %sub3A_1963 : i32 to vector<16xi32>
      %sub3A_1965 = arith.subi %sub3A_1964, %mul3A_1962 : vector<16xi32>
      %mul3A_1966 = arith.mulf %exp3A_1936, %get3A_190 : vector<16xf32>
      %mul3A_1967 = arith.mulf %exp3A_1936, %get3A_192 : vector<16xf32>
      %mul3A_1968 = arith.mulf %exp3A_1936, %get3A_194 : vector<16xf32>
      %add3A_1969 = arith.constant 0 : i32
      %add3A_1970 = vector.broadcast %add3A_1969 : i32 to vector<16xi32>
      %add3A_1971 = arith.addi %mul3A_1962, %add3A_1970 : vector<16xi32>
      tpu.vector_store_idx %arg17[%add3A_1956, %add3A_1971], %mul3A_1966 : memref<432x8xf32, #tpu.memory_space<vmem>>[vector<16xi32>, vector<16xi32>], vector<16xf32>,
      %add3A_1972 = arith.constant 0 : i32
      %add3A_1973 = vector.broadcast %add3A_1972 : i32 to vector<16xi32>
      %add3A_1974 = arith.addi %sub3A_1965, %add3A_1973 : vector<16xi32>
      tpu.vector_store_idx %arg17[%add3A_1956, %add3A_1974], %broadcast_in_dim3A_245 : memref<432x8xf32, #tpu.memory_space<vmem>>[vector<16xi32>, vector<16xi32>], vector<16xf32>,
      %add3A_1975 = arith.constant 1 : i32
      %add3A_1976 = vector.broadcast %add3A_1975 : i32 to vector<16xi32>
      %add3A_1977 = arith.addi %mul3A_1962, %add3A_1976 : vector<16xi32>
      tpu.vector_store_idx %arg17[%add3A_1956, %add3A_1977], %mul3A_1967 : memref<432x8xf32, #tpu.memory_space<vmem>>[vector<16xi32>, vector<16xi32>], vector<16xf32>,
      %add3A_1978 = arith.constant 1 : i32
      %add3A_1979 = vector.broadcast %add3A_1978 : i32 to vector<16xi32>
      %add3A_1980 = arith.addi %sub3A_1965, %add3A_1979 : vector<16xi32>
      tpu.vector_store_idx %arg17[%add3A_1956, %add3A_1980], %broadcast_in_dim3A_245 : memref<432x8xf32, #tpu.memory_space<vmem>>[vector<16xi32>, vector<16xi32>], vector<16xf32>,
      %add3A_1981 = arith.constant 2 : i32
      %add3A_1982 = vector.broadcast %add3A_1981 : i32 to vector<16xi32>
      %add3A_1983 = arith.addi %mul3A_1962, %add3A_1982 : vector<16xi32>
      tpu.vector_store_idx %arg17[%add3A_1956, %add3A_1983], %mul3A_1968 : memref<432x8xf32, #tpu.memory_space<vmem>>[vector<16xi32>, vector<16xi32>], vector<16xf32>,
      %add3A_1984 = arith.constant 2 : i32
      %add3A_1985 = vector.broadcast %add3A_1984 : i32 to vector<16xi32>
      %add3A_1986 = arith.addi %sub3A_1965, %add3A_1985 : vector<16xi32>
      tpu.vector_store_idx %arg17[%add3A_1956, %add3A_1986], %broadcast_in_dim3A_245 : memref<432x8xf32, #tpu.memory_space<vmem>>[vector<16xi32>, vector<16xi32>], vector<16xf32>,
      %add3A_1987 = arith.constant 3 : i32
      %add3A_1988 = vector.broadcast %add3A_1987 : i32 to vector<16xi32>
      %add3A_1989 = arith.addi %mul3A_1962, %add3A_1988 : vector<16xi32>
      tpu.vector_store_idx %arg17[%add3A_1956, %add3A_1989], %exp3A_1936 : memref<432x8xf32, #tpu.memory_space<vmem>>[vector<16xi32>, vector<16xi32>], vector<16xf32>,
      %add3A_1990 = arith.constant 3 : i32
      %add3A_1991 = vector.broadcast %add3A_1990 : i32 to vector<16xi32>
      %add3A_1992 = arith.addi %sub3A_1965, %add3A_1991 : vector<16xi32>
      tpu.vector_store_idx %arg17[%add3A_1956, %add3A_1992], %broadcast_in_dim3A_245 : memref<432x8xf32, #tpu.memory_space<vmem>>[vector<16xi32>, vector<16xi32>], vector<16xf32>,
      %add3A_1993 = arith.constant 0 : i32
      %add3A_1994 = vector.broadcast %add3A_1993 : i32 to vector<16xi32>
      %add3A_1995 = arith.addi %sub3A, %add3A_1994 : vector<16xi32>
      %jit3A_1996 = arith.constant 0 : i32
      %jit3A_1997 = arith.constant 127 : i32
      %max3A_1998 = vector.broadcast %jit3A_1996 : i32 to vector<16xi32>
      %max3A_1999 = arith.maxsi %max3A_1998, %add3A_1995 : vector<16xi32>
      %min3A_2000 = vector.broadcast %jit3A_1997 : i32 to vector<16xi32>
      %min3A_2001 = arith.minsi %min3A_2000, %max3A_1999 : vector<16xi32>
      %add3A_2002 = arith.constant 0 : i32
      %add3A_2003 = vector.broadcast %add3A_2002 : i32 to vector<16xi32>
      %add3A_2004 = arith.addi %sub3A_225, %add3A_2003 : vector<16xi32>
      %jit3A_2005 = arith.constant 0 : i32
      %jit3A_2006 = arith.constant 127 : i32
      %max3A_2007 = vector.broadcast %jit3A_2005 : i32 to vector<16xi32>
      %max3A_2008 = arith.maxsi %max3A_2007, %add3A_2004 : vector<16xi32>
      %min3A_2009 = vector.broadcast %jit3A_2006 : i32 to vector<16xi32>
      %min3A_2010 = arith.minsi %min3A_2009, %max3A_2008 : vector<16xi32>
      %add3A_2011 = arith.constant 1 : i32
      %add3A_2012 = vector.broadcast %add3A_2011 : i32 to vector<16xi32>
      %add3A_2013 = arith.addi %sub3A_243, %add3A_2012 : vector<16xi32>
      %jit3A_2014 = arith.constant 0 : i32
      %jit3A_2015 = arith.constant 127 : i32
      %max3A_2016 = vector.broadcast %jit3A_2014 : i32 to vector<16xi32>
      %max3A_2017 = arith.maxsi %max3A_2016, %add3A_2013 : vector<16xi32>
      %min3A_2018 = vector.broadcast %jit3A_2015 : i32 to vector<16xi32>
      %min3A_2019 = arith.minsi %min3A_2018, %max3A_2017 : vector<16xi32>
      %convert_element_type3A_2020 = arith.sitofp %min3A_2001 : vector<16xi32> to vector<16xf32>
      %add3A_2021 = arith.constant 5.000000e-01 : f32
      %add3A_2022 = vector.broadcast %add3A_2021 : f32 to vector<16xf32>
      %add3A_2023 = arith.addf %convert_element_type3A_2020, %add3A_2022 : vector<16xf32>
      %mul3A_2024 = arith.constant 1.562500e-02 : f32
      %mul3A_2025 = vector.broadcast %mul3A_2024 : f32 to vector<16xf32>
      %mul3A_2026 = arith.mulf %add3A_2023, %mul3A_2025 : vector<16xf32>
      %sub3A_2027 = arith.constant 1.000000e+00 : f32
      %sub3A_2028 = vector.broadcast %sub3A_2027 : f32 to vector<16xf32>
      %sub3A_2029 = arith.subf %mul3A_2026, %sub3A_2028 : vector<16xf32>
      %sub3A_2030 = arith.subf %sub3A_2029, %get3A_184 : vector<16xf32>
      %convert_element_type3A_2031 = arith.sitofp %min3A_2010 : vector<16xi32> to vector<16xf32>
      %add3A_2032 = arith.constant 5.000000e-01 : f32
      %add3A_2033 = vector.broadcast %add3A_2032 : f32 to vector<16xf32>
      %add3A_2034 = arith.addf %convert_element_type3A_2031, %add3A_2033 : vector<16xf32>
      %mul3A_2035 = arith.constant 1.562500e-02 : f32
      %mul3A_2036 = vector.broadcast %mul3A_2035 : f32 to vector<16xf32>
      %mul3A_2037 = arith.mulf %add3A_2034, %mul3A_2036 : vector<16xf32>
      %sub3A_2038 = arith.constant 1.000000e+00 : f32
      %sub3A_2039 = vector.broadcast %sub3A_2038 : f32 to vector<16xf32>
      %sub3A_2040 = arith.subf %mul3A_2037, %sub3A_2039 : vector<16xf32>
      %sub3A_2041 = arith.subf %sub3A_2040, %get3A_186 : vector<16xf32>
      %convert_element_type3A_2042 = arith.sitofp %min3A_2019 : vector<16xi32> to vector<16xf32>
      %add3A_2043 = arith.constant 5.000000e-01 : f32
      %add3A_2044 = vector.broadcast %add3A_2043 : f32 to vector<16xf32>
      %add3A_2045 = arith.addf %convert_element_type3A_2042, %add3A_2044 : vector<16xf32>
      %mul3A_2046 = arith.constant 1.562500e-02 : f32
      %mul3A_2047 = vector.broadcast %mul3A_2046 : f32 to vector<16xf32>
      %mul3A_2048 = arith.mulf %add3A_2045, %mul3A_2047 : vector<16xf32>
      %sub3A_2049 = arith.constant 1.000000e+00 : f32
      %sub3A_2050 = vector.broadcast %sub3A_2049 : f32 to vector<16xf32>
      %sub3A_2051 = arith.subf %mul3A_2048, %sub3A_2050 : vector<16xf32>
      %sub3A_2052 = arith.subf %sub3A_2051, %get3A_188 : vector<16xf32>
      %mul3A_2053 = arith.mulf %sub3A_2030, %sub3A_2030 : vector<16xf32>
      %mul3A_2054 = arith.mulf %sub3A_2041, %sub3A_2041 : vector<16xf32>
      %add3A_2055 = arith.addf %mul3A_2053, %mul3A_2054 : vector<16xf32>
      %mul3A_2056 = arith.mulf %sub3A_2052, %sub3A_2052 : vector<16xf32>
      %add3A_2057 = arith.addf %add3A_2055, %mul3A_2056 : vector<16xf32>
      %mul3A_2058 = arith.constant -4.000000e+02 : f32
      %mul3A_2059 = vector.broadcast %mul3A_2058 : f32 to vector<16xf32>
      %mul3A_2060 = arith.mulf %add3A_2057, %mul3A_2059 : vector<16xf32>
      %exp3A_2061 = math.exp %mul3A_2060 : vector<16xf32>
      %mul3A_2062 = arith.constant 128 : i32
      %mul3A_2063 = vector.broadcast %mul3A_2062 : i32 to vector<16xi32>
      %mul3A_2064 = arith.muli %min3A_2001, %mul3A_2063 : vector<16xi32>
      %add3A_2065 = arith.addi %mul3A_2064, %min3A_2010 : vector<16xi32>
      %mul3A_2066 = arith.constant 128 : i32
      %mul3A_2067 = vector.broadcast %mul3A_2066 : i32 to vector<16xi32>
      %mul3A_2068 = arith.muli %add3A_2065, %mul3A_2067 : vector<16xi32>
      %add3A_2069 = arith.addi %mul3A_2068, %min3A_2019 : vector<16xi32>
      %shift_right_logical3A_2070 = arith.constant 1 : i32
      %shift_right_logical3A_2071 = vector.broadcast %shift_right_logical3A_2070 : i32 to vector<16xi32>
      %shift_right_logical3A_2072 = arith.shrui %add3A_2069, %shift_right_logical3A_2071 : vector<16xi32>
      %mul3A_2073 = arith.constant 432 : i32
      %mul3A_2074 = arith.muli %scan3A_180, %mul3A_2073 : i32
      %add3A_2075 = arith.constant 224 : i32
      %add3A_2076 = arith.addi %mul3A_2074, %add3A_2075 : i32
      %swap3A_2077 = arith.index_cast %add3A_2076 : i32 to index
      %swap3A_2078 = tpu.vector_load %arg16[%swap3A_2077] {strides = array<i32>} : memref<12288xi32, #tpu.memory_space<vmem>>, vector<16xi32>,
      tpu.vector_store %arg16[%swap3A_2077], %shift_right_logical3A_2072 {strides = array<i32>} : memref<12288xi32, #tpu.memory_space<vmem>>, vector<16xi32>,
      %add3A_2079 = arith.constant 224 : i32
      %add3A_2080 = vector.broadcast %add3A_2079 : i32 to vector<16xi32>
      %add3A_2081 = arith.addi %add3A_2080, %iota3A : vector<16xi32>
      %and3A_2082 = arith.constant 1 : i32
      %and3A_2083 = vector.broadcast %and3A_2082 : i32 to vector<16xi32>
      %and3A_2084 = arith.andi %add3A_2069, %and3A_2083 : vector<16xi32>
      %mul3A_2085 = arith.constant 4 : i32
      %mul3A_2086 = vector.broadcast %mul3A_2085 : i32 to vector<16xi32>
      %mul3A_2087 = arith.muli %and3A_2084, %mul3A_2086 : vector<16xi32>
      %sub3A_2088 = arith.constant 4 : i32
      %sub3A_2089 = vector.broadcast %sub3A_2088 : i32 to vector<16xi32>
      %sub3A_2090 = arith.subi %sub3A_2089, %mul3A_2087 : vector<16xi32>
      %mul3A_2091 = arith.mulf %exp3A_2061, %get3A_190 : vector<16xf32>
      %mul3A_2092 = arith.mulf %exp3A_2061, %get3A_192 : vector<16xf32>
      %mul3A_2093 = arith.mulf %exp3A_2061, %get3A_194 : vector<16xf32>
      %add3A_2094 = arith.constant 0 : i32
      %add3A_2095 = vector.broadcast %add3A_2094 : i32 to vector<16xi32>
      %add3A_2096 = arith.addi %mul3A_2087, %add3A_2095 : vector<16xi32>
      tpu.vector_store_idx %arg17[%add3A_2081, %add3A_2096], %mul3A_2091 : memref<432x8xf32, #tpu.memory_space<vmem>>[vector<16xi32>, vector<16xi32>], vector<16xf32>,
      %add3A_2097 = arith.constant 0 : i32
      %add3A_2098 = vector.broadcast %add3A_2097 : i32 to vector<16xi32>
      %add3A_2099 = arith.addi %sub3A_2090, %add3A_2098 : vector<16xi32>
      tpu.vector_store_idx %arg17[%add3A_2081, %add3A_2099], %broadcast_in_dim3A_245 : memref<432x8xf32, #tpu.memory_space<vmem>>[vector<16xi32>, vector<16xi32>], vector<16xf32>,
      %add3A_2100 = arith.constant 1 : i32
      %add3A_2101 = vector.broadcast %add3A_2100 : i32 to vector<16xi32>
      %add3A_2102 = arith.addi %mul3A_2087, %add3A_2101 : vector<16xi32>
      tpu.vector_store_idx %arg17[%add3A_2081, %add3A_2102], %mul3A_2092 : memref<432x8xf32, #tpu.memory_space<vmem>>[vector<16xi32>, vector<16xi32>], vector<16xf32>,
      %add3A_2103 = arith.constant 1 : i32
      %add3A_2104 = vector.broadcast %add3A_2103 : i32 to vector<16xi32>
      %add3A_2105 = arith.addi %sub3A_2090, %add3A_2104 : vector<16xi32>
      tpu.vector_store_idx %arg17[%add3A_2081, %add3A_2105], %broadcast_in_dim3A_245 : memref<432x8xf32, #tpu.memory_space<vmem>>[vector<16xi32>, vector<16xi32>], vector<16xf32>,
      %add3A_2106 = arith.constant 2 : i32
      %add3A_2107 = vector.broadcast %add3A_2106 : i32 to vector<16xi32>
      %add3A_2108 = arith.addi %mul3A_2087, %add3A_2107 : vector<16xi32>
      tpu.vector_store_idx %arg17[%add3A_2081, %add3A_2108], %mul3A_2093 : memref<432x8xf32, #tpu.memory_space<vmem>>[vector<16xi32>, vector<16xi32>], vector<16xf32>,
      %add3A_2109 = arith.constant 2 : i32
      %add3A_2110 = vector.broadcast %add3A_2109 : i32 to vector<16xi32>
      %add3A_2111 = arith.addi %sub3A_2090, %add3A_2110 : vector<16xi32>
      tpu.vector_store_idx %arg17[%add3A_2081, %add3A_2111], %broadcast_in_dim3A_245 : memref<432x8xf32, #tpu.memory_space<vmem>>[vector<16xi32>, vector<16xi32>], vector<16xf32>,
      %add3A_2112 = arith.constant 3 : i32
      %add3A_2113 = vector.broadcast %add3A_2112 : i32 to vector<16xi32>
      %add3A_2114 = arith.addi %mul3A_2087, %add3A_2113 : vector<16xi32>
      tpu.vector_store_idx %arg17[%add3A_2081, %add3A_2114], %exp3A_2061 : memref<432x8xf32, #tpu.memory_space<vmem>>[vector<16xi32>, vector<16xi32>], vector<16xf32>,
      %add3A_2115 = arith.constant 3 : i32
      %add3A_2116 = vector.broadcast %add3A_2115 : i32 to vector<16xi32>
      %add3A_2117 = arith.addi %sub3A_2090, %add3A_2116 : vector<16xi32>
      tpu.vector_store_idx %arg17[%add3A_2081, %add3A_2117], %broadcast_in_dim3A_245 : memref<432x8xf32, #tpu.memory_space<vmem>>[vector<16xi32>, vector<16xi32>], vector<16xf32>,
      %add3A_2118 = arith.constant 0 : i32
      %add3A_2119 = vector.broadcast %add3A_2118 : i32 to vector<16xi32>
      %add3A_2120 = arith.addi %sub3A, %add3A_2119 : vector<16xi32>
      %jit3A_2121 = arith.constant 0 : i32
      %jit3A_2122 = arith.constant 127 : i32
      %max3A_2123 = vector.broadcast %jit3A_2121 : i32 to vector<16xi32>
      %max3A_2124 = arith.maxsi %max3A_2123, %add3A_2120 : vector<16xi32>
      %min3A_2125 = vector.broadcast %jit3A_2122 : i32 to vector<16xi32>
      %min3A_2126 = arith.minsi %min3A_2125, %max3A_2124 : vector<16xi32>
      %add3A_2127 = arith.constant 1 : i32
      %add3A_2128 = vector.broadcast %add3A_2127 : i32 to vector<16xi32>
      %add3A_2129 = arith.addi %sub3A_225, %add3A_2128 : vector<16xi32>
      %jit3A_2130 = arith.constant 0 : i32
      %jit3A_2131 = arith.constant 127 : i32
      %max3A_2132 = vector.broadcast %jit3A_2130 : i32 to vector<16xi32>
      %max3A_2133 = arith.maxsi %max3A_2132, %add3A_2129 : vector<16xi32>
      %min3A_2134 = vector.broadcast %jit3A_2131 : i32 to vector<16xi32>
      %min3A_2135 = arith.minsi %min3A_2134, %max3A_2133 : vector<16xi32>
      %add3A_2136 = arith.constant -1 : i32
      %add3A_2137 = vector.broadcast %add3A_2136 : i32 to vector<16xi32>
      %add3A_2138 = arith.addi %sub3A_243, %add3A_2137 : vector<16xi32>
      %jit3A_2139 = arith.constant 0 : i32
      %jit3A_2140 = arith.constant 127 : i32
      %max3A_2141 = vector.broadcast %jit3A_2139 : i32 to vector<16xi32>
      %max3A_2142 = arith.maxsi %max3A_2141, %add3A_2138 : vector<16xi32>
      %min3A_2143 = vector.broadcast %jit3A_2140 : i32 to vector<16xi32>
      %min3A_2144 = arith.minsi %min3A_2143, %max3A_2142 : vector<16xi32>
      %convert_element_type3A_2145 = arith.sitofp %min3A_2126 : vector<16xi32> to vector<16xf32>
      %add3A_2146 = arith.constant 5.000000e-01 : f32
      %add3A_2147 = vector.broadcast %add3A_2146 : f32 to vector<16xf32>
      %add3A_2148 = arith.addf %convert_element_type3A_2145, %add3A_2147 : vector<16xf32>
      %mul3A_2149 = arith.constant 1.562500e-02 : f32
      %mul3A_2150 = vector.broadcast %mul3A_2149 : f32 to vector<16xf32>
      %mul3A_2151 = arith.mulf %add3A_2148, %mul3A_2150 : vector<16xf32>
      %sub3A_2152 = arith.constant 1.000000e+00 : f32
      %sub3A_2153 = vector.broadcast %sub3A_2152 : f32 to vector<16xf32>
      %sub3A_2154 = arith.subf %mul3A_2151, %sub3A_2153 : vector<16xf32>
      %sub3A_2155 = arith.subf %sub3A_2154, %get3A_184 : vector<16xf32>
      %convert_element_type3A_2156 = arith.sitofp %min3A_2135 : vector<16xi32> to vector<16xf32>
      %add3A_2157 = arith.constant 5.000000e-01 : f32
      %add3A_2158 = vector.broadcast %add3A_2157 : f32 to vector<16xf32>
      %add3A_2159 = arith.addf %convert_element_type3A_2156, %add3A_2158 : vector<16xf32>
      %mul3A_2160 = arith.constant 1.562500e-02 : f32
      %mul3A_2161 = vector.broadcast %mul3A_2160 : f32 to vector<16xf32>
      %mul3A_2162 = arith.mulf %add3A_2159, %mul3A_2161 : vector<16xf32>
      %sub3A_2163 = arith.constant 1.000000e+00 : f32
      %sub3A_2164 = vector.broadcast %sub3A_2163 : f32 to vector<16xf32>
      %sub3A_2165 = arith.subf %mul3A_2162, %sub3A_2164 : vector<16xf32>
      %sub3A_2166 = arith.subf %sub3A_2165, %get3A_186 : vector<16xf32>
      %convert_element_type3A_2167 = arith.sitofp %min3A_2144 : vector<16xi32> to vector<16xf32>
      %add3A_2168 = arith.constant 5.000000e-01 : f32
      %add3A_2169 = vector.broadcast %add3A_2168 : f32 to vector<16xf32>
      %add3A_2170 = arith.addf %convert_element_type3A_2167, %add3A_2169 : vector<16xf32>
      %mul3A_2171 = arith.constant 1.562500e-02 : f32
      %mul3A_2172 = vector.broadcast %mul3A_2171 : f32 to vector<16xf32>
      %mul3A_2173 = arith.mulf %add3A_2170, %mul3A_2172 : vector<16xf32>
      %sub3A_2174 = arith.constant 1.000000e+00 : f32
      %sub3A_2175 = vector.broadcast %sub3A_2174 : f32 to vector<16xf32>
      %sub3A_2176 = arith.subf %mul3A_2173, %sub3A_2175 : vector<16xf32>
      %sub3A_2177 = arith.subf %sub3A_2176, %get3A_188 : vector<16xf32>
      %mul3A_2178 = arith.mulf %sub3A_2155, %sub3A_2155 : vector<16xf32>
      %mul3A_2179 = arith.mulf %sub3A_2166, %sub3A_2166 : vector<16xf32>
      %add3A_2180 = arith.addf %mul3A_2178, %mul3A_2179 : vector<16xf32>
      %mul3A_2181 = arith.mulf %sub3A_2177, %sub3A_2177 : vector<16xf32>
      %add3A_2182 = arith.addf %add3A_2180, %mul3A_2181 : vector<16xf32>
      %mul3A_2183 = arith.constant -4.000000e+02 : f32
      %mul3A_2184 = vector.broadcast %mul3A_2183 : f32 to vector<16xf32>
      %mul3A_2185 = arith.mulf %add3A_2182, %mul3A_2184 : vector<16xf32>
      %exp3A_2186 = math.exp %mul3A_2185 : vector<16xf32>
      %mul3A_2187 = arith.constant 128 : i32
      %mul3A_2188 = vector.broadcast %mul3A_2187 : i32 to vector<16xi32>
      %mul3A_2189 = arith.muli %min3A_2126, %mul3A_2188 : vector<16xi32>
      %add3A_2190 = arith.addi %mul3A_2189, %min3A_2135 : vector<16xi32>
      %mul3A_2191 = arith.constant 128 : i32
      %mul3A_2192 = vector.broadcast %mul3A_2191 : i32 to vector<16xi32>
      %mul3A_2193 = arith.muli %add3A_2190, %mul3A_2192 : vector<16xi32>
      %add3A_2194 = arith.addi %mul3A_2193, %min3A_2144 : vector<16xi32>
      %shift_right_logical3A_2195 = arith.constant 1 : i32
      %shift_right_logical3A_2196 = vector.broadcast %shift_right_logical3A_2195 : i32 to vector<16xi32>
      %shift_right_logical3A_2197 = arith.shrui %add3A_2194, %shift_right_logical3A_2196 : vector<16xi32>
      %mul3A_2198 = arith.constant 432 : i32
      %mul3A_2199 = arith.muli %scan3A_180, %mul3A_2198 : i32
      %add3A_2200 = arith.constant 240 : i32
      %add3A_2201 = arith.addi %mul3A_2199, %add3A_2200 : i32
      %swap3A_2202 = arith.index_cast %add3A_2201 : i32 to index
      %swap3A_2203 = tpu.vector_load %arg16[%swap3A_2202] {strides = array<i32>} : memref<12288xi32, #tpu.memory_space<vmem>>, vector<16xi32>,
      tpu.vector_store %arg16[%swap3A_2202], %shift_right_logical3A_2197 {strides = array<i32>} : memref<12288xi32, #tpu.memory_space<vmem>>, vector<16xi32>,
      %add3A_2204 = arith.constant 240 : i32
      %add3A_2205 = vector.broadcast %add3A_2204 : i32 to vector<16xi32>
      %add3A_2206 = arith.addi %add3A_2205, %iota3A : vector<16xi32>
      %and3A_2207 = arith.constant 1 : i32
      %and3A_2208 = vector.broadcast %and3A_2207 : i32 to vector<16xi32>
      %and3A_2209 = arith.andi %add3A_2194, %and3A_2208 : vector<16xi32>
      %mul3A_2210 = arith.constant 4 : i32
      %mul3A_2211 = vector.broadcast %mul3A_2210 : i32 to vector<16xi32>
      %mul3A_2212 = arith.muli %and3A_2209, %mul3A_2211 : vector<16xi32>
      %sub3A_2213 = arith.constant 4 : i32
      %sub3A_2214 = vector.broadcast %sub3A_2213 : i32 to vector<16xi32>
      %sub3A_2215 = arith.subi %sub3A_2214, %mul3A_2212 : vector<16xi32>
      %mul3A_2216 = arith.mulf %exp3A_2186, %get3A_190 : vector<16xf32>
      %mul3A_2217 = arith.mulf %exp3A_2186, %get3A_192 : vector<16xf32>
      %mul3A_2218 = arith.mulf %exp3A_2186, %get3A_194 : vector<16xf32>
      %add3A_2219 = arith.constant 0 : i32
      %add3A_2220 = vector.broadcast %add3A_2219 : i32 to vector<16xi32>
      %add3A_2221 = arith.addi %mul3A_2212, %add3A_2220 : vector<16xi32>
      tpu.vector_store_idx %arg17[%add3A_2206, %add3A_2221], %mul3A_2216 : memref<432x8xf32, #tpu.memory_space<vmem>>[vector<16xi32>, vector<16xi32>], vector<16xf32>,
      %add3A_2222 = arith.constant 0 : i32
      %add3A_2223 = vector.broadcast %add3A_2222 : i32 to vector<16xi32>
      %add3A_2224 = arith.addi %sub3A_2215, %add3A_2223 : vector<16xi32>
      tpu.vector_store_idx %arg17[%add3A_2206, %add3A_2224], %broadcast_in_dim3A_245 : memref<432x8xf32, #tpu.memory_space<vmem>>[vector<16xi32>, vector<16xi32>], vector<16xf32>,
      %add3A_2225 = arith.constant 1 : i32
      %add3A_2226 = vector.broadcast %add3A_2225 : i32 to vector<16xi32>
      %add3A_2227 = arith.addi %mul3A_2212, %add3A_2226 : vector<16xi32>
      tpu.vector_store_idx %arg17[%add3A_2206, %add3A_2227], %mul3A_2217 : memref<432x8xf32, #tpu.memory_space<vmem>>[vector<16xi32>, vector<16xi32>], vector<16xf32>,
      %add3A_2228 = arith.constant 1 : i32
      %add3A_2229 = vector.broadcast %add3A_2228 : i32 to vector<16xi32>
      %add3A_2230 = arith.addi %sub3A_2215, %add3A_2229 : vector<16xi32>
      tpu.vector_store_idx %arg17[%add3A_2206, %add3A_2230], %broadcast_in_dim3A_245 : memref<432x8xf32, #tpu.memory_space<vmem>>[vector<16xi32>, vector<16xi32>], vector<16xf32>,
      %add3A_2231 = arith.constant 2 : i32
      %add3A_2232 = vector.broadcast %add3A_2231 : i32 to vector<16xi32>
      %add3A_2233 = arith.addi %mul3A_2212, %add3A_2232 : vector<16xi32>
      tpu.vector_store_idx %arg17[%add3A_2206, %add3A_2233], %mul3A_2218 : memref<432x8xf32, #tpu.memory_space<vmem>>[vector<16xi32>, vector<16xi32>], vector<16xf32>,
      %add3A_2234 = arith.constant 2 : i32
      %add3A_2235 = vector.broadcast %add3A_2234 : i32 to vector<16xi32>
      %add3A_2236 = arith.addi %sub3A_2215, %add3A_2235 : vector<16xi32>
      tpu.vector_store_idx %arg17[%add3A_2206, %add3A_2236], %broadcast_in_dim3A_245 : memref<432x8xf32, #tpu.memory_space<vmem>>[vector<16xi32>, vector<16xi32>], vector<16xf32>,
      %add3A_2237 = arith.constant 3 : i32
      %add3A_2238 = vector.broadcast %add3A_2237 : i32 to vector<16xi32>
      %add3A_2239 = arith.addi %mul3A_2212, %add3A_2238 : vector<16xi32>
      tpu.vector_store_idx %arg17[%add3A_2206, %add3A_2239], %exp3A_2186 : memref<432x8xf32, #tpu.memory_space<vmem>>[vector<16xi32>, vector<16xi32>], vector<16xf32>,
      %add3A_2240 = arith.constant 3 : i32
      %add3A_2241 = vector.broadcast %add3A_2240 : i32 to vector<16xi32>
      %add3A_2242 = arith.addi %sub3A_2215, %add3A_2241 : vector<16xi32>
      tpu.vector_store_idx %arg17[%add3A_2206, %add3A_2242], %broadcast_in_dim3A_245 : memref<432x8xf32, #tpu.memory_space<vmem>>[vector<16xi32>, vector<16xi32>], vector<16xf32>,
      %add3A_2243 = arith.constant 0 : i32
      %add3A_2244 = vector.broadcast %add3A_2243 : i32 to vector<16xi32>
      %add3A_2245 = arith.addi %sub3A, %add3A_2244 : vector<16xi32>
      %jit3A_2246 = arith.constant 0 : i32
      %jit3A_2247 = arith.constant 127 : i32
      %max3A_2248 = vector.broadcast %jit3A_2246 : i32 to vector<16xi32>
      %max3A_2249 = arith.maxsi %max3A_2248, %add3A_2245 : vector<16xi32>
      %min3A_2250 = vector.broadcast %jit3A_2247 : i32 to vector<16xi32>
      %min3A_2251 = arith.minsi %min3A_2250, %max3A_2249 : vector<16xi32>
      %add3A_2252 = arith.constant 1 : i32
      %add3A_2253 = vector.broadcast %add3A_2252 : i32 to vector<16xi32>
      %add3A_2254 = arith.addi %sub3A_225, %add3A_2253 : vector<16xi32>
      %jit3A_2255 = arith.constant 0 : i32
      %jit3A_2256 = arith.constant 127 : i32
      %max3A_2257 = vector.broadcast %jit3A_2255 : i32 to vector<16xi32>
      %max3A_2258 = arith.maxsi %max3A_2257, %add3A_2254 : vector<16xi32>
      %min3A_2259 = vector.broadcast %jit3A_2256 : i32 to vector<16xi32>
      %min3A_2260 = arith.minsi %min3A_2259, %max3A_2258 : vector<16xi32>
      %add3A_2261 = arith.constant 0 : i32
      %add3A_2262 = vector.broadcast %add3A_2261 : i32 to vector<16xi32>
      %add3A_2263 = arith.addi %sub3A_243, %add3A_2262 : vector<16xi32>
      %jit3A_2264 = arith.constant 0 : i32
      %jit3A_2265 = arith.constant 127 : i32
      %max3A_2266 = vector.broadcast %jit3A_2264 : i32 to vector<16xi32>
      %max3A_2267 = arith.maxsi %max3A_2266, %add3A_2263 : vector<16xi32>
      %min3A_2268 = vector.broadcast %jit3A_2265 : i32 to vector<16xi32>
      %min3A_2269 = arith.minsi %min3A_2268, %max3A_2267 : vector<16xi32>
      %convert_element_type3A_2270 = arith.sitofp %min3A_2251 : vector<16xi32> to vector<16xf32>
      %add3A_2271 = arith.constant 5.000000e-01 : f32
      %add3A_2272 = vector.broadcast %add3A_2271 : f32 to vector<16xf32>
      %add3A_2273 = arith.addf %convert_element_type3A_2270, %add3A_2272 : vector<16xf32>
      %mul3A_2274 = arith.constant 1.562500e-02 : f32
      %mul3A_2275 = vector.broadcast %mul3A_2274 : f32 to vector<16xf32>
      %mul3A_2276 = arith.mulf %add3A_2273, %mul3A_2275 : vector<16xf32>
      %sub3A_2277 = arith.constant 1.000000e+00 : f32
      %sub3A_2278 = vector.broadcast %sub3A_2277 : f32 to vector<16xf32>
      %sub3A_2279 = arith.subf %mul3A_2276, %sub3A_2278 : vector<16xf32>
      %sub3A_2280 = arith.subf %sub3A_2279, %get3A_184 : vector<16xf32>
      %convert_element_type3A_2281 = arith.sitofp %min3A_2260 : vector<16xi32> to vector<16xf32>
      %add3A_2282 = arith.constant 5.000000e-01 : f32
      %add3A_2283 = vector.broadcast %add3A_2282 : f32 to vector<16xf32>
      %add3A_2284 = arith.addf %convert_element_type3A_2281, %add3A_2283 : vector<16xf32>
      %mul3A_2285 = arith.constant 1.562500e-02 : f32
      %mul3A_2286 = vector.broadcast %mul3A_2285 : f32 to vector<16xf32>
      %mul3A_2287 = arith.mulf %add3A_2284, %mul3A_2286 : vector<16xf32>
      %sub3A_2288 = arith.constant 1.000000e+00 : f32
      %sub3A_2289 = vector.broadcast %sub3A_2288 : f32 to vector<16xf32>
      %sub3A_2290 = arith.subf %mul3A_2287, %sub3A_2289 : vector<16xf32>
      %sub3A_2291 = arith.subf %sub3A_2290, %get3A_186 : vector<16xf32>
      %convert_element_type3A_2292 = arith.sitofp %min3A_2269 : vector<16xi32> to vector<16xf32>
      %add3A_2293 = arith.constant 5.000000e-01 : f32
      %add3A_2294 = vector.broadcast %add3A_2293 : f32 to vector<16xf32>
      %add3A_2295 = arith.addf %convert_element_type3A_2292, %add3A_2294 : vector<16xf32>
      %mul3A_2296 = arith.constant 1.562500e-02 : f32
      %mul3A_2297 = vector.broadcast %mul3A_2296 : f32 to vector<16xf32>
      %mul3A_2298 = arith.mulf %add3A_2295, %mul3A_2297 : vector<16xf32>
      %sub3A_2299 = arith.constant 1.000000e+00 : f32
      %sub3A_2300 = vector.broadcast %sub3A_2299 : f32 to vector<16xf32>
      %sub3A_2301 = arith.subf %mul3A_2298, %sub3A_2300 : vector<16xf32>
      %sub3A_2302 = arith.subf %sub3A_2301, %get3A_188 : vector<16xf32>
      %mul3A_2303 = arith.mulf %sub3A_2280, %sub3A_2280 : vector<16xf32>
      %mul3A_2304 = arith.mulf %sub3A_2291, %sub3A_2291 : vector<16xf32>
      %add3A_2305 = arith.addf %mul3A_2303, %mul3A_2304 : vector<16xf32>
      %mul3A_2306 = arith.mulf %sub3A_2302, %sub3A_2302 : vector<16xf32>
      %add3A_2307 = arith.addf %add3A_2305, %mul3A_2306 : vector<16xf32>
      %mul3A_2308 = arith.constant -4.000000e+02 : f32
      %mul3A_2309 = vector.broadcast %mul3A_2308 : f32 to vector<16xf32>
      %mul3A_2310 = arith.mulf %add3A_2307, %mul3A_2309 : vector<16xf32>
      %exp3A_2311 = math.exp %mul3A_2310 : vector<16xf32>
      %mul3A_2312 = arith.constant 128 : i32
      %mul3A_2313 = vector.broadcast %mul3A_2312 : i32 to vector<16xi32>
      %mul3A_2314 = arith.muli %min3A_2251, %mul3A_2313 : vector<16xi32>
      %add3A_2315 = arith.addi %mul3A_2314, %min3A_2260 : vector<16xi32>
      %mul3A_2316 = arith.constant 128 : i32
      %mul3A_2317 = vector.broadcast %mul3A_2316 : i32 to vector<16xi32>
      %mul3A_2318 = arith.muli %add3A_2315, %mul3A_2317 : vector<16xi32>
      %add3A_2319 = arith.addi %mul3A_2318, %min3A_2269 : vector<16xi32>
      %shift_right_logical3A_2320 = arith.constant 1 : i32
      %shift_right_logical3A_2321 = vector.broadcast %shift_right_logical3A_2320 : i32 to vector<16xi32>
      %shift_right_logical3A_2322 = arith.shrui %add3A_2319, %shift_right_logical3A_2321 : vector<16xi32>
      %mul3A_2323 = arith.constant 432 : i32
      %mul3A_2324 = arith.muli %scan3A_180, %mul3A_2323 : i32
      %add3A_2325 = arith.constant 256 : i32
      %add3A_2326 = arith.addi %mul3A_2324, %add3A_2325 : i32
      %swap3A_2327 = arith.index_cast %add3A_2326 : i32 to index
      %swap3A_2328 = tpu.vector_load %arg16[%swap3A_2327] {strides = array<i32>} : memref<12288xi32, #tpu.memory_space<vmem>>, vector<16xi32>,
      tpu.vector_store %arg16[%swap3A_2327], %shift_right_logical3A_2322 {strides = array<i32>} : memref<12288xi32, #tpu.memory_space<vmem>>, vector<16xi32>,
      %add3A_2329 = arith.constant 256 : i32
      %add3A_2330 = vector.broadcast %add3A_2329 : i32 to vector<16xi32>
      %add3A_2331 = arith.addi %add3A_2330, %iota3A : vector<16xi32>
      %and3A_2332 = arith.constant 1 : i32
      %and3A_2333 = vector.broadcast %and3A_2332 : i32 to vector<16xi32>
      %and3A_2334 = arith.andi %add3A_2319, %and3A_2333 : vector<16xi32>
      %mul3A_2335 = arith.constant 4 : i32
      %mul3A_2336 = vector.broadcast %mul3A_2335 : i32 to vector<16xi32>
      %mul3A_2337 = arith.muli %and3A_2334, %mul3A_2336 : vector<16xi32>
      %sub3A_2338 = arith.constant 4 : i32
      %sub3A_2339 = vector.broadcast %sub3A_2338 : i32 to vector<16xi32>
      %sub3A_2340 = arith.subi %sub3A_2339, %mul3A_2337 : vector<16xi32>
      %mul3A_2341 = arith.mulf %exp3A_2311, %get3A_190 : vector<16xf32>
      %mul3A_2342 = arith.mulf %exp3A_2311, %get3A_192 : vector<16xf32>
      %mul3A_2343 = arith.mulf %exp3A_2311, %get3A_194 : vector<16xf32>
      %add3A_2344 = arith.constant 0 : i32
      %add3A_2345 = vector.broadcast %add3A_2344 : i32 to vector<16xi32>
      %add3A_2346 = arith.addi %mul3A_2337, %add3A_2345 : vector<16xi32>
      tpu.vector_store_idx %arg17[%add3A_2331, %add3A_2346], %mul3A_2341 : memref<432x8xf32, #tpu.memory_space<vmem>>[vector<16xi32>, vector<16xi32>], vector<16xf32>,
      %add3A_2347 = arith.constant 0 : i32
      %add3A_2348 = vector.broadcast %add3A_2347 : i32 to vector<16xi32>
      %add3A_2349 = arith.addi %sub3A_2340, %add3A_2348 : vector<16xi32>
      tpu.vector_store_idx %arg17[%add3A_2331, %add3A_2349], %broadcast_in_dim3A_245 : memref<432x8xf32, #tpu.memory_space<vmem>>[vector<16xi32>, vector<16xi32>], vector<16xf32>,
      %add3A_2350 = arith.constant 1 : i32
      %add3A_2351 = vector.broadcast %add3A_2350 : i32 to vector<16xi32>
      %add3A_2352 = arith.addi %mul3A_2337, %add3A_2351 : vector<16xi32>
      tpu.vector_store_idx %arg17[%add3A_2331, %add3A_2352], %mul3A_2342 : memref<432x8xf32, #tpu.memory_space<vmem>>[vector<16xi32>, vector<16xi32>], vector<16xf32>,
      %add3A_2353 = arith.constant 1 : i32
      %add3A_2354 = vector.broadcast %add3A_2353 : i32 to vector<16xi32>
      %add3A_2355 = arith.addi %sub3A_2340, %add3A_2354 : vector<16xi32>
      tpu.vector_store_idx %arg17[%add3A_2331, %add3A_2355], %broadcast_in_dim3A_245 : memref<432x8xf32, #tpu.memory_space<vmem>>[vector<16xi32>, vector<16xi32>], vector<16xf32>,
      %add3A_2356 = arith.constant 2 : i32
      %add3A_2357 = vector.broadcast %add3A_2356 : i32 to vector<16xi32>
      %add3A_2358 = arith.addi %mul3A_2337, %add3A_2357 : vector<16xi32>
      tpu.vector_store_idx %arg17[%add3A_2331, %add3A_2358], %mul3A_2343 : memref<432x8xf32, #tpu.memory_space<vmem>>[vector<16xi32>, vector<16xi32>], vector<16xf32>,
      %add3A_2359 = arith.constant 2 : i32
      %add3A_2360 = vector.broadcast %add3A_2359 : i32 to vector<16xi32>
      %add3A_2361 = arith.addi %sub3A_2340, %add3A_2360 : vector<16xi32>
      tpu.vector_store_idx %arg17[%add3A_2331, %add3A_2361], %broadcast_in_dim3A_245 : memref<432x8xf32, #tpu.memory_space<vmem>>[vector<16xi32>, vector<16xi32>], vector<16xf32>,
      %add3A_2362 = arith.constant 3 : i32
      %add3A_2363 = vector.broadcast %add3A_2362 : i32 to vector<16xi32>
      %add3A_2364 = arith.addi %mul3A_2337, %add3A_2363 : vector<16xi32>
      tpu.vector_store_idx %arg17[%add3A_2331, %add3A_2364], %exp3A_2311 : memref<432x8xf32, #tpu.memory_space<vmem>>[vector<16xi32>, vector<16xi32>], vector<16xf32>,
      %add3A_2365 = arith.constant 3 : i32
      %add3A_2366 = vector.broadcast %add3A_2365 : i32 to vector<16xi32>
      %add3A_2367 = arith.addi %sub3A_2340, %add3A_2366 : vector<16xi32>
      tpu.vector_store_idx %arg17[%add3A_2331, %add3A_2367], %broadcast_in_dim3A_245 : memref<432x8xf32, #tpu.memory_space<vmem>>[vector<16xi32>, vector<16xi32>], vector<16xf32>,
      %add3A_2368 = arith.constant 0 : i32
      %add3A_2369 = vector.broadcast %add3A_2368 : i32 to vector<16xi32>
      %add3A_2370 = arith.addi %sub3A, %add3A_2369 : vector<16xi32>
      %jit3A_2371 = arith.constant 0 : i32
      %jit3A_2372 = arith.constant 127 : i32
      %max3A_2373 = vector.broadcast %jit3A_2371 : i32 to vector<16xi32>
      %max3A_2374 = arith.maxsi %max3A_2373, %add3A_2370 : vector<16xi32>
      %min3A_2375 = vector.broadcast %jit3A_2372 : i32 to vector<16xi32>
      %min3A_2376 = arith.minsi %min3A_2375, %max3A_2374 : vector<16xi32>
      %add3A_2377 = arith.constant 1 : i32
      %add3A_2378 = vector.broadcast %add3A_2377 : i32 to vector<16xi32>
      %add3A_2379 = arith.addi %sub3A_225, %add3A_2378 : vector<16xi32>
      %jit3A_2380 = arith.constant 0 : i32
      %jit3A_2381 = arith.constant 127 : i32
      %max3A_2382 = vector.broadcast %jit3A_2380 : i32 to vector<16xi32>
      %max3A_2383 = arith.maxsi %max3A_2382, %add3A_2379 : vector<16xi32>
      %min3A_2384 = vector.broadcast %jit3A_2381 : i32 to vector<16xi32>
      %min3A_2385 = arith.minsi %min3A_2384, %max3A_2383 : vector<16xi32>
      %add3A_2386 = arith.constant 1 : i32
      %add3A_2387 = vector.broadcast %add3A_2386 : i32 to vector<16xi32>
      %add3A_2388 = arith.addi %sub3A_243, %add3A_2387 : vector<16xi32>
      %jit3A_2389 = arith.constant 0 : i32
      %jit3A_2390 = arith.constant 127 : i32
      %max3A_2391 = vector.broadcast %jit3A_2389 : i32 to vector<16xi32>
      %max3A_2392 = arith.maxsi %max3A_2391, %add3A_2388 : vector<16xi32>
      %min3A_2393 = vector.broadcast %jit3A_2390 : i32 to vector<16xi32>
      %min3A_2394 = arith.minsi %min3A_2393, %max3A_2392 : vector<16xi32>
      %convert_element_type3A_2395 = arith.sitofp %min3A_2376 : vector<16xi32> to vector<16xf32>
      %add3A_2396 = arith.constant 5.000000e-01 : f32
      %add3A_2397 = vector.broadcast %add3A_2396 : f32 to vector<16xf32>
      %add3A_2398 = arith.addf %convert_element_type3A_2395, %add3A_2397 : vector<16xf32>
      %mul3A_2399 = arith.constant 1.562500e-02 : f32
      %mul3A_2400 = vector.broadcast %mul3A_2399 : f32 to vector<16xf32>
      %mul3A_2401 = arith.mulf %add3A_2398, %mul3A_2400 : vector<16xf32>
      %sub3A_2402 = arith.constant 1.000000e+00 : f32
      %sub3A_2403 = vector.broadcast %sub3A_2402 : f32 to vector<16xf32>
      %sub3A_2404 = arith.subf %mul3A_2401, %sub3A_2403 : vector<16xf32>
      %sub3A_2405 = arith.subf %sub3A_2404, %get3A_184 : vector<16xf32>
      %convert_element_type3A_2406 = arith.sitofp %min3A_2385 : vector<16xi32> to vector<16xf32>
      %add3A_2407 = arith.constant 5.000000e-01 : f32
      %add3A_2408 = vector.broadcast %add3A_2407 : f32 to vector<16xf32>
      %add3A_2409 = arith.addf %convert_element_type3A_2406, %add3A_2408 : vector<16xf32>
      %mul3A_2410 = arith.constant 1.562500e-02 : f32
      %mul3A_2411 = vector.broadcast %mul3A_2410 : f32 to vector<16xf32>
      %mul3A_2412 = arith.mulf %add3A_2409, %mul3A_2411 : vector<16xf32>
      %sub3A_2413 = arith.constant 1.000000e+00 : f32
      %sub3A_2414 = vector.broadcast %sub3A_2413 : f32 to vector<16xf32>
      %sub3A_2415 = arith.subf %mul3A_2412, %sub3A_2414 : vector<16xf32>
      %sub3A_2416 = arith.subf %sub3A_2415, %get3A_186 : vector<16xf32>
      %convert_element_type3A_2417 = arith.sitofp %min3A_2394 : vector<16xi32> to vector<16xf32>
      %add3A_2418 = arith.constant 5.000000e-01 : f32
      %add3A_2419 = vector.broadcast %add3A_2418 : f32 to vector<16xf32>
      %add3A_2420 = arith.addf %convert_element_type3A_2417, %add3A_2419 : vector<16xf32>
      %mul3A_2421 = arith.constant 1.562500e-02 : f32
      %mul3A_2422 = vector.broadcast %mul3A_2421 : f32 to vector<16xf32>
      %mul3A_2423 = arith.mulf %add3A_2420, %mul3A_2422 : vector<16xf32>
      %sub3A_2424 = arith.constant 1.000000e+00 : f32
      %sub3A_2425 = vector.broadcast %sub3A_2424 : f32 to vector<16xf32>
      %sub3A_2426 = arith.subf %mul3A_2423, %sub3A_2425 : vector<16xf32>
      %sub3A_2427 = arith.subf %sub3A_2426, %get3A_188 : vector<16xf32>
      %mul3A_2428 = arith.mulf %sub3A_2405, %sub3A_2405 : vector<16xf32>
      %mul3A_2429 = arith.mulf %sub3A_2416, %sub3A_2416 : vector<16xf32>
      %add3A_2430 = arith.addf %mul3A_2428, %mul3A_2429 : vector<16xf32>
      %mul3A_2431 = arith.mulf %sub3A_2427, %sub3A_2427 : vector<16xf32>
      %add3A_2432 = arith.addf %add3A_2430, %mul3A_2431 : vector<16xf32>
      %mul3A_2433 = arith.constant -4.000000e+02 : f32
      %mul3A_2434 = vector.broadcast %mul3A_2433 : f32 to vector<16xf32>
      %mul3A_2435 = arith.mulf %add3A_2432, %mul3A_2434 : vector<16xf32>
      %exp3A_2436 = math.exp %mul3A_2435 : vector<16xf32>
      %mul3A_2437 = arith.constant 128 : i32
      %mul3A_2438 = vector.broadcast %mul3A_2437 : i32 to vector<16xi32>
      %mul3A_2439 = arith.muli %min3A_2376, %mul3A_2438 : vector<16xi32>
      %add3A_2440 = arith.addi %mul3A_2439, %min3A_2385 : vector<16xi32>
      %mul3A_2441 = arith.constant 128 : i32
      %mul3A_2442 = vector.broadcast %mul3A_2441 : i32 to vector<16xi32>
      %mul3A_2443 = arith.muli %add3A_2440, %mul3A_2442 : vector<16xi32>
      %add3A_2444 = arith.addi %mul3A_2443, %min3A_2394 : vector<16xi32>
      %shift_right_logical3A_2445 = arith.constant 1 : i32
      %shift_right_logical3A_2446 = vector.broadcast %shift_right_logical3A_2445 : i32 to vector<16xi32>
      %shift_right_logical3A_2447 = arith.shrui %add3A_2444, %shift_right_logical3A_2446 : vector<16xi32>
      %mul3A_2448 = arith.constant 432 : i32
      %mul3A_2449 = arith.muli %scan3A_180, %mul3A_2448 : i32
      %add3A_2450 = arith.constant 272 : i32
      %add3A_2451 = arith.addi %mul3A_2449, %add3A_2450 : i32
      %swap3A_2452 = arith.index_cast %add3A_2451 : i32 to index
      %swap3A_2453 = tpu.vector_load %arg16[%swap3A_2452] {strides = array<i32>} : memref<12288xi32, #tpu.memory_space<vmem>>, vector<16xi32>,
      tpu.vector_store %arg16[%swap3A_2452], %shift_right_logical3A_2447 {strides = array<i32>} : memref<12288xi32, #tpu.memory_space<vmem>>, vector<16xi32>,
      %add3A_2454 = arith.constant 272 : i32
      %add3A_2455 = vector.broadcast %add3A_2454 : i32 to vector<16xi32>
      %add3A_2456 = arith.addi %add3A_2455, %iota3A : vector<16xi32>
      %and3A_2457 = arith.constant 1 : i32
      %and3A_2458 = vector.broadcast %and3A_2457 : i32 to vector<16xi32>
      %and3A_2459 = arith.andi %add3A_2444, %and3A_2458 : vector<16xi32>
      %mul3A_2460 = arith.constant 4 : i32
      %mul3A_2461 = vector.broadcast %mul3A_2460 : i32 to vector<16xi32>
      %mul3A_2462 = arith.muli %and3A_2459, %mul3A_2461 : vector<16xi32>
      %sub3A_2463 = arith.constant 4 : i32
      %sub3A_2464 = vector.broadcast %sub3A_2463 : i32 to vector<16xi32>
      %sub3A_2465 = arith.subi %sub3A_2464, %mul3A_2462 : vector<16xi32>
      %mul3A_2466 = arith.mulf %exp3A_2436, %get3A_190 : vector<16xf32>
      %mul3A_2467 = arith.mulf %exp3A_2436, %get3A_192 : vector<16xf32>
      %mul3A_2468 = arith.mulf %exp3A_2436, %get3A_194 : vector<16xf32>
      %add3A_2469 = arith.constant 0 : i32
      %add3A_2470 = vector.broadcast %add3A_2469 : i32 to vector<16xi32>
      %add3A_2471 = arith.addi %mul3A_2462, %add3A_2470 : vector<16xi32>
      tpu.vector_store_idx %arg17[%add3A_2456, %add3A_2471], %mul3A_2466 : memref<432x8xf32, #tpu.memory_space<vmem>>[vector<16xi32>, vector<16xi32>], vector<16xf32>,
      %add3A_2472 = arith.constant 0 : i32
      %add3A_2473 = vector.broadcast %add3A_2472 : i32 to vector<16xi32>
      %add3A_2474 = arith.addi %sub3A_2465, %add3A_2473 : vector<16xi32>
      tpu.vector_store_idx %arg17[%add3A_2456, %add3A_2474], %broadcast_in_dim3A_245 : memref<432x8xf32, #tpu.memory_space<vmem>>[vector<16xi32>, vector<16xi32>], vector<16xf32>,
      %add3A_2475 = arith.constant 1 : i32
      %add3A_2476 = vector.broadcast %add3A_2475 : i32 to vector<16xi32>
      %add3A_2477 = arith.addi %mul3A_2462, %add3A_2476 : vector<16xi32>
      tpu.vector_store_idx %arg17[%add3A_2456, %add3A_2477], %mul3A_2467 : memref<432x8xf32, #tpu.memory_space<vmem>>[vector<16xi32>, vector<16xi32>], vector<16xf32>,
      %add3A_2478 = arith.constant 1 : i32
      %add3A_2479 = vector.broadcast %add3A_2478 : i32 to vector<16xi32>
      %add3A_2480 = arith.addi %sub3A_2465, %add3A_2479 : vector<16xi32>
      tpu.vector_store_idx %arg17[%add3A_2456, %add3A_2480], %broadcast_in_dim3A_245 : memref<432x8xf32, #tpu.memory_space<vmem>>[vector<16xi32>, vector<16xi32>], vector<16xf32>,
      %add3A_2481 = arith.constant 2 : i32
      %add3A_2482 = vector.broadcast %add3A_2481 : i32 to vector<16xi32>
      %add3A_2483 = arith.addi %mul3A_2462, %add3A_2482 : vector<16xi32>
      tpu.vector_store_idx %arg17[%add3A_2456, %add3A_2483], %mul3A_2468 : memref<432x8xf32, #tpu.memory_space<vmem>>[vector<16xi32>, vector<16xi32>], vector<16xf32>,
      %add3A_2484 = arith.constant 2 : i32
      %add3A_2485 = vector.broadcast %add3A_2484 : i32 to vector<16xi32>
      %add3A_2486 = arith.addi %sub3A_2465, %add3A_2485 : vector<16xi32>
      tpu.vector_store_idx %arg17[%add3A_2456, %add3A_2486], %broadcast_in_dim3A_245 : memref<432x8xf32, #tpu.memory_space<vmem>>[vector<16xi32>, vector<16xi32>], vector<16xf32>,
      %add3A_2487 = arith.constant 3 : i32
      %add3A_2488 = vector.broadcast %add3A_2487 : i32 to vector<16xi32>
      %add3A_2489 = arith.addi %mul3A_2462, %add3A_2488 : vector<16xi32>
      tpu.vector_store_idx %arg17[%add3A_2456, %add3A_2489], %exp3A_2436 : memref<432x8xf32, #tpu.memory_space<vmem>>[vector<16xi32>, vector<16xi32>], vector<16xf32>,
      %add3A_2490 = arith.constant 3 : i32
      %add3A_2491 = vector.broadcast %add3A_2490 : i32 to vector<16xi32>
      %add3A_2492 = arith.addi %sub3A_2465, %add3A_2491 : vector<16xi32>
      tpu.vector_store_idx %arg17[%add3A_2456, %add3A_2492], %broadcast_in_dim3A_245 : memref<432x8xf32, #tpu.memory_space<vmem>>[vector<16xi32>, vector<16xi32>], vector<16xf32>,
      %add3A_2493 = arith.constant 1 : i32
      %add3A_2494 = vector.broadcast %add3A_2493 : i32 to vector<16xi32>
      %add3A_2495 = arith.addi %sub3A, %add3A_2494 : vector<16xi32>
      %jit3A_2496 = arith.constant 0 : i32
      %jit3A_2497 = arith.constant 127 : i32
      %max3A_2498 = vector.broadcast %jit3A_2496 : i32 to vector<16xi32>
      %max3A_2499 = arith.maxsi %max3A_2498, %add3A_2495 : vector<16xi32>
      %min3A_2500 = vector.broadcast %jit3A_2497 : i32 to vector<16xi32>
      %min3A_2501 = arith.minsi %min3A_2500, %max3A_2499 : vector<16xi32>
      %add3A_2502 = arith.constant -1 : i32
      %add3A_2503 = vector.broadcast %add3A_2502 : i32 to vector<16xi32>
      %add3A_2504 = arith.addi %sub3A_225, %add3A_2503 : vector<16xi32>
      %jit3A_2505 = arith.constant 0 : i32
      %jit3A_2506 = arith.constant 127 : i32
      %max3A_2507 = vector.broadcast %jit3A_2505 : i32 to vector<16xi32>
      %max3A_2508 = arith.maxsi %max3A_2507, %add3A_2504 : vector<16xi32>
      %min3A_2509 = vector.broadcast %jit3A_2506 : i32 to vector<16xi32>
      %min3A_2510 = arith.minsi %min3A_2509, %max3A_2508 : vector<16xi32>
      %add3A_2511 = arith.constant -1 : i32
      %add3A_2512 = vector.broadcast %add3A_2511 : i32 to vector<16xi32>
      %add3A_2513 = arith.addi %sub3A_243, %add3A_2512 : vector<16xi32>
      %jit3A_2514 = arith.constant 0 : i32
      %jit3A_2515 = arith.constant 127 : i32
      %max3A_2516 = vector.broadcast %jit3A_2514 : i32 to vector<16xi32>
      %max3A_2517 = arith.maxsi %max3A_2516, %add3A_2513 : vector<16xi32>
      %min3A_2518 = vector.broadcast %jit3A_2515 : i32 to vector<16xi32>
      %min3A_2519 = arith.minsi %min3A_2518, %max3A_2517 : vector<16xi32>
      %convert_element_type3A_2520 = arith.sitofp %min3A_2501 : vector<16xi32> to vector<16xf32>
      %add3A_2521 = arith.constant 5.000000e-01 : f32
      %add3A_2522 = vector.broadcast %add3A_2521 : f32 to vector<16xf32>
      %add3A_2523 = arith.addf %convert_element_type3A_2520, %add3A_2522 : vector<16xf32>
      %mul3A_2524 = arith.constant 1.562500e-02 : f32
      %mul3A_2525 = vector.broadcast %mul3A_2524 : f32 to vector<16xf32>
      %mul3A_2526 = arith.mulf %add3A_2523, %mul3A_2525 : vector<16xf32>
      %sub3A_2527 = arith.constant 1.000000e+00 : f32
      %sub3A_2528 = vector.broadcast %sub3A_2527 : f32 to vector<16xf32>
      %sub3A_2529 = arith.subf %mul3A_2526, %sub3A_2528 : vector<16xf32>
      %sub3A_2530 = arith.subf %sub3A_2529, %get3A_184 : vector<16xf32>
      %convert_element_type3A_2531 = arith.sitofp %min3A_2510 : vector<16xi32> to vector<16xf32>
      %add3A_2532 = arith.constant 5.000000e-01 : f32
      %add3A_2533 = vector.broadcast %add3A_2532 : f32 to vector<16xf32>
      %add3A_2534 = arith.addf %convert_element_type3A_2531, %add3A_2533 : vector<16xf32>
      %mul3A_2535 = arith.constant 1.562500e-02 : f32
      %mul3A_2536 = vector.broadcast %mul3A_2535 : f32 to vector<16xf32>
      %mul3A_2537 = arith.mulf %add3A_2534, %mul3A_2536 : vector<16xf32>
      %sub3A_2538 = arith.constant 1.000000e+00 : f32
      %sub3A_2539 = vector.broadcast %sub3A_2538 : f32 to vector<16xf32>
      %sub3A_2540 = arith.subf %mul3A_2537, %sub3A_2539 : vector<16xf32>
      %sub3A_2541 = arith.subf %sub3A_2540, %get3A_186 : vector<16xf32>
      %convert_element_type3A_2542 = arith.sitofp %min3A_2519 : vector<16xi32> to vector<16xf32>
      %add3A_2543 = arith.constant 5.000000e-01 : f32
      %add3A_2544 = vector.broadcast %add3A_2543 : f32 to vector<16xf32>
      %add3A_2545 = arith.addf %convert_element_type3A_2542, %add3A_2544 : vector<16xf32>
      %mul3A_2546 = arith.constant 1.562500e-02 : f32
      %mul3A_2547 = vector.broadcast %mul3A_2546 : f32 to vector<16xf32>
      %mul3A_2548 = arith.mulf %add3A_2545, %mul3A_2547 : vector<16xf32>
      %sub3A_2549 = arith.constant 1.000000e+00 : f32
      %sub3A_2550 = vector.broadcast %sub3A_2549 : f32 to vector<16xf32>
      %sub3A_2551 = arith.subf %mul3A_2548, %sub3A_2550 : vector<16xf32>
      %sub3A_2552 = arith.subf %sub3A_2551, %get3A_188 : vector<16xf32>
      %mul3A_2553 = arith.mulf %sub3A_2530, %sub3A_2530 : vector<16xf32>
      %mul3A_2554 = arith.mulf %sub3A_2541, %sub3A_2541 : vector<16xf32>
      %add3A_2555 = arith.addf %mul3A_2553, %mul3A_2554 : vector<16xf32>
      %mul3A_2556 = arith.mulf %sub3A_2552, %sub3A_2552 : vector<16xf32>
      %add3A_2557 = arith.addf %add3A_2555, %mul3A_2556 : vector<16xf32>
      %mul3A_2558 = arith.constant -4.000000e+02 : f32
      %mul3A_2559 = vector.broadcast %mul3A_2558 : f32 to vector<16xf32>
      %mul3A_2560 = arith.mulf %add3A_2557, %mul3A_2559 : vector<16xf32>
      %exp3A_2561 = math.exp %mul3A_2560 : vector<16xf32>
      %mul3A_2562 = arith.constant 128 : i32
      %mul3A_2563 = vector.broadcast %mul3A_2562 : i32 to vector<16xi32>
      %mul3A_2564 = arith.muli %min3A_2501, %mul3A_2563 : vector<16xi32>
      %add3A_2565 = arith.addi %mul3A_2564, %min3A_2510 : vector<16xi32>
      %mul3A_2566 = arith.constant 128 : i32
      %mul3A_2567 = vector.broadcast %mul3A_2566 : i32 to vector<16xi32>
      %mul3A_2568 = arith.muli %add3A_2565, %mul3A_2567 : vector<16xi32>
      %add3A_2569 = arith.addi %mul3A_2568, %min3A_2519 : vector<16xi32>
      %shift_right_logical3A_2570 = arith.constant 1 : i32
      %shift_right_logical3A_2571 = vector.broadcast %shift_right_logical3A_2570 : i32 to vector<16xi32>
      %shift_right_logical3A_2572 = arith.shrui %add3A_2569, %shift_right_logical3A_2571 : vector<16xi32>
      %mul3A_2573 = arith.constant 432 : i32
      %mul3A_2574 = arith.muli %scan3A_180, %mul3A_2573 : i32
      %add3A_2575 = arith.constant 288 : i32
      %add3A_2576 = arith.addi %mul3A_2574, %add3A_2575 : i32
      %swap3A_2577 = arith.index_cast %add3A_2576 : i32 to index
      %swap3A_2578 = tpu.vector_load %arg16[%swap3A_2577] {strides = array<i32>} : memref<12288xi32, #tpu.memory_space<vmem>>, vector<16xi32>,
      tpu.vector_store %arg16[%swap3A_2577], %shift_right_logical3A_2572 {strides = array<i32>} : memref<12288xi32, #tpu.memory_space<vmem>>, vector<16xi32>,
      %add3A_2579 = arith.constant 288 : i32
      %add3A_2580 = vector.broadcast %add3A_2579 : i32 to vector<16xi32>
      %add3A_2581 = arith.addi %add3A_2580, %iota3A : vector<16xi32>
      %and3A_2582 = arith.constant 1 : i32
      %and3A_2583 = vector.broadcast %and3A_2582 : i32 to vector<16xi32>
      %and3A_2584 = arith.andi %add3A_2569, %and3A_2583 : vector<16xi32>
      %mul3A_2585 = arith.constant 4 : i32
      %mul3A_2586 = vector.broadcast %mul3A_2585 : i32 to vector<16xi32>
      %mul3A_2587 = arith.muli %and3A_2584, %mul3A_2586 : vector<16xi32>
      %sub3A_2588 = arith.constant 4 : i32
      %sub3A_2589 = vector.broadcast %sub3A_2588 : i32 to vector<16xi32>
      %sub3A_2590 = arith.subi %sub3A_2589, %mul3A_2587 : vector<16xi32>
      %mul3A_2591 = arith.mulf %exp3A_2561, %get3A_190 : vector<16xf32>
      %mul3A_2592 = arith.mulf %exp3A_2561, %get3A_192 : vector<16xf32>
      %mul3A_2593 = arith.mulf %exp3A_2561, %get3A_194 : vector<16xf32>
      %add3A_2594 = arith.constant 0 : i32
      %add3A_2595 = vector.broadcast %add3A_2594 : i32 to vector<16xi32>
      %add3A_2596 = arith.addi %mul3A_2587, %add3A_2595 : vector<16xi32>
      tpu.vector_store_idx %arg17[%add3A_2581, %add3A_2596], %mul3A_2591 : memref<432x8xf32, #tpu.memory_space<vmem>>[vector<16xi32>, vector<16xi32>], vector<16xf32>,
      %add3A_2597 = arith.constant 0 : i32
      %add3A_2598 = vector.broadcast %add3A_2597 : i32 to vector<16xi32>
      %add3A_2599 = arith.addi %sub3A_2590, %add3A_2598 : vector<16xi32>
      tpu.vector_store_idx %arg17[%add3A_2581, %add3A_2599], %broadcast_in_dim3A_245 : memref<432x8xf32, #tpu.memory_space<vmem>>[vector<16xi32>, vector<16xi32>], vector<16xf32>,
      %add3A_2600 = arith.constant 1 : i32
      %add3A_2601 = vector.broadcast %add3A_2600 : i32 to vector<16xi32>
      %add3A_2602 = arith.addi %mul3A_2587, %add3A_2601 : vector<16xi32>
      tpu.vector_store_idx %arg17[%add3A_2581, %add3A_2602], %mul3A_2592 : memref<432x8xf32, #tpu.memory_space<vmem>>[vector<16xi32>, vector<16xi32>], vector<16xf32>,
      %add3A_2603 = arith.constant 1 : i32
      %add3A_2604 = vector.broadcast %add3A_2603 : i32 to vector<16xi32>
      %add3A_2605 = arith.addi %sub3A_2590, %add3A_2604 : vector<16xi32>
      tpu.vector_store_idx %arg17[%add3A_2581, %add3A_2605], %broadcast_in_dim3A_245 : memref<432x8xf32, #tpu.memory_space<vmem>>[vector<16xi32>, vector<16xi32>], vector<16xf32>,
      %add3A_2606 = arith.constant 2 : i32
      %add3A_2607 = vector.broadcast %add3A_2606 : i32 to vector<16xi32>
      %add3A_2608 = arith.addi %mul3A_2587, %add3A_2607 : vector<16xi32>
      tpu.vector_store_idx %arg17[%add3A_2581, %add3A_2608], %mul3A_2593 : memref<432x8xf32, #tpu.memory_space<vmem>>[vector<16xi32>, vector<16xi32>], vector<16xf32>,
      %add3A_2609 = arith.constant 2 : i32
      %add3A_2610 = vector.broadcast %add3A_2609 : i32 to vector<16xi32>
      %add3A_2611 = arith.addi %sub3A_2590, %add3A_2610 : vector<16xi32>
      tpu.vector_store_idx %arg17[%add3A_2581, %add3A_2611], %broadcast_in_dim3A_245 : memref<432x8xf32, #tpu.memory_space<vmem>>[vector<16xi32>, vector<16xi32>], vector<16xf32>,
      %add3A_2612 = arith.constant 3 : i32
      %add3A_2613 = vector.broadcast %add3A_2612 : i32 to vector<16xi32>
      %add3A_2614 = arith.addi %mul3A_2587, %add3A_2613 : vector<16xi32>
      tpu.vector_store_idx %arg17[%add3A_2581, %add3A_2614], %exp3A_2561 : memref<432x8xf32, #tpu.memory_space<vmem>>[vector<16xi32>, vector<16xi32>], vector<16xf32>,
      %add3A_2615 = arith.constant 3 : i32
      %add3A_2616 = vector.broadcast %add3A_2615 : i32 to vector<16xi32>
      %add3A_2617 = arith.addi %sub3A_2590, %add3A_2616 : vector<16xi32>
      tpu.vector_store_idx %arg17[%add3A_2581, %add3A_2617], %broadcast_in_dim3A_245 : memref<432x8xf32, #tpu.memory_space<vmem>>[vector<16xi32>, vector<16xi32>], vector<16xf32>,
      %add3A_2618 = arith.constant 1 : i32
      %add3A_2619 = vector.broadcast %add3A_2618 : i32 to vector<16xi32>
      %add3A_2620 = arith.addi %sub3A, %add3A_2619 : vector<16xi32>
      %jit3A_2621 = arith.constant 0 : i32
      %jit3A_2622 = arith.constant 127 : i32
      %max3A_2623 = vector.broadcast %jit3A_2621 : i32 to vector<16xi32>
      %max3A_2624 = arith.maxsi %max3A_2623, %add3A_2620 : vector<16xi32>
      %min3A_2625 = vector.broadcast %jit3A_2622 : i32 to vector<16xi32>
      %min3A_2626 = arith.minsi %min3A_2625, %max3A_2624 : vector<16xi32>
      %add3A_2627 = arith.constant -1 : i32
      %add3A_2628 = vector.broadcast %add3A_2627 : i32 to vector<16xi32>
      %add3A_2629 = arith.addi %sub3A_225, %add3A_2628 : vector<16xi32>
      %jit3A_2630 = arith.constant 0 : i32
      %jit3A_2631 = arith.constant 127 : i32
      %max3A_2632 = vector.broadcast %jit3A_2630 : i32 to vector<16xi32>
      %max3A_2633 = arith.maxsi %max3A_2632, %add3A_2629 : vector<16xi32>
      %min3A_2634 = vector.broadcast %jit3A_2631 : i32 to vector<16xi32>
      %min3A_2635 = arith.minsi %min3A_2634, %max3A_2633 : vector<16xi32>
      %add3A_2636 = arith.constant 0 : i32
      %add3A_2637 = vector.broadcast %add3A_2636 : i32 to vector<16xi32>
      %add3A_2638 = arith.addi %sub3A_243, %add3A_2637 : vector<16xi32>
      %jit3A_2639 = arith.constant 0 : i32
      %jit3A_2640 = arith.constant 127 : i32
      %max3A_2641 = vector.broadcast %jit3A_2639 : i32 to vector<16xi32>
      %max3A_2642 = arith.maxsi %max3A_2641, %add3A_2638 : vector<16xi32>
      %min3A_2643 = vector.broadcast %jit3A_2640 : i32 to vector<16xi32>
      %min3A_2644 = arith.minsi %min3A_2643, %max3A_2642 : vector<16xi32>
      %convert_element_type3A_2645 = arith.sitofp %min3A_2626 : vector<16xi32> to vector<16xf32>
      %add3A_2646 = arith.constant 5.000000e-01 : f32
      %add3A_2647 = vector.broadcast %add3A_2646 : f32 to vector<16xf32>
      %add3A_2648 = arith.addf %convert_element_type3A_2645, %add3A_2647 : vector<16xf32>
      %mul3A_2649 = arith.constant 1.562500e-02 : f32
      %mul3A_2650 = vector.broadcast %mul3A_2649 : f32 to vector<16xf32>
      %mul3A_2651 = arith.mulf %add3A_2648, %mul3A_2650 : vector<16xf32>
      %sub3A_2652 = arith.constant 1.000000e+00 : f32
      %sub3A_2653 = vector.broadcast %sub3A_2652 : f32 to vector<16xf32>
      %sub3A_2654 = arith.subf %mul3A_2651, %sub3A_2653 : vector<16xf32>
      %sub3A_2655 = arith.subf %sub3A_2654, %get3A_184 : vector<16xf32>
      %convert_element_type3A_2656 = arith.sitofp %min3A_2635 : vector<16xi32> to vector<16xf32>
      %add3A_2657 = arith.constant 5.000000e-01 : f32
      %add3A_2658 = vector.broadcast %add3A_2657 : f32 to vector<16xf32>
      %add3A_2659 = arith.addf %convert_element_type3A_2656, %add3A_2658 : vector<16xf32>
      %mul3A_2660 = arith.constant 1.562500e-02 : f32
      %mul3A_2661 = vector.broadcast %mul3A_2660 : f32 to vector<16xf32>
      %mul3A_2662 = arith.mulf %add3A_2659, %mul3A_2661 : vector<16xf32>
      %sub3A_2663 = arith.constant 1.000000e+00 : f32
      %sub3A_2664 = vector.broadcast %sub3A_2663 : f32 to vector<16xf32>
      %sub3A_2665 = arith.subf %mul3A_2662, %sub3A_2664 : vector<16xf32>
      %sub3A_2666 = arith.subf %sub3A_2665, %get3A_186 : vector<16xf32>
      %convert_element_type3A_2667 = arith.sitofp %min3A_2644 : vector<16xi32> to vector<16xf32>
      %add3A_2668 = arith.constant 5.000000e-01 : f32
      %add3A_2669 = vector.broadcast %add3A_2668 : f32 to vector<16xf32>
      %add3A_2670 = arith.addf %convert_element_type3A_2667, %add3A_2669 : vector<16xf32>
      %mul3A_2671 = arith.constant 1.562500e-02 : f32
      %mul3A_2672 = vector.broadcast %mul3A_2671 : f32 to vector<16xf32>
      %mul3A_2673 = arith.mulf %add3A_2670, %mul3A_2672 : vector<16xf32>
      %sub3A_2674 = arith.constant 1.000000e+00 : f32
      %sub3A_2675 = vector.broadcast %sub3A_2674 : f32 to vector<16xf32>
      %sub3A_2676 = arith.subf %mul3A_2673, %sub3A_2675 : vector<16xf32>
      %sub3A_2677 = arith.subf %sub3A_2676, %get3A_188 : vector<16xf32>
      %mul3A_2678 = arith.mulf %sub3A_2655, %sub3A_2655 : vector<16xf32>
      %mul3A_2679 = arith.mulf %sub3A_2666, %sub3A_2666 : vector<16xf32>
      %add3A_2680 = arith.addf %mul3A_2678, %mul3A_2679 : vector<16xf32>
      %mul3A_2681 = arith.mulf %sub3A_2677, %sub3A_2677 : vector<16xf32>
      %add3A_2682 = arith.addf %add3A_2680, %mul3A_2681 : vector<16xf32>
      %mul3A_2683 = arith.constant -4.000000e+02 : f32
      %mul3A_2684 = vector.broadcast %mul3A_2683 : f32 to vector<16xf32>
      %mul3A_2685 = arith.mulf %add3A_2682, %mul3A_2684 : vector<16xf32>
      %exp3A_2686 = math.exp %mul3A_2685 : vector<16xf32>
      %mul3A_2687 = arith.constant 128 : i32
      %mul3A_2688 = vector.broadcast %mul3A_2687 : i32 to vector<16xi32>
      %mul3A_2689 = arith.muli %min3A_2626, %mul3A_2688 : vector<16xi32>
      %add3A_2690 = arith.addi %mul3A_2689, %min3A_2635 : vector<16xi32>
      %mul3A_2691 = arith.constant 128 : i32
      %mul3A_2692 = vector.broadcast %mul3A_2691 : i32 to vector<16xi32>
      %mul3A_2693 = arith.muli %add3A_2690, %mul3A_2692 : vector<16xi32>
      %add3A_2694 = arith.addi %mul3A_2693, %min3A_2644 : vector<16xi32>
      %shift_right_logical3A_2695 = arith.constant 1 : i32
      %shift_right_logical3A_2696 = vector.broadcast %shift_right_logical3A_2695 : i32 to vector<16xi32>
      %shift_right_logical3A_2697 = arith.shrui %add3A_2694, %shift_right_logical3A_2696 : vector<16xi32>
      %mul3A_2698 = arith.constant 432 : i32
      %mul3A_2699 = arith.muli %scan3A_180, %mul3A_2698 : i32
      %add3A_2700 = arith.constant 304 : i32
      %add3A_2701 = arith.addi %mul3A_2699, %add3A_2700 : i32
      %swap3A_2702 = arith.index_cast %add3A_2701 : i32 to index
      %swap3A_2703 = tpu.vector_load %arg16[%swap3A_2702] {strides = array<i32>} : memref<12288xi32, #tpu.memory_space<vmem>>, vector<16xi32>,
      tpu.vector_store %arg16[%swap3A_2702], %shift_right_logical3A_2697 {strides = array<i32>} : memref<12288xi32, #tpu.memory_space<vmem>>, vector<16xi32>,
      %add3A_2704 = arith.constant 304 : i32
      %add3A_2705 = vector.broadcast %add3A_2704 : i32 to vector<16xi32>
      %add3A_2706 = arith.addi %add3A_2705, %iota3A : vector<16xi32>
      %and3A_2707 = arith.constant 1 : i32
      %and3A_2708 = vector.broadcast %and3A_2707 : i32 to vector<16xi32>
      %and3A_2709 = arith.andi %add3A_2694, %and3A_2708 : vector<16xi32>
      %mul3A_2710 = arith.constant 4 : i32
      %mul3A_2711 = vector.broadcast %mul3A_2710 : i32 to vector<16xi32>
      %mul3A_2712 = arith.muli %and3A_2709, %mul3A_2711 : vector<16xi32>
      %sub3A_2713 = arith.constant 4 : i32
      %sub3A_2714 = vector.broadcast %sub3A_2713 : i32 to vector<16xi32>
      %sub3A_2715 = arith.subi %sub3A_2714, %mul3A_2712 : vector<16xi32>
      %mul3A_2716 = arith.mulf %exp3A_2686, %get3A_190 : vector<16xf32>
      %mul3A_2717 = arith.mulf %exp3A_2686, %get3A_192 : vector<16xf32>
      %mul3A_2718 = arith.mulf %exp3A_2686, %get3A_194 : vector<16xf32>
      %add3A_2719 = arith.constant 0 : i32
      %add3A_2720 = vector.broadcast %add3A_2719 : i32 to vector<16xi32>
      %add3A_2721 = arith.addi %mul3A_2712, %add3A_2720 : vector<16xi32>
      tpu.vector_store_idx %arg17[%add3A_2706, %add3A_2721], %mul3A_2716 : memref<432x8xf32, #tpu.memory_space<vmem>>[vector<16xi32>, vector<16xi32>], vector<16xf32>,
      %add3A_2722 = arith.constant 0 : i32
      %add3A_2723 = vector.broadcast %add3A_2722 : i32 to vector<16xi32>
      %add3A_2724 = arith.addi %sub3A_2715, %add3A_2723 : vector<16xi32>
      tpu.vector_store_idx %arg17[%add3A_2706, %add3A_2724], %broadcast_in_dim3A_245 : memref<432x8xf32, #tpu.memory_space<vmem>>[vector<16xi32>, vector<16xi32>], vector<16xf32>,
      %add3A_2725 = arith.constant 1 : i32
      %add3A_2726 = vector.broadcast %add3A_2725 : i32 to vector<16xi32>
      %add3A_2727 = arith.addi %mul3A_2712, %add3A_2726 : vector<16xi32>
      tpu.vector_store_idx %arg17[%add3A_2706, %add3A_2727], %mul3A_2717 : memref<432x8xf32, #tpu.memory_space<vmem>>[vector<16xi32>, vector<16xi32>], vector<16xf32>,
      %add3A_2728 = arith.constant 1 : i32
      %add3A_2729 = vector.broadcast %add3A_2728 : i32 to vector<16xi32>
      %add3A_2730 = arith.addi %sub3A_2715, %add3A_2729 : vector<16xi32>
      tpu.vector_store_idx %arg17[%add3A_2706, %add3A_2730], %broadcast_in_dim3A_245 : memref<432x8xf32, #tpu.memory_space<vmem>>[vector<16xi32>, vector<16xi32>], vector<16xf32>,
      %add3A_2731 = arith.constant 2 : i32
      %add3A_2732 = vector.broadcast %add3A_2731 : i32 to vector<16xi32>
      %add3A_2733 = arith.addi %mul3A_2712, %add3A_2732 : vector<16xi32>
      tpu.vector_store_idx %arg17[%add3A_2706, %add3A_2733], %mul3A_2718 : memref<432x8xf32, #tpu.memory_space<vmem>>[vector<16xi32>, vector<16xi32>], vector<16xf32>,
      %add3A_2734 = arith.constant 2 : i32
      %add3A_2735 = vector.broadcast %add3A_2734 : i32 to vector<16xi32>
      %add3A_2736 = arith.addi %sub3A_2715, %add3A_2735 : vector<16xi32>
      tpu.vector_store_idx %arg17[%add3A_2706, %add3A_2736], %broadcast_in_dim3A_245 : memref<432x8xf32, #tpu.memory_space<vmem>>[vector<16xi32>, vector<16xi32>], vector<16xf32>,
      %add3A_2737 = arith.constant 3 : i32
      %add3A_2738 = vector.broadcast %add3A_2737 : i32 to vector<16xi32>
      %add3A_2739 = arith.addi %mul3A_2712, %add3A_2738 : vector<16xi32>
      tpu.vector_store_idx %arg17[%add3A_2706, %add3A_2739], %exp3A_2686 : memref<432x8xf32, #tpu.memory_space<vmem>>[vector<16xi32>, vector<16xi32>], vector<16xf32>,
      %add3A_2740 = arith.constant 3 : i32
      %add3A_2741 = vector.broadcast %add3A_2740 : i32 to vector<16xi32>
      %add3A_2742 = arith.addi %sub3A_2715, %add3A_2741 : vector<16xi32>
      tpu.vector_store_idx %arg17[%add3A_2706, %add3A_2742], %broadcast_in_dim3A_245 : memref<432x8xf32, #tpu.memory_space<vmem>>[vector<16xi32>, vector<16xi32>], vector<16xf32>,
      %add3A_2743 = arith.constant 1 : i32
      %add3A_2744 = vector.broadcast %add3A_2743 : i32 to vector<16xi32>
      %add3A_2745 = arith.addi %sub3A, %add3A_2744 : vector<16xi32>
      %jit3A_2746 = arith.constant 0 : i32
      %jit3A_2747 = arith.constant 127 : i32
      %max3A_2748 = vector.broadcast %jit3A_2746 : i32 to vector<16xi32>
      %max3A_2749 = arith.maxsi %max3A_2748, %add3A_2745 : vector<16xi32>
      %min3A_2750 = vector.broadcast %jit3A_2747 : i32 to vector<16xi32>
      %min3A_2751 = arith.minsi %min3A_2750, %max3A_2749 : vector<16xi32>
      %add3A_2752 = arith.constant -1 : i32
      %add3A_2753 = vector.broadcast %add3A_2752 : i32 to vector<16xi32>
      %add3A_2754 = arith.addi %sub3A_225, %add3A_2753 : vector<16xi32>
      %jit3A_2755 = arith.constant 0 : i32
      %jit3A_2756 = arith.constant 127 : i32
      %max3A_2757 = vector.broadcast %jit3A_2755 : i32 to vector<16xi32>
      %max3A_2758 = arith.maxsi %max3A_2757, %add3A_2754 : vector<16xi32>
      %min3A_2759 = vector.broadcast %jit3A_2756 : i32 to vector<16xi32>
      %min3A_2760 = arith.minsi %min3A_2759, %max3A_2758 : vector<16xi32>
      %add3A_2761 = arith.constant 1 : i32
      %add3A_2762 = vector.broadcast %add3A_2761 : i32 to vector<16xi32>
      %add3A_2763 = arith.addi %sub3A_243, %add3A_2762 : vector<16xi32>
      %jit3A_2764 = arith.constant 0 : i32
      %jit3A_2765 = arith.constant 127 : i32
      %max3A_2766 = vector.broadcast %jit3A_2764 : i32 to vector<16xi32>
      %max3A_2767 = arith.maxsi %max3A_2766, %add3A_2763 : vector<16xi32>
      %min3A_2768 = vector.broadcast %jit3A_2765 : i32 to vector<16xi32>
      %min3A_2769 = arith.minsi %min3A_2768, %max3A_2767 : vector<16xi32>
      %convert_element_type3A_2770 = arith.sitofp %min3A_2751 : vector<16xi32> to vector<16xf32>
      %add3A_2771 = arith.constant 5.000000e-01 : f32
      %add3A_2772 = vector.broadcast %add3A_2771 : f32 to vector<16xf32>
      %add3A_2773 = arith.addf %convert_element_type3A_2770, %add3A_2772 : vector<16xf32>
      %mul3A_2774 = arith.constant 1.562500e-02 : f32
      %mul3A_2775 = vector.broadcast %mul3A_2774 : f32 to vector<16xf32>
      %mul3A_2776 = arith.mulf %add3A_2773, %mul3A_2775 : vector<16xf32>
      %sub3A_2777 = arith.constant 1.000000e+00 : f32
      %sub3A_2778 = vector.broadcast %sub3A_2777 : f32 to vector<16xf32>
      %sub3A_2779 = arith.subf %mul3A_2776, %sub3A_2778 : vector<16xf32>
      %sub3A_2780 = arith.subf %sub3A_2779, %get3A_184 : vector<16xf32>
      %convert_element_type3A_2781 = arith.sitofp %min3A_2760 : vector<16xi32> to vector<16xf32>
      %add3A_2782 = arith.constant 5.000000e-01 : f32
      %add3A_2783 = vector.broadcast %add3A_2782 : f32 to vector<16xf32>
      %add3A_2784 = arith.addf %convert_element_type3A_2781, %add3A_2783 : vector<16xf32>
      %mul3A_2785 = arith.constant 1.562500e-02 : f32
      %mul3A_2786 = vector.broadcast %mul3A_2785 : f32 to vector<16xf32>
      %mul3A_2787 = arith.mulf %add3A_2784, %mul3A_2786 : vector<16xf32>
      %sub3A_2788 = arith.constant 1.000000e+00 : f32
      %sub3A_2789 = vector.broadcast %sub3A_2788 : f32 to vector<16xf32>
      %sub3A_2790 = arith.subf %mul3A_2787, %sub3A_2789 : vector<16xf32>
      %sub3A_2791 = arith.subf %sub3A_2790, %get3A_186 : vector<16xf32>
      %convert_element_type3A_2792 = arith.sitofp %min3A_2769 : vector<16xi32> to vector<16xf32>
      %add3A_2793 = arith.constant 5.000000e-01 : f32
      %add3A_2794 = vector.broadcast %add3A_2793 : f32 to vector<16xf32>
      %add3A_2795 = arith.addf %convert_element_type3A_2792, %add3A_2794 : vector<16xf32>
      %mul3A_2796 = arith.constant 1.562500e-02 : f32
      %mul3A_2797 = vector.broadcast %mul3A_2796 : f32 to vector<16xf32>
      %mul3A_2798 = arith.mulf %add3A_2795, %mul3A_2797 : vector<16xf32>
      %sub3A_2799 = arith.constant 1.000000e+00 : f32
      %sub3A_2800 = vector.broadcast %sub3A_2799 : f32 to vector<16xf32>
      %sub3A_2801 = arith.subf %mul3A_2798, %sub3A_2800 : vector<16xf32>
      %sub3A_2802 = arith.subf %sub3A_2801, %get3A_188 : vector<16xf32>
      %mul3A_2803 = arith.mulf %sub3A_2780, %sub3A_2780 : vector<16xf32>
      %mul3A_2804 = arith.mulf %sub3A_2791, %sub3A_2791 : vector<16xf32>
      %add3A_2805 = arith.addf %mul3A_2803, %mul3A_2804 : vector<16xf32>
      %mul3A_2806 = arith.mulf %sub3A_2802, %sub3A_2802 : vector<16xf32>
      %add3A_2807 = arith.addf %add3A_2805, %mul3A_2806 : vector<16xf32>
      %mul3A_2808 = arith.constant -4.000000e+02 : f32
      %mul3A_2809 = vector.broadcast %mul3A_2808 : f32 to vector<16xf32>
      %mul3A_2810 = arith.mulf %add3A_2807, %mul3A_2809 : vector<16xf32>
      %exp3A_2811 = math.exp %mul3A_2810 : vector<16xf32>
      %mul3A_2812 = arith.constant 128 : i32
      %mul3A_2813 = vector.broadcast %mul3A_2812 : i32 to vector<16xi32>
      %mul3A_2814 = arith.muli %min3A_2751, %mul3A_2813 : vector<16xi32>
      %add3A_2815 = arith.addi %mul3A_2814, %min3A_2760 : vector<16xi32>
      %mul3A_2816 = arith.constant 128 : i32
      %mul3A_2817 = vector.broadcast %mul3A_2816 : i32 to vector<16xi32>
      %mul3A_2818 = arith.muli %add3A_2815, %mul3A_2817 : vector<16xi32>
      %add3A_2819 = arith.addi %mul3A_2818, %min3A_2769 : vector<16xi32>
      %shift_right_logical3A_2820 = arith.constant 1 : i32
      %shift_right_logical3A_2821 = vector.broadcast %shift_right_logical3A_2820 : i32 to vector<16xi32>
      %shift_right_logical3A_2822 = arith.shrui %add3A_2819, %shift_right_logical3A_2821 : vector<16xi32>
      %mul3A_2823 = arith.constant 432 : i32
      %mul3A_2824 = arith.muli %scan3A_180, %mul3A_2823 : i32
      %add3A_2825 = arith.constant 320 : i32
      %add3A_2826 = arith.addi %mul3A_2824, %add3A_2825 : i32
      %swap3A_2827 = arith.index_cast %add3A_2826 : i32 to index
      %swap3A_2828 = tpu.vector_load %arg16[%swap3A_2827] {strides = array<i32>} : memref<12288xi32, #tpu.memory_space<vmem>>, vector<16xi32>,
      tpu.vector_store %arg16[%swap3A_2827], %shift_right_logical3A_2822 {strides = array<i32>} : memref<12288xi32, #tpu.memory_space<vmem>>, vector<16xi32>,
      %add3A_2829 = arith.constant 320 : i32
      %add3A_2830 = vector.broadcast %add3A_2829 : i32 to vector<16xi32>
      %add3A_2831 = arith.addi %add3A_2830, %iota3A : vector<16xi32>
      %and3A_2832 = arith.constant 1 : i32
      %and3A_2833 = vector.broadcast %and3A_2832 : i32 to vector<16xi32>
      %and3A_2834 = arith.andi %add3A_2819, %and3A_2833 : vector<16xi32>
      %mul3A_2835 = arith.constant 4 : i32
      %mul3A_2836 = vector.broadcast %mul3A_2835 : i32 to vector<16xi32>
      %mul3A_2837 = arith.muli %and3A_2834, %mul3A_2836 : vector<16xi32>
      %sub3A_2838 = arith.constant 4 : i32
      %sub3A_2839 = vector.broadcast %sub3A_2838 : i32 to vector<16xi32>
      %sub3A_2840 = arith.subi %sub3A_2839, %mul3A_2837 : vector<16xi32>
      %mul3A_2841 = arith.mulf %exp3A_2811, %get3A_190 : vector<16xf32>
      %mul3A_2842 = arith.mulf %exp3A_2811, %get3A_192 : vector<16xf32>
      %mul3A_2843 = arith.mulf %exp3A_2811, %get3A_194 : vector<16xf32>
      %add3A_2844 = arith.constant 0 : i32
      %add3A_2845 = vector.broadcast %add3A_2844 : i32 to vector<16xi32>
      %add3A_2846 = arith.addi %mul3A_2837, %add3A_2845 : vector<16xi32>
      tpu.vector_store_idx %arg17[%add3A_2831, %add3A_2846], %mul3A_2841 : memref<432x8xf32, #tpu.memory_space<vmem>>[vector<16xi32>, vector<16xi32>], vector<16xf32>,
      %add3A_2847 = arith.constant 0 : i32
      %add3A_2848 = vector.broadcast %add3A_2847 : i32 to vector<16xi32>
      %add3A_2849 = arith.addi %sub3A_2840, %add3A_2848 : vector<16xi32>
      tpu.vector_store_idx %arg17[%add3A_2831, %add3A_2849], %broadcast_in_dim3A_245 : memref<432x8xf32, #tpu.memory_space<vmem>>[vector<16xi32>, vector<16xi32>], vector<16xf32>,
      %add3A_2850 = arith.constant 1 : i32
      %add3A_2851 = vector.broadcast %add3A_2850 : i32 to vector<16xi32>
      %add3A_2852 = arith.addi %mul3A_2837, %add3A_2851 : vector<16xi32>
      tpu.vector_store_idx %arg17[%add3A_2831, %add3A_2852], %mul3A_2842 : memref<432x8xf32, #tpu.memory_space<vmem>>[vector<16xi32>, vector<16xi32>], vector<16xf32>,
      %add3A_2853 = arith.constant 1 : i32
      %add3A_2854 = vector.broadcast %add3A_2853 : i32 to vector<16xi32>
      %add3A_2855 = arith.addi %sub3A_2840, %add3A_2854 : vector<16xi32>
      tpu.vector_store_idx %arg17[%add3A_2831, %add3A_2855], %broadcast_in_dim3A_245 : memref<432x8xf32, #tpu.memory_space<vmem>>[vector<16xi32>, vector<16xi32>], vector<16xf32>,
      %add3A_2856 = arith.constant 2 : i32
      %add3A_2857 = vector.broadcast %add3A_2856 : i32 to vector<16xi32>
      %add3A_2858 = arith.addi %mul3A_2837, %add3A_2857 : vector<16xi32>
      tpu.vector_store_idx %arg17[%add3A_2831, %add3A_2858], %mul3A_2843 : memref<432x8xf32, #tpu.memory_space<vmem>>[vector<16xi32>, vector<16xi32>], vector<16xf32>,
      %add3A_2859 = arith.constant 2 : i32
      %add3A_2860 = vector.broadcast %add3A_2859 : i32 to vector<16xi32>
      %add3A_2861 = arith.addi %sub3A_2840, %add3A_2860 : vector<16xi32>
      tpu.vector_store_idx %arg17[%add3A_2831, %add3A_2861], %broadcast_in_dim3A_245 : memref<432x8xf32, #tpu.memory_space<vmem>>[vector<16xi32>, vector<16xi32>], vector<16xf32>,
      %add3A_2862 = arith.constant 3 : i32
      %add3A_2863 = vector.broadcast %add3A_2862 : i32 to vector<16xi32>
      %add3A_2864 = arith.addi %mul3A_2837, %add3A_2863 : vector<16xi32>
      tpu.vector_store_idx %arg17[%add3A_2831, %add3A_2864], %exp3A_2811 : memref<432x8xf32, #tpu.memory_space<vmem>>[vector<16xi32>, vector<16xi32>], vector<16xf32>,
      %add3A_2865 = arith.constant 3 : i32
      %add3A_2866 = vector.broadcast %add3A_2865 : i32 to vector<16xi32>
      %add3A_2867 = arith.addi %sub3A_2840, %add3A_2866 : vector<16xi32>
      tpu.vector_store_idx %arg17[%add3A_2831, %add3A_2867], %broadcast_in_dim3A_245 : memref<432x8xf32, #tpu.memory_space<vmem>>[vector<16xi32>, vector<16xi32>], vector<16xf32>,
      %add3A_2868 = arith.constant 1 : i32
      %add3A_2869 = vector.broadcast %add3A_2868 : i32 to vector<16xi32>
      %add3A_2870 = arith.addi %sub3A, %add3A_2869 : vector<16xi32>
      %jit3A_2871 = arith.constant 0 : i32
      %jit3A_2872 = arith.constant 127 : i32
      %max3A_2873 = vector.broadcast %jit3A_2871 : i32 to vector<16xi32>
      %max3A_2874 = arith.maxsi %max3A_2873, %add3A_2870 : vector<16xi32>
      %min3A_2875 = vector.broadcast %jit3A_2872 : i32 to vector<16xi32>
      %min3A_2876 = arith.minsi %min3A_2875, %max3A_2874 : vector<16xi32>
      %add3A_2877 = arith.constant 0 : i32
      %add3A_2878 = vector.broadcast %add3A_2877 : i32 to vector<16xi32>
      %add3A_2879 = arith.addi %sub3A_225, %add3A_2878 : vector<16xi32>
      %jit3A_2880 = arith.constant 0 : i32
      %jit3A_2881 = arith.constant 127 : i32
      %max3A_2882 = vector.broadcast %jit3A_2880 : i32 to vector<16xi32>
      %max3A_2883 = arith.maxsi %max3A_2882, %add3A_2879 : vector<16xi32>
      %min3A_2884 = vector.broadcast %jit3A_2881 : i32 to vector<16xi32>
      %min3A_2885 = arith.minsi %min3A_2884, %max3A_2883 : vector<16xi32>
      %add3A_2886 = arith.constant -1 : i32
      %add3A_2887 = vector.broadcast %add3A_2886 : i32 to vector<16xi32>
      %add3A_2888 = arith.addi %sub3A_243, %add3A_2887 : vector<16xi32>
      %jit3A_2889 = arith.constant 0 : i32
      %jit3A_2890 = arith.constant 127 : i32
      %max3A_2891 = vector.broadcast %jit3A_2889 : i32 to vector<16xi32>
      %max3A_2892 = arith.maxsi %max3A_2891, %add3A_2888 : vector<16xi32>
      %min3A_2893 = vector.broadcast %jit3A_2890 : i32 to vector<16xi32>
      %min3A_2894 = arith.minsi %min3A_2893, %max3A_2892 : vector<16xi32>
      %convert_element_type3A_2895 = arith.sitofp %min3A_2876 : vector<16xi32> to vector<16xf32>
      %add3A_2896 = arith.constant 5.000000e-01 : f32
      %add3A_2897 = vector.broadcast %add3A_2896 : f32 to vector<16xf32>
      %add3A_2898 = arith.addf %convert_element_type3A_2895, %add3A_2897 : vector<16xf32>
      %mul3A_2899 = arith.constant 1.562500e-02 : f32
      %mul3A_2900 = vector.broadcast %mul3A_2899 : f32 to vector<16xf32>
      %mul3A_2901 = arith.mulf %add3A_2898, %mul3A_2900 : vector<16xf32>
      %sub3A_2902 = arith.constant 1.000000e+00 : f32
      %sub3A_2903 = vector.broadcast %sub3A_2902 : f32 to vector<16xf32>
      %sub3A_2904 = arith.subf %mul3A_2901, %sub3A_2903 : vector<16xf32>
      %sub3A_2905 = arith.subf %sub3A_2904, %get3A_184 : vector<16xf32>
      %convert_element_type3A_2906 = arith.sitofp %min3A_2885 : vector<16xi32> to vector<16xf32>
      %add3A_2907 = arith.constant 5.000000e-01 : f32
      %add3A_2908 = vector.broadcast %add3A_2907 : f32 to vector<16xf32>
      %add3A_2909 = arith.addf %convert_element_type3A_2906, %add3A_2908 : vector<16xf32>
      %mul3A_2910 = arith.constant 1.562500e-02 : f32
      %mul3A_2911 = vector.broadcast %mul3A_2910 : f32 to vector<16xf32>
      %mul3A_2912 = arith.mulf %add3A_2909, %mul3A_2911 : vector<16xf32>
      %sub3A_2913 = arith.constant 1.000000e+00 : f32
      %sub3A_2914 = vector.broadcast %sub3A_2913 : f32 to vector<16xf32>
      %sub3A_2915 = arith.subf %mul3A_2912, %sub3A_2914 : vector<16xf32>
      %sub3A_2916 = arith.subf %sub3A_2915, %get3A_186 : vector<16xf32>
      %convert_element_type3A_2917 = arith.sitofp %min3A_2894 : vector<16xi32> to vector<16xf32>
      %add3A_2918 = arith.constant 5.000000e-01 : f32
      %add3A_2919 = vector.broadcast %add3A_2918 : f32 to vector<16xf32>
      %add3A_2920 = arith.addf %convert_element_type3A_2917, %add3A_2919 : vector<16xf32>
      %mul3A_2921 = arith.constant 1.562500e-02 : f32
      %mul3A_2922 = vector.broadcast %mul3A_2921 : f32 to vector<16xf32>
      %mul3A_2923 = arith.mulf %add3A_2920, %mul3A_2922 : vector<16xf32>
      %sub3A_2924 = arith.constant 1.000000e+00 : f32
      %sub3A_2925 = vector.broadcast %sub3A_2924 : f32 to vector<16xf32>
      %sub3A_2926 = arith.subf %mul3A_2923, %sub3A_2925 : vector<16xf32>
      %sub3A_2927 = arith.subf %sub3A_2926, %get3A_188 : vector<16xf32>
      %mul3A_2928 = arith.mulf %sub3A_2905, %sub3A_2905 : vector<16xf32>
      %mul3A_2929 = arith.mulf %sub3A_2916, %sub3A_2916 : vector<16xf32>
      %add3A_2930 = arith.addf %mul3A_2928, %mul3A_2929 : vector<16xf32>
      %mul3A_2931 = arith.mulf %sub3A_2927, %sub3A_2927 : vector<16xf32>
      %add3A_2932 = arith.addf %add3A_2930, %mul3A_2931 : vector<16xf32>
      %mul3A_2933 = arith.constant -4.000000e+02 : f32
      %mul3A_2934 = vector.broadcast %mul3A_2933 : f32 to vector<16xf32>
      %mul3A_2935 = arith.mulf %add3A_2932, %mul3A_2934 : vector<16xf32>
      %exp3A_2936 = math.exp %mul3A_2935 : vector<16xf32>
      %mul3A_2937 = arith.constant 128 : i32
      %mul3A_2938 = vector.broadcast %mul3A_2937 : i32 to vector<16xi32>
      %mul3A_2939 = arith.muli %min3A_2876, %mul3A_2938 : vector<16xi32>
      %add3A_2940 = arith.addi %mul3A_2939, %min3A_2885 : vector<16xi32>
      %mul3A_2941 = arith.constant 128 : i32
      %mul3A_2942 = vector.broadcast %mul3A_2941 : i32 to vector<16xi32>
      %mul3A_2943 = arith.muli %add3A_2940, %mul3A_2942 : vector<16xi32>
      %add3A_2944 = arith.addi %mul3A_2943, %min3A_2894 : vector<16xi32>
      %shift_right_logical3A_2945 = arith.constant 1 : i32
      %shift_right_logical3A_2946 = vector.broadcast %shift_right_logical3A_2945 : i32 to vector<16xi32>
      %shift_right_logical3A_2947 = arith.shrui %add3A_2944, %shift_right_logical3A_2946 : vector<16xi32>
      %mul3A_2948 = arith.constant 432 : i32
      %mul3A_2949 = arith.muli %scan3A_180, %mul3A_2948 : i32
      %add3A_2950 = arith.constant 336 : i32
      %add3A_2951 = arith.addi %mul3A_2949, %add3A_2950 : i32
      %swap3A_2952 = arith.index_cast %add3A_2951 : i32 to index
      %swap3A_2953 = tpu.vector_load %arg16[%swap3A_2952] {strides = array<i32>} : memref<12288xi32, #tpu.memory_space<vmem>>, vector<16xi32>,
      tpu.vector_store %arg16[%swap3A_2952], %shift_right_logical3A_2947 {strides = array<i32>} : memref<12288xi32, #tpu.memory_space<vmem>>, vector<16xi32>,
      %add3A_2954 = arith.constant 336 : i32
      %add3A_2955 = vector.broadcast %add3A_2954 : i32 to vector<16xi32>
      %add3A_2956 = arith.addi %add3A_2955, %iota3A : vector<16xi32>
      %and3A_2957 = arith.constant 1 : i32
      %and3A_2958 = vector.broadcast %and3A_2957 : i32 to vector<16xi32>
      %and3A_2959 = arith.andi %add3A_2944, %and3A_2958 : vector<16xi32>
      %mul3A_2960 = arith.constant 4 : i32
      %mul3A_2961 = vector.broadcast %mul3A_2960 : i32 to vector<16xi32>
      %mul3A_2962 = arith.muli %and3A_2959, %mul3A_2961 : vector<16xi32>
      %sub3A_2963 = arith.constant 4 : i32
      %sub3A_2964 = vector.broadcast %sub3A_2963 : i32 to vector<16xi32>
      %sub3A_2965 = arith.subi %sub3A_2964, %mul3A_2962 : vector<16xi32>
      %mul3A_2966 = arith.mulf %exp3A_2936, %get3A_190 : vector<16xf32>
      %mul3A_2967 = arith.mulf %exp3A_2936, %get3A_192 : vector<16xf32>
      %mul3A_2968 = arith.mulf %exp3A_2936, %get3A_194 : vector<16xf32>
      %add3A_2969 = arith.constant 0 : i32
      %add3A_2970 = vector.broadcast %add3A_2969 : i32 to vector<16xi32>
      %add3A_2971 = arith.addi %mul3A_2962, %add3A_2970 : vector<16xi32>
      tpu.vector_store_idx %arg17[%add3A_2956, %add3A_2971], %mul3A_2966 : memref<432x8xf32, #tpu.memory_space<vmem>>[vector<16xi32>, vector<16xi32>], vector<16xf32>,
      %add3A_2972 = arith.constant 0 : i32
      %add3A_2973 = vector.broadcast %add3A_2972 : i32 to vector<16xi32>
      %add3A_2974 = arith.addi %sub3A_2965, %add3A_2973 : vector<16xi32>
      tpu.vector_store_idx %arg17[%add3A_2956, %add3A_2974], %broadcast_in_dim3A_245 : memref<432x8xf32, #tpu.memory_space<vmem>>[vector<16xi32>, vector<16xi32>], vector<16xf32>,
      %add3A_2975 = arith.constant 1 : i32
      %add3A_2976 = vector.broadcast %add3A_2975 : i32 to vector<16xi32>
      %add3A_2977 = arith.addi %mul3A_2962, %add3A_2976 : vector<16xi32>
      tpu.vector_store_idx %arg17[%add3A_2956, %add3A_2977], %mul3A_2967 : memref<432x8xf32, #tpu.memory_space<vmem>>[vector<16xi32>, vector<16xi32>], vector<16xf32>,
      %add3A_2978 = arith.constant 1 : i32
      %add3A_2979 = vector.broadcast %add3A_2978 : i32 to vector<16xi32>
      %add3A_2980 = arith.addi %sub3A_2965, %add3A_2979 : vector<16xi32>
      tpu.vector_store_idx %arg17[%add3A_2956, %add3A_2980], %broadcast_in_dim3A_245 : memref<432x8xf32, #tpu.memory_space<vmem>>[vector<16xi32>, vector<16xi32>], vector<16xf32>,
      %add3A_2981 = arith.constant 2 : i32
      %add3A_2982 = vector.broadcast %add3A_2981 : i32 to vector<16xi32>
      %add3A_2983 = arith.addi %mul3A_2962, %add3A_2982 : vector<16xi32>
      tpu.vector_store_idx %arg17[%add3A_2956, %add3A_2983], %mul3A_2968 : memref<432x8xf32, #tpu.memory_space<vmem>>[vector<16xi32>, vector<16xi32>], vector<16xf32>,
      %add3A_2984 = arith.constant 2 : i32
      %add3A_2985 = vector.broadcast %add3A_2984 : i32 to vector<16xi32>
      %add3A_2986 = arith.addi %sub3A_2965, %add3A_2985 : vector<16xi32>
      tpu.vector_store_idx %arg17[%add3A_2956, %add3A_2986], %broadcast_in_dim3A_245 : memref<432x8xf32, #tpu.memory_space<vmem>>[vector<16xi32>, vector<16xi32>], vector<16xf32>,
      %add3A_2987 = arith.constant 3 : i32
      %add3A_2988 = vector.broadcast %add3A_2987 : i32 to vector<16xi32>
      %add3A_2989 = arith.addi %mul3A_2962, %add3A_2988 : vector<16xi32>
      tpu.vector_store_idx %arg17[%add3A_2956, %add3A_2989], %exp3A_2936 : memref<432x8xf32, #tpu.memory_space<vmem>>[vector<16xi32>, vector<16xi32>], vector<16xf32>,
      %add3A_2990 = arith.constant 3 : i32
      %add3A_2991 = vector.broadcast %add3A_2990 : i32 to vector<16xi32>
      %add3A_2992 = arith.addi %sub3A_2965, %add3A_2991 : vector<16xi32>
      tpu.vector_store_idx %arg17[%add3A_2956, %add3A_2992], %broadcast_in_dim3A_245 : memref<432x8xf32, #tpu.memory_space<vmem>>[vector<16xi32>, vector<16xi32>], vector<16xf32>,
      %add3A_2993 = arith.constant 1 : i32
      %add3A_2994 = vector.broadcast %add3A_2993 : i32 to vector<16xi32>
      %add3A_2995 = arith.addi %sub3A, %add3A_2994 : vector<16xi32>
      %jit3A_2996 = arith.constant 0 : i32
      %jit3A_2997 = arith.constant 127 : i32
      %max3A_2998 = vector.broadcast %jit3A_2996 : i32 to vector<16xi32>
      %max3A_2999 = arith.maxsi %max3A_2998, %add3A_2995 : vector<16xi32>
      %min3A_3000 = vector.broadcast %jit3A_2997 : i32 to vector<16xi32>
      %min3A_3001 = arith.minsi %min3A_3000, %max3A_2999 : vector<16xi32>
      %add3A_3002 = arith.constant 0 : i32
      %add3A_3003 = vector.broadcast %add3A_3002 : i32 to vector<16xi32>
      %add3A_3004 = arith.addi %sub3A_225, %add3A_3003 : vector<16xi32>
      %jit3A_3005 = arith.constant 0 : i32
      %jit3A_3006 = arith.constant 127 : i32
      %max3A_3007 = vector.broadcast %jit3A_3005 : i32 to vector<16xi32>
      %max3A_3008 = arith.maxsi %max3A_3007, %add3A_3004 : vector<16xi32>
      %min3A_3009 = vector.broadcast %jit3A_3006 : i32 to vector<16xi32>
      %min3A_3010 = arith.minsi %min3A_3009, %max3A_3008 : vector<16xi32>
      %add3A_3011 = arith.constant 0 : i32
      %add3A_3012 = vector.broadcast %add3A_3011 : i32 to vector<16xi32>
      %add3A_3013 = arith.addi %sub3A_243, %add3A_3012 : vector<16xi32>
      %jit3A_3014 = arith.constant 0 : i32
      %jit3A_3015 = arith.constant 127 : i32
      %max3A_3016 = vector.broadcast %jit3A_3014 : i32 to vector<16xi32>
      %max3A_3017 = arith.maxsi %max3A_3016, %add3A_3013 : vector<16xi32>
      %min3A_3018 = vector.broadcast %jit3A_3015 : i32 to vector<16xi32>
      %min3A_3019 = arith.minsi %min3A_3018, %max3A_3017 : vector<16xi32>
      %convert_element_type3A_3020 = arith.sitofp %min3A_3001 : vector<16xi32> to vector<16xf32>
      %add3A_3021 = arith.constant 5.000000e-01 : f32
      %add3A_3022 = vector.broadcast %add3A_3021 : f32 to vector<16xf32>
      %add3A_3023 = arith.addf %convert_element_type3A_3020, %add3A_3022 : vector<16xf32>
      %mul3A_3024 = arith.constant 1.562500e-02 : f32
      %mul3A_3025 = vector.broadcast %mul3A_3024 : f32 to vector<16xf32>
      %mul3A_3026 = arith.mulf %add3A_3023, %mul3A_3025 : vector<16xf32>
      %sub3A_3027 = arith.constant 1.000000e+00 : f32
      %sub3A_3028 = vector.broadcast %sub3A_3027 : f32 to vector<16xf32>
      %sub3A_3029 = arith.subf %mul3A_3026, %sub3A_3028 : vector<16xf32>
      %sub3A_3030 = arith.subf %sub3A_3029, %get3A_184 : vector<16xf32>
      %convert_element_type3A_3031 = arith.sitofp %min3A_3010 : vector<16xi32> to vector<16xf32>
      %add3A_3032 = arith.constant 5.000000e-01 : f32
      %add3A_3033 = vector.broadcast %add3A_3032 : f32 to vector<16xf32>
      %add3A_3034 = arith.addf %convert_element_type3A_3031, %add3A_3033 : vector<16xf32>
      %mul3A_3035 = arith.constant 1.562500e-02 : f32
      %mul3A_3036 = vector.broadcast %mul3A_3035 : f32 to vector<16xf32>
      %mul3A_3037 = arith.mulf %add3A_3034, %mul3A_3036 : vector<16xf32>
      %sub3A_3038 = arith.constant 1.000000e+00 : f32
      %sub3A_3039 = vector.broadcast %sub3A_3038 : f32 to vector<16xf32>
      %sub3A_3040 = arith.subf %mul3A_3037, %sub3A_3039 : vector<16xf32>
      %sub3A_3041 = arith.subf %sub3A_3040, %get3A_186 : vector<16xf32>
      %convert_element_type3A_3042 = arith.sitofp %min3A_3019 : vector<16xi32> to vector<16xf32>
      %add3A_3043 = arith.constant 5.000000e-01 : f32
      %add3A_3044 = vector.broadcast %add3A_3043 : f32 to vector<16xf32>
      %add3A_3045 = arith.addf %convert_element_type3A_3042, %add3A_3044 : vector<16xf32>
      %mul3A_3046 = arith.constant 1.562500e-02 : f32
      %mul3A_3047 = vector.broadcast %mul3A_3046 : f32 to vector<16xf32>
      %mul3A_3048 = arith.mulf %add3A_3045, %mul3A_3047 : vector<16xf32>
      %sub3A_3049 = arith.constant 1.000000e+00 : f32
      %sub3A_3050 = vector.broadcast %sub3A_3049 : f32 to vector<16xf32>
      %sub3A_3051 = arith.subf %mul3A_3048, %sub3A_3050 : vector<16xf32>
      %sub3A_3052 = arith.subf %sub3A_3051, %get3A_188 : vector<16xf32>
      %mul3A_3053 = arith.mulf %sub3A_3030, %sub3A_3030 : vector<16xf32>
      %mul3A_3054 = arith.mulf %sub3A_3041, %sub3A_3041 : vector<16xf32>
      %add3A_3055 = arith.addf %mul3A_3053, %mul3A_3054 : vector<16xf32>
      %mul3A_3056 = arith.mulf %sub3A_3052, %sub3A_3052 : vector<16xf32>
      %add3A_3057 = arith.addf %add3A_3055, %mul3A_3056 : vector<16xf32>
      %mul3A_3058 = arith.constant -4.000000e+02 : f32
      %mul3A_3059 = vector.broadcast %mul3A_3058 : f32 to vector<16xf32>
      %mul3A_3060 = arith.mulf %add3A_3057, %mul3A_3059 : vector<16xf32>
      %exp3A_3061 = math.exp %mul3A_3060 : vector<16xf32>
      %mul3A_3062 = arith.constant 128 : i32
      %mul3A_3063 = vector.broadcast %mul3A_3062 : i32 to vector<16xi32>
      %mul3A_3064 = arith.muli %min3A_3001, %mul3A_3063 : vector<16xi32>
      %add3A_3065 = arith.addi %mul3A_3064, %min3A_3010 : vector<16xi32>
      %mul3A_3066 = arith.constant 128 : i32
      %mul3A_3067 = vector.broadcast %mul3A_3066 : i32 to vector<16xi32>
      %mul3A_3068 = arith.muli %add3A_3065, %mul3A_3067 : vector<16xi32>
      %add3A_3069 = arith.addi %mul3A_3068, %min3A_3019 : vector<16xi32>
      %shift_right_logical3A_3070 = arith.constant 1 : i32
      %shift_right_logical3A_3071 = vector.broadcast %shift_right_logical3A_3070 : i32 to vector<16xi32>
      %shift_right_logical3A_3072 = arith.shrui %add3A_3069, %shift_right_logical3A_3071 : vector<16xi32>
      %mul3A_3073 = arith.constant 432 : i32
      %mul3A_3074 = arith.muli %scan3A_180, %mul3A_3073 : i32
      %add3A_3075 = arith.constant 352 : i32
      %add3A_3076 = arith.addi %mul3A_3074, %add3A_3075 : i32
      %swap3A_3077 = arith.index_cast %add3A_3076 : i32 to index
      %swap3A_3078 = tpu.vector_load %arg16[%swap3A_3077] {strides = array<i32>} : memref<12288xi32, #tpu.memory_space<vmem>>, vector<16xi32>,
      tpu.vector_store %arg16[%swap3A_3077], %shift_right_logical3A_3072 {strides = array<i32>} : memref<12288xi32, #tpu.memory_space<vmem>>, vector<16xi32>,
      %add3A_3079 = arith.constant 352 : i32
      %add3A_3080 = vector.broadcast %add3A_3079 : i32 to vector<16xi32>
      %add3A_3081 = arith.addi %add3A_3080, %iota3A : vector<16xi32>
      %and3A_3082 = arith.constant 1 : i32
      %and3A_3083 = vector.broadcast %and3A_3082 : i32 to vector<16xi32>
      %and3A_3084 = arith.andi %add3A_3069, %and3A_3083 : vector<16xi32>
      %mul3A_3085 = arith.constant 4 : i32
      %mul3A_3086 = vector.broadcast %mul3A_3085 : i32 to vector<16xi32>
      %mul3A_3087 = arith.muli %and3A_3084, %mul3A_3086 : vector<16xi32>
      %sub3A_3088 = arith.constant 4 : i32
      %sub3A_3089 = vector.broadcast %sub3A_3088 : i32 to vector<16xi32>
      %sub3A_3090 = arith.subi %sub3A_3089, %mul3A_3087 : vector<16xi32>
      %mul3A_3091 = arith.mulf %exp3A_3061, %get3A_190 : vector<16xf32>
      %mul3A_3092 = arith.mulf %exp3A_3061, %get3A_192 : vector<16xf32>
      %mul3A_3093 = arith.mulf %exp3A_3061, %get3A_194 : vector<16xf32>
      %add3A_3094 = arith.constant 0 : i32
      %add3A_3095 = vector.broadcast %add3A_3094 : i32 to vector<16xi32>
      %add3A_3096 = arith.addi %mul3A_3087, %add3A_3095 : vector<16xi32>
      tpu.vector_store_idx %arg17[%add3A_3081, %add3A_3096], %mul3A_3091 : memref<432x8xf32, #tpu.memory_space<vmem>>[vector<16xi32>, vector<16xi32>], vector<16xf32>,
      %add3A_3097 = arith.constant 0 : i32
      %add3A_3098 = vector.broadcast %add3A_3097 : i32 to vector<16xi32>
      %add3A_3099 = arith.addi %sub3A_3090, %add3A_3098 : vector<16xi32>
      tpu.vector_store_idx %arg17[%add3A_3081, %add3A_3099], %broadcast_in_dim3A_245 : memref<432x8xf32, #tpu.memory_space<vmem>>[vector<16xi32>, vector<16xi32>], vector<16xf32>,
      %add3A_3100 = arith.constant 1 : i32
      %add3A_3101 = vector.broadcast %add3A_3100 : i32 to vector<16xi32>
      %add3A_3102 = arith.addi %mul3A_3087, %add3A_3101 : vector<16xi32>
      tpu.vector_store_idx %arg17[%add3A_3081, %add3A_3102], %mul3A_3092 : memref<432x8xf32, #tpu.memory_space<vmem>>[vector<16xi32>, vector<16xi32>], vector<16xf32>,
      %add3A_3103 = arith.constant 1 : i32
      %add3A_3104 = vector.broadcast %add3A_3103 : i32 to vector<16xi32>
      %add3A_3105 = arith.addi %sub3A_3090, %add3A_3104 : vector<16xi32>
      tpu.vector_store_idx %arg17[%add3A_3081, %add3A_3105], %broadcast_in_dim3A_245 : memref<432x8xf32, #tpu.memory_space<vmem>>[vector<16xi32>, vector<16xi32>], vector<16xf32>,
      %add3A_3106 = arith.constant 2 : i32
      %add3A_3107 = vector.broadcast %add3A_3106 : i32 to vector<16xi32>
      %add3A_3108 = arith.addi %mul3A_3087, %add3A_3107 : vector<16xi32>
      tpu.vector_store_idx %arg17[%add3A_3081, %add3A_3108], %mul3A_3093 : memref<432x8xf32, #tpu.memory_space<vmem>>[vector<16xi32>, vector<16xi32>], vector<16xf32>,
      %add3A_3109 = arith.constant 2 : i32
      %add3A_3110 = vector.broadcast %add3A_3109 : i32 to vector<16xi32>
      %add3A_3111 = arith.addi %sub3A_3090, %add3A_3110 : vector<16xi32>
      tpu.vector_store_idx %arg17[%add3A_3081, %add3A_3111], %broadcast_in_dim3A_245 : memref<432x8xf32, #tpu.memory_space<vmem>>[vector<16xi32>, vector<16xi32>], vector<16xf32>,
      %add3A_3112 = arith.constant 3 : i32
      %add3A_3113 = vector.broadcast %add3A_3112 : i32 to vector<16xi32>
      %add3A_3114 = arith.addi %mul3A_3087, %add3A_3113 : vector<16xi32>
      tpu.vector_store_idx %arg17[%add3A_3081, %add3A_3114], %exp3A_3061 : memref<432x8xf32, #tpu.memory_space<vmem>>[vector<16xi32>, vector<16xi32>], vector<16xf32>,
      %add3A_3115 = arith.constant 3 : i32
      %add3A_3116 = vector.broadcast %add3A_3115 : i32 to vector<16xi32>
      %add3A_3117 = arith.addi %sub3A_3090, %add3A_3116 : vector<16xi32>
      tpu.vector_store_idx %arg17[%add3A_3081, %add3A_3117], %broadcast_in_dim3A_245 : memref<432x8xf32, #tpu.memory_space<vmem>>[vector<16xi32>, vector<16xi32>], vector<16xf32>,
      %add3A_3118 = arith.constant 1 : i32
      %add3A_3119 = vector.broadcast %add3A_3118 : i32 to vector<16xi32>
      %add3A_3120 = arith.addi %sub3A, %add3A_3119 : vector<16xi32>
      %jit3A_3121 = arith.constant 0 : i32
      %jit3A_3122 = arith.constant 127 : i32
      %max3A_3123 = vector.broadcast %jit3A_3121 : i32 to vector<16xi32>
      %max3A_3124 = arith.maxsi %max3A_3123, %add3A_3120 : vector<16xi32>
      %min3A_3125 = vector.broadcast %jit3A_3122 : i32 to vector<16xi32>
      %min3A_3126 = arith.minsi %min3A_3125, %max3A_3124 : vector<16xi32>
      %add3A_3127 = arith.constant 0 : i32
      %add3A_3128 = vector.broadcast %add3A_3127 : i32 to vector<16xi32>
      %add3A_3129 = arith.addi %sub3A_225, %add3A_3128 : vector<16xi32>
      %jit3A_3130 = arith.constant 0 : i32
      %jit3A_3131 = arith.constant 127 : i32
      %max3A_3132 = vector.broadcast %jit3A_3130 : i32 to vector<16xi32>
      %max3A_3133 = arith.maxsi %max3A_3132, %add3A_3129 : vector<16xi32>
      %min3A_3134 = vector.broadcast %jit3A_3131 : i32 to vector<16xi32>
      %min3A_3135 = arith.minsi %min3A_3134, %max3A_3133 : vector<16xi32>
      %add3A_3136 = arith.constant 1 : i32
      %add3A_3137 = vector.broadcast %add3A_3136 : i32 to vector<16xi32>
      %add3A_3138 = arith.addi %sub3A_243, %add3A_3137 : vector<16xi32>
      %jit3A_3139 = arith.constant 0 : i32
      %jit3A_3140 = arith.constant 127 : i32
      %max3A_3141 = vector.broadcast %jit3A_3139 : i32 to vector<16xi32>
      %max3A_3142 = arith.maxsi %max3A_3141, %add3A_3138 : vector<16xi32>
      %min3A_3143 = vector.broadcast %jit3A_3140 : i32 to vector<16xi32>
      %min3A_3144 = arith.minsi %min3A_3143, %max3A_3142 : vector<16xi32>
      %convert_element_type3A_3145 = arith.sitofp %min3A_3126 : vector<16xi32> to vector<16xf32>
      %add3A_3146 = arith.constant 5.000000e-01 : f32
      %add3A_3147 = vector.broadcast %add3A_3146 : f32 to vector<16xf32>
      %add3A_3148 = arith.addf %convert_element_type3A_3145, %add3A_3147 : vector<16xf32>
      %mul3A_3149 = arith.constant 1.562500e-02 : f32
      %mul3A_3150 = vector.broadcast %mul3A_3149 : f32 to vector<16xf32>
      %mul3A_3151 = arith.mulf %add3A_3148, %mul3A_3150 : vector<16xf32>
      %sub3A_3152 = arith.constant 1.000000e+00 : f32
      %sub3A_3153 = vector.broadcast %sub3A_3152 : f32 to vector<16xf32>
      %sub3A_3154 = arith.subf %mul3A_3151, %sub3A_3153 : vector<16xf32>
      %sub3A_3155 = arith.subf %sub3A_3154, %get3A_184 : vector<16xf32>
      %convert_element_type3A_3156 = arith.sitofp %min3A_3135 : vector<16xi32> to vector<16xf32>
      %add3A_3157 = arith.constant 5.000000e-01 : f32
      %add3A_3158 = vector.broadcast %add3A_3157 : f32 to vector<16xf32>
      %add3A_3159 = arith.addf %convert_element_type3A_3156, %add3A_3158 : vector<16xf32>
      %mul3A_3160 = arith.constant 1.562500e-02 : f32
      %mul3A_3161 = vector.broadcast %mul3A_3160 : f32 to vector<16xf32>
      %mul3A_3162 = arith.mulf %add3A_3159, %mul3A_3161 : vector<16xf32>
      %sub3A_3163 = arith.constant 1.000000e+00 : f32
      %sub3A_3164 = vector.broadcast %sub3A_3163 : f32 to vector<16xf32>
      %sub3A_3165 = arith.subf %mul3A_3162, %sub3A_3164 : vector<16xf32>
      %sub3A_3166 = arith.subf %sub3A_3165, %get3A_186 : vector<16xf32>
      %convert_element_type3A_3167 = arith.sitofp %min3A_3144 : vector<16xi32> to vector<16xf32>
      %add3A_3168 = arith.constant 5.000000e-01 : f32
      %add3A_3169 = vector.broadcast %add3A_3168 : f32 to vector<16xf32>
      %add3A_3170 = arith.addf %convert_element_type3A_3167, %add3A_3169 : vector<16xf32>
      %mul3A_3171 = arith.constant 1.562500e-02 : f32
      %mul3A_3172 = vector.broadcast %mul3A_3171 : f32 to vector<16xf32>
      %mul3A_3173 = arith.mulf %add3A_3170, %mul3A_3172 : vector<16xf32>
      %sub3A_3174 = arith.constant 1.000000e+00 : f32
      %sub3A_3175 = vector.broadcast %sub3A_3174 : f32 to vector<16xf32>
      %sub3A_3176 = arith.subf %mul3A_3173, %sub3A_3175 : vector<16xf32>
      %sub3A_3177 = arith.subf %sub3A_3176, %get3A_188 : vector<16xf32>
      %mul3A_3178 = arith.mulf %sub3A_3155, %sub3A_3155 : vector<16xf32>
      %mul3A_3179 = arith.mulf %sub3A_3166, %sub3A_3166 : vector<16xf32>
      %add3A_3180 = arith.addf %mul3A_3178, %mul3A_3179 : vector<16xf32>
      %mul3A_3181 = arith.mulf %sub3A_3177, %sub3A_3177 : vector<16xf32>
      %add3A_3182 = arith.addf %add3A_3180, %mul3A_3181 : vector<16xf32>
      %mul3A_3183 = arith.constant -4.000000e+02 : f32
      %mul3A_3184 = vector.broadcast %mul3A_3183 : f32 to vector<16xf32>
      %mul3A_3185 = arith.mulf %add3A_3182, %mul3A_3184 : vector<16xf32>
      %exp3A_3186 = math.exp %mul3A_3185 : vector<16xf32>
      %mul3A_3187 = arith.constant 128 : i32
      %mul3A_3188 = vector.broadcast %mul3A_3187 : i32 to vector<16xi32>
      %mul3A_3189 = arith.muli %min3A_3126, %mul3A_3188 : vector<16xi32>
      %add3A_3190 = arith.addi %mul3A_3189, %min3A_3135 : vector<16xi32>
      %mul3A_3191 = arith.constant 128 : i32
      %mul3A_3192 = vector.broadcast %mul3A_3191 : i32 to vector<16xi32>
      %mul3A_3193 = arith.muli %add3A_3190, %mul3A_3192 : vector<16xi32>
      %add3A_3194 = arith.addi %mul3A_3193, %min3A_3144 : vector<16xi32>
      %shift_right_logical3A_3195 = arith.constant 1 : i32
      %shift_right_logical3A_3196 = vector.broadcast %shift_right_logical3A_3195 : i32 to vector<16xi32>
      %shift_right_logical3A_3197 = arith.shrui %add3A_3194, %shift_right_logical3A_3196 : vector<16xi32>
      %mul3A_3198 = arith.constant 432 : i32
      %mul3A_3199 = arith.muli %scan3A_180, %mul3A_3198 : i32
      %add3A_3200 = arith.constant 368 : i32
      %add3A_3201 = arith.addi %mul3A_3199, %add3A_3200 : i32
      %swap3A_3202 = arith.index_cast %add3A_3201 : i32 to index
      %swap3A_3203 = tpu.vector_load %arg16[%swap3A_3202] {strides = array<i32>} : memref<12288xi32, #tpu.memory_space<vmem>>, vector<16xi32>,
      tpu.vector_store %arg16[%swap3A_3202], %shift_right_logical3A_3197 {strides = array<i32>} : memref<12288xi32, #tpu.memory_space<vmem>>, vector<16xi32>,
      %add3A_3204 = arith.constant 368 : i32
      %add3A_3205 = vector.broadcast %add3A_3204 : i32 to vector<16xi32>
      %add3A_3206 = arith.addi %add3A_3205, %iota3A : vector<16xi32>
      %and3A_3207 = arith.constant 1 : i32
      %and3A_3208 = vector.broadcast %and3A_3207 : i32 to vector<16xi32>
      %and3A_3209 = arith.andi %add3A_3194, %and3A_3208 : vector<16xi32>
      %mul3A_3210 = arith.constant 4 : i32
      %mul3A_3211 = vector.broadcast %mul3A_3210 : i32 to vector<16xi32>
      %mul3A_3212 = arith.muli %and3A_3209, %mul3A_3211 : vector<16xi32>
      %sub3A_3213 = arith.constant 4 : i32
      %sub3A_3214 = vector.broadcast %sub3A_3213 : i32 to vector<16xi32>
      %sub3A_3215 = arith.subi %sub3A_3214, %mul3A_3212 : vector<16xi32>
      %mul3A_3216 = arith.mulf %exp3A_3186, %get3A_190 : vector<16xf32>
      %mul3A_3217 = arith.mulf %exp3A_3186, %get3A_192 : vector<16xf32>
      %mul3A_3218 = arith.mulf %exp3A_3186, %get3A_194 : vector<16xf32>
      %add3A_3219 = arith.constant 0 : i32
      %add3A_3220 = vector.broadcast %add3A_3219 : i32 to vector<16xi32>
      %add3A_3221 = arith.addi %mul3A_3212, %add3A_3220 : vector<16xi32>
      tpu.vector_store_idx %arg17[%add3A_3206, %add3A_3221], %mul3A_3216 : memref<432x8xf32, #tpu.memory_space<vmem>>[vector<16xi32>, vector<16xi32>], vector<16xf32>,
      %add3A_3222 = arith.constant 0 : i32
      %add3A_3223 = vector.broadcast %add3A_3222 : i32 to vector<16xi32>
      %add3A_3224 = arith.addi %sub3A_3215, %add3A_3223 : vector<16xi32>
      tpu.vector_store_idx %arg17[%add3A_3206, %add3A_3224], %broadcast_in_dim3A_245 : memref<432x8xf32, #tpu.memory_space<vmem>>[vector<16xi32>, vector<16xi32>], vector<16xf32>,
      %add3A_3225 = arith.constant 1 : i32
      %add3A_3226 = vector.broadcast %add3A_3225 : i32 to vector<16xi32>
      %add3A_3227 = arith.addi %mul3A_3212, %add3A_3226 : vector<16xi32>
      tpu.vector_store_idx %arg17[%add3A_3206, %add3A_3227], %mul3A_3217 : memref<432x8xf32, #tpu.memory_space<vmem>>[vector<16xi32>, vector<16xi32>], vector<16xf32>,
      %add3A_3228 = arith.constant 1 : i32
      %add3A_3229 = vector.broadcast %add3A_3228 : i32 to vector<16xi32>
      %add3A_3230 = arith.addi %sub3A_3215, %add3A_3229 : vector<16xi32>
      tpu.vector_store_idx %arg17[%add3A_3206, %add3A_3230], %broadcast_in_dim3A_245 : memref<432x8xf32, #tpu.memory_space<vmem>>[vector<16xi32>, vector<16xi32>], vector<16xf32>,
      %add3A_3231 = arith.constant 2 : i32
      %add3A_3232 = vector.broadcast %add3A_3231 : i32 to vector<16xi32>
      %add3A_3233 = arith.addi %mul3A_3212, %add3A_3232 : vector<16xi32>
      tpu.vector_store_idx %arg17[%add3A_3206, %add3A_3233], %mul3A_3218 : memref<432x8xf32, #tpu.memory_space<vmem>>[vector<16xi32>, vector<16xi32>], vector<16xf32>,
      %add3A_3234 = arith.constant 2 : i32
      %add3A_3235 = vector.broadcast %add3A_3234 : i32 to vector<16xi32>
      %add3A_3236 = arith.addi %sub3A_3215, %add3A_3235 : vector<16xi32>
      tpu.vector_store_idx %arg17[%add3A_3206, %add3A_3236], %broadcast_in_dim3A_245 : memref<432x8xf32, #tpu.memory_space<vmem>>[vector<16xi32>, vector<16xi32>], vector<16xf32>,
      %add3A_3237 = arith.constant 3 : i32
      %add3A_3238 = vector.broadcast %add3A_3237 : i32 to vector<16xi32>
      %add3A_3239 = arith.addi %mul3A_3212, %add3A_3238 : vector<16xi32>
      tpu.vector_store_idx %arg17[%add3A_3206, %add3A_3239], %exp3A_3186 : memref<432x8xf32, #tpu.memory_space<vmem>>[vector<16xi32>, vector<16xi32>], vector<16xf32>,
      %add3A_3240 = arith.constant 3 : i32
      %add3A_3241 = vector.broadcast %add3A_3240 : i32 to vector<16xi32>
      %add3A_3242 = arith.addi %sub3A_3215, %add3A_3241 : vector<16xi32>
      tpu.vector_store_idx %arg17[%add3A_3206, %add3A_3242], %broadcast_in_dim3A_245 : memref<432x8xf32, #tpu.memory_space<vmem>>[vector<16xi32>, vector<16xi32>], vector<16xf32>,
      %add3A_3243 = arith.constant 1 : i32
      %add3A_3244 = vector.broadcast %add3A_3243 : i32 to vector<16xi32>
      %add3A_3245 = arith.addi %sub3A, %add3A_3244 : vector<16xi32>
      %jit3A_3246 = arith.constant 0 : i32
      %jit3A_3247 = arith.constant 127 : i32
      %max3A_3248 = vector.broadcast %jit3A_3246 : i32 to vector<16xi32>
      %max3A_3249 = arith.maxsi %max3A_3248, %add3A_3245 : vector<16xi32>
      %min3A_3250 = vector.broadcast %jit3A_3247 : i32 to vector<16xi32>
      %min3A_3251 = arith.minsi %min3A_3250, %max3A_3249 : vector<16xi32>
      %add3A_3252 = arith.constant 1 : i32
      %add3A_3253 = vector.broadcast %add3A_3252 : i32 to vector<16xi32>
      %add3A_3254 = arith.addi %sub3A_225, %add3A_3253 : vector<16xi32>
      %jit3A_3255 = arith.constant 0 : i32
      %jit3A_3256 = arith.constant 127 : i32
      %max3A_3257 = vector.broadcast %jit3A_3255 : i32 to vector<16xi32>
      %max3A_3258 = arith.maxsi %max3A_3257, %add3A_3254 : vector<16xi32>
      %min3A_3259 = vector.broadcast %jit3A_3256 : i32 to vector<16xi32>
      %min3A_3260 = arith.minsi %min3A_3259, %max3A_3258 : vector<16xi32>
      %add3A_3261 = arith.constant -1 : i32
      %add3A_3262 = vector.broadcast %add3A_3261 : i32 to vector<16xi32>
      %add3A_3263 = arith.addi %sub3A_243, %add3A_3262 : vector<16xi32>
      %jit3A_3264 = arith.constant 0 : i32
      %jit3A_3265 = arith.constant 127 : i32
      %max3A_3266 = vector.broadcast %jit3A_3264 : i32 to vector<16xi32>
      %max3A_3267 = arith.maxsi %max3A_3266, %add3A_3263 : vector<16xi32>
      %min3A_3268 = vector.broadcast %jit3A_3265 : i32 to vector<16xi32>
      %min3A_3269 = arith.minsi %min3A_3268, %max3A_3267 : vector<16xi32>
      %convert_element_type3A_3270 = arith.sitofp %min3A_3251 : vector<16xi32> to vector<16xf32>
      %add3A_3271 = arith.constant 5.000000e-01 : f32
      %add3A_3272 = vector.broadcast %add3A_3271 : f32 to vector<16xf32>
      %add3A_3273 = arith.addf %convert_element_type3A_3270, %add3A_3272 : vector<16xf32>
      %mul3A_3274 = arith.constant 1.562500e-02 : f32
      %mul3A_3275 = vector.broadcast %mul3A_3274 : f32 to vector<16xf32>
      %mul3A_3276 = arith.mulf %add3A_3273, %mul3A_3275 : vector<16xf32>
      %sub3A_3277 = arith.constant 1.000000e+00 : f32
      %sub3A_3278 = vector.broadcast %sub3A_3277 : f32 to vector<16xf32>
      %sub3A_3279 = arith.subf %mul3A_3276, %sub3A_3278 : vector<16xf32>
      %sub3A_3280 = arith.subf %sub3A_3279, %get3A_184 : vector<16xf32>
      %convert_element_type3A_3281 = arith.sitofp %min3A_3260 : vector<16xi32> to vector<16xf32>
      %add3A_3282 = arith.constant 5.000000e-01 : f32
      %add3A_3283 = vector.broadcast %add3A_3282 : f32 to vector<16xf32>
      %add3A_3284 = arith.addf %convert_element_type3A_3281, %add3A_3283 : vector<16xf32>
      %mul3A_3285 = arith.constant 1.562500e-02 : f32
      %mul3A_3286 = vector.broadcast %mul3A_3285 : f32 to vector<16xf32>
      %mul3A_3287 = arith.mulf %add3A_3284, %mul3A_3286 : vector<16xf32>
      %sub3A_3288 = arith.constant 1.000000e+00 : f32
      %sub3A_3289 = vector.broadcast %sub3A_3288 : f32 to vector<16xf32>
      %sub3A_3290 = arith.subf %mul3A_3287, %sub3A_3289 : vector<16xf32>
      %sub3A_3291 = arith.subf %sub3A_3290, %get3A_186 : vector<16xf32>
      %convert_element_type3A_3292 = arith.sitofp %min3A_3269 : vector<16xi32> to vector<16xf32>
      %add3A_3293 = arith.constant 5.000000e-01 : f32
      %add3A_3294 = vector.broadcast %add3A_3293 : f32 to vector<16xf32>
      %add3A_3295 = arith.addf %convert_element_type3A_3292, %add3A_3294 : vector<16xf32>
      %mul3A_3296 = arith.constant 1.562500e-02 : f32
      %mul3A_3297 = vector.broadcast %mul3A_3296 : f32 to vector<16xf32>
      %mul3A_3298 = arith.mulf %add3A_3295, %mul3A_3297 : vector<16xf32>
      %sub3A_3299 = arith.constant 1.000000e+00 : f32
      %sub3A_3300 = vector.broadcast %sub3A_3299 : f32 to vector<16xf32>
      %sub3A_3301 = arith.subf %mul3A_3298, %sub3A_3300 : vector<16xf32>
      %sub3A_3302 = arith.subf %sub3A_3301, %get3A_188 : vector<16xf32>
      %mul3A_3303 = arith.mulf %sub3A_3280, %sub3A_3280 : vector<16xf32>
      %mul3A_3304 = arith.mulf %sub3A_3291, %sub3A_3291 : vector<16xf32>
      %add3A_3305 = arith.addf %mul3A_3303, %mul3A_3304 : vector<16xf32>
      %mul3A_3306 = arith.mulf %sub3A_3302, %sub3A_3302 : vector<16xf32>
      %add3A_3307 = arith.addf %add3A_3305, %mul3A_3306 : vector<16xf32>
      %mul3A_3308 = arith.constant -4.000000e+02 : f32
      %mul3A_3309 = vector.broadcast %mul3A_3308 : f32 to vector<16xf32>
      %mul3A_3310 = arith.mulf %add3A_3307, %mul3A_3309 : vector<16xf32>
      %exp3A_3311 = math.exp %mul3A_3310 : vector<16xf32>
      %mul3A_3312 = arith.constant 128 : i32
      %mul3A_3313 = vector.broadcast %mul3A_3312 : i32 to vector<16xi32>
      %mul3A_3314 = arith.muli %min3A_3251, %mul3A_3313 : vector<16xi32>
      %add3A_3315 = arith.addi %mul3A_3314, %min3A_3260 : vector<16xi32>
      %mul3A_3316 = arith.constant 128 : i32
      %mul3A_3317 = vector.broadcast %mul3A_3316 : i32 to vector<16xi32>
      %mul3A_3318 = arith.muli %add3A_3315, %mul3A_3317 : vector<16xi32>
      %add3A_3319 = arith.addi %mul3A_3318, %min3A_3269 : vector<16xi32>
      %shift_right_logical3A_3320 = arith.constant 1 : i32
      %shift_right_logical3A_3321 = vector.broadcast %shift_right_logical3A_3320 : i32 to vector<16xi32>
      %shift_right_logical3A_3322 = arith.shrui %add3A_3319, %shift_right_logical3A_3321 : vector<16xi32>
      %mul3A_3323 = arith.constant 432 : i32
      %mul3A_3324 = arith.muli %scan3A_180, %mul3A_3323 : i32
      %add3A_3325 = arith.constant 384 : i32
      %add3A_3326 = arith.addi %mul3A_3324, %add3A_3325 : i32
      %swap3A_3327 = arith.index_cast %add3A_3326 : i32 to index
      %swap3A_3328 = tpu.vector_load %arg16[%swap3A_3327] {strides = array<i32>} : memref<12288xi32, #tpu.memory_space<vmem>>, vector<16xi32>,
      tpu.vector_store %arg16[%swap3A_3327], %shift_right_logical3A_3322 {strides = array<i32>} : memref<12288xi32, #tpu.memory_space<vmem>>, vector<16xi32>,
      %add3A_3329 = arith.constant 384 : i32
      %add3A_3330 = vector.broadcast %add3A_3329 : i32 to vector<16xi32>
      %add3A_3331 = arith.addi %add3A_3330, %iota3A : vector<16xi32>
      %and3A_3332 = arith.constant 1 : i32
      %and3A_3333 = vector.broadcast %and3A_3332 : i32 to vector<16xi32>
      %and3A_3334 = arith.andi %add3A_3319, %and3A_3333 : vector<16xi32>
      %mul3A_3335 = arith.constant 4 : i32
      %mul3A_3336 = vector.broadcast %mul3A_3335 : i32 to vector<16xi32>
      %mul3A_3337 = arith.muli %and3A_3334, %mul3A_3336 : vector<16xi32>
      %sub3A_3338 = arith.constant 4 : i32
      %sub3A_3339 = vector.broadcast %sub3A_3338 : i32 to vector<16xi32>
      %sub3A_3340 = arith.subi %sub3A_3339, %mul3A_3337 : vector<16xi32>
      %mul3A_3341 = arith.mulf %exp3A_3311, %get3A_190 : vector<16xf32>
      %mul3A_3342 = arith.mulf %exp3A_3311, %get3A_192 : vector<16xf32>
      %mul3A_3343 = arith.mulf %exp3A_3311, %get3A_194 : vector<16xf32>
      %add3A_3344 = arith.constant 0 : i32
      %add3A_3345 = vector.broadcast %add3A_3344 : i32 to vector<16xi32>
      %add3A_3346 = arith.addi %mul3A_3337, %add3A_3345 : vector<16xi32>
      tpu.vector_store_idx %arg17[%add3A_3331, %add3A_3346], %mul3A_3341 : memref<432x8xf32, #tpu.memory_space<vmem>>[vector<16xi32>, vector<16xi32>], vector<16xf32>,
      %add3A_3347 = arith.constant 0 : i32
      %add3A_3348 = vector.broadcast %add3A_3347 : i32 to vector<16xi32>
      %add3A_3349 = arith.addi %sub3A_3340, %add3A_3348 : vector<16xi32>
      tpu.vector_store_idx %arg17[%add3A_3331, %add3A_3349], %broadcast_in_dim3A_245 : memref<432x8xf32, #tpu.memory_space<vmem>>[vector<16xi32>, vector<16xi32>], vector<16xf32>,
      %add3A_3350 = arith.constant 1 : i32
      %add3A_3351 = vector.broadcast %add3A_3350 : i32 to vector<16xi32>
      %add3A_3352 = arith.addi %mul3A_3337, %add3A_3351 : vector<16xi32>
      tpu.vector_store_idx %arg17[%add3A_3331, %add3A_3352], %mul3A_3342 : memref<432x8xf32, #tpu.memory_space<vmem>>[vector<16xi32>, vector<16xi32>], vector<16xf32>,
      %add3A_3353 = arith.constant 1 : i32
      %add3A_3354 = vector.broadcast %add3A_3353 : i32 to vector<16xi32>
      %add3A_3355 = arith.addi %sub3A_3340, %add3A_3354 : vector<16xi32>
      tpu.vector_store_idx %arg17[%add3A_3331, %add3A_3355], %broadcast_in_dim3A_245 : memref<432x8xf32, #tpu.memory_space<vmem>>[vector<16xi32>, vector<16xi32>], vector<16xf32>,
      %add3A_3356 = arith.constant 2 : i32
      %add3A_3357 = vector.broadcast %add3A_3356 : i32 to vector<16xi32>
      %add3A_3358 = arith.addi %mul3A_3337, %add3A_3357 : vector<16xi32>
      tpu.vector_store_idx %arg17[%add3A_3331, %add3A_3358], %mul3A_3343 : memref<432x8xf32, #tpu.memory_space<vmem>>[vector<16xi32>, vector<16xi32>], vector<16xf32>,
      %add3A_3359 = arith.constant 2 : i32
      %add3A_3360 = vector.broadcast %add3A_3359 : i32 to vector<16xi32>
      %add3A_3361 = arith.addi %sub3A_3340, %add3A_3360 : vector<16xi32>
      tpu.vector_store_idx %arg17[%add3A_3331, %add3A_3361], %broadcast_in_dim3A_245 : memref<432x8xf32, #tpu.memory_space<vmem>>[vector<16xi32>, vector<16xi32>], vector<16xf32>,
      %add3A_3362 = arith.constant 3 : i32
      %add3A_3363 = vector.broadcast %add3A_3362 : i32 to vector<16xi32>
      %add3A_3364 = arith.addi %mul3A_3337, %add3A_3363 : vector<16xi32>
      tpu.vector_store_idx %arg17[%add3A_3331, %add3A_3364], %exp3A_3311 : memref<432x8xf32, #tpu.memory_space<vmem>>[vector<16xi32>, vector<16xi32>], vector<16xf32>,
      %add3A_3365 = arith.constant 3 : i32
      %add3A_3366 = vector.broadcast %add3A_3365 : i32 to vector<16xi32>
      %add3A_3367 = arith.addi %sub3A_3340, %add3A_3366 : vector<16xi32>
      tpu.vector_store_idx %arg17[%add3A_3331, %add3A_3367], %broadcast_in_dim3A_245 : memref<432x8xf32, #tpu.memory_space<vmem>>[vector<16xi32>, vector<16xi32>], vector<16xf32>,
      %add3A_3368 = arith.constant 1 : i32
      %add3A_3369 = vector.broadcast %add3A_3368 : i32 to vector<16xi32>
      %add3A_3370 = arith.addi %sub3A, %add3A_3369 : vector<16xi32>
      %jit3A_3371 = arith.constant 0 : i32
      %jit3A_3372 = arith.constant 127 : i32
      %max3A_3373 = vector.broadcast %jit3A_3371 : i32 to vector<16xi32>
      %max3A_3374 = arith.maxsi %max3A_3373, %add3A_3370 : vector<16xi32>
      %min3A_3375 = vector.broadcast %jit3A_3372 : i32 to vector<16xi32>
      %min3A_3376 = arith.minsi %min3A_3375, %max3A_3374 : vector<16xi32>
      %add3A_3377 = arith.constant 1 : i32
      %add3A_3378 = vector.broadcast %add3A_3377 : i32 to vector<16xi32>
      %add3A_3379 = arith.addi %sub3A_225, %add3A_3378 : vector<16xi32>
      %jit3A_3380 = arith.constant 0 : i32
      %jit3A_3381 = arith.constant 127 : i32
      %max3A_3382 = vector.broadcast %jit3A_3380 : i32 to vector<16xi32>
      %max3A_3383 = arith.maxsi %max3A_3382, %add3A_3379 : vector<16xi32>
      %min3A_3384 = vector.broadcast %jit3A_3381 : i32 to vector<16xi32>
      %min3A_3385 = arith.minsi %min3A_3384, %max3A_3383 : vector<16xi32>
      %add3A_3386 = arith.constant 0 : i32
      %add3A_3387 = vector.broadcast %add3A_3386 : i32 to vector<16xi32>
      %add3A_3388 = arith.addi %sub3A_243, %add3A_3387 : vector<16xi32>
      %jit3A_3389 = arith.constant 0 : i32
      %jit3A_3390 = arith.constant 127 : i32
      %max3A_3391 = vector.broadcast %jit3A_3389 : i32 to vector<16xi32>
      %max3A_3392 = arith.maxsi %max3A_3391, %add3A_3388 : vector<16xi32>
      %min3A_3393 = vector.broadcast %jit3A_3390 : i32 to vector<16xi32>
      %min3A_3394 = arith.minsi %min3A_3393, %max3A_3392 : vector<16xi32>
      %convert_element_type3A_3395 = arith.sitofp %min3A_3376 : vector<16xi32> to vector<16xf32>
      %add3A_3396 = arith.constant 5.000000e-01 : f32
      %add3A_3397 = vector.broadcast %add3A_3396 : f32 to vector<16xf32>
      %add3A_3398 = arith.addf %convert_element_type3A_3395, %add3A_3397 : vector<16xf32>
      %mul3A_3399 = arith.constant 1.562500e-02 : f32
      %mul3A_3400 = vector.broadcast %mul3A_3399 : f32 to vector<16xf32>
      %mul3A_3401 = arith.mulf %add3A_3398, %mul3A_3400 : vector<16xf32>
      %sub3A_3402 = arith.constant 1.000000e+00 : f32
      %sub3A_3403 = vector.broadcast %sub3A_3402 : f32 to vector<16xf32>
      %sub3A_3404 = arith.subf %mul3A_3401, %sub3A_3403 : vector<16xf32>
      %sub3A_3405 = arith.subf %sub3A_3404, %get3A_184 : vector<16xf32>
      %convert_element_type3A_3406 = arith.sitofp %min3A_3385 : vector<16xi32> to vector<16xf32>
      %add3A_3407 = arith.constant 5.000000e-01 : f32
      %add3A_3408 = vector.broadcast %add3A_3407 : f32 to vector<16xf32>
      %add3A_3409 = arith.addf %convert_element_type3A_3406, %add3A_3408 : vector<16xf32>
      %mul3A_3410 = arith.constant 1.562500e-02 : f32
      %mul3A_3411 = vector.broadcast %mul3A_3410 : f32 to vector<16xf32>
      %mul3A_3412 = arith.mulf %add3A_3409, %mul3A_3411 : vector<16xf32>
      %sub3A_3413 = arith.constant 1.000000e+00 : f32
      %sub3A_3414 = vector.broadcast %sub3A_3413 : f32 to vector<16xf32>
      %sub3A_3415 = arith.subf %mul3A_3412, %sub3A_3414 : vector<16xf32>
      %sub3A_3416 = arith.subf %sub3A_3415, %get3A_186 : vector<16xf32>
      %convert_element_type3A_3417 = arith.sitofp %min3A_3394 : vector<16xi32> to vector<16xf32>
      %add3A_3418 = arith.constant 5.000000e-01 : f32
      %add3A_3419 = vector.broadcast %add3A_3418 : f32 to vector<16xf32>
      %add3A_3420 = arith.addf %convert_element_type3A_3417, %add3A_3419 : vector<16xf32>
      %mul3A_3421 = arith.constant 1.562500e-02 : f32
      %mul3A_3422 = vector.broadcast %mul3A_3421 : f32 to vector<16xf32>
      %mul3A_3423 = arith.mulf %add3A_3420, %mul3A_3422 : vector<16xf32>
      %sub3A_3424 = arith.constant 1.000000e+00 : f32
      %sub3A_3425 = vector.broadcast %sub3A_3424 : f32 to vector<16xf32>
      %sub3A_3426 = arith.subf %mul3A_3423, %sub3A_3425 : vector<16xf32>
      %sub3A_3427 = arith.subf %sub3A_3426, %get3A_188 : vector<16xf32>
      %mul3A_3428 = arith.mulf %sub3A_3405, %sub3A_3405 : vector<16xf32>
      %mul3A_3429 = arith.mulf %sub3A_3416, %sub3A_3416 : vector<16xf32>
      %add3A_3430 = arith.addf %mul3A_3428, %mul3A_3429 : vector<16xf32>
      %mul3A_3431 = arith.mulf %sub3A_3427, %sub3A_3427 : vector<16xf32>
      %add3A_3432 = arith.addf %add3A_3430, %mul3A_3431 : vector<16xf32>
      %mul3A_3433 = arith.constant -4.000000e+02 : f32
      %mul3A_3434 = vector.broadcast %mul3A_3433 : f32 to vector<16xf32>
      %mul3A_3435 = arith.mulf %add3A_3432, %mul3A_3434 : vector<16xf32>
      %exp3A_3436 = math.exp %mul3A_3435 : vector<16xf32>
      %mul3A_3437 = arith.constant 128 : i32
      %mul3A_3438 = vector.broadcast %mul3A_3437 : i32 to vector<16xi32>
      %mul3A_3439 = arith.muli %min3A_3376, %mul3A_3438 : vector<16xi32>
      %add3A_3440 = arith.addi %mul3A_3439, %min3A_3385 : vector<16xi32>
      %mul3A_3441 = arith.constant 128 : i32
      %mul3A_3442 = vector.broadcast %mul3A_3441 : i32 to vector<16xi32>
      %mul3A_3443 = arith.muli %add3A_3440, %mul3A_3442 : vector<16xi32>
      %add3A_3444 = arith.addi %mul3A_3443, %min3A_3394 : vector<16xi32>
      %shift_right_logical3A_3445 = arith.constant 1 : i32
      %shift_right_logical3A_3446 = vector.broadcast %shift_right_logical3A_3445 : i32 to vector<16xi32>
      %shift_right_logical3A_3447 = arith.shrui %add3A_3444, %shift_right_logical3A_3446 : vector<16xi32>
      %mul3A_3448 = arith.constant 432 : i32
      %mul3A_3449 = arith.muli %scan3A_180, %mul3A_3448 : i32
      %add3A_3450 = arith.constant 400 : i32
      %add3A_3451 = arith.addi %mul3A_3449, %add3A_3450 : i32
      %swap3A_3452 = arith.index_cast %add3A_3451 : i32 to index
      %swap3A_3453 = tpu.vector_load %arg16[%swap3A_3452] {strides = array<i32>} : memref<12288xi32, #tpu.memory_space<vmem>>, vector<16xi32>,
      tpu.vector_store %arg16[%swap3A_3452], %shift_right_logical3A_3447 {strides = array<i32>} : memref<12288xi32, #tpu.memory_space<vmem>>, vector<16xi32>,
      %add3A_3454 = arith.constant 400 : i32
      %add3A_3455 = vector.broadcast %add3A_3454 : i32 to vector<16xi32>
      %add3A_3456 = arith.addi %add3A_3455, %iota3A : vector<16xi32>
      %and3A_3457 = arith.constant 1 : i32
      %and3A_3458 = vector.broadcast %and3A_3457 : i32 to vector<16xi32>
      %and3A_3459 = arith.andi %add3A_3444, %and3A_3458 : vector<16xi32>
      %mul3A_3460 = arith.constant 4 : i32
      %mul3A_3461 = vector.broadcast %mul3A_3460 : i32 to vector<16xi32>
      %mul3A_3462 = arith.muli %and3A_3459, %mul3A_3461 : vector<16xi32>
      %sub3A_3463 = arith.constant 4 : i32
      %sub3A_3464 = vector.broadcast %sub3A_3463 : i32 to vector<16xi32>
      %sub3A_3465 = arith.subi %sub3A_3464, %mul3A_3462 : vector<16xi32>
      %mul3A_3466 = arith.mulf %exp3A_3436, %get3A_190 : vector<16xf32>
      %mul3A_3467 = arith.mulf %exp3A_3436, %get3A_192 : vector<16xf32>
      %mul3A_3468 = arith.mulf %exp3A_3436, %get3A_194 : vector<16xf32>
      %add3A_3469 = arith.constant 0 : i32
      %add3A_3470 = vector.broadcast %add3A_3469 : i32 to vector<16xi32>
      %add3A_3471 = arith.addi %mul3A_3462, %add3A_3470 : vector<16xi32>
      tpu.vector_store_idx %arg17[%add3A_3456, %add3A_3471], %mul3A_3466 : memref<432x8xf32, #tpu.memory_space<vmem>>[vector<16xi32>, vector<16xi32>], vector<16xf32>,
      %add3A_3472 = arith.constant 0 : i32
      %add3A_3473 = vector.broadcast %add3A_3472 : i32 to vector<16xi32>
      %add3A_3474 = arith.addi %sub3A_3465, %add3A_3473 : vector<16xi32>
      tpu.vector_store_idx %arg17[%add3A_3456, %add3A_3474], %broadcast_in_dim3A_245 : memref<432x8xf32, #tpu.memory_space<vmem>>[vector<16xi32>, vector<16xi32>], vector<16xf32>,
      %add3A_3475 = arith.constant 1 : i32
      %add3A_3476 = vector.broadcast %add3A_3475 : i32 to vector<16xi32>
      %add3A_3477 = arith.addi %mul3A_3462, %add3A_3476 : vector<16xi32>
      tpu.vector_store_idx %arg17[%add3A_3456, %add3A_3477], %mul3A_3467 : memref<432x8xf32, #tpu.memory_space<vmem>>[vector<16xi32>, vector<16xi32>], vector<16xf32>,
      %add3A_3478 = arith.constant 1 : i32
      %add3A_3479 = vector.broadcast %add3A_3478 : i32 to vector<16xi32>
      %add3A_3480 = arith.addi %sub3A_3465, %add3A_3479 : vector<16xi32>
      tpu.vector_store_idx %arg17[%add3A_3456, %add3A_3480], %broadcast_in_dim3A_245 : memref<432x8xf32, #tpu.memory_space<vmem>>[vector<16xi32>, vector<16xi32>], vector<16xf32>,
      %add3A_3481 = arith.constant 2 : i32
      %add3A_3482 = vector.broadcast %add3A_3481 : i32 to vector<16xi32>
      %add3A_3483 = arith.addi %mul3A_3462, %add3A_3482 : vector<16xi32>
      tpu.vector_store_idx %arg17[%add3A_3456, %add3A_3483], %mul3A_3468 : memref<432x8xf32, #tpu.memory_space<vmem>>[vector<16xi32>, vector<16xi32>], vector<16xf32>,
      %add3A_3484 = arith.constant 2 : i32
      %add3A_3485 = vector.broadcast %add3A_3484 : i32 to vector<16xi32>
      %add3A_3486 = arith.addi %sub3A_3465, %add3A_3485 : vector<16xi32>
      tpu.vector_store_idx %arg17[%add3A_3456, %add3A_3486], %broadcast_in_dim3A_245 : memref<432x8xf32, #tpu.memory_space<vmem>>[vector<16xi32>, vector<16xi32>], vector<16xf32>,
      %add3A_3487 = arith.constant 3 : i32
      %add3A_3488 = vector.broadcast %add3A_3487 : i32 to vector<16xi32>
      %add3A_3489 = arith.addi %mul3A_3462, %add3A_3488 : vector<16xi32>
      tpu.vector_store_idx %arg17[%add3A_3456, %add3A_3489], %exp3A_3436 : memref<432x8xf32, #tpu.memory_space<vmem>>[vector<16xi32>, vector<16xi32>], vector<16xf32>,
      %add3A_3490 = arith.constant 3 : i32
      %add3A_3491 = vector.broadcast %add3A_3490 : i32 to vector<16xi32>
      %add3A_3492 = arith.addi %sub3A_3465, %add3A_3491 : vector<16xi32>
      tpu.vector_store_idx %arg17[%add3A_3456, %add3A_3492], %broadcast_in_dim3A_245 : memref<432x8xf32, #tpu.memory_space<vmem>>[vector<16xi32>, vector<16xi32>], vector<16xf32>,
      %add3A_3493 = arith.constant 1 : i32
      %add3A_3494 = vector.broadcast %add3A_3493 : i32 to vector<16xi32>
      %add3A_3495 = arith.addi %sub3A, %add3A_3494 : vector<16xi32>
      %jit3A_3496 = arith.constant 0 : i32
      %jit3A_3497 = arith.constant 127 : i32
      %max3A_3498 = vector.broadcast %jit3A_3496 : i32 to vector<16xi32>
      %max3A_3499 = arith.maxsi %max3A_3498, %add3A_3495 : vector<16xi32>
      %min3A_3500 = vector.broadcast %jit3A_3497 : i32 to vector<16xi32>
      %min3A_3501 = arith.minsi %min3A_3500, %max3A_3499 : vector<16xi32>
      %add3A_3502 = arith.constant 1 : i32
      %add3A_3503 = vector.broadcast %add3A_3502 : i32 to vector<16xi32>
      %add3A_3504 = arith.addi %sub3A_225, %add3A_3503 : vector<16xi32>
      %jit3A_3505 = arith.constant 0 : i32
      %jit3A_3506 = arith.constant 127 : i32
      %max3A_3507 = vector.broadcast %jit3A_3505 : i32 to vector<16xi32>
      %max3A_3508 = arith.maxsi %max3A_3507, %add3A_3504 : vector<16xi32>
      %min3A_3509 = vector.broadcast %jit3A_3506 : i32 to vector<16xi32>
      %min3A_3510 = arith.minsi %min3A_3509, %max3A_3508 : vector<16xi32>
      %add3A_3511 = arith.constant 1 : i32
      %add3A_3512 = vector.broadcast %add3A_3511 : i32 to vector<16xi32>
      %add3A_3513 = arith.addi %sub3A_243, %add3A_3512 : vector<16xi32>
      %jit3A_3514 = arith.constant 0 : i32
      %jit3A_3515 = arith.constant 127 : i32
      %max3A_3516 = vector.broadcast %jit3A_3514 : i32 to vector<16xi32>
      %max3A_3517 = arith.maxsi %max3A_3516, %add3A_3513 : vector<16xi32>
      %min3A_3518 = vector.broadcast %jit3A_3515 : i32 to vector<16xi32>
      %min3A_3519 = arith.minsi %min3A_3518, %max3A_3517 : vector<16xi32>
      %convert_element_type3A_3520 = arith.sitofp %min3A_3501 : vector<16xi32> to vector<16xf32>
      %add3A_3521 = arith.constant 5.000000e-01 : f32
      %add3A_3522 = vector.broadcast %add3A_3521 : f32 to vector<16xf32>
      %add3A_3523 = arith.addf %convert_element_type3A_3520, %add3A_3522 : vector<16xf32>
      %mul3A_3524 = arith.constant 1.562500e-02 : f32
      %mul3A_3525 = vector.broadcast %mul3A_3524 : f32 to vector<16xf32>
      %mul3A_3526 = arith.mulf %add3A_3523, %mul3A_3525 : vector<16xf32>
      %sub3A_3527 = arith.constant 1.000000e+00 : f32
      %sub3A_3528 = vector.broadcast %sub3A_3527 : f32 to vector<16xf32>
      %sub3A_3529 = arith.subf %mul3A_3526, %sub3A_3528 : vector<16xf32>
      %sub3A_3530 = arith.subf %sub3A_3529, %get3A_184 : vector<16xf32>
      %convert_element_type3A_3531 = arith.sitofp %min3A_3510 : vector<16xi32> to vector<16xf32>
      %add3A_3532 = arith.constant 5.000000e-01 : f32
      %add3A_3533 = vector.broadcast %add3A_3532 : f32 to vector<16xf32>
      %add3A_3534 = arith.addf %convert_element_type3A_3531, %add3A_3533 : vector<16xf32>
      %mul3A_3535 = arith.constant 1.562500e-02 : f32
      %mul3A_3536 = vector.broadcast %mul3A_3535 : f32 to vector<16xf32>
      %mul3A_3537 = arith.mulf %add3A_3534, %mul3A_3536 : vector<16xf32>
      %sub3A_3538 = arith.constant 1.000000e+00 : f32
      %sub3A_3539 = vector.broadcast %sub3A_3538 : f32 to vector<16xf32>
      %sub3A_3540 = arith.subf %mul3A_3537, %sub3A_3539 : vector<16xf32>
      %sub3A_3541 = arith.subf %sub3A_3540, %get3A_186 : vector<16xf32>
      %convert_element_type3A_3542 = arith.sitofp %min3A_3519 : vector<16xi32> to vector<16xf32>
      %add3A_3543 = arith.constant 5.000000e-01 : f32
      %add3A_3544 = vector.broadcast %add3A_3543 : f32 to vector<16xf32>
      %add3A_3545 = arith.addf %convert_element_type3A_3542, %add3A_3544 : vector<16xf32>
      %mul3A_3546 = arith.constant 1.562500e-02 : f32
      %mul3A_3547 = vector.broadcast %mul3A_3546 : f32 to vector<16xf32>
      %mul3A_3548 = arith.mulf %add3A_3545, %mul3A_3547 : vector<16xf32>
      %sub3A_3549 = arith.constant 1.000000e+00 : f32
      %sub3A_3550 = vector.broadcast %sub3A_3549 : f32 to vector<16xf32>
      %sub3A_3551 = arith.subf %mul3A_3548, %sub3A_3550 : vector<16xf32>
      %sub3A_3552 = arith.subf %sub3A_3551, %get3A_188 : vector<16xf32>
      %mul3A_3553 = arith.mulf %sub3A_3530, %sub3A_3530 : vector<16xf32>
      %mul3A_3554 = arith.mulf %sub3A_3541, %sub3A_3541 : vector<16xf32>
      %add3A_3555 = arith.addf %mul3A_3553, %mul3A_3554 : vector<16xf32>
      %mul3A_3556 = arith.mulf %sub3A_3552, %sub3A_3552 : vector<16xf32>
      %add3A_3557 = arith.addf %add3A_3555, %mul3A_3556 : vector<16xf32>
      %mul3A_3558 = arith.constant -4.000000e+02 : f32
      %mul3A_3559 = vector.broadcast %mul3A_3558 : f32 to vector<16xf32>
      %mul3A_3560 = arith.mulf %add3A_3557, %mul3A_3559 : vector<16xf32>
      %exp3A_3561 = math.exp %mul3A_3560 : vector<16xf32>
      %mul3A_3562 = arith.constant 128 : i32
      %mul3A_3563 = vector.broadcast %mul3A_3562 : i32 to vector<16xi32>
      %mul3A_3564 = arith.muli %min3A_3501, %mul3A_3563 : vector<16xi32>
      %add3A_3565 = arith.addi %mul3A_3564, %min3A_3510 : vector<16xi32>
      %mul3A_3566 = arith.constant 128 : i32
      %mul3A_3567 = vector.broadcast %mul3A_3566 : i32 to vector<16xi32>
      %mul3A_3568 = arith.muli %add3A_3565, %mul3A_3567 : vector<16xi32>
      %add3A_3569 = arith.addi %mul3A_3568, %min3A_3519 : vector<16xi32>
      %shift_right_logical3A_3570 = arith.constant 1 : i32
      %shift_right_logical3A_3571 = vector.broadcast %shift_right_logical3A_3570 : i32 to vector<16xi32>
      %shift_right_logical3A_3572 = arith.shrui %add3A_3569, %shift_right_logical3A_3571 : vector<16xi32>
      %mul3A_3573 = arith.constant 432 : i32
      %mul3A_3574 = arith.muli %scan3A_180, %mul3A_3573 : i32
      %add3A_3575 = arith.constant 416 : i32
      %add3A_3576 = arith.addi %mul3A_3574, %add3A_3575 : i32
      %swap3A_3577 = arith.index_cast %add3A_3576 : i32 to index
      %swap3A_3578 = tpu.vector_load %arg16[%swap3A_3577] {strides = array<i32>} : memref<12288xi32, #tpu.memory_space<vmem>>, vector<16xi32>,
      tpu.vector_store %arg16[%swap3A_3577], %shift_right_logical3A_3572 {strides = array<i32>} : memref<12288xi32, #tpu.memory_space<vmem>>, vector<16xi32>,
      %add3A_3579 = arith.constant 416 : i32
      %add3A_3580 = vector.broadcast %add3A_3579 : i32 to vector<16xi32>
      %add3A_3581 = arith.addi %add3A_3580, %iota3A : vector<16xi32>
      %and3A_3582 = arith.constant 1 : i32
      %and3A_3583 = vector.broadcast %and3A_3582 : i32 to vector<16xi32>
      %and3A_3584 = arith.andi %add3A_3569, %and3A_3583 : vector<16xi32>
      %mul3A_3585 = arith.constant 4 : i32
      %mul3A_3586 = vector.broadcast %mul3A_3585 : i32 to vector<16xi32>
      %mul3A_3587 = arith.muli %and3A_3584, %mul3A_3586 : vector<16xi32>
      %sub3A_3588 = arith.constant 4 : i32
      %sub3A_3589 = vector.broadcast %sub3A_3588 : i32 to vector<16xi32>
      %sub3A_3590 = arith.subi %sub3A_3589, %mul3A_3587 : vector<16xi32>
      %mul3A_3591 = arith.mulf %exp3A_3561, %get3A_190 : vector<16xf32>
      %mul3A_3592 = arith.mulf %exp3A_3561, %get3A_192 : vector<16xf32>
      %mul3A_3593 = arith.mulf %exp3A_3561, %get3A_194 : vector<16xf32>
      %add3A_3594 = arith.constant 0 : i32
      %add3A_3595 = vector.broadcast %add3A_3594 : i32 to vector<16xi32>
      %add3A_3596 = arith.addi %mul3A_3587, %add3A_3595 : vector<16xi32>
      tpu.vector_store_idx %arg17[%add3A_3581, %add3A_3596], %mul3A_3591 : memref<432x8xf32, #tpu.memory_space<vmem>>[vector<16xi32>, vector<16xi32>], vector<16xf32>,
      %add3A_3597 = arith.constant 0 : i32
      %add3A_3598 = vector.broadcast %add3A_3597 : i32 to vector<16xi32>
      %add3A_3599 = arith.addi %sub3A_3590, %add3A_3598 : vector<16xi32>
      tpu.vector_store_idx %arg17[%add3A_3581, %add3A_3599], %broadcast_in_dim3A_245 : memref<432x8xf32, #tpu.memory_space<vmem>>[vector<16xi32>, vector<16xi32>], vector<16xf32>,
      %add3A_3600 = arith.constant 1 : i32
      %add3A_3601 = vector.broadcast %add3A_3600 : i32 to vector<16xi32>
      %add3A_3602 = arith.addi %mul3A_3587, %add3A_3601 : vector<16xi32>
      tpu.vector_store_idx %arg17[%add3A_3581, %add3A_3602], %mul3A_3592 : memref<432x8xf32, #tpu.memory_space<vmem>>[vector<16xi32>, vector<16xi32>], vector<16xf32>,
      %add3A_3603 = arith.constant 1 : i32
      %add3A_3604 = vector.broadcast %add3A_3603 : i32 to vector<16xi32>
      %add3A_3605 = arith.addi %sub3A_3590, %add3A_3604 : vector<16xi32>
      tpu.vector_store_idx %arg17[%add3A_3581, %add3A_3605], %broadcast_in_dim3A_245 : memref<432x8xf32, #tpu.memory_space<vmem>>[vector<16xi32>, vector<16xi32>], vector<16xf32>,
      %add3A_3606 = arith.constant 2 : i32
      %add3A_3607 = vector.broadcast %add3A_3606 : i32 to vector<16xi32>
      %add3A_3608 = arith.addi %mul3A_3587, %add3A_3607 : vector<16xi32>
      tpu.vector_store_idx %arg17[%add3A_3581, %add3A_3608], %mul3A_3593 : memref<432x8xf32, #tpu.memory_space<vmem>>[vector<16xi32>, vector<16xi32>], vector<16xf32>,
      %add3A_3609 = arith.constant 2 : i32
      %add3A_3610 = vector.broadcast %add3A_3609 : i32 to vector<16xi32>
      %add3A_3611 = arith.addi %sub3A_3590, %add3A_3610 : vector<16xi32>
      tpu.vector_store_idx %arg17[%add3A_3581, %add3A_3611], %broadcast_in_dim3A_245 : memref<432x8xf32, #tpu.memory_space<vmem>>[vector<16xi32>, vector<16xi32>], vector<16xf32>,
      %add3A_3612 = arith.constant 3 : i32
      %add3A_3613 = vector.broadcast %add3A_3612 : i32 to vector<16xi32>
      %add3A_3614 = arith.addi %mul3A_3587, %add3A_3613 : vector<16xi32>
      tpu.vector_store_idx %arg17[%add3A_3581, %add3A_3614], %exp3A_3561 : memref<432x8xf32, #tpu.memory_space<vmem>>[vector<16xi32>, vector<16xi32>], vector<16xf32>,
      %add3A_3615 = arith.constant 3 : i32
      %add3A_3616 = vector.broadcast %add3A_3615 : i32 to vector<16xi32>
      %add3A_3617 = arith.addi %sub3A_3590, %add3A_3616 : vector<16xi32>
      tpu.vector_store_idx %arg17[%add3A_3581, %add3A_3617], %broadcast_in_dim3A_245 : memref<432x8xf32, #tpu.memory_space<vmem>>[vector<16xi32>, vector<16xi32>], vector<16xf32>,
      %mul3A_3618 = arith.constant 432 : i32
      %mul3A_3619 = arith.muli %scan3A_180, %mul3A_3618 : i32
      "tpu.region"() ({
        %run_scoped3A = tpu.sem_alloc : memref<!tpu.dma_semaphore, #tpu.memory_space<semaphore_mem>>
        %dma_start3A = arith.constant 0 : i32
        %dma_start3A_3621 = tpu.memref_slice %arg22[%add3A, %mul3A_3619, %dma_start3A] : memref<32x12288x8xf32, #tpu.memory_space<hbm>> -> memref<1x432x8xf32, #tpu.memory_space<hbm>>
        %dma_start3A_3622 = tpu.memref_squeeze %dma_start3A_3621 : memref<1x432x8xf32, #tpu.memory_space<hbm>> -> memref<432x8xf32, #tpu.memory_space<hbm>>
        %dma_start3A_3623 = arith.constant 0 : i32
        %dma_start3A_3624 = tpu.memref_slice %arg22[%add3A, %mul3A_3619, %dma_start3A_3623] : memref<32x12288x8xf32, #tpu.memory_space<hbm>> -> memref<1x432x8xf32, #tpu.memory_space<hbm>>
        %dma_start3A_3625 = tpu.memref_squeeze %dma_start3A_3624 : memref<1x432x8xf32, #tpu.memory_space<hbm>> -> memref<432x8xf32, #tpu.memory_space<hbm>>
        tpu.enqueue_dma source(%arg17 : memref<432x8xf32, #tpu.memory_space<vmem>>) target(%dma_start3A_3625 : memref<432x8xf32, #tpu.memory_space<hbm>>) target_semaphore(%run_scoped3A : memref<!tpu.dma_semaphore, #tpu.memory_space<semaphore_mem>>)
        %dma_wait3A = arith.constant 0 : i32
        %dma_wait3A_3626 = tpu.memref_slice %arg22[%add3A, %mul3A_3619, %dma_wait3A] : memref<32x12288x8xf32, #tpu.memory_space<hbm>> -> memref<1x432x8xf32, #tpu.memory_space<hbm>>
        %dma_wait3A_3627 = tpu.memref_squeeze %dma_wait3A_3626 : memref<1x432x8xf32, #tpu.memory_space<hbm>> -> memref<432x8xf32, #tpu.memory_space<hbm>>
        %dma_wait3A_3628 = arith.constant 0 : i32
        %dma_wait3A_3629 = tpu.memref_slice %arg22[%add3A, %mul3A_3619, %dma_wait3A_3628] : memref<32x12288x8xf32, #tpu.memory_space<hbm>> -> memref<1x432x8xf32, #tpu.memory_space<hbm>>
        %dma_wait3A_3630 = tpu.memref_squeeze %dma_wait3A_3629 : memref<1x432x8xf32, #tpu.memory_space<hbm>> -> memref<432x8xf32, #tpu.memory_space<hbm>>
        tpu.wait_dma2 semaphore(%run_scoped3A : memref<!tpu.dma_semaphore, #tpu.memory_space<semaphore_mem>>) src(%arg17 : memref<432x8xf32, #tpu.memory_space<vmem>>) dst(%dma_wait3A_3630 : memref<432x8xf32, #tpu.memory_space<hbm>>)
        tpu.yield
      }) : () -> ()
      %scan3A_3620 = arith.constant 0 : i32
      scf.yield %scan3A_3620 : i32
    }
    %scan3A_172 = arith.constant 27 : i32
    %scan3A_173 = arith.constant 0 : i32
    %scan3A_174 = arith.constant 0 : i32
    %scan3A_175 = arith.constant 8 : i32
    %scan3A_176 = arith.addi %scan3A_174, %scan3A_175 : i32
    %scan3A_177 = arith.constant 1 : i32
    %scan3A_178 = scf.for %scan3A_180 = %scan3A_174 to %scan3A_176 step %scan3A_177 iter_args(%scan3A_181 = %scan3A_173) -> (i32)  : i32 {
      %mul3A_182 = arith.constant 131072 : i32
      %mul3A_183 = arith.muli %scan3A_180, %mul3A_182 : i32
      %mul3A_184 = arith.constant 8192 : i32
      %mul3A_185 = arith.muli %arg1, %mul3A_184 : i32
      %add3A_186 = arith.constant 0 : i32
      %add3A_187 = arith.addi %mul3A_185, %add3A_186 : i32
      %dma_start3A = arith.constant 0 : i32
      %dma_start3A_188 = tpu.memref_slice %arg28[%add3A_187, %dma_start3A] : memref<131200x8xf32, #tpu.memory_space<vmem_shared>> -> memref<2048x8xf32, #tpu.memory_space<vmem_shared>>
      tpu.enqueue_dma source(%arg8 : memref<2048x8xf32, #tpu.memory_space<hbm>>) target(%dma_start3A_188 : memref<2048x8xf32, #tpu.memory_space<vmem_shared>>) target_semaphore(%arg25 : memref<!tpu.dma_semaphore, #tpu.memory_space<semaphore_mem>>)
      %mul3A_189 = arith.constant 8192 : i32
      %mul3A_190 = arith.muli %arg1, %mul3A_189 : i32
      %add3A_191 = arith.constant 2048 : i32
      %add3A_192 = arith.addi %mul3A_190, %add3A_191 : i32
      %dma_start3A_193 = arith.constant 0 : i32
      %dma_start3A_194 = tpu.memref_slice %arg28[%add3A_192, %dma_start3A_193] : memref<131200x8xf32, #tpu.memory_space<vmem_shared>> -> memref<2048x8xf32, #tpu.memory_space<vmem_shared>>
      tpu.enqueue_dma source(%arg8 : memref<2048x8xf32, #tpu.memory_space<hbm>>) target(%dma_start3A_194 : memref<2048x8xf32, #tpu.memory_space<vmem_shared>>) target_semaphore(%arg25 : memref<!tpu.dma_semaphore, #tpu.memory_space<semaphore_mem>>)
      %mul3A_195 = arith.constant 8192 : i32
      %mul3A_196 = arith.muli %arg1, %mul3A_195 : i32
      %add3A_197 = arith.constant 4096 : i32
      %add3A_198 = arith.addi %mul3A_196, %add3A_197 : i32
      %dma_start3A_199 = arith.constant 0 : i32
      %dma_start3A_200 = tpu.memref_slice %arg28[%add3A_198, %dma_start3A_199] : memref<131200x8xf32, #tpu.memory_space<vmem_shared>> -> memref<2048x8xf32, #tpu.memory_space<vmem_shared>>
      tpu.enqueue_dma source(%arg8 : memref<2048x8xf32, #tpu.memory_space<hbm>>) target(%dma_start3A_200 : memref<2048x8xf32, #tpu.memory_space<vmem_shared>>) target_semaphore(%arg25 : memref<!tpu.dma_semaphore, #tpu.memory_space<semaphore_mem>>)
      %mul3A_201 = arith.constant 8192 : i32
      %mul3A_202 = arith.muli %arg1, %mul3A_201 : i32
      %add3A_203 = arith.constant 6144 : i32
      %add3A_204 = arith.addi %mul3A_202, %add3A_203 : i32
      %dma_start3A_205 = arith.constant 0 : i32
      %dma_start3A_206 = tpu.memref_slice %arg28[%add3A_204, %dma_start3A_205] : memref<131200x8xf32, #tpu.memory_space<vmem_shared>> -> memref<2048x8xf32, #tpu.memory_space<vmem_shared>>
      tpu.enqueue_dma source(%arg8 : memref<2048x8xf32, #tpu.memory_space<hbm>>) target(%dma_start3A_206 : memref<2048x8xf32, #tpu.memory_space<vmem_shared>>) target_semaphore(%arg25 : memref<!tpu.dma_semaphore, #tpu.memory_space<semaphore_mem>>)
      %mul3A_207 = arith.constant 8192 : i32
      %mul3A_208 = arith.muli %arg1, %mul3A_207 : i32
      %add3A_209 = arith.constant 0 : i32
      %add3A_210 = arith.addi %mul3A_208, %add3A_209 : i32
      %dma_wait3A = arith.constant 0 : i32
      %dma_wait3A_211 = tpu.memref_slice %arg28[%add3A_210, %dma_wait3A] : memref<131200x8xf32, #tpu.memory_space<vmem_shared>> -> memref<2048x8xf32, #tpu.memory_space<vmem_shared>>
      tpu.wait_dma2 semaphore(%arg25 : memref<!tpu.dma_semaphore, #tpu.memory_space<semaphore_mem>>) src(%arg8 : memref<2048x8xf32, #tpu.memory_space<hbm>>) dst(%dma_wait3A_211 : memref<2048x8xf32, #tpu.memory_space<vmem_shared>>)
      %mul3A_212 = arith.constant 8192 : i32
      %mul3A_213 = arith.muli %arg1, %mul3A_212 : i32
      %add3A_214 = arith.constant 2048 : i32
      %add3A_215 = arith.addi %mul3A_213, %add3A_214 : i32
      %dma_wait3A_216 = arith.constant 0 : i32
      %dma_wait3A_217 = tpu.memref_slice %arg28[%add3A_215, %dma_wait3A_216] : memref<131200x8xf32, #tpu.memory_space<vmem_shared>> -> memref<2048x8xf32, #tpu.memory_space<vmem_shared>>
      tpu.wait_dma2 semaphore(%arg25 : memref<!tpu.dma_semaphore, #tpu.memory_space<semaphore_mem>>) src(%arg8 : memref<2048x8xf32, #tpu.memory_space<hbm>>) dst(%dma_wait3A_217 : memref<2048x8xf32, #tpu.memory_space<vmem_shared>>)
      %mul3A_218 = arith.constant 8192 : i32
      %mul3A_219 = arith.muli %arg1, %mul3A_218 : i32
      %add3A_220 = arith.constant 4096 : i32
      %add3A_221 = arith.addi %mul3A_219, %add3A_220 : i32
      %dma_wait3A_222 = arith.constant 0 : i32
      %dma_wait3A_223 = tpu.memref_slice %arg28[%add3A_221, %dma_wait3A_222] : memref<131200x8xf32, #tpu.memory_space<vmem_shared>> -> memref<2048x8xf32, #tpu.memory_space<vmem_shared>>
      tpu.wait_dma2 semaphore(%arg25 : memref<!tpu.dma_semaphore, #tpu.memory_space<semaphore_mem>>) src(%arg8 : memref<2048x8xf32, #tpu.memory_space<hbm>>) dst(%dma_wait3A_223 : memref<2048x8xf32, #tpu.memory_space<vmem_shared>>)
      %mul3A_224 = arith.constant 8192 : i32
      %mul3A_225 = arith.muli %arg1, %mul3A_224 : i32
      %add3A_226 = arith.constant 6144 : i32
      %add3A_227 = arith.addi %mul3A_225, %add3A_226 : i32
      %dma_wait3A_228 = arith.constant 0 : i32
      %dma_wait3A_229 = tpu.memref_slice %arg28[%add3A_227, %dma_wait3A_228] : memref<131200x8xf32, #tpu.memory_space<vmem_shared>> -> memref<2048x8xf32, #tpu.memory_space<vmem_shared>>
      tpu.wait_dma2 semaphore(%arg25 : memref<!tpu.dma_semaphore, #tpu.memory_space<semaphore_mem>>) src(%arg8 : memref<2048x8xf32, #tpu.memory_space<hbm>>) dst(%dma_wait3A_229 : memref<2048x8xf32, #tpu.memory_space<vmem_shared>>)
      %scan3A_230 = arith.constant 0 : i32
      %scan3A_231 = arith.constant 0 : i32
      %scan3A_232 = arith.constant 96 : i32
      %scan3A_233 = arith.addi %scan3A_231, %scan3A_232 : i32
      %scan3A_234 = arith.constant 1 : i32
      %scan3A_235 = scf.for %scan3A_507 = %scan3A_231 to %scan3A_233 step %scan3A_234 iter_args(%scan3A_508 = %scan3A_230) -> (i32)  : i32 {
        %mul3A_509 = arith.constant 128 : i32
        %mul3A_510 = arith.muli %scan3A_507, %mul3A_509 : i32
        %add3A_511 = arith.constant 0 : i32
        %add3A_512 = arith.addi %mul3A_510, %add3A_511 : i32
        %get3A = arith.index_cast %add3A_512 : i32 to index
        %get3A_513 = tpu.vector_load %arg16[%get3A] {strides = array<i32>} : memref<12288xi32, #tpu.memory_space<vmem>>, vector<16xi32>,
        %sub3A = vector.broadcast %mul3A_183 : i32 to vector<16xi32>
        %sub3A_514 = arith.subi %get3A_513, %sub3A : vector<16xi32>
        %ge3A = arith.constant 0 : i32
        %ge3A_515 = vector.broadcast %ge3A : i32 to vector<16xi32>
        %ge3A_516 = arith.cmpi sge, %sub3A_514, %ge3A_515 : vector<16xi32>
        %lt3A = arith.constant 131072 : i32
        %lt3A_517 = vector.broadcast %lt3A : i32 to vector<16xi32>
        %lt3A_518 = arith.cmpi slt, %sub3A_514, %lt3A_517 : vector<16xi32>
        %and3A_519 = arith.andi %ge3A_516, %lt3A_518 : vector<16xi1>
        %add3A_520 = arith.constant 131072 : i32
        %add3A_521 = vector.broadcast %add3A_520 : i32 to vector<16xi32>
        %add3A_522 = arith.addi %add3A_521, %iota3A : vector<16xi32>
        %select_n3A = arith.select %and3A_519, %sub3A_514, %add3A_522 : vector<16xi1>, vector<16xi32>
        %swap3A_523 = arith.index_cast %scan3A_507 : i32 to index
        %swap3A_524 = arith.constant 0 : index
        %swap3A_525 = tpu.vector_load %arg19[%swap3A_523, %swap3A_524] {strides = array<i32>} : memref<96x128xi32, #tpu.memory_space<vmem>>, vector<16xi32>,
        tpu.vector_store %arg19[%swap3A_523, %swap3A_524], %select_n3A {strides = array<i32>} : memref<96x128xi32, #tpu.memory_space<vmem>>, vector<16xi32>,
        %mul3A_526 = arith.constant 128 : i32
        %mul3A_527 = arith.muli %scan3A_507, %mul3A_526 : i32
        %add3A_528 = arith.constant 16 : i32
        %add3A_529 = arith.addi %mul3A_527, %add3A_528 : i32
        %get3A_530 = arith.index_cast %add3A_529 : i32 to index
        %get3A_531 = tpu.vector_load %arg16[%get3A_530] {strides = array<i32>} : memref<12288xi32, #tpu.memory_space<vmem>>, vector<16xi32>,
        %sub3A_532 = vector.broadcast %mul3A_183 : i32 to vector<16xi32>
        %sub3A_533 = arith.subi %get3A_531, %sub3A_532 : vector<16xi32>
        %ge3A_534 = arith.constant 0 : i32
        %ge3A_535 = vector.broadcast %ge3A_534 : i32 to vector<16xi32>
        %ge3A_536 = arith.cmpi sge, %sub3A_533, %ge3A_535 : vector<16xi32>
        %lt3A_537 = arith.constant 131072 : i32
        %lt3A_538 = vector.broadcast %lt3A_537 : i32 to vector<16xi32>
        %lt3A_539 = arith.cmpi slt, %sub3A_533, %lt3A_538 : vector<16xi32>
        %and3A_540 = arith.andi %ge3A_536, %lt3A_539 : vector<16xi1>
        %add3A_541 = arith.constant 131088 : i32
        %add3A_542 = vector.broadcast %add3A_541 : i32 to vector<16xi32>
        %add3A_543 = arith.addi %add3A_542, %iota3A : vector<16xi32>
        %select_n3A_544 = arith.select %and3A_540, %sub3A_533, %add3A_543 : vector<16xi1>, vector<16xi32>
        %swap3A_545 = arith.index_cast %scan3A_507 : i32 to index
        %swap3A_546 = arith.constant 16 : index
        %swap3A_547 = tpu.vector_load %arg19[%swap3A_545, %swap3A_546] {strides = array<i32>} : memref<96x128xi32, #tpu.memory_space<vmem>>, vector<16xi32>,
        tpu.vector_store %arg19[%swap3A_545, %swap3A_546], %select_n3A_544 {strides = array<i32>} : memref<96x128xi32, #tpu.memory_space<vmem>>, vector<16xi32>,
        %mul3A_548 = arith.constant 128 : i32
        %mul3A_549 = arith.muli %scan3A_507, %mul3A_548 : i32
        %add3A_550 = arith.constant 32 : i32
        %add3A_551 = arith.addi %mul3A_549, %add3A_550 : i32
        %get3A_552 = arith.index_cast %add3A_551 : i32 to index
        %get3A_553 = tpu.vector_load %arg16[%get3A_552] {strides = array<i32>} : memref<12288xi32, #tpu.memory_space<vmem>>, vector<16xi32>,
        %sub3A_554 = vector.broadcast %mul3A_183 : i32 to vector<16xi32>
        %sub3A_555 = arith.subi %get3A_553, %sub3A_554 : vector<16xi32>
        %ge3A_556 = arith.constant 0 : i32
        %ge3A_557 = vector.broadcast %ge3A_556 : i32 to vector<16xi32>
        %ge3A_558 = arith.cmpi sge, %sub3A_555, %ge3A_557 : vector<16xi32>
        %lt3A_559 = arith.constant 131072 : i32
        %lt3A_560 = vector.broadcast %lt3A_559 : i32 to vector<16xi32>
        %lt3A_561 = arith.cmpi slt, %sub3A_555, %lt3A_560 : vector<16xi32>
        %and3A_562 = arith.andi %ge3A_558, %lt3A_561 : vector<16xi1>
        %add3A_563 = arith.constant 131104 : i32
        %add3A_564 = vector.broadcast %add3A_563 : i32 to vector<16xi32>
        %add3A_565 = arith.addi %add3A_564, %iota3A : vector<16xi32>
        %select_n3A_566 = arith.select %and3A_562, %sub3A_555, %add3A_565 : vector<16xi1>, vector<16xi32>
        %swap3A_567 = arith.index_cast %scan3A_507 : i32 to index
        %swap3A_568 = arith.constant 32 : index
        %swap3A_569 = tpu.vector_load %arg19[%swap3A_567, %swap3A_568] {strides = array<i32>} : memref<96x128xi32, #tpu.memory_space<vmem>>, vector<16xi32>,
        tpu.vector_store %arg19[%swap3A_567, %swap3A_568], %select_n3A_566 {strides = array<i32>} : memref<96x128xi32, #tpu.memory_space<vmem>>, vector<16xi32>,
        %mul3A_570 = arith.constant 128 : i32
        %mul3A_571 = arith.muli %scan3A_507, %mul3A_570 : i32
        %add3A_572 = arith.constant 48 : i32
        %add3A_573 = arith.addi %mul3A_571, %add3A_572 : i32
        %get3A_574 = arith.index_cast %add3A_573 : i32 to index
        %get3A_575 = tpu.vector_load %arg16[%get3A_574] {strides = array<i32>} : memref<12288xi32, #tpu.memory_space<vmem>>, vector<16xi32>,
        %sub3A_576 = vector.broadcast %mul3A_183 : i32 to vector<16xi32>
        %sub3A_577 = arith.subi %get3A_575, %sub3A_576 : vector<16xi32>
        %ge3A_578 = arith.constant 0 : i32
        %ge3A_579 = vector.broadcast %ge3A_578 : i32 to vector<16xi32>
        %ge3A_580 = arith.cmpi sge, %sub3A_577, %ge3A_579 : vector<16xi32>
        %lt3A_581 = arith.constant 131072 : i32
        %lt3A_582 = vector.broadcast %lt3A_581 : i32 to vector<16xi32>
        %lt3A_583 = arith.cmpi slt, %sub3A_577, %lt3A_582 : vector<16xi32>
        %and3A_584 = arith.andi %ge3A_580, %lt3A_583 : vector<16xi1>
        %add3A_585 = arith.constant 131120 : i32
        %add3A_586 = vector.broadcast %add3A_585 : i32 to vector<16xi32>
        %add3A_587 = arith.addi %add3A_586, %iota3A : vector<16xi32>
        %select_n3A_588 = arith.select %and3A_584, %sub3A_577, %add3A_587 : vector<16xi1>, vector<16xi32>
        %swap3A_589 = arith.index_cast %scan3A_507 : i32 to index
        %swap3A_590 = arith.constant 48 : index
        %swap3A_591 = tpu.vector_load %arg19[%swap3A_589, %swap3A_590] {strides = array<i32>} : memref<96x128xi32, #tpu.memory_space<vmem>>, vector<16xi32>,
        tpu.vector_store %arg19[%swap3A_589, %swap3A_590], %select_n3A_588 {strides = array<i32>} : memref<96x128xi32, #tpu.memory_space<vmem>>, vector<16xi32>,
        %mul3A_592 = arith.constant 128 : i32
        %mul3A_593 = arith.muli %scan3A_507, %mul3A_592 : i32
        %add3A_594 = arith.constant 64 : i32
        %add3A_595 = arith.addi %mul3A_593, %add3A_594 : i32
        %get3A_596 = arith.index_cast %add3A_595 : i32 to index
        %get3A_597 = tpu.vector_load %arg16[%get3A_596] {strides = array<i32>} : memref<12288xi32, #tpu.memory_space<vmem>>, vector<16xi32>,
        %sub3A_598 = vector.broadcast %mul3A_183 : i32 to vector<16xi32>
        %sub3A_599 = arith.subi %get3A_597, %sub3A_598 : vector<16xi32>
        %ge3A_600 = arith.constant 0 : i32
        %ge3A_601 = vector.broadcast %ge3A_600 : i32 to vector<16xi32>
        %ge3A_602 = arith.cmpi sge, %sub3A_599, %ge3A_601 : vector<16xi32>
        %lt3A_603 = arith.constant 131072 : i32
        %lt3A_604 = vector.broadcast %lt3A_603 : i32 to vector<16xi32>
        %lt3A_605 = arith.cmpi slt, %sub3A_599, %lt3A_604 : vector<16xi32>
        %and3A_606 = arith.andi %ge3A_602, %lt3A_605 : vector<16xi1>
        %add3A_607 = arith.constant 131136 : i32
        %add3A_608 = vector.broadcast %add3A_607 : i32 to vector<16xi32>
        %add3A_609 = arith.addi %add3A_608, %iota3A : vector<16xi32>
        %select_n3A_610 = arith.select %and3A_606, %sub3A_599, %add3A_609 : vector<16xi1>, vector<16xi32>
        %swap3A_611 = arith.index_cast %scan3A_507 : i32 to index
        %swap3A_612 = arith.constant 64 : index
        %swap3A_613 = tpu.vector_load %arg19[%swap3A_611, %swap3A_612] {strides = array<i32>} : memref<96x128xi32, #tpu.memory_space<vmem>>, vector<16xi32>,
        tpu.vector_store %arg19[%swap3A_611, %swap3A_612], %select_n3A_610 {strides = array<i32>} : memref<96x128xi32, #tpu.memory_space<vmem>>, vector<16xi32>,
        %mul3A_614 = arith.constant 128 : i32
        %mul3A_615 = arith.muli %scan3A_507, %mul3A_614 : i32
        %add3A_616 = arith.constant 80 : i32
        %add3A_617 = arith.addi %mul3A_615, %add3A_616 : i32
        %get3A_618 = arith.index_cast %add3A_617 : i32 to index
        %get3A_619 = tpu.vector_load %arg16[%get3A_618] {strides = array<i32>} : memref<12288xi32, #tpu.memory_space<vmem>>, vector<16xi32>,
        %sub3A_620 = vector.broadcast %mul3A_183 : i32 to vector<16xi32>
        %sub3A_621 = arith.subi %get3A_619, %sub3A_620 : vector<16xi32>
        %ge3A_622 = arith.constant 0 : i32
        %ge3A_623 = vector.broadcast %ge3A_622 : i32 to vector<16xi32>
        %ge3A_624 = arith.cmpi sge, %sub3A_621, %ge3A_623 : vector<16xi32>
        %lt3A_625 = arith.constant 131072 : i32
        %lt3A_626 = vector.broadcast %lt3A_625 : i32 to vector<16xi32>
        %lt3A_627 = arith.cmpi slt, %sub3A_621, %lt3A_626 : vector<16xi32>
        %and3A_628 = arith.andi %ge3A_624, %lt3A_627 : vector<16xi1>
        %add3A_629 = arith.constant 131152 : i32
        %add3A_630 = vector.broadcast %add3A_629 : i32 to vector<16xi32>
        %add3A_631 = arith.addi %add3A_630, %iota3A : vector<16xi32>
        %select_n3A_632 = arith.select %and3A_628, %sub3A_621, %add3A_631 : vector<16xi1>, vector<16xi32>
        %swap3A_633 = arith.index_cast %scan3A_507 : i32 to index
        %swap3A_634 = arith.constant 80 : index
        %swap3A_635 = tpu.vector_load %arg19[%swap3A_633, %swap3A_634] {strides = array<i32>} : memref<96x128xi32, #tpu.memory_space<vmem>>, vector<16xi32>,
        tpu.vector_store %arg19[%swap3A_633, %swap3A_634], %select_n3A_632 {strides = array<i32>} : memref<96x128xi32, #tpu.memory_space<vmem>>, vector<16xi32>,
        %mul3A_636 = arith.constant 128 : i32
        %mul3A_637 = arith.muli %scan3A_507, %mul3A_636 : i32
        %add3A_638 = arith.constant 96 : i32
        %add3A_639 = arith.addi %mul3A_637, %add3A_638 : i32
        %get3A_640 = arith.index_cast %add3A_639 : i32 to index
        %get3A_641 = tpu.vector_load %arg16[%get3A_640] {strides = array<i32>} : memref<12288xi32, #tpu.memory_space<vmem>>, vector<16xi32>,
        %sub3A_642 = vector.broadcast %mul3A_183 : i32 to vector<16xi32>
        %sub3A_643 = arith.subi %get3A_641, %sub3A_642 : vector<16xi32>
        %ge3A_644 = arith.constant 0 : i32
        %ge3A_645 = vector.broadcast %ge3A_644 : i32 to vector<16xi32>
        %ge3A_646 = arith.cmpi sge, %sub3A_643, %ge3A_645 : vector<16xi32>
        %lt3A_647 = arith.constant 131072 : i32
        %lt3A_648 = vector.broadcast %lt3A_647 : i32 to vector<16xi32>
        %lt3A_649 = arith.cmpi slt, %sub3A_643, %lt3A_648 : vector<16xi32>
        %and3A_650 = arith.andi %ge3A_646, %lt3A_649 : vector<16xi1>
        %add3A_651 = arith.constant 131168 : i32
        %add3A_652 = vector.broadcast %add3A_651 : i32 to vector<16xi32>
        %add3A_653 = arith.addi %add3A_652, %iota3A : vector<16xi32>
        %select_n3A_654 = arith.select %and3A_650, %sub3A_643, %add3A_653 : vector<16xi1>, vector<16xi32>
        %swap3A_655 = arith.index_cast %scan3A_507 : i32 to index
        %swap3A_656 = arith.constant 96 : index
        %swap3A_657 = tpu.vector_load %arg19[%swap3A_655, %swap3A_656] {strides = array<i32>} : memref<96x128xi32, #tpu.memory_space<vmem>>, vector<16xi32>,
        tpu.vector_store %arg19[%swap3A_655, %swap3A_656], %select_n3A_654 {strides = array<i32>} : memref<96x128xi32, #tpu.memory_space<vmem>>, vector<16xi32>,
        %mul3A_658 = arith.constant 128 : i32
        %mul3A_659 = arith.muli %scan3A_507, %mul3A_658 : i32
        %add3A_660 = arith.constant 112 : i32
        %add3A_661 = arith.addi %mul3A_659, %add3A_660 : i32
        %get3A_662 = arith.index_cast %add3A_661 : i32 to index
        %get3A_663 = tpu.vector_load %arg16[%get3A_662] {strides = array<i32>} : memref<12288xi32, #tpu.memory_space<vmem>>, vector<16xi32>,
        %sub3A_664 = vector.broadcast %mul3A_183 : i32 to vector<16xi32>
        %sub3A_665 = arith.subi %get3A_663, %sub3A_664 : vector<16xi32>
        %ge3A_666 = arith.constant 0 : i32
        %ge3A_667 = vector.broadcast %ge3A_666 : i32 to vector<16xi32>
        %ge3A_668 = arith.cmpi sge, %sub3A_665, %ge3A_667 : vector<16xi32>
        %lt3A_669 = arith.constant 131072 : i32
        %lt3A_670 = vector.broadcast %lt3A_669 : i32 to vector<16xi32>
        %lt3A_671 = arith.cmpi slt, %sub3A_665, %lt3A_670 : vector<16xi32>
        %and3A_672 = arith.andi %ge3A_668, %lt3A_671 : vector<16xi1>
        %add3A_673 = arith.constant 131184 : i32
        %add3A_674 = vector.broadcast %add3A_673 : i32 to vector<16xi32>
        %add3A_675 = arith.addi %add3A_674, %iota3A : vector<16xi32>
        %select_n3A_676 = arith.select %and3A_672, %sub3A_665, %add3A_675 : vector<16xi1>, vector<16xi32>
        %swap3A_677 = arith.index_cast %scan3A_507 : i32 to index
        %swap3A_678 = arith.constant 112 : index
        %swap3A_679 = tpu.vector_load %arg19[%swap3A_677, %swap3A_678] {strides = array<i32>} : memref<96x128xi32, #tpu.memory_space<vmem>>, vector<16xi32>,
        tpu.vector_store %arg19[%swap3A_677, %swap3A_678], %select_n3A_676 {strides = array<i32>} : memref<96x128xi32, #tpu.memory_space<vmem>>, vector<16xi32>,
        %scan3A_680 = arith.constant 0 : i32
        scf.yield %scan3A_680 : i32
      }
      %scan3A_236 = arith.constant 96 : i32
      %barrier3A = arith.constant 0 : index
      tpu.barrier barrier_id(%barrier3A)
      %dma_start3A_237 = arith.constant 0 : i32
      %dma_start3A_238 = arith.constant 0 : i32
      %dma_start3A_239 = arith.constant 0 : i32
      %dma_start3A_240 = tpu.memref_slice %arg18[%dma_start3A_237, %dma_start3A_238, %dma_start3A_239] : memref<3x1024x8xf32, #tpu.memory_space<vmem>> -> memref<1x1024x8xf32, #tpu.memory_space<vmem>>
      %dma_start3A_241 = tpu.memref_squeeze %dma_start3A_240 : memref<1x1024x8xf32, #tpu.memory_space<vmem>> -> memref<1024x8xf32, #tpu.memory_space<vmem>>
      %dma_start3A_242 = arith.constant 0 : i32
      %dma_start3A_243 = arith.constant 0 : i32
      %dma_start3A_244 = tpu.memref_slice %arg22[%add3A, %dma_start3A_242, %dma_start3A_243] : memref<32x12288x8xf32, #tpu.memory_space<hbm>> -> memref<1x1024x8xf32, #tpu.memory_space<hbm>>
      %dma_start3A_245 = tpu.memref_squeeze %dma_start3A_244 : memref<1x1024x8xf32, #tpu.memory_space<hbm>> -> memref<1024x8xf32, #tpu.memory_space<hbm>>
      %dma_start3A_246 = arith.constant 0 : i32
      %dma_start3A_247 = arith.constant 0 : i32
      %dma_start3A_248 = tpu.memref_slice %arg18[%dma_start3A_237, %dma_start3A_246, %dma_start3A_247] : memref<3x1024x8xf32, #tpu.memory_space<vmem>> -> memref<1x1024x8xf32, #tpu.memory_space<vmem>>
      %dma_start3A_249 = tpu.memref_squeeze %dma_start3A_248 : memref<1x1024x8xf32, #tpu.memory_space<vmem>> -> memref<1024x8xf32, #tpu.memory_space<vmem>>
      %dma_start3A_250 = arith.constant 0 : i32
      %dma_start3A_251 = arith.constant 0 : i32
      %dma_start3A_252 = tpu.memref_slice %arg22[%add3A, %dma_start3A_250, %dma_start3A_251] : memref<32x12288x8xf32, #tpu.memory_space<hbm>> -> memref<1x1024x8xf32, #tpu.memory_space<hbm>>
      %dma_start3A_253 = tpu.memref_squeeze %dma_start3A_252 : memref<1x1024x8xf32, #tpu.memory_space<hbm>> -> memref<1024x8xf32, #tpu.memory_space<hbm>>
      tpu.enqueue_dma source(%dma_start3A_253 : memref<1024x8xf32, #tpu.memory_space<hbm>>) target(%dma_start3A_249 : memref<1024x8xf32, #tpu.memory_space<vmem>>) target_semaphore(%arg23 : memref<!tpu.dma_semaphore, #tpu.memory_space<semaphore_mem>>)
      %dma_start3A_254 = arith.constant 1 : i32
      %dma_start3A_255 = arith.constant 0 : i32
      %dma_start3A_256 = arith.constant 0 : i32
      %dma_start3A_257 = tpu.memref_slice %arg18[%dma_start3A_254, %dma_start3A_255, %dma_start3A_256] : memref<3x1024x8xf32, #tpu.memory_space<vmem>> -> memref<1x1024x8xf32, #tpu.memory_space<vmem>>
      %dma_start3A_258 = tpu.memref_squeeze %dma_start3A_257 : memref<1x1024x8xf32, #tpu.memory_space<vmem>> -> memref<1024x8xf32, #tpu.memory_space<vmem>>
      %dma_start3A_259 = arith.constant 1024 : i32
      %dma_start3A_260 = arith.constant 0 : i32
      %dma_start3A_261 = tpu.memref_slice %arg22[%add3A, %dma_start3A_259, %dma_start3A_260] : memref<32x12288x8xf32, #tpu.memory_space<hbm>> -> memref<1x1024x8xf32, #tpu.memory_space<hbm>>
      %dma_start3A_262 = tpu.memref_squeeze %dma_start3A_261 : memref<1x1024x8xf32, #tpu.memory_space<hbm>> -> memref<1024x8xf32, #tpu.memory_space<hbm>>
      %dma_start3A_263 = arith.constant 0 : i32
      %dma_start3A_264 = arith.constant 0 : i32
      %dma_start3A_265 = tpu.memref_slice %arg18[%dma_start3A_254, %dma_start3A_263, %dma_start3A_264] : memref<3x1024x8xf32, #tpu.memory_space<vmem>> -> memref<1x1024x8xf32, #tpu.memory_space<vmem>>
      %dma_start3A_266 = tpu.memref_squeeze %dma_start3A_265 : memref<1x1024x8xf32, #tpu.memory_space<vmem>> -> memref<1024x8xf32, #tpu.memory_space<vmem>>
      %dma_start3A_267 = arith.constant 1024 : i32
      %dma_start3A_268 = arith.constant 0 : i32
      %dma_start3A_269 = tpu.memref_slice %arg22[%add3A, %dma_start3A_267, %dma_start3A_268] : memref<32x12288x8xf32, #tpu.memory_space<hbm>> -> memref<1x1024x8xf32, #tpu.memory_space<hbm>>
      %dma_start3A_270 = tpu.memref_squeeze %dma_start3A_269 : memref<1x1024x8xf32, #tpu.memory_space<hbm>> -> memref<1024x8xf32, #tpu.memory_space<hbm>>
      tpu.enqueue_dma source(%dma_start3A_270 : memref<1024x8xf32, #tpu.memory_space<hbm>>) target(%dma_start3A_266 : memref<1024x8xf32, #tpu.memory_space<vmem>>) target_semaphore(%arg23 : memref<!tpu.dma_semaphore, #tpu.memory_space<semaphore_mem>>)
      %scan3A_271 = arith.constant 0 : i32
      %scan3A_272 = arith.constant 0 : i32
      %scan3A_273 = arith.constant 12 : i32
      %scan3A_274 = arith.addi %scan3A_272, %scan3A_273 : i32
      %scan3A_275 = arith.constant 1 : i32
      %scan3A_276 = scf.for %scan3A_507 = %scan3A_272 to %scan3A_274 step %scan3A_275 iter_args(%scan3A_508 = %scan3A_271) -> (i32)  : i32 {
        %rem3A = arith.constant 3 : i32
        %rem3A_509 = arith.remsi %scan3A_507, %rem3A : i32
        %mul3A_510 = arith.constant 1024 : i32
        %mul3A_511 = arith.muli %scan3A_507, %mul3A_510 : i32
        %dma_wait3A_512 = arith.constant 0 : i32
        %dma_wait3A_513 = arith.constant 0 : i32
        %dma_wait3A_514 = tpu.memref_slice %arg18[%rem3A_509, %dma_wait3A_512, %dma_wait3A_513] : memref<3x1024x8xf32, #tpu.memory_space<vmem>> -> memref<1x1024x8xf32, #tpu.memory_space<vmem>>
        %dma_wait3A_515 = tpu.memref_squeeze %dma_wait3A_514 : memref<1x1024x8xf32, #tpu.memory_space<vmem>> -> memref<1024x8xf32, #tpu.memory_space<vmem>>
        %dma_wait3A_516 = arith.constant 0 : i32
        %dma_wait3A_517 = tpu.memref_slice %arg22[%add3A, %mul3A_511, %dma_wait3A_516] : memref<32x12288x8xf32, #tpu.memory_space<hbm>> -> memref<1x1024x8xf32, #tpu.memory_space<hbm>>
        %dma_wait3A_518 = tpu.memref_squeeze %dma_wait3A_517 : memref<1x1024x8xf32, #tpu.memory_space<hbm>> -> memref<1024x8xf32, #tpu.memory_space<hbm>>
        %dma_wait3A_519 = arith.constant 0 : i32
        %dma_wait3A_520 = arith.constant 0 : i32
        %dma_wait3A_521 = tpu.memref_slice %arg18[%rem3A_509, %dma_wait3A_519, %dma_wait3A_520] : memref<3x1024x8xf32, #tpu.memory_space<vmem>> -> memref<1x1024x8xf32, #tpu.memory_space<vmem>>
        %dma_wait3A_522 = tpu.memref_squeeze %dma_wait3A_521 : memref<1x1024x8xf32, #tpu.memory_space<vmem>> -> memref<1024x8xf32, #tpu.memory_space<vmem>>
        %dma_wait3A_523 = arith.constant 0 : i32
        %dma_wait3A_524 = tpu.memref_slice %arg22[%add3A, %mul3A_511, %dma_wait3A_523] : memref<32x12288x8xf32, #tpu.memory_space<hbm>> -> memref<1x1024x8xf32, #tpu.memory_space<hbm>>
        %dma_wait3A_525 = tpu.memref_squeeze %dma_wait3A_524 : memref<1x1024x8xf32, #tpu.memory_space<hbm>> -> memref<1024x8xf32, #tpu.memory_space<hbm>>
        tpu.wait_dma2 semaphore(%arg23 : memref<!tpu.dma_semaphore, #tpu.memory_space<semaphore_mem>>) src(%dma_wait3A_525 : memref<1024x8xf32, #tpu.memory_space<hbm>>) dst(%dma_wait3A_522 : memref<1024x8xf32, #tpu.memory_space<vmem>>)
        %mul3A_526 = arith.constant 8 : i32
        %mul3A_527 = arith.muli %scan3A_507, %mul3A_526 : i32
        %add3A_528 = arith.constant 0 : i32
        %add3A_529 = arith.addi %mul3A_527, %add3A_528 : i32
        %dma_start3A_530 = arith.constant 0 : i32
        %dma_start3A_531 = arith.constant 0 : i32
        %dma_start3A_532 = tpu.memref_slice %arg18[%rem3A_509, %dma_start3A_530, %dma_start3A_531] : memref<3x1024x8xf32, #tpu.memory_space<vmem>> -> memref<1x128x8xf32, #tpu.memory_space<vmem>>
        %dma_start3A_533 = tpu.memref_squeeze %dma_start3A_532 : memref<1x128x8xf32, #tpu.memory_space<vmem>> -> memref<128x8xf32, #tpu.memory_space<vmem>>
        %dma_start3A_534 = arith.constant 0 : i32
        %dma_start3A_535 = tpu.memref_slice %arg19[%add3A_529, %dma_start3A_534] : memref<96x128xi32, #tpu.memory_space<vmem>> -> memref<1x128xi32, #tpu.memory_space<vmem>>
        %dma_start3A_536 = tpu.memref_squeeze %dma_start3A_535 : memref<1x128xi32, #tpu.memory_space<vmem>> -> memref<128xi32, #tpu.memory_space<vmem>>
        %dma_start3A_537 = arith.constant 0 : i32
        %dma_start3A_538 = arith.constant 0 : i32
        %dma_start3A_539 = tpu.memref_slice %arg28[%dma_start3A_537, %dma_start3A_538] : memref<131200x8xf32, #tpu.memory_space<vmem_shared>> -> memref<131200x8xf32, #tpu.memory_space<vmem_shared>>
        tpu.enqueue_indirect_dma source(%dma_start3A_533 : memref<128x8xf32, #tpu.memory_space<vmem>>) target(%dma_start3A_539 : memref<131200x8xf32, #tpu.memory_space<vmem_shared>>) offsets(%dma_start3A_536 : memref<128xi32, #tpu.memory_space<vmem>>) semaphore(%arg24 : memref<!tpu.dma_semaphore, #tpu.memory_space<semaphore_mem>>) {add = true}
        %mul3A_540 = arith.constant 8 : i32
        %mul3A_541 = arith.muli %scan3A_507, %mul3A_540 : i32
        %add3A_542 = arith.constant 1 : i32
        %add3A_543 = arith.addi %mul3A_541, %add3A_542 : i32
        %dma_start3A_544 = arith.constant 128 : i32
        %dma_start3A_545 = arith.constant 0 : i32
        %dma_start3A_546 = tpu.memref_slice %arg18[%rem3A_509, %dma_start3A_544, %dma_start3A_545] : memref<3x1024x8xf32, #tpu.memory_space<vmem>> -> memref<1x128x8xf32, #tpu.memory_space<vmem>>
        %dma_start3A_547 = tpu.memref_squeeze %dma_start3A_546 : memref<1x128x8xf32, #tpu.memory_space<vmem>> -> memref<128x8xf32, #tpu.memory_space<vmem>>
        %dma_start3A_548 = arith.constant 0 : i32
        %dma_start3A_549 = tpu.memref_slice %arg19[%add3A_543, %dma_start3A_548] : memref<96x128xi32, #tpu.memory_space<vmem>> -> memref<1x128xi32, #tpu.memory_space<vmem>>
        %dma_start3A_550 = tpu.memref_squeeze %dma_start3A_549 : memref<1x128xi32, #tpu.memory_space<vmem>> -> memref<128xi32, #tpu.memory_space<vmem>>
        %dma_start3A_551 = arith.constant 0 : i32
        %dma_start3A_552 = arith.constant 0 : i32
        %dma_start3A_553 = tpu.memref_slice %arg28[%dma_start3A_551, %dma_start3A_552] : memref<131200x8xf32, #tpu.memory_space<vmem_shared>> -> memref<131200x8xf32, #tpu.memory_space<vmem_shared>>
        tpu.enqueue_indirect_dma source(%dma_start3A_547 : memref<128x8xf32, #tpu.memory_space<vmem>>) target(%dma_start3A_553 : memref<131200x8xf32, #tpu.memory_space<vmem_shared>>) offsets(%dma_start3A_550 : memref<128xi32, #tpu.memory_space<vmem>>) semaphore(%arg24 : memref<!tpu.dma_semaphore, #tpu.memory_space<semaphore_mem>>) {add = true}
        %mul3A_554 = arith.constant 8 : i32
        %mul3A_555 = arith.muli %scan3A_507, %mul3A_554 : i32
        %add3A_556 = arith.constant 2 : i32
        %add3A_557 = arith.addi %mul3A_555, %add3A_556 : i32
        %dma_start3A_558 = arith.constant 256 : i32
        %dma_start3A_559 = arith.constant 0 : i32
        %dma_start3A_560 = tpu.memref_slice %arg18[%rem3A_509, %dma_start3A_558, %dma_start3A_559] : memref<3x1024x8xf32, #tpu.memory_space<vmem>> -> memref<1x128x8xf32, #tpu.memory_space<vmem>>
        %dma_start3A_561 = tpu.memref_squeeze %dma_start3A_560 : memref<1x128x8xf32, #tpu.memory_space<vmem>> -> memref<128x8xf32, #tpu.memory_space<vmem>>
        %dma_start3A_562 = arith.constant 0 : i32
        %dma_start3A_563 = tpu.memref_slice %arg19[%add3A_557, %dma_start3A_562] : memref<96x128xi32, #tpu.memory_space<vmem>> -> memref<1x128xi32, #tpu.memory_space<vmem>>
        %dma_start3A_564 = tpu.memref_squeeze %dma_start3A_563 : memref<1x128xi32, #tpu.memory_space<vmem>> -> memref<128xi32, #tpu.memory_space<vmem>>
        %dma_start3A_565 = arith.constant 0 : i32
        %dma_start3A_566 = arith.constant 0 : i32
        %dma_start3A_567 = tpu.memref_slice %arg28[%dma_start3A_565, %dma_start3A_566] : memref<131200x8xf32, #tpu.memory_space<vmem_shared>> -> memref<131200x8xf32, #tpu.memory_space<vmem_shared>>
        tpu.enqueue_indirect_dma source(%dma_start3A_561 : memref<128x8xf32, #tpu.memory_space<vmem>>) target(%dma_start3A_567 : memref<131200x8xf32, #tpu.memory_space<vmem_shared>>) offsets(%dma_start3A_564 : memref<128xi32, #tpu.memory_space<vmem>>) semaphore(%arg24 : memref<!tpu.dma_semaphore, #tpu.memory_space<semaphore_mem>>) {add = true}
        %mul3A_568 = arith.constant 8 : i32
        %mul3A_569 = arith.muli %scan3A_507, %mul3A_568 : i32
        %add3A_570 = arith.constant 3 : i32
        %add3A_571 = arith.addi %mul3A_569, %add3A_570 : i32
        %dma_start3A_572 = arith.constant 384 : i32
        %dma_start3A_573 = arith.constant 0 : i32
        %dma_start3A_574 = tpu.memref_slice %arg18[%rem3A_509, %dma_start3A_572, %dma_start3A_573] : memref<3x1024x8xf32, #tpu.memory_space<vmem>> -> memref<1x128x8xf32, #tpu.memory_space<vmem>>
        %dma_start3A_575 = tpu.memref_squeeze %dma_start3A_574 : memref<1x128x8xf32, #tpu.memory_space<vmem>> -> memref<128x8xf32, #tpu.memory_space<vmem>>
        %dma_start3A_576 = arith.constant 0 : i32
        %dma_start3A_577 = tpu.memref_slice %arg19[%add3A_571, %dma_start3A_576] : memref<96x128xi32, #tpu.memory_space<vmem>> -> memref<1x128xi32, #tpu.memory_space<vmem>>
        %dma_start3A_578 = tpu.memref_squeeze %dma_start3A_577 : memref<1x128xi32, #tpu.memory_space<vmem>> -> memref<128xi32, #tpu.memory_space<vmem>>
        %dma_start3A_579 = arith.constant 0 : i32
        %dma_start3A_580 = arith.constant 0 : i32
        %dma_start3A_581 = tpu.memref_slice %arg28[%dma_start3A_579, %dma_start3A_580] : memref<131200x8xf32, #tpu.memory_space<vmem_shared>> -> memref<131200x8xf32, #tpu.memory_space<vmem_shared>>
        tpu.enqueue_indirect_dma source(%dma_start3A_575 : memref<128x8xf32, #tpu.memory_space<vmem>>) target(%dma_start3A_581 : memref<131200x8xf32, #tpu.memory_space<vmem_shared>>) offsets(%dma_start3A_578 : memref<128xi32, #tpu.memory_space<vmem>>) semaphore(%arg24 : memref<!tpu.dma_semaphore, #tpu.memory_space<semaphore_mem>>) {add = true}
        %mul3A_582 = arith.constant 8 : i32
        %mul3A_583 = arith.muli %scan3A_507, %mul3A_582 : i32
        %add3A_584 = arith.constant 4 : i32
        %add3A_585 = arith.addi %mul3A_583, %add3A_584 : i32
        %dma_start3A_586 = arith.constant 512 : i32
        %dma_start3A_587 = arith.constant 0 : i32
        %dma_start3A_588 = tpu.memref_slice %arg18[%rem3A_509, %dma_start3A_586, %dma_start3A_587] : memref<3x1024x8xf32, #tpu.memory_space<vmem>> -> memref<1x128x8xf32, #tpu.memory_space<vmem>>
        %dma_start3A_589 = tpu.memref_squeeze %dma_start3A_588 : memref<1x128x8xf32, #tpu.memory_space<vmem>> -> memref<128x8xf32, #tpu.memory_space<vmem>>
        %dma_start3A_590 = arith.constant 0 : i32
        %dma_start3A_591 = tpu.memref_slice %arg19[%add3A_585, %dma_start3A_590] : memref<96x128xi32, #tpu.memory_space<vmem>> -> memref<1x128xi32, #tpu.memory_space<vmem>>
        %dma_start3A_592 = tpu.memref_squeeze %dma_start3A_591 : memref<1x128xi32, #tpu.memory_space<vmem>> -> memref<128xi32, #tpu.memory_space<vmem>>
        %dma_start3A_593 = arith.constant 0 : i32
        %dma_start3A_594 = arith.constant 0 : i32
        %dma_start3A_595 = tpu.memref_slice %arg28[%dma_start3A_593, %dma_start3A_594] : memref<131200x8xf32, #tpu.memory_space<vmem_shared>> -> memref<131200x8xf32, #tpu.memory_space<vmem_shared>>
        tpu.enqueue_indirect_dma source(%dma_start3A_589 : memref<128x8xf32, #tpu.memory_space<vmem>>) target(%dma_start3A_595 : memref<131200x8xf32, #tpu.memory_space<vmem_shared>>) offsets(%dma_start3A_592 : memref<128xi32, #tpu.memory_space<vmem>>) semaphore(%arg24 : memref<!tpu.dma_semaphore, #tpu.memory_space<semaphore_mem>>) {add = true}
        %mul3A_596 = arith.constant 8 : i32
        %mul3A_597 = arith.muli %scan3A_507, %mul3A_596 : i32
        %add3A_598 = arith.constant 5 : i32
        %add3A_599 = arith.addi %mul3A_597, %add3A_598 : i32
        %dma_start3A_600 = arith.constant 640 : i32
        %dma_start3A_601 = arith.constant 0 : i32
        %dma_start3A_602 = tpu.memref_slice %arg18[%rem3A_509, %dma_start3A_600, %dma_start3A_601] : memref<3x1024x8xf32, #tpu.memory_space<vmem>> -> memref<1x128x8xf32, #tpu.memory_space<vmem>>
        %dma_start3A_603 = tpu.memref_squeeze %dma_start3A_602 : memref<1x128x8xf32, #tpu.memory_space<vmem>> -> memref<128x8xf32, #tpu.memory_space<vmem>>
        %dma_start3A_604 = arith.constant 0 : i32
        %dma_start3A_605 = tpu.memref_slice %arg19[%add3A_599, %dma_start3A_604] : memref<96x128xi32, #tpu.memory_space<vmem>> -> memref<1x128xi32, #tpu.memory_space<vmem>>
        %dma_start3A_606 = tpu.memref_squeeze %dma_start3A_605 : memref<1x128xi32, #tpu.memory_space<vmem>> -> memref<128xi32, #tpu.memory_space<vmem>>
        %dma_start3A_607 = arith.constant 0 : i32
        %dma_start3A_608 = arith.constant 0 : i32
        %dma_start3A_609 = tpu.memref_slice %arg28[%dma_start3A_607, %dma_start3A_608] : memref<131200x8xf32, #tpu.memory_space<vmem_shared>> -> memref<131200x8xf32, #tpu.memory_space<vmem_shared>>
        tpu.enqueue_indirect_dma source(%dma_start3A_603 : memref<128x8xf32, #tpu.memory_space<vmem>>) target(%dma_start3A_609 : memref<131200x8xf32, #tpu.memory_space<vmem_shared>>) offsets(%dma_start3A_606 : memref<128xi32, #tpu.memory_space<vmem>>) semaphore(%arg24 : memref<!tpu.dma_semaphore, #tpu.memory_space<semaphore_mem>>) {add = true}
        %mul3A_610 = arith.constant 8 : i32
        %mul3A_611 = arith.muli %scan3A_507, %mul3A_610 : i32
        %add3A_612 = arith.constant 6 : i32
        %add3A_613 = arith.addi %mul3A_611, %add3A_612 : i32
        %dma_start3A_614 = arith.constant 768 : i32
        %dma_start3A_615 = arith.constant 0 : i32
        %dma_start3A_616 = tpu.memref_slice %arg18[%rem3A_509, %dma_start3A_614, %dma_start3A_615] : memref<3x1024x8xf32, #tpu.memory_space<vmem>> -> memref<1x128x8xf32, #tpu.memory_space<vmem>>
        %dma_start3A_617 = tpu.memref_squeeze %dma_start3A_616 : memref<1x128x8xf32, #tpu.memory_space<vmem>> -> memref<128x8xf32, #tpu.memory_space<vmem>>
        %dma_start3A_618 = arith.constant 0 : i32
        %dma_start3A_619 = tpu.memref_slice %arg19[%add3A_613, %dma_start3A_618] : memref<96x128xi32, #tpu.memory_space<vmem>> -> memref<1x128xi32, #tpu.memory_space<vmem>>
        %dma_start3A_620 = tpu.memref_squeeze %dma_start3A_619 : memref<1x128xi32, #tpu.memory_space<vmem>> -> memref<128xi32, #tpu.memory_space<vmem>>
        %dma_start3A_621 = arith.constant 0 : i32
        %dma_start3A_622 = arith.constant 0 : i32
        %dma_start3A_623 = tpu.memref_slice %arg28[%dma_start3A_621, %dma_start3A_622] : memref<131200x8xf32, #tpu.memory_space<vmem_shared>> -> memref<131200x8xf32, #tpu.memory_space<vmem_shared>>
        tpu.enqueue_indirect_dma source(%dma_start3A_617 : memref<128x8xf32, #tpu.memory_space<vmem>>) target(%dma_start3A_623 : memref<131200x8xf32, #tpu.memory_space<vmem_shared>>) offsets(%dma_start3A_620 : memref<128xi32, #tpu.memory_space<vmem>>) semaphore(%arg24 : memref<!tpu.dma_semaphore, #tpu.memory_space<semaphore_mem>>) {add = true}
        %mul3A_624 = arith.constant 8 : i32
        %mul3A_625 = arith.muli %scan3A_507, %mul3A_624 : i32
        %add3A_626 = arith.constant 7 : i32
        %add3A_627 = arith.addi %mul3A_625, %add3A_626 : i32
        %dma_start3A_628 = arith.constant 896 : i32
        %dma_start3A_629 = arith.constant 0 : i32
        %dma_start3A_630 = tpu.memref_slice %arg18[%rem3A_509, %dma_start3A_628, %dma_start3A_629] : memref<3x1024x8xf32, #tpu.memory_space<vmem>> -> memref<1x128x8xf32, #tpu.memory_space<vmem>>
        %dma_start3A_631 = tpu.memref_squeeze %dma_start3A_630 : memref<1x128x8xf32, #tpu.memory_space<vmem>> -> memref<128x8xf32, #tpu.memory_space<vmem>>
        %dma_start3A_632 = arith.constant 0 : i32
        %dma_start3A_633 = tpu.memref_slice %arg19[%add3A_627, %dma_start3A_632] : memref<96x128xi32, #tpu.memory_space<vmem>> -> memref<1x128xi32, #tpu.memory_space<vmem>>
        %dma_start3A_634 = tpu.memref_squeeze %dma_start3A_633 : memref<1x128xi32, #tpu.memory_space<vmem>> -> memref<128xi32, #tpu.memory_space<vmem>>
        %dma_start3A_635 = arith.constant 0 : i32
        %dma_start3A_636 = arith.constant 0 : i32
        %dma_start3A_637 = tpu.memref_slice %arg28[%dma_start3A_635, %dma_start3A_636] : memref<131200x8xf32, #tpu.memory_space<vmem_shared>> -> memref<131200x8xf32, #tpu.memory_space<vmem_shared>>
        tpu.enqueue_indirect_dma source(%dma_start3A_631 : memref<128x8xf32, #tpu.memory_space<vmem>>) target(%dma_start3A_637 : memref<131200x8xf32, #tpu.memory_space<vmem_shared>>) offsets(%dma_start3A_634 : memref<128xi32, #tpu.memory_space<vmem>>) semaphore(%arg24 : memref<!tpu.dma_semaphore, #tpu.memory_space<semaphore_mem>>) {add = true}
        %ge3A = arith.constant 1 : i32
        %ge3A_638 = arith.cmpi sge, %scan3A_507, %ge3A : i32
        %convert_element_type3A = arith.extui %ge3A_638 : i1 to i32
        %cond3A = arith.constant 0 : i32
        %cond3A_639 = arith.cmpi ne, %convert_element_type3A, %cond3A : i32
        scf.if %cond3A_639 {
          %sub3A_648 = arith.constant 1 : i32
          %sub3A_649 = arith.subi %scan3A_507, %sub3A_648 : i32
          %rem3A_650 = arith.constant 3 : i32
          %rem3A_651 = arith.remsi %sub3A_649, %rem3A_650 : i32
          %mul3A_652 = arith.constant 8 : i32
          %mul3A_653 = arith.muli %sub3A_649, %mul3A_652 : i32
          %add3A_654 = arith.constant 0 : i32
          %add3A_655 = arith.addi %mul3A_653, %add3A_654 : i32
          %dma_wait3A_656 = arith.constant 0 : i32
          %dma_wait3A_657 = arith.constant 0 : i32
          %dma_wait3A_658 = tpu.memref_slice %arg18[%rem3A_651, %dma_wait3A_656, %dma_wait3A_657] : memref<3x1024x8xf32, #tpu.memory_space<vmem>> -> memref<1x128x8xf32, #tpu.memory_space<vmem>>
          %dma_wait3A_659 = tpu.memref_squeeze %dma_wait3A_658 : memref<1x128x8xf32, #tpu.memory_space<vmem>> -> memref<128x8xf32, #tpu.memory_space<vmem>>
          %dma_wait3A_660 = arith.constant 0 : i32
          %dma_wait3A_661 = tpu.memref_slice %arg19[%add3A_655, %dma_wait3A_660] : memref<96x128xi32, #tpu.memory_space<vmem>> -> memref<1x128xi32, #tpu.memory_space<vmem>>
          %dma_wait3A_662 = tpu.memref_squeeze %dma_wait3A_661 : memref<1x128xi32, #tpu.memory_space<vmem>> -> memref<128xi32, #tpu.memory_space<vmem>>
          %dma_wait3A_663 = arith.constant 0 : i32
          %dma_wait3A_664 = arith.constant 0 : i32
          %dma_wait3A_665 = tpu.memref_slice %arg28[%dma_wait3A_663, %dma_wait3A_664] : memref<131200x8xf32, #tpu.memory_space<vmem_shared>> -> memref<131200x8xf32, #tpu.memory_space<vmem_shared>>
          tpu.wait_indirect_dma semaphore(%arg24 : memref<!tpu.dma_semaphore, #tpu.memory_space<semaphore_mem>>) src(%dma_wait3A_659 : memref<128x8xf32, #tpu.memory_space<vmem>>) dst(%dma_wait3A_665 : memref<131200x8xf32, #tpu.memory_space<vmem_shared>>)
          %mul3A_666 = arith.constant 8 : i32
          %mul3A_667 = arith.muli %sub3A_649, %mul3A_666 : i32
          %add3A_668 = arith.constant 1 : i32
          %add3A_669 = arith.addi %mul3A_667, %add3A_668 : i32
          %dma_wait3A_670 = arith.constant 128 : i32
          %dma_wait3A_671 = arith.constant 0 : i32
          %dma_wait3A_672 = tpu.memref_slice %arg18[%rem3A_651, %dma_wait3A_670, %dma_wait3A_671] : memref<3x1024x8xf32, #tpu.memory_space<vmem>> -> memref<1x128x8xf32, #tpu.memory_space<vmem>>
          %dma_wait3A_673 = tpu.memref_squeeze %dma_wait3A_672 : memref<1x128x8xf32, #tpu.memory_space<vmem>> -> memref<128x8xf32, #tpu.memory_space<vmem>>
          %dma_wait3A_674 = arith.constant 0 : i32
          %dma_wait3A_675 = tpu.memref_slice %arg19[%add3A_669, %dma_wait3A_674] : memref<96x128xi32, #tpu.memory_space<vmem>> -> memref<1x128xi32, #tpu.memory_space<vmem>>
          %dma_wait3A_676 = tpu.memref_squeeze %dma_wait3A_675 : memref<1x128xi32, #tpu.memory_space<vmem>> -> memref<128xi32, #tpu.memory_space<vmem>>
          %dma_wait3A_677 = arith.constant 0 : i32
          %dma_wait3A_678 = arith.constant 0 : i32
          %dma_wait3A_679 = tpu.memref_slice %arg28[%dma_wait3A_677, %dma_wait3A_678] : memref<131200x8xf32, #tpu.memory_space<vmem_shared>> -> memref<131200x8xf32, #tpu.memory_space<vmem_shared>>
          tpu.wait_indirect_dma semaphore(%arg24 : memref<!tpu.dma_semaphore, #tpu.memory_space<semaphore_mem>>) src(%dma_wait3A_673 : memref<128x8xf32, #tpu.memory_space<vmem>>) dst(%dma_wait3A_679 : memref<131200x8xf32, #tpu.memory_space<vmem_shared>>)
          %mul3A_680 = arith.constant 8 : i32
          %mul3A_681 = arith.muli %sub3A_649, %mul3A_680 : i32
          %add3A_682 = arith.constant 2 : i32
          %add3A_683 = arith.addi %mul3A_681, %add3A_682 : i32
          %dma_wait3A_684 = arith.constant 256 : i32
          %dma_wait3A_685 = arith.constant 0 : i32
          %dma_wait3A_686 = tpu.memref_slice %arg18[%rem3A_651, %dma_wait3A_684, %dma_wait3A_685] : memref<3x1024x8xf32, #tpu.memory_space<vmem>> -> memref<1x128x8xf32, #tpu.memory_space<vmem>>
          %dma_wait3A_687 = tpu.memref_squeeze %dma_wait3A_686 : memref<1x128x8xf32, #tpu.memory_space<vmem>> -> memref<128x8xf32, #tpu.memory_space<vmem>>
          %dma_wait3A_688 = arith.constant 0 : i32
          %dma_wait3A_689 = tpu.memref_slice %arg19[%add3A_683, %dma_wait3A_688] : memref<96x128xi32, #tpu.memory_space<vmem>> -> memref<1x128xi32, #tpu.memory_space<vmem>>
          %dma_wait3A_690 = tpu.memref_squeeze %dma_wait3A_689 : memref<1x128xi32, #tpu.memory_space<vmem>> -> memref<128xi32, #tpu.memory_space<vmem>>
          %dma_wait3A_691 = arith.constant 0 : i32
          %dma_wait3A_692 = arith.constant 0 : i32
          %dma_wait3A_693 = tpu.memref_slice %arg28[%dma_wait3A_691, %dma_wait3A_692] : memref<131200x8xf32, #tpu.memory_space<vmem_shared>> -> memref<131200x8xf32, #tpu.memory_space<vmem_shared>>
          tpu.wait_indirect_dma semaphore(%arg24 : memref<!tpu.dma_semaphore, #tpu.memory_space<semaphore_mem>>) src(%dma_wait3A_687 : memref<128x8xf32, #tpu.memory_space<vmem>>) dst(%dma_wait3A_693 : memref<131200x8xf32, #tpu.memory_space<vmem_shared>>)
          %mul3A_694 = arith.constant 8 : i32
          %mul3A_695 = arith.muli %sub3A_649, %mul3A_694 : i32
          %add3A_696 = arith.constant 3 : i32
          %add3A_697 = arith.addi %mul3A_695, %add3A_696 : i32
          %dma_wait3A_698 = arith.constant 384 : i32
          %dma_wait3A_699 = arith.constant 0 : i32
          %dma_wait3A_700 = tpu.memref_slice %arg18[%rem3A_651, %dma_wait3A_698, %dma_wait3A_699] : memref<3x1024x8xf32, #tpu.memory_space<vmem>> -> memref<1x128x8xf32, #tpu.memory_space<vmem>>
          %dma_wait3A_701 = tpu.memref_squeeze %dma_wait3A_700 : memref<1x128x8xf32, #tpu.memory_space<vmem>> -> memref<128x8xf32, #tpu.memory_space<vmem>>
          %dma_wait3A_702 = arith.constant 0 : i32
          %dma_wait3A_703 = tpu.memref_slice %arg19[%add3A_697, %dma_wait3A_702] : memref<96x128xi32, #tpu.memory_space<vmem>> -> memref<1x128xi32, #tpu.memory_space<vmem>>
          %dma_wait3A_704 = tpu.memref_squeeze %dma_wait3A_703 : memref<1x128xi32, #tpu.memory_space<vmem>> -> memref<128xi32, #tpu.memory_space<vmem>>
          %dma_wait3A_705 = arith.constant 0 : i32
          %dma_wait3A_706 = arith.constant 0 : i32
          %dma_wait3A_707 = tpu.memref_slice %arg28[%dma_wait3A_705, %dma_wait3A_706] : memref<131200x8xf32, #tpu.memory_space<vmem_shared>> -> memref<131200x8xf32, #tpu.memory_space<vmem_shared>>
          tpu.wait_indirect_dma semaphore(%arg24 : memref<!tpu.dma_semaphore, #tpu.memory_space<semaphore_mem>>) src(%dma_wait3A_701 : memref<128x8xf32, #tpu.memory_space<vmem>>) dst(%dma_wait3A_707 : memref<131200x8xf32, #tpu.memory_space<vmem_shared>>)
          %mul3A_708 = arith.constant 8 : i32
          %mul3A_709 = arith.muli %sub3A_649, %mul3A_708 : i32
          %add3A_710 = arith.constant 4 : i32
          %add3A_711 = arith.addi %mul3A_709, %add3A_710 : i32
          %dma_wait3A_712 = arith.constant 512 : i32
          %dma_wait3A_713 = arith.constant 0 : i32
          %dma_wait3A_714 = tpu.memref_slice %arg18[%rem3A_651, %dma_wait3A_712, %dma_wait3A_713] : memref<3x1024x8xf32, #tpu.memory_space<vmem>> -> memref<1x128x8xf32, #tpu.memory_space<vmem>>
          %dma_wait3A_715 = tpu.memref_squeeze %dma_wait3A_714 : memref<1x128x8xf32, #tpu.memory_space<vmem>> -> memref<128x8xf32, #tpu.memory_space<vmem>>
          %dma_wait3A_716 = arith.constant 0 : i32
          %dma_wait3A_717 = tpu.memref_slice %arg19[%add3A_711, %dma_wait3A_716] : memref<96x128xi32, #tpu.memory_space<vmem>> -> memref<1x128xi32, #tpu.memory_space<vmem>>
          %dma_wait3A_718 = tpu.memref_squeeze %dma_wait3A_717 : memref<1x128xi32, #tpu.memory_space<vmem>> -> memref<128xi32, #tpu.memory_space<vmem>>
          %dma_wait3A_719 = arith.constant 0 : i32
          %dma_wait3A_720 = arith.constant 0 : i32
          %dma_wait3A_721 = tpu.memref_slice %arg28[%dma_wait3A_719, %dma_wait3A_720] : memref<131200x8xf32, #tpu.memory_space<vmem_shared>> -> memref<131200x8xf32, #tpu.memory_space<vmem_shared>>
          tpu.wait_indirect_dma semaphore(%arg24 : memref<!tpu.dma_semaphore, #tpu.memory_space<semaphore_mem>>) src(%dma_wait3A_715 : memref<128x8xf32, #tpu.memory_space<vmem>>) dst(%dma_wait3A_721 : memref<131200x8xf32, #tpu.memory_space<vmem_shared>>)
          %mul3A_722 = arith.constant 8 : i32
          %mul3A_723 = arith.muli %sub3A_649, %mul3A_722 : i32
          %add3A_724 = arith.constant 5 : i32
          %add3A_725 = arith.addi %mul3A_723, %add3A_724 : i32
          %dma_wait3A_726 = arith.constant 640 : i32
          %dma_wait3A_727 = arith.constant 0 : i32
          %dma_wait3A_728 = tpu.memref_slice %arg18[%rem3A_651, %dma_wait3A_726, %dma_wait3A_727] : memref<3x1024x8xf32, #tpu.memory_space<vmem>> -> memref<1x128x8xf32, #tpu.memory_space<vmem>>
          %dma_wait3A_729 = tpu.memref_squeeze %dma_wait3A_728 : memref<1x128x8xf32, #tpu.memory_space<vmem>> -> memref<128x8xf32, #tpu.memory_space<vmem>>
          %dma_wait3A_730 = arith.constant 0 : i32
          %dma_wait3A_731 = tpu.memref_slice %arg19[%add3A_725, %dma_wait3A_730] : memref<96x128xi32, #tpu.memory_space<vmem>> -> memref<1x128xi32, #tpu.memory_space<vmem>>
          %dma_wait3A_732 = tpu.memref_squeeze %dma_wait3A_731 : memref<1x128xi32, #tpu.memory_space<vmem>> -> memref<128xi32, #tpu.memory_space<vmem>>
          %dma_wait3A_733 = arith.constant 0 : i32
          %dma_wait3A_734 = arith.constant 0 : i32
          %dma_wait3A_735 = tpu.memref_slice %arg28[%dma_wait3A_733, %dma_wait3A_734] : memref<131200x8xf32, #tpu.memory_space<vmem_shared>> -> memref<131200x8xf32, #tpu.memory_space<vmem_shared>>
          tpu.wait_indirect_dma semaphore(%arg24 : memref<!tpu.dma_semaphore, #tpu.memory_space<semaphore_mem>>) src(%dma_wait3A_729 : memref<128x8xf32, #tpu.memory_space<vmem>>) dst(%dma_wait3A_735 : memref<131200x8xf32, #tpu.memory_space<vmem_shared>>)
          %mul3A_736 = arith.constant 8 : i32
          %mul3A_737 = arith.muli %sub3A_649, %mul3A_736 : i32
          %add3A_738 = arith.constant 6 : i32
          %add3A_739 = arith.addi %mul3A_737, %add3A_738 : i32
          %dma_wait3A_740 = arith.constant 768 : i32
          %dma_wait3A_741 = arith.constant 0 : i32
          %dma_wait3A_742 = tpu.memref_slice %arg18[%rem3A_651, %dma_wait3A_740, %dma_wait3A_741] : memref<3x1024x8xf32, #tpu.memory_space<vmem>> -> memref<1x128x8xf32, #tpu.memory_space<vmem>>
          %dma_wait3A_743 = tpu.memref_squeeze %dma_wait3A_742 : memref<1x128x8xf32, #tpu.memory_space<vmem>> -> memref<128x8xf32, #tpu.memory_space<vmem>>
          %dma_wait3A_744 = arith.constant 0 : i32
          %dma_wait3A_745 = tpu.memref_slice %arg19[%add3A_739, %dma_wait3A_744] : memref<96x128xi32, #tpu.memory_space<vmem>> -> memref<1x128xi32, #tpu.memory_space<vmem>>
          %dma_wait3A_746 = tpu.memref_squeeze %dma_wait3A_745 : memref<1x128xi32, #tpu.memory_space<vmem>> -> memref<128xi32, #tpu.memory_space<vmem>>
          %dma_wait3A_747 = arith.constant 0 : i32
          %dma_wait3A_748 = arith.constant 0 : i32
          %dma_wait3A_749 = tpu.memref_slice %arg28[%dma_wait3A_747, %dma_wait3A_748] : memref<131200x8xf32, #tpu.memory_space<vmem_shared>> -> memref<131200x8xf32, #tpu.memory_space<vmem_shared>>
          tpu.wait_indirect_dma semaphore(%arg24 : memref<!tpu.dma_semaphore, #tpu.memory_space<semaphore_mem>>) src(%dma_wait3A_743 : memref<128x8xf32, #tpu.memory_space<vmem>>) dst(%dma_wait3A_749 : memref<131200x8xf32, #tpu.memory_space<vmem_shared>>)
          %mul3A_750 = arith.constant 8 : i32
          %mul3A_751 = arith.muli %sub3A_649, %mul3A_750 : i32
          %add3A_752 = arith.constant 7 : i32
          %add3A_753 = arith.addi %mul3A_751, %add3A_752 : i32
          %dma_wait3A_754 = arith.constant 896 : i32
          %dma_wait3A_755 = arith.constant 0 : i32
          %dma_wait3A_756 = tpu.memref_slice %arg18[%rem3A_651, %dma_wait3A_754, %dma_wait3A_755] : memref<3x1024x8xf32, #tpu.memory_space<vmem>> -> memref<1x128x8xf32, #tpu.memory_space<vmem>>
          %dma_wait3A_757 = tpu.memref_squeeze %dma_wait3A_756 : memref<1x128x8xf32, #tpu.memory_space<vmem>> -> memref<128x8xf32, #tpu.memory_space<vmem>>
          %dma_wait3A_758 = arith.constant 0 : i32
          %dma_wait3A_759 = tpu.memref_slice %arg19[%add3A_753, %dma_wait3A_758] : memref<96x128xi32, #tpu.memory_space<vmem>> -> memref<1x128xi32, #tpu.memory_space<vmem>>
          %dma_wait3A_760 = tpu.memref_squeeze %dma_wait3A_759 : memref<1x128xi32, #tpu.memory_space<vmem>> -> memref<128xi32, #tpu.memory_space<vmem>>
          %dma_wait3A_761 = arith.constant 0 : i32
          %dma_wait3A_762 = arith.constant 0 : i32
          %dma_wait3A_763 = tpu.memref_slice %arg28[%dma_wait3A_761, %dma_wait3A_762] : memref<131200x8xf32, #tpu.memory_space<vmem_shared>> -> memref<131200x8xf32, #tpu.memory_space<vmem_shared>>
          tpu.wait_indirect_dma semaphore(%arg24 : memref<!tpu.dma_semaphore, #tpu.memory_space<semaphore_mem>>) src(%dma_wait3A_757 : memref<128x8xf32, #tpu.memory_space<vmem>>) dst(%dma_wait3A_763 : memref<131200x8xf32, #tpu.memory_space<vmem_shared>>)
        } else {
        }
        %add3A_640 = arith.constant 3 : i32
        %add3A_641 = arith.addi %scan3A_507, %add3A_640 : i32
        %sub3A = arith.constant 1 : i32
        %sub3A_642 = arith.subi %add3A_641, %sub3A : i32
        %lt3A = arith.constant 12 : i32
        %lt3A_643 = arith.cmpi slt, %sub3A_642, %lt3A : i32
        %convert_element_type3A_644 = arith.extui %lt3A_643 : i1 to i32
        %cond3A_645 = arith.constant 0 : i32
        %cond3A_646 = arith.cmpi ne, %convert_element_type3A_644, %cond3A_645 : i32
        scf.if %cond3A_646 {
          %add3A_648 = arith.constant 3 : i32
          %add3A_649 = arith.addi %scan3A_507, %add3A_648 : i32
          %sub3A_650 = arith.constant 1 : i32
          %sub3A_651 = arith.subi %add3A_649, %sub3A_650 : i32
          %mul3A_652 = arith.constant 1024 : i32
          %mul3A_653 = arith.muli %sub3A_651, %mul3A_652 : i32
          %add3A_654 = arith.constant 3 : i32
          %add3A_655 = arith.addi %scan3A_507, %add3A_654 : i32
          %sub3A_656 = arith.constant 1 : i32
          %sub3A_657 = arith.subi %add3A_655, %sub3A_656 : i32
          %rem3A_658 = arith.constant 3 : i32
          %rem3A_659 = arith.remsi %sub3A_657, %rem3A_658 : i32
          %dma_start3A_660 = arith.constant 0 : i32
          %dma_start3A_661 = arith.constant 0 : i32
          %dma_start3A_662 = tpu.memref_slice %arg18[%rem3A_659, %dma_start3A_660, %dma_start3A_661] : memref<3x1024x8xf32, #tpu.memory_space<vmem>> -> memref<1x1024x8xf32, #tpu.memory_space<vmem>>
          %dma_start3A_663 = tpu.memref_squeeze %dma_start3A_662 : memref<1x1024x8xf32, #tpu.memory_space<vmem>> -> memref<1024x8xf32, #tpu.memory_space<vmem>>
          %dma_start3A_664 = arith.constant 0 : i32
          %dma_start3A_665 = tpu.memref_slice %arg22[%add3A, %mul3A_653, %dma_start3A_664] : memref<32x12288x8xf32, #tpu.memory_space<hbm>> -> memref<1x1024x8xf32, #tpu.memory_space<hbm>>
          %dma_start3A_666 = tpu.memref_squeeze %dma_start3A_665 : memref<1x1024x8xf32, #tpu.memory_space<hbm>> -> memref<1024x8xf32, #tpu.memory_space<hbm>>
          %dma_start3A_667 = arith.constant 0 : i32
          %dma_start3A_668 = arith.constant 0 : i32
          %dma_start3A_669 = tpu.memref_slice %arg18[%rem3A_659, %dma_start3A_667, %dma_start3A_668] : memref<3x1024x8xf32, #tpu.memory_space<vmem>> -> memref<1x1024x8xf32, #tpu.memory_space<vmem>>
          %dma_start3A_670 = tpu.memref_squeeze %dma_start3A_669 : memref<1x1024x8xf32, #tpu.memory_space<vmem>> -> memref<1024x8xf32, #tpu.memory_space<vmem>>
          %dma_start3A_671 = arith.constant 0 : i32
          %dma_start3A_672 = tpu.memref_slice %arg22[%add3A, %mul3A_653, %dma_start3A_671] : memref<32x12288x8xf32, #tpu.memory_space<hbm>> -> memref<1x1024x8xf32, #tpu.memory_space<hbm>>
          %dma_start3A_673 = tpu.memref_squeeze %dma_start3A_672 : memref<1x1024x8xf32, #tpu.memory_space<hbm>> -> memref<1024x8xf32, #tpu.memory_space<hbm>>
          tpu.enqueue_dma source(%dma_start3A_673 : memref<1024x8xf32, #tpu.memory_space<hbm>>) target(%dma_start3A_670 : memref<1024x8xf32, #tpu.memory_space<vmem>>) target_semaphore(%arg23 : memref<!tpu.dma_semaphore, #tpu.memory_space<semaphore_mem>>)
        } else {
        }
        %scan3A_647 = arith.constant 0 : i32
        scf.yield %scan3A_647 : i32
      }
      %scan3A_277 = arith.constant 12 : i32
      %dma_wait3A_278 = arith.constant 2 : i32
      %dma_wait3A_279 = arith.constant 88 : i32
      %dma_wait3A_280 = arith.constant 0 : i32
      %dma_wait3A_281 = arith.constant 0 : i32
      %dma_wait3A_282 = tpu.memref_slice %arg18[%dma_wait3A_278, %dma_wait3A_280, %dma_wait3A_281] : memref<3x1024x8xf32, #tpu.memory_space<vmem>> -> memref<1x128x8xf32, #tpu.memory_space<vmem>>
      %dma_wait3A_283 = tpu.memref_squeeze %dma_wait3A_282 : memref<1x128x8xf32, #tpu.memory_space<vmem>> -> memref<128x8xf32, #tpu.memory_space<vmem>>
      %dma_wait3A_284 = arith.constant 0 : i32
      %dma_wait3A_285 = tpu.memref_slice %arg19[%dma_wait3A_279, %dma_wait3A_284] : memref<96x128xi32, #tpu.memory_space<vmem>> -> memref<1x128xi32, #tpu.memory_space<vmem>>
      %dma_wait3A_286 = tpu.memref_squeeze %dma_wait3A_285 : memref<1x128xi32, #tpu.memory_space<vmem>> -> memref<128xi32, #tpu.memory_space<vmem>>
      %dma_wait3A_287 = arith.constant 0 : i32
      %dma_wait3A_288 = arith.constant 0 : i32
      %dma_wait3A_289 = tpu.memref_slice %arg28[%dma_wait3A_287, %dma_wait3A_288] : memref<131200x8xf32, #tpu.memory_space<vmem_shared>> -> memref<131200x8xf32, #tpu.memory_space<vmem_shared>>
      tpu.wait_indirect_dma semaphore(%arg24 : memref<!tpu.dma_semaphore, #tpu.memory_space<semaphore_mem>>) src(%dma_wait3A_283 : memref<128x8xf32, #tpu.memory_space<vmem>>) dst(%dma_wait3A_289 : memref<131200x8xf32, #tpu.memory_space<vmem_shared>>)
      %dma_wait3A_290 = arith.constant 2 : i32
      %dma_wait3A_291 = arith.constant 89 : i32
      %dma_wait3A_292 = arith.constant 128 : i32
      %dma_wait3A_293 = arith.constant 0 : i32
      %dma_wait3A_294 = tpu.memref_slice %arg18[%dma_wait3A_290, %dma_wait3A_292, %dma_wait3A_293] : memref<3x1024x8xf32, #tpu.memory_space<vmem>> -> memref<1x128x8xf32, #tpu.memory_space<vmem>>
      %dma_wait3A_295 = tpu.memref_squeeze %dma_wait3A_294 : memref<1x128x8xf32, #tpu.memory_space<vmem>> -> memref<128x8xf32, #tpu.memory_space<vmem>>
      %dma_wait3A_296 = arith.constant 0 : i32
      %dma_wait3A_297 = tpu.memref_slice %arg19[%dma_wait3A_291, %dma_wait3A_296] : memref<96x128xi32, #tpu.memory_space<vmem>> -> memref<1x128xi32, #tpu.memory_space<vmem>>
      %dma_wait3A_298 = tpu.memref_squeeze %dma_wait3A_297 : memref<1x128xi32, #tpu.memory_space<vmem>> -> memref<128xi32, #tpu.memory_space<vmem>>
      %dma_wait3A_299 = arith.constant 0 : i32
      %dma_wait3A_300 = arith.constant 0 : i32
      %dma_wait3A_301 = tpu.memref_slice %arg28[%dma_wait3A_299, %dma_wait3A_300] : memref<131200x8xf32, #tpu.memory_space<vmem_shared>> -> memref<131200x8xf32, #tpu.memory_space<vmem_shared>>
      tpu.wait_indirect_dma semaphore(%arg24 : memref<!tpu.dma_semaphore, #tpu.memory_space<semaphore_mem>>) src(%dma_wait3A_295 : memref<128x8xf32, #tpu.memory_space<vmem>>) dst(%dma_wait3A_301 : memref<131200x8xf32, #tpu.memory_space<vmem_shared>>)
      %dma_wait3A_302 = arith.constant 2 : i32
      %dma_wait3A_303 = arith.constant 90 : i32
      %dma_wait3A_304 = arith.constant 256 : i32
      %dma_wait3A_305 = arith.constant 0 : i32
      %dma_wait3A_306 = tpu.memref_slice %arg18[%dma_wait3A_302, %dma_wait3A_304, %dma_wait3A_305] : memref<3x1024x8xf32, #tpu.memory_space<vmem>> -> memref<1x128x8xf32, #tpu.memory_space<vmem>>
      %dma_wait3A_307 = tpu.memref_squeeze %dma_wait3A_306 : memref<1x128x8xf32, #tpu.memory_space<vmem>> -> memref<128x8xf32, #tpu.memory_space<vmem>>
      %dma_wait3A_308 = arith.constant 0 : i32
      %dma_wait3A_309 = tpu.memref_slice %arg19[%dma_wait3A_303, %dma_wait3A_308] : memref<96x128xi32, #tpu.memory_space<vmem>> -> memref<1x128xi32, #tpu.memory_space<vmem>>
      %dma_wait3A_310 = tpu.memref_squeeze %dma_wait3A_309 : memref<1x128xi32, #tpu.memory_space<vmem>> -> memref<128xi32, #tpu.memory_space<vmem>>
      %dma_wait3A_311 = arith.constant 0 : i32
      %dma_wait3A_312 = arith.constant 0 : i32
      %dma_wait3A_313 = tpu.memref_slice %arg28[%dma_wait3A_311, %dma_wait3A_312] : memref<131200x8xf32, #tpu.memory_space<vmem_shared>> -> memref<131200x8xf32, #tpu.memory_space<vmem_shared>>
      tpu.wait_indirect_dma semaphore(%arg24 : memref<!tpu.dma_semaphore, #tpu.memory_space<semaphore_mem>>) src(%dma_wait3A_307 : memref<128x8xf32, #tpu.memory_space<vmem>>) dst(%dma_wait3A_313 : memref<131200x8xf32, #tpu.memory_space<vmem_shared>>)
      %dma_wait3A_314 = arith.constant 2 : i32
      %dma_wait3A_315 = arith.constant 91 : i32
      %dma_wait3A_316 = arith.constant 384 : i32
      %dma_wait3A_317 = arith.constant 0 : i32
      %dma_wait3A_318 = tpu.memref_slice %arg18[%dma_wait3A_314, %dma_wait3A_316, %dma_wait3A_317] : memref<3x1024x8xf32, #tpu.memory_space<vmem>> -> memref<1x128x8xf32, #tpu.memory_space<vmem>>
      %dma_wait3A_319 = tpu.memref_squeeze %dma_wait3A_318 : memref<1x128x8xf32, #tpu.memory_space<vmem>> -> memref<128x8xf32, #tpu.memory_space<vmem>>
      %dma_wait3A_320 = arith.constant 0 : i32
      %dma_wait3A_321 = tpu.memref_slice %arg19[%dma_wait3A_315, %dma_wait3A_320] : memref<96x128xi32, #tpu.memory_space<vmem>> -> memref<1x128xi32, #tpu.memory_space<vmem>>
      %dma_wait3A_322 = tpu.memref_squeeze %dma_wait3A_321 : memref<1x128xi32, #tpu.memory_space<vmem>> -> memref<128xi32, #tpu.memory_space<vmem>>
      %dma_wait3A_323 = arith.constant 0 : i32
      %dma_wait3A_324 = arith.constant 0 : i32
      %dma_wait3A_325 = tpu.memref_slice %arg28[%dma_wait3A_323, %dma_wait3A_324] : memref<131200x8xf32, #tpu.memory_space<vmem_shared>> -> memref<131200x8xf32, #tpu.memory_space<vmem_shared>>
      tpu.wait_indirect_dma semaphore(%arg24 : memref<!tpu.dma_semaphore, #tpu.memory_space<semaphore_mem>>) src(%dma_wait3A_319 : memref<128x8xf32, #tpu.memory_space<vmem>>) dst(%dma_wait3A_325 : memref<131200x8xf32, #tpu.memory_space<vmem_shared>>)
      %dma_wait3A_326 = arith.constant 2 : i32
      %dma_wait3A_327 = arith.constant 92 : i32
      %dma_wait3A_328 = arith.constant 512 : i32
      %dma_wait3A_329 = arith.constant 0 : i32
      %dma_wait3A_330 = tpu.memref_slice %arg18[%dma_wait3A_326, %dma_wait3A_328, %dma_wait3A_329] : memref<3x1024x8xf32, #tpu.memory_space<vmem>> -> memref<1x128x8xf32, #tpu.memory_space<vmem>>
      %dma_wait3A_331 = tpu.memref_squeeze %dma_wait3A_330 : memref<1x128x8xf32, #tpu.memory_space<vmem>> -> memref<128x8xf32, #tpu.memory_space<vmem>>
      %dma_wait3A_332 = arith.constant 0 : i32
      %dma_wait3A_333 = tpu.memref_slice %arg19[%dma_wait3A_327, %dma_wait3A_332] : memref<96x128xi32, #tpu.memory_space<vmem>> -> memref<1x128xi32, #tpu.memory_space<vmem>>
      %dma_wait3A_334 = tpu.memref_squeeze %dma_wait3A_333 : memref<1x128xi32, #tpu.memory_space<vmem>> -> memref<128xi32, #tpu.memory_space<vmem>>
      %dma_wait3A_335 = arith.constant 0 : i32
      %dma_wait3A_336 = arith.constant 0 : i32
      %dma_wait3A_337 = tpu.memref_slice %arg28[%dma_wait3A_335, %dma_wait3A_336] : memref<131200x8xf32, #tpu.memory_space<vmem_shared>> -> memref<131200x8xf32, #tpu.memory_space<vmem_shared>>
      tpu.wait_indirect_dma semaphore(%arg24 : memref<!tpu.dma_semaphore, #tpu.memory_space<semaphore_mem>>) src(%dma_wait3A_331 : memref<128x8xf32, #tpu.memory_space<vmem>>) dst(%dma_wait3A_337 : memref<131200x8xf32, #tpu.memory_space<vmem_shared>>)
      %dma_wait3A_338 = arith.constant 2 : i32
      %dma_wait3A_339 = arith.constant 93 : i32
      %dma_wait3A_340 = arith.constant 640 : i32
      %dma_wait3A_341 = arith.constant 0 : i32
      %dma_wait3A_342 = tpu.memref_slice %arg18[%dma_wait3A_338, %dma_wait3A_340, %dma_wait3A_341] : memref<3x1024x8xf32, #tpu.memory_space<vmem>> -> memref<1x128x8xf32, #tpu.memory_space<vmem>>
      %dma_wait3A_343 = tpu.memref_squeeze %dma_wait3A_342 : memref<1x128x8xf32, #tpu.memory_space<vmem>> -> memref<128x8xf32, #tpu.memory_space<vmem>>
      %dma_wait3A_344 = arith.constant 0 : i32
      %dma_wait3A_345 = tpu.memref_slice %arg19[%dma_wait3A_339, %dma_wait3A_344] : memref<96x128xi32, #tpu.memory_space<vmem>> -> memref<1x128xi32, #tpu.memory_space<vmem>>
      %dma_wait3A_346 = tpu.memref_squeeze %dma_wait3A_345 : memref<1x128xi32, #tpu.memory_space<vmem>> -> memref<128xi32, #tpu.memory_space<vmem>>
      %dma_wait3A_347 = arith.constant 0 : i32
      %dma_wait3A_348 = arith.constant 0 : i32
      %dma_wait3A_349 = tpu.memref_slice %arg28[%dma_wait3A_347, %dma_wait3A_348] : memref<131200x8xf32, #tpu.memory_space<vmem_shared>> -> memref<131200x8xf32, #tpu.memory_space<vmem_shared>>
      tpu.wait_indirect_dma semaphore(%arg24 : memref<!tpu.dma_semaphore, #tpu.memory_space<semaphore_mem>>) src(%dma_wait3A_343 : memref<128x8xf32, #tpu.memory_space<vmem>>) dst(%dma_wait3A_349 : memref<131200x8xf32, #tpu.memory_space<vmem_shared>>)
      %dma_wait3A_350 = arith.constant 2 : i32
      %dma_wait3A_351 = arith.constant 94 : i32
      %dma_wait3A_352 = arith.constant 768 : i32
      %dma_wait3A_353 = arith.constant 0 : i32
      %dma_wait3A_354 = tpu.memref_slice %arg18[%dma_wait3A_350, %dma_wait3A_352, %dma_wait3A_353] : memref<3x1024x8xf32, #tpu.memory_space<vmem>> -> memref<1x128x8xf32, #tpu.memory_space<vmem>>
      %dma_wait3A_355 = tpu.memref_squeeze %dma_wait3A_354 : memref<1x128x8xf32, #tpu.memory_space<vmem>> -> memref<128x8xf32, #tpu.memory_space<vmem>>
      %dma_wait3A_356 = arith.constant 0 : i32
      %dma_wait3A_357 = tpu.memref_slice %arg19[%dma_wait3A_351, %dma_wait3A_356] : memref<96x128xi32, #tpu.memory_space<vmem>> -> memref<1x128xi32, #tpu.memory_space<vmem>>
      %dma_wait3A_358 = tpu.memref_squeeze %dma_wait3A_357 : memref<1x128xi32, #tpu.memory_space<vmem>> -> memref<128xi32, #tpu.memory_space<vmem>>
      %dma_wait3A_359 = arith.constant 0 : i32
      %dma_wait3A_360 = arith.constant 0 : i32
      %dma_wait3A_361 = tpu.memref_slice %arg28[%dma_wait3A_359, %dma_wait3A_360] : memref<131200x8xf32, #tpu.memory_space<vmem_shared>> -> memref<131200x8xf32, #tpu.memory_space<vmem_shared>>
      tpu.wait_indirect_dma semaphore(%arg24 : memref<!tpu.dma_semaphore, #tpu.memory_space<semaphore_mem>>) src(%dma_wait3A_355 : memref<128x8xf32, #tpu.memory_space<vmem>>) dst(%dma_wait3A_361 : memref<131200x8xf32, #tpu.memory_space<vmem_shared>>)
      %dma_wait3A_362 = arith.constant 2 : i32
      %dma_wait3A_363 = arith.constant 95 : i32
      %dma_wait3A_364 = arith.constant 896 : i32
      %dma_wait3A_365 = arith.constant 0 : i32
      %dma_wait3A_366 = tpu.memref_slice %arg18[%dma_wait3A_362, %dma_wait3A_364, %dma_wait3A_365] : memref<3x1024x8xf32, #tpu.memory_space<vmem>> -> memref<1x128x8xf32, #tpu.memory_space<vmem>>
      %dma_wait3A_367 = tpu.memref_squeeze %dma_wait3A_366 : memref<1x128x8xf32, #tpu.memory_space<vmem>> -> memref<128x8xf32, #tpu.memory_space<vmem>>
      %dma_wait3A_368 = arith.constant 0 : i32
      %dma_wait3A_369 = tpu.memref_slice %arg19[%dma_wait3A_363, %dma_wait3A_368] : memref<96x128xi32, #tpu.memory_space<vmem>> -> memref<1x128xi32, #tpu.memory_space<vmem>>
      %dma_wait3A_370 = tpu.memref_squeeze %dma_wait3A_369 : memref<1x128xi32, #tpu.memory_space<vmem>> -> memref<128xi32, #tpu.memory_space<vmem>>
      %dma_wait3A_371 = arith.constant 0 : i32
      %dma_wait3A_372 = arith.constant 0 : i32
      %dma_wait3A_373 = tpu.memref_slice %arg28[%dma_wait3A_371, %dma_wait3A_372] : memref<131200x8xf32, #tpu.memory_space<vmem_shared>> -> memref<131200x8xf32, #tpu.memory_space<vmem_shared>>
      tpu.wait_indirect_dma semaphore(%arg24 : memref<!tpu.dma_semaphore, #tpu.memory_space<semaphore_mem>>) src(%dma_wait3A_367 : memref<128x8xf32, #tpu.memory_space<vmem>>) dst(%dma_wait3A_373 : memref<131200x8xf32, #tpu.memory_space<vmem_shared>>)
      %barrier3A_374 = arith.constant 0 : index
      tpu.barrier barrier_id(%barrier3A_374)
      %mul3A_375 = arith.constant 8192 : i32
      %mul3A_376 = arith.muli %arg1, %mul3A_375 : i32
      %add3A_377 = arith.constant 0 : i32
      %add3A_378 = arith.addi %mul3A_376, %add3A_377 : i32
      %dma_start3A_379 = arith.constant 0 : i32
      %dma_start3A_380 = arith.constant 0 : i32
      %dma_start3A_381 = arith.constant 0 : i32
      %dma_start3A_382 = tpu.memref_slice %arg20[%dma_start3A_379, %dma_start3A_380, %dma_start3A_381] : memref<2x256x8xf32, #tpu.memory_space<vmem>> -> memref<1x256x8xf32, #tpu.memory_space<vmem>>
      %dma_start3A_383 = tpu.memref_squeeze %dma_start3A_382 : memref<1x256x8xf32, #tpu.memory_space<vmem>> -> memref<256x8xf32, #tpu.memory_space<vmem>>
      %dma_start3A_384 = arith.constant 0 : i32
      %dma_start3A_385 = tpu.memref_slice %arg28[%add3A_378, %dma_start3A_384] : memref<131200x8xf32, #tpu.memory_space<vmem_shared>> -> memref<256x8xf32, #tpu.memory_space<vmem_shared>>
      %dma_start3A_386 = arith.constant 0 : i32
      %dma_start3A_387 = arith.constant 0 : i32
      %dma_start3A_388 = tpu.memref_slice %arg20[%dma_start3A_379, %dma_start3A_386, %dma_start3A_387] : memref<2x256x8xf32, #tpu.memory_space<vmem>> -> memref<1x256x8xf32, #tpu.memory_space<vmem>>
      %dma_start3A_389 = tpu.memref_squeeze %dma_start3A_388 : memref<1x256x8xf32, #tpu.memory_space<vmem>> -> memref<256x8xf32, #tpu.memory_space<vmem>>
      %dma_start3A_390 = arith.constant 0 : i32
      %dma_start3A_391 = tpu.memref_slice %arg28[%add3A_378, %dma_start3A_390] : memref<131200x8xf32, #tpu.memory_space<vmem_shared>> -> memref<256x8xf32, #tpu.memory_space<vmem_shared>>
      tpu.enqueue_dma source(%dma_start3A_391 : memref<256x8xf32, #tpu.memory_space<vmem_shared>>) target(%dma_start3A_389 : memref<256x8xf32, #tpu.memory_space<vmem>>) target_semaphore(%arg26 : memref<!tpu.dma_semaphore, #tpu.memory_space<semaphore_mem>>)
      %scan3A_392 = arith.constant 0 : i32
      %scan3A_393 = arith.constant 0 : i32
      %scan3A_394 = arith.constant 32 : i32
      %scan3A_395 = arith.addi %scan3A_393, %scan3A_394 : i32
      %scan3A_396 = arith.constant 1 : i32
      %scan3A_397 = scf.for %scan3A_507 = %scan3A_393 to %scan3A_395 step %scan3A_396 iter_args(%scan3A_508 = %scan3A_392) -> (i32)  : i32 {
        %rem3A = arith.constant 2 : i32
        %rem3A_509 = arith.remsi %scan3A_507, %rem3A : i32
        %mul3A_510 = arith.constant 256 : i32
        %mul3A_511 = arith.muli %scan3A_507, %mul3A_510 : i32
        %add3A_512 = arith.addi %mul3A_376, %mul3A_511 : i32
        %dma_wait3A_513 = arith.constant 0 : i32
        %dma_wait3A_514 = arith.constant 0 : i32
        %dma_wait3A_515 = tpu.memref_slice %arg20[%rem3A_509, %dma_wait3A_513, %dma_wait3A_514] : memref<2x256x8xf32, #tpu.memory_space<vmem>> -> memref<1x256x8xf32, #tpu.memory_space<vmem>>
        %dma_wait3A_516 = tpu.memref_squeeze %dma_wait3A_515 : memref<1x256x8xf32, #tpu.memory_space<vmem>> -> memref<256x8xf32, #tpu.memory_space<vmem>>
        %dma_wait3A_517 = arith.constant 0 : i32
        %dma_wait3A_518 = tpu.memref_slice %arg28[%add3A_512, %dma_wait3A_517] : memref<131200x8xf32, #tpu.memory_space<vmem_shared>> -> memref<256x8xf32, #tpu.memory_space<vmem_shared>>
        %dma_wait3A_519 = arith.constant 0 : i32
        %dma_wait3A_520 = arith.constant 0 : i32
        %dma_wait3A_521 = tpu.memref_slice %arg20[%rem3A_509, %dma_wait3A_519, %dma_wait3A_520] : memref<2x256x8xf32, #tpu.memory_space<vmem>> -> memref<1x256x8xf32, #tpu.memory_space<vmem>>
        %dma_wait3A_522 = tpu.memref_squeeze %dma_wait3A_521 : memref<1x256x8xf32, #tpu.memory_space<vmem>> -> memref<256x8xf32, #tpu.memory_space<vmem>>
        %dma_wait3A_523 = arith.constant 0 : i32
        %dma_wait3A_524 = tpu.memref_slice %arg28[%add3A_512, %dma_wait3A_523] : memref<131200x8xf32, #tpu.memory_space<vmem_shared>> -> memref<256x8xf32, #tpu.memory_space<vmem_shared>>
        tpu.wait_dma2 semaphore(%arg26 : memref<!tpu.dma_semaphore, #tpu.memory_space<semaphore_mem>>) src(%dma_wait3A_524 : memref<256x8xf32, #tpu.memory_space<vmem_shared>>) dst(%dma_wait3A_522 : memref<256x8xf32, #tpu.memory_space<vmem>>)
        %add3A_525 = arith.constant 1 : i32
        %add3A_526 = arith.addi %scan3A_507, %add3A_525 : i32
        %lt3A = arith.constant 32 : i32
        %lt3A_527 = arith.cmpi slt, %add3A_526, %lt3A : i32
        %convert_element_type3A = arith.extui %lt3A_527 : i1 to i32
        %cond3A = arith.constant 0 : i32
        %cond3A_528 = arith.cmpi ne, %convert_element_type3A, %cond3A : i32
        scf.if %cond3A_528 {
          %add3A_587 = arith.constant 1 : i32
          %add3A_588 = arith.addi %scan3A_507, %add3A_587 : i32
          %add3A_589 = arith.constant 1 : i32
          %add3A_590 = arith.addi %scan3A_507, %add3A_589 : i32
          %rem3A_591 = arith.constant 2 : i32
          %rem3A_592 = arith.remsi %add3A_590, %rem3A_591 : i32
          %mul3A_593 = arith.constant 256 : i32
          %mul3A_594 = arith.muli %add3A_588, %mul3A_593 : i32
          %add3A_595 = arith.addi %mul3A_376, %mul3A_594 : i32
          %dma_start3A_596 = arith.constant 0 : i32
          %dma_start3A_597 = arith.constant 0 : i32
          %dma_start3A_598 = tpu.memref_slice %arg20[%rem3A_592, %dma_start3A_596, %dma_start3A_597] : memref<2x256x8xf32, #tpu.memory_space<vmem>> -> memref<1x256x8xf32, #tpu.memory_space<vmem>>
          %dma_start3A_599 = tpu.memref_squeeze %dma_start3A_598 : memref<1x256x8xf32, #tpu.memory_space<vmem>> -> memref<256x8xf32, #tpu.memory_space<vmem>>
          %dma_start3A_600 = arith.constant 0 : i32
          %dma_start3A_601 = tpu.memref_slice %arg28[%add3A_595, %dma_start3A_600] : memref<131200x8xf32, #tpu.memory_space<vmem_shared>> -> memref<256x8xf32, #tpu.memory_space<vmem_shared>>
          %dma_start3A_602 = arith.constant 0 : i32
          %dma_start3A_603 = arith.constant 0 : i32
          %dma_start3A_604 = tpu.memref_slice %arg20[%rem3A_592, %dma_start3A_602, %dma_start3A_603] : memref<2x256x8xf32, #tpu.memory_space<vmem>> -> memref<1x256x8xf32, #tpu.memory_space<vmem>>
          %dma_start3A_605 = tpu.memref_squeeze %dma_start3A_604 : memref<1x256x8xf32, #tpu.memory_space<vmem>> -> memref<256x8xf32, #tpu.memory_space<vmem>>
          %dma_start3A_606 = arith.constant 0 : i32
          %dma_start3A_607 = tpu.memref_slice %arg28[%add3A_595, %dma_start3A_606] : memref<131200x8xf32, #tpu.memory_space<vmem_shared>> -> memref<256x8xf32, #tpu.memory_space<vmem_shared>>
          tpu.enqueue_dma source(%dma_start3A_607 : memref<256x8xf32, #tpu.memory_space<vmem_shared>>) target(%dma_start3A_605 : memref<256x8xf32, #tpu.memory_space<vmem>>) target_semaphore(%arg26 : memref<!tpu.dma_semaphore, #tpu.memory_space<semaphore_mem>>)
        } else {
        }
        %ge3A = arith.constant 2 : i32
        %ge3A_529 = arith.cmpi sge, %scan3A_507, %ge3A : i32
        %convert_element_type3A_530 = arith.extui %ge3A_529 : i1 to i32
        %cond3A_531 = arith.constant 0 : i32
        %cond3A_532 = arith.cmpi ne, %convert_element_type3A_530, %cond3A_531 : i32
        scf.if %cond3A_532 {
          %sub3A = arith.constant 2 : i32
          %sub3A_587 = arith.subi %scan3A_507, %sub3A : i32
          %add3A_588 = arith.addi %mul3A_183, %mul3A_376 : i32
          %mul3A_589 = arith.constant 256 : i32
          %mul3A_590 = arith.muli %sub3A_587, %mul3A_589 : i32
          %add3A_591 = arith.addi %add3A_588, %mul3A_590 : i32
          %mul3A_592 = arith.constant 2 : i32
          %mul3A_593 = arith.muli %add3A_591, %mul3A_592 : i32
          %mul3A_594 = arith.constant 3 : i32
          %mul3A_595 = arith.muli %arg0, %mul3A_594 : i32
          %add3A_596 = arith.constant 0 : i32
          %add3A_597 = arith.addi %mul3A_595, %add3A_596 : i32
          %mul3A_598 = arith.constant 2097152 : i32
          %mul3A_599 = arith.muli %add3A_597, %mul3A_598 : i32
          %add3A_600 = arith.addi %mul3A_599, %mul3A_593 : i32
          %dma_wait3A_601 = arith.constant 0 : i32
          %dma_wait3A_602 = tpu.memref_slice %arg21[%rem3A_509, %dma_wait3A_601] : memref<2x1536xf32, #tpu.memory_space<vmem>> -> memref<1x512xf32, #tpu.memory_space<vmem>>
          %dma_wait3A_603 = tpu.memref_squeeze %dma_wait3A_602 : memref<1x512xf32, #tpu.memory_space<vmem>> -> memref<512xf32, #tpu.memory_space<vmem>>
          %dma_wait3A_604 = tpu.memref_slice %arg9[%add3A_600] : memref<12582912xf32, #tpu.memory_space<hbm>> -> memref<512xf32, #tpu.memory_space<hbm>>
          %dma_wait3A_605 = tpu.memref_slice %arg9[%add3A_600] : memref<12582912xf32, #tpu.memory_space<hbm>> -> memref<512xf32, #tpu.memory_space<hbm>>
          %dma_wait3A_606 = arith.constant 0 : i32
          %dma_wait3A_607 = tpu.memref_slice %arg21[%rem3A_509, %dma_wait3A_606] : memref<2x1536xf32, #tpu.memory_space<vmem>> -> memref<1x512xf32, #tpu.memory_space<vmem>>
          %dma_wait3A_608 = tpu.memref_squeeze %dma_wait3A_607 : memref<1x512xf32, #tpu.memory_space<vmem>> -> memref<512xf32, #tpu.memory_space<vmem>>
          tpu.wait_dma2 semaphore(%arg27 : memref<!tpu.dma_semaphore, #tpu.memory_space<semaphore_mem>>) src(%dma_wait3A_608 : memref<512xf32, #tpu.memory_space<vmem>>) dst(%dma_wait3A_605 : memref<512xf32, #tpu.memory_space<hbm>>)
          %mul3A_609 = arith.constant 3 : i32
          %mul3A_610 = arith.muli %arg0, %mul3A_609 : i32
          %add3A_611 = arith.constant 1 : i32
          %add3A_612 = arith.addi %mul3A_610, %add3A_611 : i32
          %mul3A_613 = arith.constant 2097152 : i32
          %mul3A_614 = arith.muli %add3A_612, %mul3A_613 : i32
          %add3A_615 = arith.addi %mul3A_614, %mul3A_593 : i32
          %dma_wait3A_616 = arith.constant 512 : i32
          %dma_wait3A_617 = tpu.memref_slice %arg21[%rem3A_509, %dma_wait3A_616] : memref<2x1536xf32, #tpu.memory_space<vmem>> -> memref<1x512xf32, #tpu.memory_space<vmem>>
          %dma_wait3A_618 = tpu.memref_squeeze %dma_wait3A_617 : memref<1x512xf32, #tpu.memory_space<vmem>> -> memref<512xf32, #tpu.memory_space<vmem>>
          %dma_wait3A_619 = tpu.memref_slice %arg9[%add3A_615] : memref<12582912xf32, #tpu.memory_space<hbm>> -> memref<512xf32, #tpu.memory_space<hbm>>
          %dma_wait3A_620 = tpu.memref_slice %arg9[%add3A_615] : memref<12582912xf32, #tpu.memory_space<hbm>> -> memref<512xf32, #tpu.memory_space<hbm>>
          %dma_wait3A_621 = arith.constant 512 : i32
          %dma_wait3A_622 = tpu.memref_slice %arg21[%rem3A_509, %dma_wait3A_621] : memref<2x1536xf32, #tpu.memory_space<vmem>> -> memref<1x512xf32, #tpu.memory_space<vmem>>
          %dma_wait3A_623 = tpu.memref_squeeze %dma_wait3A_622 : memref<1x512xf32, #tpu.memory_space<vmem>> -> memref<512xf32, #tpu.memory_space<vmem>>
          tpu.wait_dma2 semaphore(%arg27 : memref<!tpu.dma_semaphore, #tpu.memory_space<semaphore_mem>>) src(%dma_wait3A_623 : memref<512xf32, #tpu.memory_space<vmem>>) dst(%dma_wait3A_620 : memref<512xf32, #tpu.memory_space<hbm>>)
          %mul3A_624 = arith.constant 3 : i32
          %mul3A_625 = arith.muli %arg0, %mul3A_624 : i32
          %add3A_626 = arith.constant 2 : i32
          %add3A_627 = arith.addi %mul3A_625, %add3A_626 : i32
          %mul3A_628 = arith.constant 2097152 : i32
          %mul3A_629 = arith.muli %add3A_627, %mul3A_628 : i32
          %add3A_630 = arith.addi %mul3A_629, %mul3A_593 : i32
          %dma_wait3A_631 = arith.constant 1024 : i32
          %dma_wait3A_632 = tpu.memref_slice %arg21[%rem3A_509, %dma_wait3A_631] : memref<2x1536xf32, #tpu.memory_space<vmem>> -> memref<1x512xf32, #tpu.memory_space<vmem>>
          %dma_wait3A_633 = tpu.memref_squeeze %dma_wait3A_632 : memref<1x512xf32, #tpu.memory_space<vmem>> -> memref<512xf32, #tpu.memory_space<vmem>>
          %dma_wait3A_634 = tpu.memref_slice %arg9[%add3A_630] : memref<12582912xf32, #tpu.memory_space<hbm>> -> memref<512xf32, #tpu.memory_space<hbm>>
          %dma_wait3A_635 = tpu.memref_slice %arg9[%add3A_630] : memref<12582912xf32, #tpu.memory_space<hbm>> -> memref<512xf32, #tpu.memory_space<hbm>>
          %dma_wait3A_636 = arith.constant 1024 : i32
          %dma_wait3A_637 = tpu.memref_slice %arg21[%rem3A_509, %dma_wait3A_636] : memref<2x1536xf32, #tpu.memory_space<vmem>> -> memref<1x512xf32, #tpu.memory_space<vmem>>
          %dma_wait3A_638 = tpu.memref_squeeze %dma_wait3A_637 : memref<1x512xf32, #tpu.memory_space<vmem>> -> memref<512xf32, #tpu.memory_space<vmem>>
          tpu.wait_dma2 semaphore(%arg27 : memref<!tpu.dma_semaphore, #tpu.memory_space<semaphore_mem>>) src(%dma_wait3A_638 : memref<512xf32, #tpu.memory_space<vmem>>) dst(%dma_wait3A_635 : memref<512xf32, #tpu.memory_space<hbm>>)
        } else {
        }
        %parallel_loop3A = arith.constant 0 : i32
        %parallel_loop3A_533 = arith.constant 32 : i32
        %parallel_loop3A_534 = arith.constant 1 : i32
        scf.for %parallel_loop3A_587 = %parallel_loop3A to %parallel_loop3A_533 step %parallel_loop3A_534  : i32 {
          %parallel_loop3A_588 = arith.constant 8 : i32
          %parallel_loop3A_589 = arith.muli %parallel_loop3A_587, %parallel_loop3A_588 : i32
          %parallel_loop3A_590 = vector.broadcast %parallel_loop3A_589 : i32 to vector<16xi32>
          %parallel_loop3A_591 = arith.addi %parallel_loop3A_590, %shift_right_logical3A_7 : vector<16xi32>
          %parallel_loop3A_592 = arith.constant 3 : i32
          %parallel_loop3A_593 = vector.broadcast %parallel_loop3A_592 : i32 to vector<16xi32>
          %parallel_loop3A_594 = arith.addi %mul3A_12, %parallel_loop3A_593 : vector<16xi32>
          %parallel_loop3A_595 = arith.constant 0 : i32
          %parallel_loop3A_596 = arith.constant 0 : i32
          %parallel_loop3A_597 = tpu.memref_slice %arg20[%rem3A_509, %parallel_loop3A_595, %parallel_loop3A_596] : memref<2x256x8xf32, #tpu.memory_space<vmem>> -> memref<1x256x8xf32, #tpu.memory_space<vmem>>
          %parallel_loop3A_598 = tpu.memref_squeeze %parallel_loop3A_597 : memref<1x256x8xf32, #tpu.memory_space<vmem>> -> memref<256x8xf32, #tpu.memory_space<vmem>>
          %parallel_loop3A_599 = tpu.vector_load_idx %parallel_loop3A_598[%parallel_loop3A_591, %parallel_loop3A_594] : memref<256x8xf32, #tpu.memory_space<vmem>>[vector<16xi32>, vector<16xi32>], vector<16xf32>,
          %parallel_loop3A_600 = arith.constant 1.000000e-03 : f32
          %parallel_loop3A_601 = vector.broadcast %parallel_loop3A_600 : f32 to vector<16xf32>
          %parallel_loop3A_602 = arith.addf %parallel_loop3A_599, %parallel_loop3A_601 : vector<16xf32>
          %parallel_loop3A_603 = arith.constant 1.000000e+00 : f32
          %parallel_loop3A_604 = vector.broadcast %parallel_loop3A_603 : f32 to vector<16xf32>
          %parallel_loop3A_605 = arith.divf %parallel_loop3A_604, %parallel_loop3A_602 : vector<16xf32>
          %parallel_loop3A_606 = arith.constant 0 : i32
          %parallel_loop3A_607 = vector.broadcast %parallel_loop3A_606 : i32 to vector<16xi32>
          %parallel_loop3A_608 = arith.addi %mul3A_12, %parallel_loop3A_607 : vector<16xi32>
          %parallel_loop3A_609 = arith.constant 0 : i32
          %parallel_loop3A_610 = arith.constant 0 : i32
          %parallel_loop3A_611 = tpu.memref_slice %arg20[%rem3A_509, %parallel_loop3A_609, %parallel_loop3A_610] : memref<2x256x8xf32, #tpu.memory_space<vmem>> -> memref<1x256x8xf32, #tpu.memory_space<vmem>>
          %parallel_loop3A_612 = tpu.memref_squeeze %parallel_loop3A_611 : memref<1x256x8xf32, #tpu.memory_space<vmem>> -> memref<256x8xf32, #tpu.memory_space<vmem>>
          %parallel_loop3A_613 = tpu.vector_load_idx %parallel_loop3A_612[%parallel_loop3A_591, %parallel_loop3A_608] : memref<256x8xf32, #tpu.memory_space<vmem>>[vector<16xi32>, vector<16xi32>], vector<16xf32>,
          %parallel_loop3A_614 = arith.mulf %parallel_loop3A_613, %parallel_loop3A_605 : vector<16xf32>
          %parallel_loop3A_615 = arith.constant 16 : i32
          %parallel_loop3A_616 = arith.muli %parallel_loop3A_587, %parallel_loop3A_615 : i32
          %parallel_loop3A_617 = arith.constant 0 : i32
          %parallel_loop3A_618 = arith.addi %parallel_loop3A_617, %parallel_loop3A_616 : i32
          %parallel_loop3A_619 = arith.index_cast %rem3A_509 : i32 to index
          %parallel_loop3A_620 = arith.index_cast %parallel_loop3A_618 : i32 to index
          %parallel_loop3A_621 = tpu.vector_load %arg21[%parallel_loop3A_619, %parallel_loop3A_620] {strides = array<i32>} : memref<2x1536xf32, #tpu.memory_space<vmem>>, vector<16xf32>,
          tpu.vector_store %arg21[%parallel_loop3A_619, %parallel_loop3A_620], %parallel_loop3A_614 {strides = array<i32>} : memref<2x1536xf32, #tpu.memory_space<vmem>>, vector<16xf32>,
          %parallel_loop3A_622 = arith.constant 1 : i32
          %parallel_loop3A_623 = vector.broadcast %parallel_loop3A_622 : i32 to vector<16xi32>
          %parallel_loop3A_624 = arith.addi %mul3A_12, %parallel_loop3A_623 : vector<16xi32>
          %parallel_loop3A_625 = arith.constant 0 : i32
          %parallel_loop3A_626 = arith.constant 0 : i32
          %parallel_loop3A_627 = tpu.memref_slice %arg20[%rem3A_509, %parallel_loop3A_625, %parallel_loop3A_626] : memref<2x256x8xf32, #tpu.memory_space<vmem>> -> memref<1x256x8xf32, #tpu.memory_space<vmem>>
          %parallel_loop3A_628 = tpu.memref_squeeze %parallel_loop3A_627 : memref<1x256x8xf32, #tpu.memory_space<vmem>> -> memref<256x8xf32, #tpu.memory_space<vmem>>
          %parallel_loop3A_629 = tpu.vector_load_idx %parallel_loop3A_628[%parallel_loop3A_591, %parallel_loop3A_624] : memref<256x8xf32, #tpu.memory_space<vmem>>[vector<16xi32>, vector<16xi32>], vector<16xf32>,
          %parallel_loop3A_630 = arith.mulf %parallel_loop3A_629, %parallel_loop3A_605 : vector<16xf32>
          %parallel_loop3A_631 = arith.constant 16 : i32
          %parallel_loop3A_632 = arith.muli %parallel_loop3A_587, %parallel_loop3A_631 : i32
          %parallel_loop3A_633 = arith.constant 512 : i32
          %parallel_loop3A_634 = arith.addi %parallel_loop3A_633, %parallel_loop3A_632 : i32
          %parallel_loop3A_635 = arith.index_cast %rem3A_509 : i32 to index
          %parallel_loop3A_636 = arith.index_cast %parallel_loop3A_634 : i32 to index
          %parallel_loop3A_637 = tpu.vector_load %arg21[%parallel_loop3A_635, %parallel_loop3A_636] {strides = array<i32>} : memref<2x1536xf32, #tpu.memory_space<vmem>>, vector<16xf32>,
          tpu.vector_store %arg21[%parallel_loop3A_635, %parallel_loop3A_636], %parallel_loop3A_630 {strides = array<i32>} : memref<2x1536xf32, #tpu.memory_space<vmem>>, vector<16xf32>,
          %parallel_loop3A_638 = arith.constant 2 : i32
          %parallel_loop3A_639 = vector.broadcast %parallel_loop3A_638 : i32 to vector<16xi32>
          %parallel_loop3A_640 = arith.addi %mul3A_12, %parallel_loop3A_639 : vector<16xi32>
          %parallel_loop3A_641 = arith.constant 0 : i32
          %parallel_loop3A_642 = arith.constant 0 : i32
          %parallel_loop3A_643 = tpu.memref_slice %arg20[%rem3A_509, %parallel_loop3A_641, %parallel_loop3A_642] : memref<2x256x8xf32, #tpu.memory_space<vmem>> -> memref<1x256x8xf32, #tpu.memory_space<vmem>>
          %parallel_loop3A_644 = tpu.memref_squeeze %parallel_loop3A_643 : memref<1x256x8xf32, #tpu.memory_space<vmem>> -> memref<256x8xf32, #tpu.memory_space<vmem>>
          %parallel_loop3A_645 = tpu.vector_load_idx %parallel_loop3A_644[%parallel_loop3A_591, %parallel_loop3A_640] : memref<256x8xf32, #tpu.memory_space<vmem>>[vector<16xi32>, vector<16xi32>], vector<16xf32>,
          %parallel_loop3A_646 = arith.mulf %parallel_loop3A_645, %parallel_loop3A_605 : vector<16xf32>
          %parallel_loop3A_647 = arith.constant 16 : i32
          %parallel_loop3A_648 = arith.muli %parallel_loop3A_587, %parallel_loop3A_647 : i32
          %parallel_loop3A_649 = arith.constant 1024 : i32
          %parallel_loop3A_650 = arith.addi %parallel_loop3A_649, %parallel_loop3A_648 : i32
          %parallel_loop3A_651 = arith.index_cast %rem3A_509 : i32 to index
          %parallel_loop3A_652 = arith.index_cast %parallel_loop3A_650 : i32 to index
          %parallel_loop3A_653 = tpu.vector_load %arg21[%parallel_loop3A_651, %parallel_loop3A_652] {strides = array<i32>} : memref<2x1536xf32, #tpu.memory_space<vmem>>, vector<16xf32>,
          tpu.vector_store %arg21[%parallel_loop3A_651, %parallel_loop3A_652], %parallel_loop3A_646 {strides = array<i32>} : memref<2x1536xf32, #tpu.memory_space<vmem>>, vector<16xf32>,
        } {sc.loop_unroll_factor = 4 : i64, sc.parallel_access}
        %add3A_535 = arith.addi %mul3A_183, %mul3A_376 : i32
        %mul3A_536 = arith.constant 256 : i32
        %mul3A_537 = arith.muli %scan3A_507, %mul3A_536 : i32
        %add3A_538 = arith.addi %add3A_535, %mul3A_537 : i32
        %mul3A_539 = arith.constant 2 : i32
        %mul3A_540 = arith.muli %add3A_538, %mul3A_539 : i32
        %mul3A_541 = arith.constant 3 : i32
        %mul3A_542 = arith.muli %arg0, %mul3A_541 : i32
        %add3A_543 = arith.constant 0 : i32
        %add3A_544 = arith.addi %mul3A_542, %add3A_543 : i32
        %mul3A_545 = arith.constant 2097152 : i32
        %mul3A_546 = arith.muli %add3A_544, %mul3A_545 : i32
        %add3A_547 = arith.addi %mul3A_546, %mul3A_540 : i32
        %dma_start3A_548 = arith.constant 0 : i32
        %dma_start3A_549 = tpu.memref_slice %arg21[%rem3A_509, %dma_start3A_548] : memref<2x1536xf32, #tpu.memory_space<vmem>> -> memref<1x512xf32, #tpu.memory_space<vmem>>
        %dma_start3A_550 = tpu.memref_squeeze %dma_start3A_549 : memref<1x512xf32, #tpu.memory_space<vmem>> -> memref<512xf32, #tpu.memory_space<vmem>>
        %dma_start3A_551 = tpu.memref_slice %arg9[%add3A_547] : memref<12582912xf32, #tpu.memory_space<hbm>> -> memref<512xf32, #tpu.memory_space<hbm>>
        %dma_start3A_552 = tpu.memref_slice %arg9[%add3A_547] : memref<12582912xf32, #tpu.memory_space<hbm>> -> memref<512xf32, #tpu.memory_space<hbm>>
        %dma_start3A_553 = arith.constant 0 : i32
        %dma_start3A_554 = tpu.memref_slice %arg21[%rem3A_509, %dma_start3A_553] : memref<2x1536xf32, #tpu.memory_space<vmem>> -> memref<1x512xf32, #tpu.memory_space<vmem>>
        %dma_start3A_555 = tpu.memref_squeeze %dma_start3A_554 : memref<1x512xf32, #tpu.memory_space<vmem>> -> memref<512xf32, #tpu.memory_space<vmem>>
        tpu.enqueue_dma source(%dma_start3A_555 : memref<512xf32, #tpu.memory_space<vmem>>) target(%dma_start3A_552 : memref<512xf32, #tpu.memory_space<hbm>>) target_semaphore(%arg27 : memref<!tpu.dma_semaphore, #tpu.memory_space<semaphore_mem>>)
        %mul3A_556 = arith.constant 3 : i32
        %mul3A_557 = arith.muli %arg0, %mul3A_556 : i32
        %add3A_558 = arith.constant 1 : i32
        %add3A_559 = arith.addi %mul3A_557, %add3A_558 : i32
        %mul3A_560 = arith.constant 2097152 : i32
        %mul3A_561 = arith.muli %add3A_559, %mul3A_560 : i32
        %add3A_562 = arith.addi %mul3A_561, %mul3A_540 : i32
        %dma_start3A_563 = arith.constant 512 : i32
        %dma_start3A_564 = tpu.memref_slice %arg21[%rem3A_509, %dma_start3A_563] : memref<2x1536xf32, #tpu.memory_space<vmem>> -> memref<1x512xf32, #tpu.memory_space<vmem>>
        %dma_start3A_565 = tpu.memref_squeeze %dma_start3A_564 : memref<1x512xf32, #tpu.memory_space<vmem>> -> memref<512xf32, #tpu.memory_space<vmem>>
        %dma_start3A_566 = tpu.memref_slice %arg9[%add3A_562] : memref<12582912xf32, #tpu.memory_space<hbm>> -> memref<512xf32, #tpu.memory_space<hbm>>
        %dma_start3A_567 = tpu.memref_slice %arg9[%add3A_562] : memref<12582912xf32, #tpu.memory_space<hbm>> -> memref<512xf32, #tpu.memory_space<hbm>>
        %dma_start3A_568 = arith.constant 512 : i32
        %dma_start3A_569 = tpu.memref_slice %arg21[%rem3A_509, %dma_start3A_568] : memref<2x1536xf32, #tpu.memory_space<vmem>> -> memref<1x512xf32, #tpu.memory_space<vmem>>
        %dma_start3A_570 = tpu.memref_squeeze %dma_start3A_569 : memref<1x512xf32, #tpu.memory_space<vmem>> -> memref<512xf32, #tpu.memory_space<vmem>>
        tpu.enqueue_dma source(%dma_start3A_570 : memref<512xf32, #tpu.memory_space<vmem>>) target(%dma_start3A_567 : memref<512xf32, #tpu.memory_space<hbm>>) target_semaphore(%arg27 : memref<!tpu.dma_semaphore, #tpu.memory_space<semaphore_mem>>)
        %mul3A_571 = arith.constant 3 : i32
        %mul3A_572 = arith.muli %arg0, %mul3A_571 : i32
        %add3A_573 = arith.constant 2 : i32
        %add3A_574 = arith.addi %mul3A_572, %add3A_573 : i32
        %mul3A_575 = arith.constant 2097152 : i32
        %mul3A_576 = arith.muli %add3A_574, %mul3A_575 : i32
        %add3A_577 = arith.addi %mul3A_576, %mul3A_540 : i32
        %dma_start3A_578 = arith.constant 1024 : i32
        %dma_start3A_579 = tpu.memref_slice %arg21[%rem3A_509, %dma_start3A_578] : memref<2x1536xf32, #tpu.memory_space<vmem>> -> memref<1x512xf32, #tpu.memory_space<vmem>>
        %dma_start3A_580 = tpu.memref_squeeze %dma_start3A_579 : memref<1x512xf32, #tpu.memory_space<vmem>> -> memref<512xf32, #tpu.memory_space<vmem>>
        %dma_start3A_581 = tpu.memref_slice %arg9[%add3A_577] : memref<12582912xf32, #tpu.memory_space<hbm>> -> memref<512xf32, #tpu.memory_space<hbm>>
        %dma_start3A_582 = tpu.memref_slice %arg9[%add3A_577] : memref<12582912xf32, #tpu.memory_space<hbm>> -> memref<512xf32, #tpu.memory_space<hbm>>
        %dma_start3A_583 = arith.constant 1024 : i32
        %dma_start3A_584 = tpu.memref_slice %arg21[%rem3A_509, %dma_start3A_583] : memref<2x1536xf32, #tpu.memory_space<vmem>> -> memref<1x512xf32, #tpu.memory_space<vmem>>
        %dma_start3A_585 = tpu.memref_squeeze %dma_start3A_584 : memref<1x512xf32, #tpu.memory_space<vmem>> -> memref<512xf32, #tpu.memory_space<vmem>>
        tpu.enqueue_dma source(%dma_start3A_585 : memref<512xf32, #tpu.memory_space<vmem>>) target(%dma_start3A_582 : memref<512xf32, #tpu.memory_space<hbm>>) target_semaphore(%arg27 : memref<!tpu.dma_semaphore, #tpu.memory_space<semaphore_mem>>)
        %scan3A_586 = arith.constant 0 : i32
        scf.yield %scan3A_586 : i32
      }
      %scan3A_398 = arith.constant 32 : i32
      %add3A_399 = arith.addi %mul3A_183, %mul3A_376 : i32
      %add3A_400 = arith.constant 7680 : i32
      %add3A_401 = arith.addi %add3A_399, %add3A_400 : i32
      %mul3A_402 = arith.constant 2 : i32
      %mul3A_403 = arith.muli %add3A_401, %mul3A_402 : i32
      %mul3A_404 = arith.constant 3 : i32
      %mul3A_405 = arith.muli %arg0, %mul3A_404 : i32
      %add3A_406 = arith.constant 0 : i32
      %add3A_407 = arith.addi %mul3A_405, %add3A_406 : i32
      %mul3A_408 = arith.constant 2097152 : i32
      %mul3A_409 = arith.muli %add3A_407, %mul3A_408 : i32
      %add3A_410 = arith.addi %mul3A_409, %mul3A_403 : i32
      %dma_wait3A_411 = arith.constant 0 : i32
      %dma_wait3A_412 = arith.constant 0 : i32
      %dma_wait3A_413 = tpu.memref_slice %arg21[%dma_wait3A_411, %dma_wait3A_412] : memref<2x1536xf32, #tpu.memory_space<vmem>> -> memref<1x512xf32, #tpu.memory_space<vmem>>
      %dma_wait3A_414 = tpu.memref_squeeze %dma_wait3A_413 : memref<1x512xf32, #tpu.memory_space<vmem>> -> memref<512xf32, #tpu.memory_space<vmem>>
      %dma_wait3A_415 = tpu.memref_slice %arg9[%add3A_410] : memref<12582912xf32, #tpu.memory_space<hbm>> -> memref<512xf32, #tpu.memory_space<hbm>>
      %dma_wait3A_416 = tpu.memref_slice %arg9[%add3A_410] : memref<12582912xf32, #tpu.memory_space<hbm>> -> memref<512xf32, #tpu.memory_space<hbm>>
      %dma_wait3A_417 = arith.constant 0 : i32
      %dma_wait3A_418 = tpu.memref_slice %arg21[%dma_wait3A_411, %dma_wait3A_417] : memref<2x1536xf32, #tpu.memory_space<vmem>> -> memref<1x512xf32, #tpu.memory_space<vmem>>
      %dma_wait3A_419 = tpu.memref_squeeze %dma_wait3A_418 : memref<1x512xf32, #tpu.memory_space<vmem>> -> memref<512xf32, #tpu.memory_space<vmem>>
      tpu.wait_dma2 semaphore(%arg27 : memref<!tpu.dma_semaphore, #tpu.memory_space<semaphore_mem>>) src(%dma_wait3A_419 : memref<512xf32, #tpu.memory_space<vmem>>) dst(%dma_wait3A_416 : memref<512xf32, #tpu.memory_space<hbm>>)
      %mul3A_420 = arith.constant 3 : i32
      %mul3A_421 = arith.muli %arg0, %mul3A_420 : i32
      %add3A_422 = arith.constant 1 : i32
      %add3A_423 = arith.addi %mul3A_421, %add3A_422 : i32
      %mul3A_424 = arith.constant 2097152 : i32
      %mul3A_425 = arith.muli %add3A_423, %mul3A_424 : i32
      %add3A_426 = arith.addi %mul3A_425, %mul3A_403 : i32
      %dma_wait3A_427 = arith.constant 0 : i32
      %dma_wait3A_428 = arith.constant 512 : i32
      %dma_wait3A_429 = tpu.memref_slice %arg21[%dma_wait3A_427, %dma_wait3A_428] : memref<2x1536xf32, #tpu.memory_space<vmem>> -> memref<1x512xf32, #tpu.memory_space<vmem>>
      %dma_wait3A_430 = tpu.memref_squeeze %dma_wait3A_429 : memref<1x512xf32, #tpu.memory_space<vmem>> -> memref<512xf32, #tpu.memory_space<vmem>>
      %dma_wait3A_431 = tpu.memref_slice %arg9[%add3A_426] : memref<12582912xf32, #tpu.memory_space<hbm>> -> memref<512xf32, #tpu.memory_space<hbm>>
      %dma_wait3A_432 = tpu.memref_slice %arg9[%add3A_426] : memref<12582912xf32, #tpu.memory_space<hbm>> -> memref<512xf32, #tpu.memory_space<hbm>>
      %dma_wait3A_433 = arith.constant 512 : i32
      %dma_wait3A_434 = tpu.memref_slice %arg21[%dma_wait3A_427, %dma_wait3A_433] : memref<2x1536xf32, #tpu.memory_space<vmem>> -> memref<1x512xf32, #tpu.memory_space<vmem>>
      %dma_wait3A_435 = tpu.memref_squeeze %dma_wait3A_434 : memref<1x512xf32, #tpu.memory_space<vmem>> -> memref<512xf32, #tpu.memory_space<vmem>>
      tpu.wait_dma2 semaphore(%arg27 : memref<!tpu.dma_semaphore, #tpu.memory_space<semaphore_mem>>) src(%dma_wait3A_435 : memref<512xf32, #tpu.memory_space<vmem>>) dst(%dma_wait3A_432 : memref<512xf32, #tpu.memory_space<hbm>>)
      %mul3A_436 = arith.constant 3 : i32
      %mul3A_437 = arith.muli %arg0, %mul3A_436 : i32
      %add3A_438 = arith.constant 2 : i32
      %add3A_439 = arith.addi %mul3A_437, %add3A_438 : i32
      %mul3A_440 = arith.constant 2097152 : i32
      %mul3A_441 = arith.muli %add3A_439, %mul3A_440 : i32
      %add3A_442 = arith.addi %mul3A_441, %mul3A_403 : i32
      %dma_wait3A_443 = arith.constant 0 : i32
      %dma_wait3A_444 = arith.constant 1024 : i32
      %dma_wait3A_445 = tpu.memref_slice %arg21[%dma_wait3A_443, %dma_wait3A_444] : memref<2x1536xf32, #tpu.memory_space<vmem>> -> memref<1x512xf32, #tpu.memory_space<vmem>>
      %dma_wait3A_446 = tpu.memref_squeeze %dma_wait3A_445 : memref<1x512xf32, #tpu.memory_space<vmem>> -> memref<512xf32, #tpu.memory_space<vmem>>
      %dma_wait3A_447 = tpu.memref_slice %arg9[%add3A_442] : memref<12582912xf32, #tpu.memory_space<hbm>> -> memref<512xf32, #tpu.memory_space<hbm>>
      %dma_wait3A_448 = tpu.memref_slice %arg9[%add3A_442] : memref<12582912xf32, #tpu.memory_space<hbm>> -> memref<512xf32, #tpu.memory_space<hbm>>
      %dma_wait3A_449 = arith.constant 1024 : i32
      %dma_wait3A_450 = tpu.memref_slice %arg21[%dma_wait3A_443, %dma_wait3A_449] : memref<2x1536xf32, #tpu.memory_space<vmem>> -> memref<1x512xf32, #tpu.memory_space<vmem>>
      %dma_wait3A_451 = tpu.memref_squeeze %dma_wait3A_450 : memref<1x512xf32, #tpu.memory_space<vmem>> -> memref<512xf32, #tpu.memory_space<vmem>>
      tpu.wait_dma2 semaphore(%arg27 : memref<!tpu.dma_semaphore, #tpu.memory_space<semaphore_mem>>) src(%dma_wait3A_451 : memref<512xf32, #tpu.memory_space<vmem>>) dst(%dma_wait3A_448 : memref<512xf32, #tpu.memory_space<hbm>>)
      %add3A_452 = arith.addi %mul3A_183, %mul3A_376 : i32
      %add3A_453 = arith.constant 7936 : i32
      %add3A_454 = arith.addi %add3A_452, %add3A_453 : i32
      %mul3A_455 = arith.constant 2 : i32
      %mul3A_456 = arith.muli %add3A_454, %mul3A_455 : i32
      %mul3A_457 = arith.constant 3 : i32
      %mul3A_458 = arith.muli %arg0, %mul3A_457 : i32
      %add3A_459 = arith.constant 0 : i32
      %add3A_460 = arith.addi %mul3A_458, %add3A_459 : i32
      %mul3A_461 = arith.constant 2097152 : i32
      %mul3A_462 = arith.muli %add3A_460, %mul3A_461 : i32
      %add3A_463 = arith.addi %mul3A_462, %mul3A_456 : i32
      %dma_wait3A_464 = arith.constant 1 : i32
      %dma_wait3A_465 = arith.constant 0 : i32
      %dma_wait3A_466 = tpu.memref_slice %arg21[%dma_wait3A_464, %dma_wait3A_465] : memref<2x1536xf32, #tpu.memory_space<vmem>> -> memref<1x512xf32, #tpu.memory_space<vmem>>
      %dma_wait3A_467 = tpu.memref_squeeze %dma_wait3A_466 : memref<1x512xf32, #tpu.memory_space<vmem>> -> memref<512xf32, #tpu.memory_space<vmem>>
      %dma_wait3A_468 = tpu.memref_slice %arg9[%add3A_463] : memref<12582912xf32, #tpu.memory_space<hbm>> -> memref<512xf32, #tpu.memory_space<hbm>>
      %dma_wait3A_469 = tpu.memref_slice %arg9[%add3A_463] : memref<12582912xf32, #tpu.memory_space<hbm>> -> memref<512xf32, #tpu.memory_space<hbm>>
      %dma_wait3A_470 = arith.constant 0 : i32
      %dma_wait3A_471 = tpu.memref_slice %arg21[%dma_wait3A_464, %dma_wait3A_470] : memref<2x1536xf32, #tpu.memory_space<vmem>> -> memref<1x512xf32, #tpu.memory_space<vmem>>
      %dma_wait3A_472 = tpu.memref_squeeze %dma_wait3A_471 : memref<1x512xf32, #tpu.memory_space<vmem>> -> memref<512xf32, #tpu.memory_space<vmem>>
      tpu.wait_dma2 semaphore(%arg27 : memref<!tpu.dma_semaphore, #tpu.memory_space<semaphore_mem>>) src(%dma_wait3A_472 : memref<512xf32, #tpu.memory_space<vmem>>) dst(%dma_wait3A_469 : memref<512xf32, #tpu.memory_space<hbm>>)
      %mul3A_473 = arith.constant 3 : i32
      %mul3A_474 = arith.muli %arg0, %mul3A_473 : i32
      %add3A_475 = arith.constant 1 : i32
      %add3A_476 = arith.addi %mul3A_474, %add3A_475 : i32
      %mul3A_477 = arith.constant 2097152 : i32
      %mul3A_478 = arith.muli %add3A_476, %mul3A_477 : i32
      %add3A_479 = arith.addi %mul3A_478, %mul3A_456 : i32
      %dma_wait3A_480 = arith.constant 1 : i32
      %dma_wait3A_481 = arith.constant 512 : i32
      %dma_wait3A_482 = tpu.memref_slice %arg21[%dma_wait3A_480, %dma_wait3A_481] : memref<2x1536xf32, #tpu.memory_space<vmem>> -> memref<1x512xf32, #tpu.memory_space<vmem>>
      %dma_wait3A_483 = tpu.memref_squeeze %dma_wait3A_482 : memref<1x512xf32, #tpu.memory_space<vmem>> -> memref<512xf32, #tpu.memory_space<vmem>>
      %dma_wait3A_484 = tpu.memref_slice %arg9[%add3A_479] : memref<12582912xf32, #tpu.memory_space<hbm>> -> memref<512xf32, #tpu.memory_space<hbm>>
      %dma_wait3A_485 = tpu.memref_slice %arg9[%add3A_479] : memref<12582912xf32, #tpu.memory_space<hbm>> -> memref<512xf32, #tpu.memory_space<hbm>>
      %dma_wait3A_486 = arith.constant 512 : i32
      %dma_wait3A_487 = tpu.memref_slice %arg21[%dma_wait3A_480, %dma_wait3A_486] : memref<2x1536xf32, #tpu.memory_space<vmem>> -> memref<1x512xf32, #tpu.memory_space<vmem>>
      %dma_wait3A_488 = tpu.memref_squeeze %dma_wait3A_487 : memref<1x512xf32, #tpu.memory_space<vmem>> -> memref<512xf32, #tpu.memory_space<vmem>>
      tpu.wait_dma2 semaphore(%arg27 : memref<!tpu.dma_semaphore, #tpu.memory_space<semaphore_mem>>) src(%dma_wait3A_488 : memref<512xf32, #tpu.memory_space<vmem>>) dst(%dma_wait3A_485 : memref<512xf32, #tpu.memory_space<hbm>>)
      %mul3A_489 = arith.constant 3 : i32
      %mul3A_490 = arith.muli %arg0, %mul3A_489 : i32
      %add3A_491 = arith.constant 2 : i32
      %add3A_492 = arith.addi %mul3A_490, %add3A_491 : i32
      %mul3A_493 = arith.constant 2097152 : i32
      %mul3A_494 = arith.muli %add3A_492, %mul3A_493 : i32
      %add3A_495 = arith.addi %mul3A_494, %mul3A_456 : i32
      %dma_wait3A_496 = arith.constant 1 : i32
      %dma_wait3A_497 = arith.constant 1024 : i32
      %dma_wait3A_498 = tpu.memref_slice %arg21[%dma_wait3A_496, %dma_wait3A_497] : memref<2x1536xf32, #tpu.memory_space<vmem>> -> memref<1x512xf32, #tpu.memory_space<vmem>>
      %dma_wait3A_499 = tpu.memref_squeeze %dma_wait3A_498 : memref<1x512xf32, #tpu.memory_space<vmem>> -> memref<512xf32, #tpu.memory_space<vmem>>
      %dma_wait3A_500 = tpu.memref_slice %arg9[%add3A_495] : memref<12582912xf32, #tpu.memory_space<hbm>> -> memref<512xf32, #tpu.memory_space<hbm>>
      %dma_wait3A_501 = tpu.memref_slice %arg9[%add3A_495] : memref<12582912xf32, #tpu.memory_space<hbm>> -> memref<512xf32, #tpu.memory_space<hbm>>
      %dma_wait3A_502 = arith.constant 1024 : i32
      %dma_wait3A_503 = tpu.memref_slice %arg21[%dma_wait3A_496, %dma_wait3A_502] : memref<2x1536xf32, #tpu.memory_space<vmem>> -> memref<1x512xf32, #tpu.memory_space<vmem>>
      %dma_wait3A_504 = tpu.memref_squeeze %dma_wait3A_503 : memref<1x512xf32, #tpu.memory_space<vmem>> -> memref<512xf32, #tpu.memory_space<vmem>>
      tpu.wait_dma2 semaphore(%arg27 : memref<!tpu.dma_semaphore, #tpu.memory_space<semaphore_mem>>) src(%dma_wait3A_504 : memref<512xf32, #tpu.memory_space<vmem>>) dst(%dma_wait3A_501 : memref<512xf32, #tpu.memory_space<hbm>>)
      %barrier3A_505 = arith.constant 0 : index
      tpu.barrier barrier_id(%barrier3A_505)
      %scan3A_506 = arith.constant 0 : i32
      scf.yield %scan3A_506 : i32
    }
    %scan3A_179 = arith.constant 8 : i32
    return
  }
}

</mosaic_0001>

<sc_bundles>
// kernel: kernel.3.cloned.1.call-start
scs
__scs_entry_jumppad:
0x0: {  	(pc) =	sbr.rel $0x88, $3  }
0x1: {  	(tag) =	ssettag $0x0;
	lr =	simm.s32 $0x1  }
0x2: {  	[smem:$0x3F9F] =	sst lr;
	_ =	strace $0xD0000000  }
0x3: {  	_ = 	snop  }
0x4: {  	_ = 	snop  }
0x5: {  	_ = 	snop  }
0x6: {  	_ = 	snop  }
0x7: {  	_ = 	snop  }
__scs_overlays_trampoline_lowered:
0x8: {  	[smem:$0x3FAE] =	sst s0  }
0x9: {  	[smem:$0x3FAF] =	sst s1  }
0xa: {  	[smem:$0x3FB0] =	sst s2  }
0xb: {  	[smem:$0x3FB1] =	sst s3  }
0xc: {  	[smem:$0x3FB2] =	sst s4  }
0xd: {  	[smem:$0x3FB3] =	sst s5  }
0xe: {  	[smem:$0x3FB4] =	sst s6  }
0xf: {  	[smem:$0x3FB5] =	sst s7  }
0x10: {  	[smem:$0x3FB6] =	sst s8  }
0x11: {  	[smem:$0x3FB7] =	sst s9;
	s0 =	simm.s32 @!p0 $0x0  }
0x12: {  	s1 =	sld [smem:$0x3F9D];
	s0 =	simm.s32 @p0 $0x1  }
0x13: {  	[smem:$0x3FB8] =	sst s0;
	s0 =	simm.s32 @!p1 $0x0  }
0x14: {  	s2 =	sld [smem:$0x3F9C];
	s0 =	simm.s32 @p1 $0x1  }
0x15: {  	[smem:$0x3FB9] =	sst s0;
	s0 =	simm.s32 @!p2 $0x0  }
0x16: {  	s3 =	sld [smem:$0x3FDB];
	s0 =	simm.s32 @p2 $0x1  }
0x17: {  	s4 =	simm.s32 $0x1BF5;
	[smem:$0x3FBB] =	sst s0  }
0x18: {  	s0 =	sld [smem:$0x3F9E];
	_ =	swait.ge [sflag:s4], $0x0  }
0x19: {  	s7 =	sld [smem:$0x3F9F]  }
0x1a: {  	s8 =	sadd.s32 $0xFFFFE003, lr  }
0x1b: {  	s9 =	sadd.s32 $0xFFFFFEF7, lr;
	s5 =	simm.s32 $0xFFFFFFFF;
	p2 =	slt.u32 s8, $0xFFFFF086  }
0x1c: {  	p1 =	slt.u32 s9, $0xF7A;
	s5 =	simm.s32 @!p2 $0x0  }
0x1d: {  	s5 =	simm.s32 @p1 $0x1;
	p0 =	seq.s32 s7, s2  }
0x1e: {  	s7 =	smul.u32 @!p0 $0xF7A, s2;
	p2 =	seq.s32 @!p0 s5, $0x0  }
0x1f: {  	s9 =	smul.u32 $0xF7A, s1;
	s8 =	simm.s32 @!p0 $0x1BF5;
	p2 =	por !p2, p0  }
0x20: {  	[sflag:s8] =	ssyncset.s32 @!p0 $0xFFFFF086;
	s6 =	sadd.s32 @!p0 s3, s7;
	s7 =	simm.s32 @!p0 $0x108  }
0x21: {  	s3 =	sadd.s32 s3, s9;
	s6 =	sadd.s32 @!p0 $0x88, s6;
	s7 =	simm.s32 @p2 $0x1082  }
0x22: {  	[simem:s7], [sflag:s8] =	dma.local @!p0 [hbm:s6], $0xF7A  }
0x23: {  	s9 =	sor.u32 $0xD0000000, s2;
	s6 =	simm.s32 $0x108;
	_ =	swait.ge @!p0 [sflag:s8], $0x0  }
0x24: {  	s3 =	sadd.s32 $0x88, s3;
	s6 =	simm.s32 @!p1 $0x1082;
	[sflag:s4] =	ssyncset.s32 $0xFFFFF086  }
0x25: {  	[simem:s6], [sflag:s4] =	dma.local [hbm:s3], $0xF7A  }
0x26: {  	[smem:$0x3F9F] =	sst s1;
	(tag) =	ssettag s2;
	_ =	strace s9  }
0x27: {  	s1 =	sld [smem:$0x3FAF]  }
0x28: {  	s2 =	sld [smem:$0x3FB0]  }
0x29: {  	s4 =	sld [smem:$0x3FB2]  }
0x2a: {  	p0 =	seq.s32 s5, $0x0;
	s5 =	sld [smem:$0x3FB3]  }
0x2b: {  	s6 =	sld [smem:$0x3FB4]  }
0x2c: {  	s7 =	sld [smem:$0x3FB5]  }
0x2d: {  	s3 =	simm.s32 $0x108;
	s8 =	sld [smem:$0x3FB6]  }
0x2e: {  	s3 =	simm.s32 @!p0 $0x1082;
	s9 =	sld [smem:$0x3FB7]  }
0x2f: {  	lr =	sadd.s32 s0, s3;
	s0 =	sld [smem:$0x3FAE]  }
0x30: {  	s3 =	sld [smem:$0x3FB1]  }
0x31: {  	[smem:$0x3FBA] =	sst s10  }
0x32: {  	s10 =	sld [smem:$0x3FB8];
	_ =	sdelay $0x3  }
0x33: {  	p0 =	seq.s32 s10, $0x1;
	s10 =	sld [smem:$0x3FBA];
	_ =	sdelay $0x3  }
0x34: {  	[smem:$0x3FBA] =	sst s10  }
0x35: {  	s10 =	sld [smem:$0x3FB9];
	_ =	sdelay $0x3  }
0x36: {  	p1 =	seq.s32 s10, $0x1;
	s10 =	sld [smem:$0x3FBA];
	_ =	sdelay $0x3  }
0x37: {  	[smem:$0x3FBA] =	sst s10  }
0x38: {  	s10 =	sld [smem:$0x3FBB]  }
0x39: {  	_ = 	snop;
	(pc) =	sbr.ind lr, $3  }
0x3a: {  	_ = 	snop  }
0x3b: {  	_ = 	snop  }
0x3c: {  	p2 =	seq.s32 s10, $0x1;
	s10 =	sld [smem:$0x3FBA]  }
0x3d: {  	_ =	shalt  }
0x3e: {  	_ =	shalt  }
0x3f: {  	_ =	shalt  }
0x40: {  	_ =	shalt  }
0x41: {  	_ =	shalt  }
0x42: {  	_ =	shalt  }
0x43: {  	_ =	shalt  }
0x44: {  	_ =	shalt  }
0x45: {  	_ =	shalt  }
0x46: {  	_ =	shalt  }
0x47: {  	_ =	shalt  }
0x48: {  	_ =	shalt  }
0x49: {  	_ =	shalt  }
0x4a: {  	_ =	shalt  }
0x4b: {  	_ =	shalt  }
0x4c: {  	_ =	shalt  }
0x4d: {  	_ =	shalt  }
0x4e: {  	_ =	shalt  }
0x4f: {  	_ =	shalt  }
0x50: {  	_ =	shalt  }
0x51: {  	_ =	shalt  }
0x52: {  	_ =	shalt  }
0x53: {  	_ =	shalt  }
0x54: {  	_ =	shalt  }
0x55: {  	_ =	shalt  }
0x56: {  	_ =	shalt  }
0x57: {  	_ =	shalt  }
0x58: {  	_ =	shalt  }
0x59: {  	_ =	shalt  }
0x5a: {  	_ =	shalt  }
0x5b: {  	_ =	shalt  }
0x5c: {  	_ =	shalt  }
0x5d: {  	_ =	shalt  }
0x5e: {  	_ =	shalt  }
0x5f: {  	_ =	shalt  }
0x60: {  	_ =	shalt  }
0x61: {  	_ =	shalt  }
0x62: {  	_ =	shalt  }
0x63: {  	_ =	shalt  }
0x64: {  	_ =	shalt  }
0x65: {  	_ =	shalt  }
0x66: {  	_ =	shalt  }
0x67: {  	_ =	shalt  }
0x68: {  	_ =	shalt  }
0x69: {  	_ =	shalt  }
0x6a: {  	_ =	shalt  }
0x6b: {  	_ =	shalt  }
0x6c: {  	_ =	shalt  }
0x6d: {  	_ =	shalt  }
0x6e: {  	_ =	shalt  }
0x6f: {  	_ =	shalt  }
0x70: {  	_ =	shalt  }
0x71: {  	_ =	shalt  }
0x72: {  	_ =	shalt  }
0x73: {  	_ =	shalt  }
0x74: {  	_ =	shalt  }
0x75: {  	_ =	shalt  }
0x76: {  	_ =	shalt  }
0x77: {  	_ =	shalt  }
0x78: {  	_ =	shalt  }
0x79: {  	_ =	shalt  }
0x7a: {  	_ =	shalt  }
0x7b: {  	_ =	shalt  }
0x7c: {  	_ =	shalt  }
0x7d: {  	_ =	shalt  }
0x7e: {  	_ =	shalt  }
0x7f: {  	_ =	shalt  }
0x80: {  	_ =	shalt  }
0x81: {  	_ =	shalt  }
0x82: {  	_ =	shalt  }
0x83: {  	_ =	shalt  }
0x84: {  	_ =	shalt  }
0x85: {  	_ =	shalt  }
0x86: {  	_ =	shalt  }
0x87: {  	_ =	shalt  }
.Lfunc_end0:
.L_simem_size_0:
called_computation_lowered:
.L_overlay_start_0:
0x88: {  	s2 =	sld [smem:$0x3FD9]  }
0x89: {  	s3 =	sld [smem:$0x3FFE];
	_ =	sdelay $0x1  }
0x8a: {  	s1 =	srdreg.scid  }
0x8b: {  	s0 =	sand.u32 $0x1, s1  }
0x8c: {  	s18 =	sshll.u32 s0, $0xA;
	s2 =	sadd.s32 s3, s2  }
0x8d: {  	s3 =	sadd.s32 s2, s18  }
0x8e: {  	[smem:$0x3FC6] =	sst s3  }
0x8f: {  	_ = 	snop  }
0x90: {  	s3 =	sld [smem:$0x3FD0];
	(tm) =	ssettm $0x1  }
0x91: {  	s4 =	sld [smem:$0x3FFB];
	_ =	sdelay $0x3  }
0x92: {  	_ =	strace s4  }
0x93: {  	s4 =	sld [smem:$0x3FFC];
	_ =	sdelay $0x3  }
0x94: {  	_ =	strace s4  }
0x95: {  	s4 =	sld [smem:$0x3FFD];
	_ =	sdelay $0x3  }
0x96: {  	_ =	strace s4  }
0x97: {  	_ =	strace $0x8FFFFFFF  }
0x98: {  	s19 =	sld [smem:$0x3FDB];
	_ =	sdelay $0x1  }
0x99: {  	s5 =	simm.s32 $_scs_section_size  }
0x9a: {  	s6 =	simm.s32 $_size__tile_overlayer_lowered;
	s7 =	simm.s32 $_tile_overlayer_lowered  }
0x9b: {  	s22 =	simm.s32 $0x1BFF;
	s21 =	sshll.u32 s7, $0x1;
	s4 =	sadd.s32 s5, s19  }
0x9c: {  	s8 =	simm.s32 $0x0;
	s20 =	sshll.u32 s6, $0x1;
	s6 =	sadd.s32 s21, s4  }
0x9d: {  	[timem:s8], [sflag:s22] =	dma.local [hbm:s6], s20  }
0x9e: {  	_ =	swait.ge [sflag:s22], s20  }
0x9f: {  	s5 =	ssub.s32 $0x0, s20;
	[sflag:s22] =	ssyncset.done $0x0  }
0xa0: {  	[sflag:s22] =	ssyncadd.s32 s5;
	_ =	sdelay $0x1  }
0xa1: {  	s23 =	simm.s32 $0x1B8B  }
0xa2: {  	_ =	swait.ge [sflag:s23], $0x1  }
0xa3: {  	[sflag:s23] =	ssyncset.done $0x0  }
0xa4: {  	s25 =	simm.s32 $0x1B8E;
	s24 =	sld [smem:$0x3FFE];
	[sflag:s23] =	ssyncadd.s32 $0xFFFFFFFF  }
0xa5: {  	s26 =	simm.s32 $execute0_lowered;
	[smem:$0x3FD2] =	sst s25  }
0xa6: {  	s6 =	sshll.u32 s26, $0x1;
	_ =	strace $0x80000046;
	[dreg:$0x1] =	wrdreg $0xFFFFFFFF  }
0xa7: {  	s28 =	simm.s32 $_size_execute0_lowered;
	s4 =	sadd.s32 s4, s6;
	[dreg:$0x0] =	wrdreg $0x0  }
0xa8: {  	s6 =	sshll.u32 s28, $0x1;
	[dreg:$0x2] =	wrdreg s4  }
0xa9: {  	[dreg:$0x3] =	wrdreg s6  }
0xaa: {  	[dreg:$0x4] =	wrdreg $0xC0  }
0xab: {  	_ =	task [dreg:s8], $0x5FFFF  }
0xac: {  	[dreg:$0x1] =	wrdreg $0xFFFFFFFF  }
0xad: {  	[dreg:$0x0] =	wrdreg $0x60  }
0xae: {  	[dreg:$0x2] =	wrdreg s24  }
0xaf: {  	s2 =	sadd.s32 $0x800, s2;
	[dreg:$0x3] =	wrdreg s3  }
0xb0: {  	[dreg:$0x4] =	wrdreg s2  }
0xb1: {  	[dreg:$0x5] =	wrdreg $0xF3A00  }
0xb2: {  	[dreg:$0x6] =	wrdreg $0x9  }
0xb3: {  	_ =	task.clear_ibuf [dreg:s8], $0x7FFFF;
	_ =	strace $0x90000046  }
0xb4: {  	s29 =	simm.s32 $0x9;
	_ =	strace $0x80000048  }
0xb5: {  	_ =	swait.ge [sflag:s29], $0x1  }
0xb6: {  	[sflag:s29] =	ssyncadd.s32 $0xFFFFFFFF  }
0xb7: {  	_ =	strace $0x90000048  }
0xb8: {  	_ =	sfence  }
0xb9: {  	s30 =	sld [smem:$0x0];
	_ =	sdelay $0x2  }
0xba: {  	s31 =	sshll.u32 s1, $0xD;
	s1 =	sshrl.u32 s1, $0x2  }
0xbb: {  	s3 =	sand.u32 $0x4000, s31;
	s1 =	sadd.s32 s1, s30  }
0xbc: {  	s0 =	sor.u32 s3, s0;
	s1 =	sshll.u32 s1, $0x11  }
0xbd: {  	s0 =	sor.u32 s1, s0  }
0xbe: {  	s0 =	sadd.s32 $0x8F2B, s0  }
0xbf: {  	[sflag:s0] =	ssyncadd.remote.s32 $0x1  }
0xc0: {  	_ =	sfence.sel $0xFFFF  }
0xc1: {  	[dreg:$0x0] =	wrdreg $0xFFFFFFFF;
	(pc) =	sbr.abs _section_cstart, $3  }
0xc2: {  	[dreg:$0x1] =	wrdreg $0xFFFFFFFF  }
0xc3: {  	_ =	task.clear_ibuf [dreg:s8], $0x2FFFF;
	_ =	strace $0x9FFFFFFF  }
0xc4: {  	(tm) =	ssettm $0x7FFFFFFF  }
0xc5: {  	_ =	shalt  }
tec
execute0_lowered:
.L_overlay_start_1:
0x0: {  	(tag) =	ssettag $0x1  }
0x1: {  	s2 =	rddreg [dreg:$0x0];
	v0 =	vlaneseq.u32  }
0x2: {  	s1 =	rddreg [dreg:$0x1];
	v1 =	vmul.u32 $0x8, v0  }
0x3: {  	s13 =	rddreg [dreg:$0x2];
	s5 =	simm.s32 $0x0  }
0x4: {  	[smem:$0x7FF] =	sst s5;
	v2 =	vor.u32 $0x182, v1  }
0x5: {  	s4 =	rddreg [dreg:$0x3];
	_ =	strace $0x80000047;
	v56 =	vor.u32 $0x87, v1;
	[tilespmem:$0x1FD20] =	vst v2  }
0x6: {  	v22 =	vor.u32 $0x100, v1;
	[tilespmem:$0x1FF30] =	vst v56  }
0x7: {  	v23 =	vor.u32 $0x104, v1;
	[tilespmem:$0x1FF40] =	vst v22  }
0x8: {  	v57 =	vor.u32 $0x101, v1;
	[tilespmem:$0x1FF50] =	vst v23  }
0x9: {  	v58 =	vor.u32 $0x105, v1;
	[tilespmem:$0x1FF60] =	vst v57  }
0xa: {  	v59 =	vor.u32 $0x102, v1;
	[tilespmem:$0x1FF70] =	vst v58  }
0xb: {  	v60 =	vor.u32 $0x106, v1;
	[tilespmem:$0x1FF80] =	vst v59  }
0xc: {  	v61 =	vor.u32 $0x103, v1;
	[tilespmem:$0x1FF90] =	vst v60  }
0xd: {  	v62 =	vor.u32 $0x107, v1;
	[tilespmem:$0x1FFA0] =	vst v61  }
0xe: {  	v42 =	vor.u32 $0x180, v1;
	[tilespmem:$0x1FFB0] =	vst v62  }
0xf: {  	v38 =	vor.u32 $0x184, v1;
	[tilespmem:$0x1FFC0] =	vst v42  }
0x10: {  	v54 =	vor.u32 $0x83, v1;
	[tilespmem:$0x1FFD0] =	vst v38  }
0x11: {  	v41 =	vor.u32 $0x86, v1;
	[tilespmem:$0x1FFE0] =	vst v54  }
0x12: {  	v2 =	vor.u32 $0x186, v1;
	[tilespmem:$0x1FFF0] =	vst v41  }
0x13: {  	[tilespmem:$0x1FD30] =	vst v2;
	v2 =	vor.u32 $0x183, v1  }
0x14: {  	[tilespmem:$0x1FD40] =	vst v2;
	v2 =	vor.u32 $0x187, v1  }
0x15: {  	[tilespmem:$0x1FD50] =	vst v2;
	v2 =	vor.u32 $0x200, v1  }
0x16: {  	[tilespmem:$0x1FD60] =	vst v2;
	v2 =	vor.u32 $0x204, v1  }
0x17: {  	[tilespmem:$0x1FD70] =	vst v2;
	v2 =	vor.u32 $0x201, v1  }
0x18: {  	[tilespmem:$0x1FD80] =	vst v2;
	v2 =	vor.u32 $0x205, v1  }
0x19: {  	[tilespmem:$0x1FD90] =	vst v2;
	v2 =	vor.u32 $0x202, v1  }
0x1a: {  	s0 =	srdreg.scid;
	s12 =	stileid.u32;
	[tilespmem:$0x1FDA0] =	vst v2;
	v2 =	vor.u32 $0x206, v1  }
0x1b: {  	s0 =	sand.u32 $0x1, s0;
	s6 =	smul.u32 $0x1B0, s12;
	[tilespmem:$0x1FDB0] =	vst v2;
	v2 =	vor.u32 $0x203, v1  }
0x1c: {  	s19 =	sshll.u32 s12, $0x10;
	s3 =	smul.u32 $0x1B00, s0;
	s7 =	ssub.s32 $0x2, s0;
	[tilespmem:$0x1FDC0] =	vst v2;
	v2 =	vor.u32 $0x207, v1  }
0x1d: {  	s9 =	smul.u32 $0x18000, s12;
	s11 =	sshll.u32 s0, $0x4;
	s8 =	sshrl.u32 s7, $0x1;
	[tilespmem:$0x1FDD0] =	vst v2;
	v2 =	vor.u32 $0x280, v1  }
0x1e: {  	s3 =	sadd.s32 s6, s3;
	s6 =	sadd.s32 $0x3800, s2;
	s29 =	ssub.s32 s7, s8;
	[tilespmem:$0x1FDE0] =	vst v2;
	v2 =	vor.u32 $0x284, v1  }
0x1f: {  	s7 =	sor.u32 s12, s11;
	s12 =	sshll.u32 s12, $0xE;
	s3 =	sshrl.u32 s3, $0x3;
	[tilespmem:$0x1FDF0] =	vst v2;
	v2 =	vor.u32 $0x281, v1  }
0x20: {  	[dreg:$0xc] =	wrdreg s12;
	s3 =	sadd.s32 s3, s2;
	s2 =	smax.u32 s29, $0x1;
	[tilespmem:$0x1FE00] =	vst v2;
	v2 =	vor.u32 $0x285, v1  }
0x21: {  	s14 =	sadd.s32 $0x1800, s3;
	[dreg:$0xd] =	wrdreg s2;
	[tilespmem:$0x1FE10] =	vst v2;
	v2 =	vor.u32 $0x282, v1  }
0x22: {  	s28 =	simm.s32 $0x6;
	s15 =	sadd.s32 $0x1000, s3;
	[dreg:$0x5] =	wrdreg s14;
	[tilespmem:$0x1FE20] =	vst v2;
	v2 =	vor.u32 $0x286, v1  }
0x23: {  	s30 =	simm.s32 $0x3A20;
	s16 =	sadd.s32 $0x800, s3;
	[dreg:$0x6] =	wrdreg s15;
	[tilespmem:$0x1FE30] =	vst v2;
	v2 =	vor.u32 $0x283, v1  }
0x24: {  	s31 =	simm.s32 $0x3;
	s17 =	sadd.s32 $0x3000, s3;
	[dreg:$0x7] =	wrdreg s16;
	[tilespmem:$0x1FE40] =	vst v2;
	v2 =	vor.u32 $0x287, v1  }
0x25: {  	s7 =	smul.u32 $0x18000, s7;
	s18 =	sadd.s32 $0x2800, s3;
	[dreg:$0x8] =	wrdreg s17;
	[tilespmem:$0x1FE50] =	vst v2;
	v2 =	vor.u32 $0x300, v1  }
0x26: {  	s20 =	smul.u32 $0x180000, s0;
	s3 =	sadd.s32 $0x2000, s3;
	[dreg:$0x9] =	wrdreg s18;
	[tilespmem:$0x1FE60] =	vst v2;
	v2 =	vor.u32 $0x304, v1  }
0x27: {  	s8 =	simm.s32 $0x0;
	[dreg:$0xa] =	wrdreg s3;
	s16 =	sshrl.u32 s7, $0x3;
	[tilespmem:$0x1FE70] =	vst v2;
	v2 =	vor.u32 $0x301, v1  }
0x28: {  	s14 =	sadd.s32 s19, s4;
	s15 =	smul.u32 $0x600000, s0;
	s3 =	sadd.s32 s9, s20;
	[tilespmem:$0x1FE80] =	vst v2;
	v2 =	vor.u32 $0x305, v1  }
0x29: {  	s9 =	simm.s32 $0x4;
	s7 =	sadd.s32 $0x2D90, s16;
	s21 =	sadd.s32 $0x4000, s14;
	[tilespmem:$0x1FE90] =	vst v2;
	v2 =	vor.u32 $0x302, v1  }
0x2a: {  	s10 =	sadd.s32 $0x8000, s14;
	s11 =	sadd.s32 $0xC000, s14;
	[dreg:$0xb] =	wrdreg s16;
	[tilespmem:$0x1FEA0] =	vst v2;
	v2 =	vor.u32 $0x306, v1  }
0x2b: {  	v3 =	vimm.s32 $0x0;
	s23 =	sor.u32 $0x4000, s3;
	s3 =	sshrl.u32 s3, $0x3;
	s7 =	sadd.s32 s7, s13;
	[tilespmem:$0x1FEB0] =	vst v2;
	v2 =	vor.u32 $0x303, v1  }
0x2c: {  	v5 =	vimm.f32 $0.0e+00;
	v43 =	vor.u32 $0x4, v1;
	s22 =	sor.u32 $0x400, s16;
	s3 =	sadd.s32 s13, s3;
	[dreg:$0xe] =	wrdreg s7;
	[tilespmem:$0x1FEC0] =	vst v2;
	v2 =	vor.u32 $0x307, v1  }
0x2d: {  	v49 =	vor.u32 $0x1, v1;
	v44 =	vor.u32 $0x5, v1;
	s17 =	sadd.s32 $0x200000, s15;
	s0 =	sadd.s32 s22, s13;
	[dreg:$0xf] =	wrdreg s3;
	[tilespmem:$0x1FED0] =	vst v2;
	v2 =	vor.u32 $0x380, v1  }
0x2e: {  	v37 =	vor.u32 $0x2, v1;
	v45 =	vor.u32 $0x6, v1;
	s2 =	sshrl.u32 s23, $0x3;
	s25 =	sshrl.u32 s21, $0x3;
	[dreg:$0x10] =	wrdreg s0;
	[tilespmem:$0x1FEE0] =	vst v2;
	v2 =	vor.u32 $0x384, v1  }
0x2f: {  	v46 =	vor.u32 $0x3, v1;
	v47 =	vor.u32 $0x7, v1;
	s26 =	sshrl.u32 s10, $0x3;
	s29 =	sshrl.u32 s11, $0x3;
	[dreg:$0x12] =	wrdreg s25;
	[tilespmem:$0x1FEF0] =	vst v2;
	v2 =	vor.u32 $0x381, v1  }
0x30: {  	v48 =	vor.u32 $0x80, v1;
	v50 =	vor.u32 $0x84, v1;
	s10 =	simm.s32 $0x5;
	s24 =	sadd.s32 s13, s2;
	[dreg:$0x13] =	wrdreg s26;
	[tilespmem:$0x1FF00] =	vst v2;
	v2 =	vor.u32 $0x385, v1  }
0x31: {  	v51 =	vor.u32 $0x81, v1;
	v52 =	vor.u32 $0x85, v1;
	[dreg:$0x14] =	wrdreg s29;
	s26 =	sadd.s32 $0x400000, s15;
	s3 =	simm.s32 $0x1;
	[tilespmem:$0x1FF10] =	vst v2;
	v2 =	vor.u32 $0x382, v1  }
0x32: {  	v53 =	vor.u32 $0x82, v1;
	v39 =	vor.u32 $0x181, v1;
	v40 =	vor.u32 $0x185, v1;
	s0 =	simm.s32 $0x80;
	s7 =	simm.s32 $0x2;
	[dreg:$0x11] =	wrdreg s24;
	[tilespmem:$0x1FF20] =	vst v2  }
.LBB2_1:
0x33: {  	[dreg:$0x15] =	wrdreg s8  }
0x34: {  	s2 =	rddreg [dreg:$0x5]  }
0x35: {  	[tilespmem:s5], [sflag:$0x6] =	stream.linear.gather [hbm4b:s2+s5], $0x1B0, $0x38;
	[tilespmem:$0x1F3E0] =	vst v63  }
0x36: {  	_ =	swait.ge [sflag:s28], $0x1B0  }
0x37: {  	[sflag:s28] =	ssyncset.done $0x0  }
0x38: {  	s13 =	simm.s32 $0x1B0;
	s12 =	rddreg [dreg:$0x6];
	[sflag:s28] =	ssyncadd.s32 $0xFFFFFE50  }
0x39: {  	[tilespmem:s13], [sflag:$0x6] =	stream.linear.gather [hbm4b:s12+s5], $0x1B0, $0x38;
	[tilespmem:$0x1F3E0] =	vst v63  }
0x3a: {  	_ =	swait.ge [sflag:s28], $0x1B0  }
0x3b: {  	[sflag:s28] =	ssyncset.done $0x0  }
0x3c: {  	s18 =	simm.s32 $0x360;
	s16 =	rddreg [dreg:$0x7];
	[sflag:s28] =	ssyncadd.s32 $0xFFFFFE50  }
0x3d: {  	[tilespmem:s18], [sflag:$0x6] =	stream.linear.gather [hbm4b:s16+s5], $0x1B0, $0x38;
	[tilespmem:$0x1F3E0] =	vst v63  }
0x3e: {  	_ =	swait.ge [sflag:s28], $0x1B0  }
0x3f: {  	[sflag:s28] =	ssyncset.done $0x0  }
0x40: {  	s20 =	simm.s32 $0x510;
	s19 =	rddreg [dreg:$0x8];
	[sflag:s28] =	ssyncadd.s32 $0xFFFFFE50  }
0x41: {  	[tilespmem:s20], [sflag:$0x6] =	stream.linear.gather [hbm4b:s19+s5], $0x1B0, $0x38;
	[tilespmem:$0x1F3E0] =	vst v63  }
0x42: {  	_ =	swait.ge [sflag:s28], $0x1B0  }
0x43: {  	[sflag:s28] =	ssyncset.done $0x0  }
0x44: {  	s22 =	simm.s32 $0x6C0;
	s21 =	rddreg [dreg:$0x9];
	[sflag:s28] =	ssyncadd.s32 $0xFFFFFE50  }
0x45: {  	[tilespmem:s22], [sflag:$0x6] =	stream.linear.gather [hbm4b:s21+s5], $0x1B0, $0x38;
	[tilespmem:$0x1F3E0] =	vst v63  }
0x46: {  	_ =	swait.ge [sflag:s28], $0x1B0  }
0x47: {  	[sflag:s28] =	ssyncset.done $0x0  }
0x48: {  	s24 =	simm.s32 $0x870;
	s23 =	rddreg [dreg:$0xa];
	[sflag:s28] =	ssyncadd.s32 $0xFFFFFE50  }
0x49: {  	[tilespmem:s24], [sflag:$0x6] =	stream.linear.gather [hbm4b:s23+s5], $0x1B0, $0x38;
	[tilespmem:$0x1F3E0] =	vst v63  }
0x4a: {  	_ =	swait.ge [sflag:s28], $0x1B0  }
0x4b: {  	[sflag:s28] =	ssyncset.done $0x0  }
0x4c: {  	v4 =	vimm.s32 $0x20000000;
	[sflag:s28] =	ssyncadd.s32 $0xFFFFFE50  }
0x4d: {  	[tilespmem:$0x37B0] =	vst v4  }
0x4e: {  	[tilespmem:$0x37C0] =	vst v4  }
0x4f: {  	[tilespmem:$0x37D0] =	vst v4  }
0x50: {  	[tilespmem:$0x37E0] =	vst v4  }
0x51: {  	[tilespmem:$0x37F0] =	vst v4  }
0x52: {  	[tilespmem:$0x3800] =	vst v4  }
0x53: {  	[tilespmem:$0x3810] =	vst v4  }
0x54: {  	[tilespmem:$0x3820] =	vst v4  }
0x55: {  	[tilespmem:$0x3830] =	vst v4  }
0x56: {  	[tilespmem:$0x3840] =	vst v4  }
0x57: {  	[tilespmem:$0x3850] =	vst v4  }
0x58: {  	[tilespmem:$0x3860] =	vst v4  }
0x59: {  	[tilespmem:$0x3870] =	vst v4  }
0x5a: {  	[tilespmem:$0x3880] =	vst v4  }
0x5b: {  	[tilespmem:$0x3890] =	vst v4  }
0x5c: {  	[tilespmem:$0x38A0] =	vst v4  }
0x5d: {  	[tilespmem:$0x38B0] =	vst v4  }
0x5e: {  	[tilespmem:$0x38C0] =	vst v4  }
0x5f: {  	[tilespmem:$0x38D0] =	vst v4  }
0x60: {  	[tilespmem:$0x38E0] =	vst v4  }
0x61: {  	[tilespmem:$0x38F0] =	vst v4  }
0x62: {  	[tilespmem:$0x3900] =	vst v4  }
0x63: {  	[tilespmem:$0x3910] =	vst v4  }
0x64: {  	[tilespmem:$0x3920] =	vst v4  }
0x65: {  	[tilespmem:$0x3930] =	vst v4  }
0x66: {  	[tilespmem:$0x3940] =	vst v4  }
0x67: {  	[tilespmem:$0x3950] =	vst v4  }
0x68: {  	[tilespmem:$0x3960] =	vst v4  }
0x69: {  	[tilespmem:$0x3970] =	vst v4  }
0x6a: {  	[tilespmem:$0x3980] =	vst v4  }
0x6b: {  	[tilespmem:$0x3990] =	vst v4  }
0x6c: {  	[tilespmem:$0x39A0] =	vst v4  }
0x6d: {  	[tilespmem:$0x39B0] =	vst v4  }
0x6e: {  	[tilespmem:$0x39C0] =	vst v4  }
0x6f: {  	[tilespmem:$0x39D0] =	vst v4  }
0x70: {  	[tilespmem:$0x39E0] =	vst v4  }
0x71: {  	s25 =	stileid.u32;
	[tilespmem:$0x39F0] =	vst v4  }
0x72: {  	s12 =	sshll.u32 s25, $0x6;
	[tilespmem:$0x3A00] =	vst v4  }
0x73: {  	s2 =	sor.u32 $0x1C06, s12;
	s29 =	rddreg [dreg:$0xe];
	[tilespmem:$0x3A10] =	vst v4  }
0x74: {  	[hbm:s29], [sflag:s2] =	dma.local [hbm:s6], $0x270  }
0x75: {  	_ =	swait.ge [sflag:s28], $0x270  }
0x76: {  	s18 =	simm.s32 $0xAF0;
	[sflag:s28] =	ssyncset.done $0x0  }
0x77: {  	s19 =	simm.s32 $0x0;
	s20 =	rddreg [dreg:$0xf];
	[sflag:s28] =	ssyncadd.s32 $0xFFFFFD90  }
.LBB2_2:
0x78: {  	s2 =	sshra.s32 s19, $0x2  }
0x79: {  	v21 =	vld [tilespmem:s2+$0x0]  }
0x7a: {  	v20 =	vld [tilespmem:s2+$0x1B0];
	_ =	sdelay $0x2  }
0x7b: {  	v12 =	vld [tilespmem:s2+$0x360]  }
0x7c: {  	v4 =	vmul.f32 $5.000000000e-01, v21  }
0x7d: {  	v6 =	vmul.f32 $5.000000000e-01, v20  }
0x7e: {  	v4 =	vadd.f32 $5.000000000e-01, v4  }
0x7f: {  	v6 =	vadd.f32 $5.000000000e-01, v6  }
0x80: {  	v7 =	vmul.f32 $5.000000000e-01, v12;
	v4 =	vmul.f32 $1.280000000e+02, v4  }
0x81: {  	v6 =	vmul.f32 $1.280000000e+02, v6  }
0x82: {  	v7 =	vadd.f32 $5.000000000e-01, v7;
	v8 =	vtrunc.f32 v4  }
0x83: {  	v9 =	vcvt.f32.s32 v8;
	vm0 =	vlt.f32 v4, v8;
	v4 =	vtrunc.f32 v6  }
0x84: {  	v32 =	vcvt.f32.s32 v4;
	vm1 =	vlt.f32 v6, v4;
	v4 =	vmul.f32 $1.280000000e+02, v7  }
0x85: {  	v6 =	vsel vm0, $0xFFFFFFFF, v3;
	v7 =	vsel vm1, $0xFFFFFFFF, v3  }
0x86: {  	v24 =	vadd.s32 v9, v6;
	v17 =	vadd.s32 v32, v7;
	v6 =	vtrunc.f32 v4  }
0x87: {  	v7 =	vcvt.f32.s32 v6;
	vm6 =	vlt.f32 v4, v6;
	v4 =	vadd.s32 $0xFFFFFFFF, v24  }
0x88: {  	v8 =	vadd.s32 $0xFFFFFFFF, v17;
	v6 =	vsel vm6, $0xFFFFFFFF, v3;
	vm7 =	vgt.s32 v4, $0x0  }
0x89: {  	vm8 =	vgt.s32 v8, $0x0;
	v6 =	vadd.s32 v7, v6;
	v4 =	vnsel vm7, $0x0, v4  }
0x8a: {  	v7 =	vmin.u32 v4, $0x7F;
	v4 =	vnsel vm8, $0x0, v8;
	v33 =	vadd.s32 $0xFFFFFFFF, v6  }
0x8b: {  	v19 =	vmin.u32 v4, $0x7F;
	vm9 =	vgt.s32 v33, $0x0;
	v4 =	vcvt.s32.f32 v7  }
0x8c: {  	v8 =	vnsel vm9, $0x0, v33;
	v34 =	vcvt.s32.f32 v19  }
0x8d: {  	v10 =	vmin.u32 v8, $0x7F;
	v4 =	vadd.f32 $5.000000000e-01, v4  }
0x8e: {  	v35 =	vadd.f32 $5.000000000e-01, v34;
	v36 =	vcvt.s32.f32 v10  }
0x8f: {  	v4 =	vmul.f32 $1.562500000e-02, v4  }
0x90: {  	v8 =	vmul.f32 $1.562500000e-02, v35;
	v9 =	vadd.f32 $5.000000000e-01, v36  }
0x91: {  	v4 =	vadd.f32 $-1.000000000e+00, v4  }
0x92: {  	v8 =	vadd.f32 $-1.000000000e+00, v8;
	v9 =	vmul.f32 $1.562500000e-02, v9  }
0x93: {  	v4 =	vsub.f32 v4, v21  }
0x94: {  	v8 =	vsub.f32 v8, v20;
	v9 =	vadd.f32 $-1.000000000e+00, v9;
	_ =	sdelay $0x1  }
0x95: {  	v26 =	vmul.f32 v4, v4;
	v9 =	vsub.f32 v9, v12;
	v23 =	vmul.f32 v8, v8;
	_ =	sdelay $0x1  }
0x96: {  	v13 =	vadd.f32 v23, v26;
	v16 =	vmul.f32 v9, v9  }
0x97: {  	vm10 =	vgt.s32 v6, $0x0  }
0x98: {  	v55 =	vnsel vm10, $0x0, v6;
	v4 =	vadd.f32 v16, v13  }
0x99: {  	v9 =	vmin.u32 v55, $0x7F  }
0x9a: {  	v8 =	vcvt.s32.f32 v9;
	v4 =	vmul.f32 $-4.000000000e+02, v4;
	_ =	sdelay $0x1  }
0x9b: {  	v8 =	vadd.f32 $5.000000000e-01, v8;
	v4 =	vmul.f32 $1.442695020e+00, v4;
	_ =	sdelay $0x1  }
0x9c: {  	(erf) = vpow2.f32 v4;
	v4 =	vmul.f32 $1.562500000e-02, v8;
	_ =	sdelay $0x1  }
0x9d: {  	v6 =	vadd.s32 $0x1, v6;
	v8 =	vadd.f32 $-1.000000000e+00, v4  }
0x9e: {  	vm11 =	vgt.s32 v6, $0x0  }
0x9f: {  	v25 =	vshll.u32 v7, $0x7;
	v6 =	vnsel vm11, $0x0, v6;
	v7 =	vsub.f32 v8, v12  }
0xa0: {  	v8 =	vmin.u32 v6, $0x7F;
	v6 =	vor.u32 v19, v25  }
0xa1: {  	v11 =	vcvt.s32.f32 v8;
	v27 =	vshll.u32 v6, $0x7;
	v15 =	vmul.f32 v7, v7  }
0xa2: {  	v14 =	vshll.u32 v10, $0x2;
	v7 =	vor.u32 v10, v27  }
0xa3: {  	v4 =	vld [tilespmem:s2+$0x510];
	v18 =	vadd.f32 $5.000000000e-01, v11;
	v28 =	vshrl.u32 v7, $0x1;
	v7 =	vadd.f32 v13, v15  }
0xa4: {  	vm12 =	vgt.s32 v17, $0x0;
	v11 =	vand.u32 $0x4, v14  }
0xa5: {  	v6 =	vld [tilespmem:s2+$0x6C0];
	v29 =	vor.u32 v1, v11;
	v18 =	vmul.f32 $1.562500000e-02, v18;
	v30 =	vmul.f32 $-4.000000000e+02, v7  }
0xa6: {  	v31 =	vsub.s32 v43, v11;
	v33 =	vor.u32 v49, v11;
	v7 =	vnsel vm12, $0x0, v17  }
0xa7: {  	v22 =	vpop (erf);
	v32 =	vadd.f32 $-1.000000000e+00, v18;
	v18 =	vmin.u32 v7, $0x7F;
	v7 =	vld [tilespmem:s2+$0x870];
	v30 =	vmul.f32 $1.442695020e+00, v30  }
0xa8: {  	v36 =	vsub.s32 v44, v11;
	v63 =	vmul.f32 v22, v4  }
0xa9: {  	[tilespmem:s18+$0xFFFFFF30] =	vst v28;
	v28 =	vor.u32 v37, v11;
	v12 =	vsub.f32 v32, v12;
	(erf) = vpow2.f32 v30  }
0xaa: {  	v55 =	vsub.s32 v45, v11;
	v35 =	vmul.f32 v22, v6;
	v34 =	vcvt.s32.f32 v18;
	[tilespmem:v29+s30+$0x0] =	vst.idx.msk $0xffff, v63  }
0xab: {  	[tilespmem:v31+s30+$0x0] =	vst.idx.msk $0xffff, v5;
	v14 =	vmul.f32 v12, v12;
	v12 =	vor.u32 v46, v11  }
0xac: {  	v34 =	vadd.f32 $5.000000000e-01, v34;
	[tilespmem:v33+s30+$0x0] =	vst.idx.msk $0xffff, v35;
	v63 =	vmul.f32 v22, v7  }
0xad: {  	v32 =	vxor.u32 v47, v11;
	[tilespmem:v36+s30+$0x0] =	vst.idx.msk $0xffff, v5;
	v13 =	vadd.f32 v14, v13  }
0xae: {  	v35 =	vshll.u32 v9, $0x2;
	v30 =	vmul.f32 $1.562500000e-02, v34;
	[tilespmem:v28+s30+$0x0] =	vst.idx.msk $0xffff, v63  }
0xaf: {  	v36 =	vmul.f32 $-4.000000000e+02, v13;
	[tilespmem:v55+s30+$0x0] =	vst.idx.msk $0xffff, v5;
	v13 =	vand.u32 $0x4, v35  }
0xb0: {  	v30 =	vadd.f32 $-1.000000000e+00, v30;
	[tilespmem:v12+s30+$0x0] =	vst.idx.msk $0xffff, v22;
	v12 =	vor.u32 v48, v13  }
0xb1: {  	v35 =	vor.u32 v9, v27;
	v31 =	vsub.s32 v50, v13  }
0xb2: {  	v55 =	vsub.f32 v30, v20;
	[tilespmem:v32+s30+$0x0] =	vst.idx.msk $0xffff, v5;
	v32 =	vor.u32 v51, v13;
	v28 =	vpop (erf)  }
0xb3: {  	v30 =	vshrl.u32 v35, $0x1;
	v63 =	vmul.f32 $1.442695020e+00, v36;
	v36 =	vmul.f32 v28, v4  }
0xb4: {  	v2 =	vld [tilespmem:$0x1FF40];
	[tilespmem:s18+$0xFFFFFF40] =	vst v30  }
0xb5: {  	v22 =	vmul.f32 v55, v55;
	v55 =	vmul.f32 v28, v6;
	[tilespmem:v12+s30+$0x0] =	vst.idx.msk $0xffff, v36  }
0xb6: {  	(erf) = vpow2.f32 v63;
	[tilespmem:v31+s30+$0x0] =	vst.idx.msk $0xffff, v5  }
0xb7: {  	v33 =	vsub.s32 v52, v13;
	[tilespmem:v32+s30+$0x0] =	vst.idx.msk $0xffff, v55;
	v32 =	vshll.u32 v8, $0x2  }
0xb8: {  	v35 =	vor.u32 v53, v13;
	v12 =	vand.u32 $0x4, v32  }
0xb9: {  	v29 =	vsub.s32 v41, v13;
	v32 =	vor.u32 v2, v12;
	v2 =	vld [tilespmem:$0x1FF50]  }
0xba: {  	v34 =	vadd.f32 v22, v26;
	v31 =	vor.u32 v54, v13  }
0xbb: {  	v27 =	vor.u32 v8, v27;
	v30 =	vxor.u32 v56, v13;
	v36 =	vmul.f32 v28, v7  }
0xbc: {  	v27 =	vshrl.u32 v27, $0x1;
	v63 =	vadd.f32 v16, v34;
	v55 =	vmovc v54;
	v54 =	vmov v41;
	[tilespmem:v33+s30+$0x0] =	vst.idx.msk $0xffff, v5  }
0xbd: {  	v41 =	vmovc v53;
	v53 =	vmovc v52;
	v52 =	vmov v51;
	v51 =	vmov v50;
	v50 =	vmov v48;
	[tilespmem:v35+s30+$0x0] =	vst.idx.msk $0xffff, v36  }
0xbe: {  	v48 =	vmovc v47;
	v47 =	vmov v46;
	v63 =	vmul.f32 $-4.000000000e+02, v63;
	[tilespmem:v29+s30+$0x0] =	vst.idx.msk $0xffff, v5;
	v29 =	vsub.s32 v2, v12  }
0xbf: {  	v46 =	vmov v45;
	v45 =	vmov v37;
	[tilespmem:v31+s30+$0x0] =	vst.idx.msk $0xffff, v28;
	v28 =	vpop (erf);
	v31 =	vor.u32 v57, v12  }
0xc0: {  	v37 =	vmul.f32 $1.442695020e+00, v63;
	v33 =	vsub.s32 v58, v12;
	[tilespmem:v30+s30+$0x0] =	vst.idx.msk $0xffff, v5;
	v63 =	vmul.f32 v28, v4  }
0xc1: {  	v36 =	vor.u32 v59, v12;
	[tilespmem:s18+$0xFFFFFF50] =	vst v27  }
0xc2: {  	v30 =	vsub.s32 v60, v12;
	v27 =	vmul.f32 v28, v6;
	[tilespmem:v32+s30+$0x0] =	vst.idx.msk $0xffff, v63  }
0xc3: {  	[tilespmem:v29+s30+$0x0] =	vst.idx.msk $0xffff, v5;
	v29 =	vor.u32 v61, v12  }
0xc4: {  	(erf) = vpow2.f32 v37;
	v37 =	vxor.u32 v62, v12;
	v35 =	vmul.f32 v28, v7;
	v2 =	vld [tilespmem:$0x1FD20];
	[tilespmem:v31+s30+$0x0] =	vst.idx.msk $0xffff, v27  }
0xc5: {  	[tilespmem:v33+s30+$0x0] =	vst.idx.msk $0xffff, v5  }
0xc6: {  	[tilespmem:v36+s30+$0x0] =	vst.idx.msk $0xffff, v35  }
0xc7: {  	[tilespmem:v30+s30+$0x0] =	vst.idx.msk $0xffff, v5  }
0xc8: {  	v63 =	vadd.f32 v15, v34;
	[tilespmem:v29+s30+$0x0] =	vst.idx.msk $0xffff, v28  }
0xc9: {  	[tilespmem:v37+s30+$0x0] =	vst.idx.msk $0xffff, v5;
	v37 =	vor.u32 v2, v11;
	v2 =	vld [tilespmem:$0x1FD30]  }
0xca: {  	v63 =	vmul.f32 $-4.000000000e+02, v63;
	_ =	sdelay $0x1  }
0xcb: {  	v27 =	vor.u32 v18, v25;
	v31 =	vmul.f32 $1.442695020e+00, v63  }
0xcc: {  	v32 =	vor.u32 v42, v11;
	v27 =	vshll.u32 v27, $0x7  }
0xcd: {  	v33 =	vsub.s32 v38, v11;
	v28 =	vpop (erf);
	(erf) = vpow2.f32 v31;
	v31 =	vsub.s32 v2, v11;
	v2 =	vld [tilespmem:$0x1FD40]  }
0xce: {  	v36 =	vor.u32 v10, v27  }
0xcf: {  	v29 =	vshrl.u32 v36, $0x1;
	v63 =	vmul.f32 v28, v4  }
0xd0: {  	[tilespmem:s18+$0xFFFFFF60] =	vst v29  }
0xd1: {  	[tilespmem:v32+s30+$0x0] =	vst.idx.msk $0xffff, v63  }
0xd2: {  	v30 =	vor.u32 v39, v11;
	[tilespmem:v33+s30+$0x0] =	vst.idx.msk $0xffff, v5;
	v33 =	vor.u32 v2, v11;
	v2 =	vld [tilespmem:$0x1FD50];
	_ =	sdelay $0x2  }
0xd3: {  	v29 =	vmul.f32 v28, v6;
	_ =	sdelay $0x1  }
0xd4: {  	[tilespmem:v30+s30+$0x0] =	vst.idx.msk $0xffff, v29;
	v29 =	vxor.u32 v2, v11;
	v2 =	vld [tilespmem:$0x1FD60];
	_ =	sdelay $0x1  }
0xd5: {  	v17 =	vadd.s32 $0x1, v17  }
0xd6: {  	vm13 =	vgt.s32 v17, $0x0  }
0xd7: {  	v17 =	vnsel vm13, $0x0, v17  }
0xd8: {  	v36 =	vsub.s32 v40, v11;
	v63 =	vadd.f32 v14, v34;
	v34 =	vor.u32 v2, v13;
	v2 =	vld [tilespmem:$0x1FD70]  }
0xd9: {  	v17 =	vmin.u32 v17, $0x7F  }
0xda: {  	v35 =	vcvt.s32.f32 v17;
	_ =	sdelay $0x1  }
0xdb: {  	v35 =	vadd.f32 $5.000000000e-01, v35  }
0xdc: {  	[tilespmem:v36+s30+$0x0] =	vst.idx.msk $0xffff, v5;
	v36 =	vsub.s32 v2, v13;
	v2 =	vld [tilespmem:$0x1FD80]  }
0xdd: {  	v38 =	vmul.f32 $1.562500000e-02, v35;
	v35 =	vmul.f32 v28, v7;
	_ =	sdelay $0x1  }
0xde: {  	[tilespmem:v37+s30+$0x0] =	vst.idx.msk $0xffff, v35  }
0xdf: {  	[tilespmem:v31+s30+$0x0] =	vst.idx.msk $0xffff, v5  }
0xe0: {  	[tilespmem:v33+s30+$0x0] =	vst.idx.msk $0xffff, v28;
	v33 =	vor.u32 v2, v13;
	v2 =	vld [tilespmem:$0x1FD90];
	_ =	sdelay $0x4  }
0xe1: {  	v31 =	vsub.s32 v2, v13;
	v2 =	vld [tilespmem:$0x1FDA0];
	_ =	sdelay $0x4  }
0xe2: {  	[tilespmem:v29+s30+$0x0] =	vst.idx.msk $0xffff, v5;
	v29 =	vor.u32 v2, v13;
	v2 =	vld [tilespmem:$0x1FDB0]  }
0xe3: {  	v63 =	vmul.f32 $-4.000000000e+02, v63;
	_ =	sdelay $0x1  }
0xe4: {  	v30 =	vmul.f32 $1.442695020e+00, v63;
	_ =	sdelay $0x1  }
0xe5: {  	v28 =	vpop (erf);
	(erf) = vpow2.f32 v30;
	v30 =	vsub.s32 v2, v13;
	v2 =	vld [tilespmem:$0x1FDC0];
	_ =	sdelay $0x3  }
0xe6: {  	v38 =	vadd.f32 $-1.000000000e+00, v38  }
0xe7: {  	v63 =	vor.u32 v9, v27;
	v32 =	vor.u32 v2, v13;
	v2 =	vld [tilespmem:$0x1FDD0]  }
0xe8: {  	v20 =	vsub.f32 v38, v20;
	v37 =	vshrl.u32 v63, $0x1;
	v38 =	vmul.f32 v28, v4  }
0xe9: {  	[tilespmem:s18+$0xFFFFFF70] =	vst v37  }
0xea: {  	v63 =	vmul.f32 v28, v6;
	[tilespmem:v34+s30+$0x0] =	vst.idx.msk $0xffff, v38  }
0xeb: {  	[tilespmem:v36+s30+$0x0] =	vst.idx.msk $0xffff, v5  }
0xec: {  	[tilespmem:v33+s30+$0x0] =	vst.idx.msk $0xffff, v63;
	v63 =	vxor.u32 v2, v13;
	v2 =	vld [tilespmem:$0x1FDE0];
	_ =	sdelay $0x4  }
0xed: {  	v38 =	vor.u32 v2, v12;
	v2 =	vld [tilespmem:$0x1FDF0];
	_ =	sdelay $0x1  }
0xee: {  	v36 =	vmul.f32 v28, v7  }
0xef: {  	[tilespmem:v31+s30+$0x0] =	vst.idx.msk $0xffff, v5  }
0xf0: {  	[tilespmem:v29+s30+$0x0] =	vst.idx.msk $0xffff, v36  }
0xf1: {  	[tilespmem:v30+s30+$0x0] =	vst.idx.msk $0xffff, v5;
	v30 =	vsub.s32 v2, v12;
	v2 =	vld [tilespmem:$0x1FE00];
	_ =	sdelay $0x4  }
0xf2: {  	[tilespmem:v32+s30+$0x0] =	vst.idx.msk $0xffff, v28;
	v32 =	vor.u32 v2, v12;
	v2 =	vld [tilespmem:$0x1FE10];
	_ =	sdelay $0x4  }
0xf3: {  	v36 =	vsub.s32 v2, v12;
	v2 =	vld [tilespmem:$0x1FE20];
	_ =	sdelay $0x2  }
0xf4: {  	v27 =	vor.u32 v8, v27  }
0xf5: {  	v27 =	vshrl.u32 v27, $0x1;
	[tilespmem:v63+s30+$0x0] =	vst.idx.msk $0xffff, v5  }
0xf6: {  	[tilespmem:s18+$0xFFFFFF80] =	vst v27;
	v27 =	vor.u32 v2, v12;
	v2 =	vld [tilespmem:$0x1FE30];
	_ =	sdelay $0x4  }
0xf7: {  	v29 =	vsub.s32 v2, v12;
	v2 =	vld [tilespmem:$0x1FE40]  }
0xf8: {  	v28 =	vpop (erf)  }
0xf9: {  	v20 =	vmul.f32 v20, v20;
	v63 =	vmul.f32 v28, v4;
	_ =	sdelay $0x1  }
0xfa: {  	v26 =	vadd.f32 v20, v26;
	[tilespmem:v38+s30+$0x0] =	vst.idx.msk $0xffff, v63  }
0xfb: {  	[tilespmem:v30+s30+$0x0] =	vst.idx.msk $0xffff, v5;
	v30 =	vor.u32 v2, v12;
	v2 =	vld [tilespmem:$0x1FE50]  }
0xfc: {  	v34 =	vadd.f32 v16, v26;
	_ =	sdelay $0x1  }
0xfd: {  	v37 =	vmul.f32 $-4.000000000e+02, v34;
	_ =	sdelay $0x1  }
0xfe: {  	v31 =	vmul.f32 $1.442695020e+00, v37;
	v37 =	vmul.f32 v28, v6;
	v63 =	vxor.u32 v2, v12;
	v2 =	vld [tilespmem:$0x1FE60];
	_ =	sdelay $0x1  }
0xff: {  	v38 =	vmul.f32 v28, v7;
	[tilespmem:v32+s30+$0x0] =	vst.idx.msk $0xffff, v37  }
0x100: {  	[tilespmem:v36+s30+$0x0] =	vst.idx.msk $0xffff, v5  }
0x101: {  	[tilespmem:v27+s30+$0x0] =	vst.idx.msk $0xffff, v38  }
0x102: {  	[tilespmem:v29+s30+$0x0] =	vst.idx.msk $0xffff, v5;
	v29 =	vor.u32 v2, v11;
	v2 =	vld [tilespmem:$0x1FE70];
	_ =	sdelay $0x4  }
0x103: {  	[tilespmem:v30+s30+$0x0] =	vst.idx.msk $0xffff, v28;
	v28 =	vsub.s32 v2, v11;
	v2 =	vld [tilespmem:$0x1FE80];
	_ =	sdelay $0x4  }
0x104: {  	v33 =	vor.u32 v2, v11;
	v2 =	vld [tilespmem:$0x1FE90];
	_ =	sdelay $0x1  }
0x105: {  	v25 =	vor.u32 v17, v25  }
0x106: {  	v25 =	vshll.u32 v25, $0x7;
	(erf) = vpow2.f32 v31  }
0x107: {  	v37 =	vor.u32 v10, v25  }
0x108: {  	v27 =	vshrl.u32 v37, $0x1;
	v37 =	vsub.s32 v2, v11;
	v2 =	vld [tilespmem:$0x1FEA0];
	_ =	sdelay $0x3  }
0x109: {  	[tilespmem:v63+s30+$0x0] =	vst.idx.msk $0xffff, v5  }
0x10a: {  	[tilespmem:s18+$0xFFFFFF90] =	vst v27;
	v27 =	vor.u32 v2, v11;
	v2 =	vld [tilespmem:$0x1FEB0];
	_ =	sdelay $0x1  }
0x10b: {  	v31 =	vpop (erf)  }
0x10c: {  	v35 =	vmul.f32 v31, v4;
	_ =	sdelay $0x1  }
0x10d: {  	[tilespmem:v29+s30+$0x0] =	vst.idx.msk $0xffff, v35;
	v29 =	vsub.s32 v2, v11;
	v2 =	vld [tilespmem:$0x1FEC0];
	_ =	sdelay $0x2  }
0x10e: {  	vm14 =	vgt.s32 v24, $0x0  }
0x10f: {  	v38 =	vnsel vm14, $0x0, v24  }
0x110: {  	v30 =	vmin.u32 v38, $0x7F;
	v38 =	vor.u32 v2, v11;
	v2 =	vld [tilespmem:$0x1FED0]  }
0x111: {  	v36 =	vadd.f32 v26, v15;
	_ =	sdelay $0x1  }
0x112: {  	v32 =	vmul.f32 $-4.000000000e+02, v36;
	v36 =	vmul.f32 v31, v6  }
0x113: {  	[tilespmem:v28+s30+$0x0] =	vst.idx.msk $0xffff, v5  }
0x114: {  	[tilespmem:v33+s30+$0x0] =	vst.idx.msk $0xffff, v36;
	v36 =	vxor.u32 v2, v11;
	v2 =	vld [tilespmem:$0x1FEE0];
	_ =	sdelay $0x1  }
0x115: {  	v63 =	vcvt.s32.f32 v30  }
0x116: {  	v32 =	vmul.f32 $1.442695020e+00, v32  }
0x117: {  	v63 =	vadd.f32 $5.000000000e-01, v63  }
0x118: {  	(erf) = vpow2.f32 v32;
	v28 =	vor.u32 v2, v13;
	v2 =	vld [tilespmem:$0x1FEF0]  }
0x119: {  	v32 =	vmul.f32 $1.562500000e-02, v63;
	v63 =	vmul.f32 v31, v7  }
0x11a: {  	[tilespmem:v37+s30+$0x0] =	vst.idx.msk $0xffff, v5  }
0x11b: {  	[tilespmem:v27+s30+$0x0] =	vst.idx.msk $0xffff, v63  }
0x11c: {  	[tilespmem:v29+s30+$0x0] =	vst.idx.msk $0xffff, v5  }
0x11d: {  	[tilespmem:v38+s30+$0x0] =	vst.idx.msk $0xffff, v31;
	v31 =	vsub.s32 v2, v13;
	v2 =	vld [tilespmem:$0x1FF00];
	_ =	sdelay $0x2  }
0x11e: {  	v32 =	vadd.f32 $-1.000000000e+00, v32;
	_ =	sdelay $0x1  }
0x11f: {  	v26 =	vadd.f32 v14, v26;
	v37 =	vsub.f32 v32, v21;
	v32 =	vor.u32 v2, v13;
	v2 =	vld [tilespmem:$0x1FF10];
	_ =	sdelay $0x1  }
0x120: {  	v26 =	vmul.f32 $-4.000000000e+02, v26;
	_ =	sdelay $0x1  }
0x121: {  	v26 =	vmul.f32 $1.442695020e+00, v26  }
0x122: {  	v34 =	vsub.s32 v2, v13;
	v2 =	vld [tilespmem:$0x1FF20]  }
0x123: {  	(erf) = vpow2.f32 v26;
	v26 =	vmul.f32 v37, v37;
	_ =	sdelay $0x1  }
0x124: {  	v35 =	vadd.f32 v23, v26;
	v27 =	vpop (erf);
	v38 =	vor.u32 v9, v25  }
0x125: {  	v33 =	vmul.f32 v27, v4;
	v29 =	vshrl.u32 v38, $0x1;
	[tilespmem:v36+s30+$0x0] =	vst.idx.msk $0xffff, v5  }
0x126: {  	v63 =	vor.u32 $0x386, v1;
	v37 =	vadd.f32 v16, v35;
	[tilespmem:s18+$0xFFFFFFA0] =	vst v29;
	v36 =	vor.u32 v2, v13  }
0x127: {  	v29 =	vmul.f32 v27, v6;
	[tilespmem:v28+s30+$0x0] =	vst.idx.msk $0xffff, v33;
	v28 =	vsub.s32 v63, v13;
	v63 =	vor.u32 $0x383, v1  }
0x128: {  	v37 =	vmul.f32 $-4.000000000e+02, v37;
	v33 =	vor.u32 $0x387, v1;
	[tilespmem:v31+s30+$0x0] =	vst.idx.msk $0xffff, v5;
	v31 =	vor.u32 v63, v13  }
0x129: {  	v63 =	vmul.f32 v27, v7;
	[tilespmem:v32+s30+$0x0] =	vst.idx.msk $0xffff, v29;
	v29 =	vxor.u32 v33, v13  }
0x12a: {  	v25 =	vor.u32 v8, v25;
	v32 =	vmul.f32 $1.442695020e+00, v37;
	[tilespmem:v34+s30+$0x0] =	vst.idx.msk $0xffff, v5  }
0x12b: {  	v25 =	vshrl.u32 v25, $0x1;
	v38 =	vor.u32 $0x400, v1;
	[tilespmem:v36+s30+$0x0] =	vst.idx.msk $0xffff, v63  }
0x12c: {  	v33 =	vpop (erf);
	(erf) = vpow2.f32 v32;
	v34 =	vor.u32 v38, v12;
	v63 =	vor.u32 $0x404, v1;
	[tilespmem:v28+s30+$0x0] =	vst.idx.msk $0xffff, v5  }
0x12d: {  	v38 =	vor.u32 $0x401, v1;
	v36 =	vmul.f32 v33, v6;
	[tilespmem:v31+s30+$0x0] =	vst.idx.msk $0xffff, v27;
	v27 =	vsub.s32 v63, v12  }
0x12e: {  	v31 =	vor.u32 $0x405, v1;
	v63 =	vor.u32 $0x402, v1;
	[tilespmem:v29+s30+$0x0] =	vst.idx.msk $0xffff, v5;
	v29 =	vor.u32 v38, v12  }
0x12f: {  	v28 =	vmul.f32 v33, v4;
	v31 =	vsub.s32 v31, v12;
	v32 =	vor.u32 v63, v12  }
0x130: {  	v63 =	vor.u32 $0x403, v1;
	v38 =	vadd.f32 v35, v15;
	[tilespmem:s18+$0xFFFFFFB0] =	vst v25;
	v25 =	vor.u32 $0x406, v1  }
0x131: {  	[tilespmem:v34+s30+$0x0] =	vst.idx.msk $0xffff, v28;
	v28 =	vsub.s32 v25, v12;
	v34 =	vor.u32 v63, v12;
	v25 =	vshll.u32 v30, $0x7  }
0x132: {  	v63 =	vor.u32 $0x407, v1;
	v37 =	vmul.f32 $-4.000000000e+02, v38;
	v38 =	vmul.f32 v33, v7;
	[tilespmem:v27+s30+$0x0] =	vst.idx.msk $0xffff, v5  }
0x133: {  	v30 =	vor.u32 v25, v19;
	v27 =	vxor.u32 v63, v12;
	[tilespmem:v29+s30+$0x0] =	vst.idx.msk $0xffff, v36  }
0x134: {  	v63 =	vor.u32 $0x480, v1;
	v29 =	vshll.u32 v30, $0x7;
	v36 =	vmul.f32 $1.442695020e+00, v37;
	[tilespmem:v31+s30+$0x0] =	vst.idx.msk $0xffff, v5  }
0x135: {  	v30 =	vor.u32 v10, v29;
	v31 =	vor.u32 v63, v11;
	[tilespmem:v32+s30+$0x0] =	vst.idx.msk $0xffff, v38;
	v38 =	vor.u32 $0x484, v1  }
0x136: {  	v63 =	vor.u32 $0x481, v1;
	v30 =	vshrl.u32 v30, $0x1;
	[tilespmem:v28+s30+$0x0] =	vst.idx.msk $0xffff, v5;
	v32 =	vsub.s32 v38, v11  }
0x137: {  	(erf) = vpow2.f32 v36;
	v28 =	vpop (erf);
	[tilespmem:v34+s30+$0x0] =	vst.idx.msk $0xffff, v33;
	v34 =	vor.u32 v63, v11;
	v63 =	vor.u32 $0x485, v1  }
0x138: {  	v33 =	vmul.f32 v28, v4;
	[tilespmem:v27+s30+$0x0] =	vst.idx.msk $0xffff, v5;
	v27 =	vsub.s32 v63, v11;
	v63 =	vor.u32 $0x482, v1  }
0x139: {  	v35 =	vadd.f32 v14, v35;
	[tilespmem:s18+$0xFFFFFFC0] =	vst v30;
	v36 =	vor.u32 v63, v11;
	v63 =	vor.u32 $0x486, v1  }
0x13a: {  	v38 =	vor.u32 $0x483, v1;
	v30 =	vmul.f32 v28, v6;
	[tilespmem:v31+s30+$0x0] =	vst.idx.msk $0xffff, v33;
	v31 =	vsub.s32 v63, v11  }
0x13b: {  	v35 =	vmul.f32 $-4.000000000e+02, v35;
	v63 =	vor.u32 $0x487, v1;
	[tilespmem:v32+s30+$0x0] =	vst.idx.msk $0xffff, v5;
	v32 =	vor.u32 v38, v11  }
0x13c: {  	v37 =	vmul.f32 v28, v7;
	[tilespmem:v34+s30+$0x0] =	vst.idx.msk $0xffff, v30;
	v30 =	vxor.u32 v63, v11  }
0x13d: {  	v24 =	vadd.s32 $0x1, v24;
	v33 =	vmul.f32 $1.442695020e+00, v35;
	v63 =	vor.u32 $0x500, v1;
	[tilespmem:v27+s30+$0x0] =	vst.idx.msk $0xffff, v5  }
0x13e: {  	v38 =	vor.u32 v9, v29;
	v34 =	vor.u32 v63, v13;
	[tilespmem:v36+s30+$0x0] =	vst.idx.msk $0xffff, v37;
	v36 =	vor.u32 $0x504, v1  }
0x13f: {  	(erf) = vpow2.f32 v33;
	v37 =	vor.u32 $0x501, v1;
	[tilespmem:v31+s30+$0x0] =	vst.idx.msk $0xffff, v5;
	v33 =	vsub.s32 v36, v13  }
0x140: {  	v27 =	vshrl.u32 v38, $0x1;
	v38 =	vor.u32 $0x505, v1;
	v31 =	vpop (erf);
	[tilespmem:v32+s30+$0x0] =	vst.idx.msk $0xffff, v28;
	v32 =	vor.u32 v37, v13  }
0x141: {  	v63 =	vor.u32 $0x502, v1;
	v28 =	vmul.f32 v31, v4;
	[tilespmem:v30+s30+$0x0] =	vst.idx.msk $0xffff, v5;
	v30 =	vsub.s32 v38, v13  }
0x142: {  	v35 =	vor.u32 v63, v13;
	v63 =	vor.u32 $0x506, v1;
	v36 =	vadd.f32 v22, v26;
	[tilespmem:s18+$0xFFFFFFD0] =	vst v27  }
0x143: {  	v27 =	vmul.f32 v31, v6;
	[tilespmem:v34+s30+$0x0] =	vst.idx.msk $0xffff, v28;
	v28 =	vsub.s32 v63, v13;
	v63 =	vor.u32 $0x503, v1  }
0x144: {  	v37 =	vadd.f32 v16, v36;
	[tilespmem:v33+s30+$0x0] =	vst.idx.msk $0xffff, v5;
	v33 =	vor.u32 v63, v13;
	v63 =	vor.u32 $0x507, v1  }
0x145: {  	vm15 =	vgt.s32 v24, $0x0;
	v38 =	vmul.f32 v31, v7;
	[tilespmem:v32+s30+$0x0] =	vst.idx.msk $0xffff, v27;
	v27 =	vxor.u32 v63, v13  }
0x146: {  	v29 =	vor.u32 v8, v29;
	v63 =	vmul.f32 $-4.000000000e+02, v37;
	v37 =	vor.u32 $0x580, v1;
	[tilespmem:v30+s30+$0x0] =	vst.idx.msk $0xffff, v5  }
0x147: {  	v29 =	vshrl.u32 v29, $0x1;
	v26 =	vadd.f32 v20, v26;
	v30 =	vor.u32 v37, v12;
	[tilespmem:v35+s30+$0x0] =	vst.idx.msk $0xffff, v38  }
0x148: {  	v34 =	vpop (erf);
	v37 =	vor.u32 $0x585, v1;
	v32 =	vmul.f32 $1.442695020e+00, v63;
	v63 =	vor.u32 $0x584, v1;
	[tilespmem:v28+s30+$0x0] =	vst.idx.msk $0xffff, v5  }
0x149: {  	v35 =	vmul.f32 v34, v6;
	[tilespmem:v33+s30+$0x0] =	vst.idx.msk $0xffff, v31;
	v31 =	vsub.s32 v63, v12;
	v63 =	vor.u32 $0x581, v1  }
0x14a: {  	v28 =	vmul.f32 v34, v4;
	(erf) = vpow2.f32 v32;
	[tilespmem:v27+s30+$0x0] =	vst.idx.msk $0xffff, v5;
	v27 =	vor.u32 v63, v12  }
0x14b: {  	v38 =	vor.u32 $0x582, v1;
	v32 =	vsub.s32 v37, v12;
	v37 =	vadd.f32 v15, v36;
	[tilespmem:s18+$0xFFFFFFE0] =	vst v29  }
0x14c: {  	v33 =	vor.u32 v38, v12;
	v38 =	vor.u32 v18, v25;
	[tilespmem:v30+s30+$0x0] =	vst.idx.msk $0xffff, v28;
	v28 =	vor.u32 $0x586, v1  }
0x14d: {  	v63 =	vor.u32 $0x583, v1;
	v37 =	vmul.f32 $-4.000000000e+02, v37;
	v28 =	vsub.s32 v28, v12  }
0x14e: {  	v38 =	vshll.u32 v38, $0x7;
	v30 =	vor.u32 v63, v12;
	v63 =	vor.u32 $0x587, v1;
	[tilespmem:v31+s30+$0x0] =	vst.idx.msk $0xffff, v5  }
0x14f: {  	v29 =	vmul.f32 v34, v7;
	v37 =	vmul.f32 $1.442695020e+00, v37;
	[tilespmem:v27+s30+$0x0] =	vst.idx.msk $0xffff, v35;
	v27 =	vxor.u32 v63, v12  }
0x150: {  	v31 =	vor.u32 v10, v38;
	v63 =	vor.u32 $0x604, v1;
	[tilespmem:v32+s30+$0x0] =	vst.idx.msk $0xffff, v5;
	v32 =	vor.u32 $0x600, v1  }
0x151: {  	(erf) = vpow2.f32 v37;
	[tilespmem:v33+s30+$0x0] =	vst.idx.msk $0xffff, v29;
	v29 =	vshrl.u32 v31, $0x1;
	v31 =	vor.u32 v32, v11  }
0x152: {  	v32 =	vsub.s32 v63, v11;
	v33 =	vor.u32 $0x601, v1;
	v63 =	vadd.f32 v14, v36;
	[tilespmem:v28+s30+$0x0] =	vst.idx.msk $0xffff, v5  }
0x153: {  	v37 =	vor.u32 $0x602, v1;
	v36 =	vor.u32 $0x605, v1;
	v28 =	vpop (erf);
	v33 =	vor.u32 v33, v11;
	[tilespmem:v30+s30+$0x0] =	vst.idx.msk $0xffff, v34  }
0x154: {  	v30 =	vmul.f32 v28, v4;
	v35 =	vmul.f32 $-4.000000000e+02, v63;
	[tilespmem:v27+s30+$0x0] =	vst.idx.msk $0xffff, v5;
	v27 =	vsub.s32 v36, v11  }
0x155: {  	v34 =	vor.u32 v37, v11;
	v63 =	vor.u32 $0x606, v1;
	v37 =	vor.u32 $0x603, v1;
	[tilespmem:s18+$0xFFFFFFF0] =	vst v29  }
0x156: {  	v29 =	vmul.f32 v28, v6;
	v35 =	vmul.f32 $1.442695020e+00, v35;
	[tilespmem:v31+s30+$0x0] =	vst.idx.msk $0xffff, v30;
	v30 =	vsub.s32 v63, v11  }
0x157: {  	v25 =	vor.u32 v25, v17;
	v31 =	vor.u32 v37, v11;
	v63 =	vor.u32 $0x607, v1;
	[tilespmem:v32+s30+$0x0] =	vst.idx.msk $0xffff, v5  }
0x158: {  	v36 =	vmul.f32 v28, v7;
	(erf) = vpow2.f32 v35;
	[tilespmem:v33+s30+$0x0] =	vst.idx.msk $0xffff, v29;
	v29 =	vxor.u32 v63, v11  }
0x159: {  	v37 =	vor.u32 v9, v38;
	v38 =	vor.u32 v8, v38;
	v63 =	vor.u32 $0x680, v1;
	[tilespmem:v27+s30+$0x0] =	vst.idx.msk $0xffff, v5  }
0x15a: {  	v27 =	vshrl.u32 v37, $0x1;
	v32 =	vor.u32 v63, v13;
	v37 =	vor.u32 $0x684, v1;
	[tilespmem:v34+s30+$0x0] =	vst.idx.msk $0xffff, v36  }
0x15b: {  	v63 =	vor.u32 $0x681, v1;
	v33 =	vsub.s32 v37, v13;
	v36 =	vadd.f32 v16, v26;
	[tilespmem:v30+s30+$0x0] =	vst.idx.msk $0xffff, v5;
	v30 =	vpop (erf)  }
0x15c: {  	v37 =	vor.u32 $0x685, v1;
	[tilespmem:v31+s30+$0x0] =	vst.idx.msk $0xffff, v28;
	v28 =	vmul.f32 v30, v4;
	v31 =	vor.u32 v63, v13  }
0x15d: {  	v63 =	vor.u32 $0x682, v1;
	v35 =	vmul.f32 $-4.000000000e+02, v36;
	[tilespmem:v29+s30+$0x0] =	vst.idx.msk $0xffff, v5;
	v29 =	vsub.s32 v37, v13  }
0x15e: {  	v34 =	vor.u32 v63, v13;
	v37 =	vor.u32 $0x686, v1;
	v63 =	vor.u32 $0x683, v1;
	[tilespmem:s18+$0x0] =	vst v27  }
0x15f: {  	v27 =	vmul.f32 v30, v6;
	v35 =	vmul.f32 $1.442695020e+00, v35;
	[tilespmem:v32+s30+$0x0] =	vst.idx.msk $0xffff, v28;
	v28 =	vsub.s32 v37, v13  }
0x160: {  	v36 =	vmul.f32 v30, v7;
	v32 =	vor.u32 v63, v13;
	v37 =	vor.u32 $0x687, v1;
	[tilespmem:v33+s30+$0x0] =	vst.idx.msk $0xffff, v5  }
0x161: {  	v63 =	vor.u32 $0x704, v1;
	[tilespmem:v31+s30+$0x0] =	vst.idx.msk $0xffff, v27;
	v31 =	vpop (erf);
	(erf) = vpow2.f32 v35;
	v27 =	vxor.u32 v37, v13  }
0x162: {  	v35 =	vor.u32 $0x700, v1;
	[tilespmem:v29+s30+$0x0] =	vst.idx.msk $0xffff, v5;
	v29 =	vshrl.u32 v38, $0x1;
	v33 =	vmul.f32 v31, v4  }
0x163: {  	v35 =	vor.u32 v35, v12;
	[tilespmem:v34+s30+$0x0] =	vst.idx.msk $0xffff, v36;
	v36 =	vsub.s32 v63, v12;
	v63 =	vor.u32 $0x702, v1  }
0x164: {  	v2 =	vmovc v39;
	[tilespmem:v28+s30+$0x0] =	vst.idx.msk $0xffff, v5;
	v28 =	vor.u32 $0x701, v1;
	v39 =	vor.u32 v63, v12;
	v63 =	vor.u32 $0x703, v1  }
0x165: {  	v38 =	vor.u32 $0x705, v1;
	v28 =	vor.u32 v28, v12;
	[tilespmem:v32+s30+$0x0] =	vst.idx.msk $0xffff, v30;
	v30 =	vor.u32 $0x706, v1  }
0x166: {  	v24 =	vnsel vm15, $0x0, v24;
	v38 =	vsub.s32 v38, v12;
	[tilespmem:v27+s30+$0x0] =	vst.idx.msk $0xffff, v5;
	v27 =	vsub.s32 v30, v12  }
0x167: {  	v25 =	vshll.u32 v25, $0x7;
	v30 =	vor.u32 v63, v12;
	[tilespmem:s18+$0x10] =	vst v29;
	v63 =	vmovc v40;
	v40 =	vadd.f32 v26, v15  }
0x168: {  	v24 =	vmin.u32 v24, $0x7F;
	v34 =	vmul.f32 v31, v6;
	v32 =	vor.u32 v10, v25;
	[tilespmem:v35+s30+$0x0] =	vst.idx.msk $0xffff, v33  }
0x169: {  	v29 =	vor.u32 $0x707, v1;
	v26 =	vadd.f32 v14, v26;
	[tilespmem:v36+s30+$0x0] =	vst.idx.msk $0xffff, v5;
	v36 =	vmul.f32 $-4.000000000e+02, v40  }
0x16a: {  	v37 =	vmul.f32 v31, v7;
	v32 =	vshrl.u32 v32, $0x1;
	v29 =	vxor.u32 v29, v12;
	[tilespmem:v28+s30+$0x0] =	vst.idx.msk $0xffff, v34  }
0x16b: {  	v26 =	vmul.f32 $-4.000000000e+02, v26;
	v33 =	vpop (erf);
	[tilespmem:v38+s30+$0x0] =	vst.idx.msk $0xffff, v5;
	v38 =	vor.u32 $0x780, v1;
	v36 =	vmul.f32 $1.442695020e+00, v36  }
0x16c: {  	v35 =	vmul.f32 v33, v4;
	[tilespmem:v39+s30+$0x0] =	vst.idx.msk $0xffff, v37;
	v37 =	vor.u32 v38, v11;
	v38 =	vor.u32 $0x784, v1  }
0x16d: {  	v39 =	vcvt.s32.f32 v24;
	[tilespmem:v27+s30+$0x0] =	vst.idx.msk $0xffff, v5;
	(erf) = vpow2.f32 v36;
	v36 =	vor.u32 $0x781, v1  }
0x16e: {  	v27 =	vsub.s32 v38, v11;
	[tilespmem:v30+s30+$0x0] =	vst.idx.msk $0xffff, v31;
	v30 =	vor.u32 v36, v11;
	v31 =	vor.u32 $0x785, v1  }
0x16f: {  	v36 =	vadd.f32 $5.000000000e-01, v39;
	[tilespmem:v29+s30+$0x0] =	vst.idx.msk $0xffff, v5;
	v29 =	vsub.s32 v31, v11;
	v31 =	vor.u32 $0x782, v1  }
0x170: {  	v28 =	vmul.f32 v33, v6;
	v26 =	vmul.f32 $1.442695020e+00, v26;
	[tilespmem:s18+$0x20] =	vst v32;
	v31 =	vor.u32 v31, v11  }
0x171: {  	v32 =	vor.u32 $0x786, v1;
	v36 =	vmul.f32 $1.562500000e-02, v36;
	[tilespmem:v37+s30+$0x0] =	vst.idx.msk $0xffff, v35;
	v37 =	vmovc v45;
	v45 =	vmovc v46;
	v46 =	vmov v47  }
0x172: {  	v47 =	vmovc v48;
	v48 =	vmovc v50;
	v50 =	vmov v51;
	v51 =	vmov v52;
	v52 =	vmov v53  }
0x173: {  	v53 =	vmovc v41;
	v41 =	vmovc v54;
	v54 =	vmov v55;
	v32 =	vsub.s32 v32, v11;
	v55 =	vor.u32 $0x783, v1  }
0x174: {  	[tilespmem:v27+s30+$0x0] =	vst.idx.msk $0xffff, v5;
	v27 =	vor.u32 v55, v11;
	v55 =	vor.u32 $0x787, v1;
	v36 =	vadd.f32 $-1.000000000e+00, v36  }
0x175: {  	v34 =	vmul.f32 v33, v7;
	(erf) = vpow2.f32 v26;
	[tilespmem:v30+s30+$0x0] =	vst.idx.msk $0xffff, v28;
	v28 =	vxor.u32 v55, v11  }
0x176: {  	v35 =	vor.u32 $0x800, v1;
	v55 =	vor.u32 v9, v25;
	[tilespmem:v29+s30+$0x0] =	vst.idx.msk $0xffff, v5;
	v21 =	vsub.f32 v36, v21  }
0x177: {  	v30 =	vor.u32 v35, v13;
	v29 =	vshrl.u32 v55, $0x1;
	v36 =	vor.u32 $0x804, v1;
	[tilespmem:v31+s30+$0x0] =	vst.idx.msk $0xffff, v34  }
0x178: {  	v55 =	vor.u32 $0x801, v1;
	v31 =	vsub.s32 v36, v13;
	[tilespmem:v32+s30+$0x0] =	vst.idx.msk $0xffff, v5;
	v26 =	vpop (erf);
	v21 =	vmul.f32 v21, v21  }
0x179: {  	v36 =	vor.u32 $0x805, v1;
	v32 =	vor.u32 v55, v13;
	[tilespmem:v27+s30+$0x0] =	vst.idx.msk $0xffff, v33;
	v27 =	vmul.f32 v26, v4  }
0x17a: {  	v55 =	vor.u32 $0x802, v1;
	[tilespmem:v28+s30+$0x0] =	vst.idx.msk $0xffff, v5;
	v28 =	vsub.s32 v36, v13;
	v34 =	vadd.f32 v23, v21  }
0x17b: {  	v23 =	vmul.f32 v26, v6;
	v36 =	vor.u32 $0x806, v1;
	[tilespmem:s18+$0x30] =	vst v29;
	v29 =	vor.u32 v55, v13  }
0x17c: {  	v55 =	vor.u32 $0x803, v1;
	[tilespmem:v30+s30+$0x0] =	vst.idx.msk $0xffff, v27;
	v27 =	vsub.s32 v36, v13;
	v33 =	vadd.f32 v16, v34  }
0x17d: {  	v25 =	vor.u32 v8, v25;
	v30 =	vor.u32 v55, v13;
	[tilespmem:v31+s30+$0x0] =	vst.idx.msk $0xffff, v5  }
0x17e: {  	v36 =	vor.u32 $0x807, v1;
	v55 =	vmul.f32 v26, v7;
	[tilespmem:v32+s30+$0x0] =	vst.idx.msk $0xffff, v23;
	v33 =	vmul.f32 $-4.000000000e+02, v33  }
0x17f: {  	v25 =	vshrl.u32 v25, $0x1;
	v23 =	vxor.u32 v36, v13;
	v36 =	vor.u32 $0x880, v1;
	[tilespmem:v28+s30+$0x0] =	vst.idx.msk $0xffff, v5  }
0x180: {  	v28 =	vpop (erf);
	[tilespmem:v29+s30+$0x0] =	vst.idx.msk $0xffff, v55;
	v31 =	vmul.f32 $1.442695020e+00, v33;
	v29 =	vor.u32 v36, v12;
	v55 =	vor.u32 $0x884, v1  }
0x181: {  	v36 =	vor.u32 $0x881, v1;
	v32 =	vmul.f32 v28, v6;
	[tilespmem:v27+s30+$0x0] =	vst.idx.msk $0xffff, v5;
	v27 =	vmul.f32 v28, v4  }
0x182: {  	[tilespmem:v30+s30+$0x0] =	vst.idx.msk $0xffff, v26;
	v26 =	vsub.s32 v55, v12;
	(erf) = vpow2.f32 v31;
	v55 =	vor.u32 $0x885, v1  }
0x183: {  	v30 =	vor.u32 v36, v12;
	v36 =	vor.u32 $0x882, v1;
	v33 =	vsub.s32 v55, v12  }
0x184: {  	[tilespmem:v23+s30+$0x0] =	vst.idx.msk $0xffff, v5;
	v31 =	vor.u32 v36, v12;
	v23 =	vor.u32 $0x886, v1;
	v55 =	vor.u32 $0x883, v1  }
0x185: {  	v36 =	vadd.f32 v34, v15;
	[tilespmem:s18+$0x40] =	vst v25;
	v25 =	vor.u32 v55, v12;
	v55 =	vor.u32 $0x887, v1  }
0x186: {  	[tilespmem:v29+s30+$0x0] =	vst.idx.msk $0xffff, v27;
	v27 =	vsub.s32 v23, v12;
	v23 =	vshll.u32 v24, $0x7;
	v29 =	vmul.f32 v28, v7  }
0x187: {  	v24 =	vxor.u32 v55, v12;
	v19 =	vor.u32 v19, v23;
	[tilespmem:v26+s30+$0x0] =	vst.idx.msk $0xffff, v5  }
0x188: {  	v55 =	vor.u32 $0x900, v1;
	v26 =	vmul.f32 $-4.000000000e+02, v36;
	v19 =	vshll.u32 v19, $0x7;
	[tilespmem:v30+s30+$0x0] =	vst.idx.msk $0xffff, v32  }
0x189: {  	v36 =	vor.u32 v10, v19;
	v30 =	vor.u32 v55, v11;
	[tilespmem:v33+s30+$0x0] =	vst.idx.msk $0xffff, v5  }
0x18a: {  	v26 =	vmul.f32 $1.442695020e+00, v26;
	[tilespmem:v31+s30+$0x0] =	vst.idx.msk $0xffff, v29;
	v29 =	vshrl.u32 v36, $0x1;
	v36 =	vor.u32 $0x904, v1  }
0x18b: {  	v55 =	vor.u32 $0x901, v1;
	[tilespmem:v27+s30+$0x0] =	vst.idx.msk $0xffff, v5;
	v31 =	vsub.s32 v36, v11  }
0x18c: {  	v27 =	vpop (erf);
	(erf) = vpow2.f32 v26;
	v26 =	vor.u32 v55, v11;
	v36 =	vor.u32 $0x905, v1;
	[tilespmem:v25+s30+$0x0] =	vst.idx.msk $0xffff, v28  }
0x18d: {  	v55 =	vor.u32 $0x902, v1;
	v25 =	vmul.f32 v27, v4;
	[tilespmem:v24+s30+$0x0] =	vst.idx.msk $0xffff, v5;
	v24 =	vsub.s32 v36, v11  }
0x18e: {  	v32 =	vadd.f32 v14, v34;
	v28 =	vor.u32 v55, v11;
	v36 =	vor.u32 $0x906, v1;
	[tilespmem:s18+$0x50] =	vst v29  }
0x18f: {  	v55 =	vor.u32 $0x903, v1;
	v29 =	vmul.f32 v27, v6;
	[tilespmem:v30+s30+$0x0] =	vst.idx.msk $0xffff, v25;
	v25 =	vsub.s32 v36, v11  }
0x190: {  	v35 =	vor.u32 $0x907, v1;
	v30 =	vor.u32 v55, v11;
	[tilespmem:v31+s30+$0x0] =	vst.idx.msk $0xffff, v5  }
0x191: {  	v32 =	vmul.f32 $-4.000000000e+02, v32;
	[tilespmem:v26+s30+$0x0] =	vst.idx.msk $0xffff, v29;
	v26 =	vmul.f32 v27, v7;
	v29 =	vxor.u32 v35, v11  }
0x192: {  	v36 =	vor.u32 v9, v19;
	v55 =	vor.u32 $0x980, v1;
	[tilespmem:v24+s30+$0x0] =	vst.idx.msk $0xffff, v5  }
0x193: {  	v31 =	vmul.f32 $1.442695020e+00, v32;
	v35 =	vor.u32 $0x984, v1;
	[tilespmem:v28+s30+$0x0] =	vst.idx.msk $0xffff, v26;
	v26 =	vor.u32 v55, v13  }
0x194: {  	v24 =	vshrl.u32 v36, $0x1;
	v36 =	vor.u32 $0x981, v1;
	v28 =	vsub.s32 v35, v13;
	[tilespmem:v25+s30+$0x0] =	vst.idx.msk $0xffff, v5  }
0x195: {  	v34 =	vor.u32 $0x985, v1;
	(erf) = vpow2.f32 v31;
	v25 =	vpop (erf);
	[tilespmem:v30+s30+$0x0] =	vst.idx.msk $0xffff, v27;
	v30 =	vor.u32 v36, v13  }
0x196: {  	v35 =	vor.u32 $0x982, v1;
	v55 =	vmul.f32 v25, v4;
	[tilespmem:v29+s30+$0x0] =	vst.idx.msk $0xffff, v5;
	v29 =	vsub.s32 v34, v13  }
0x197: {  	v22 =	vadd.f32 v22, v21;
	v31 =	vor.u32 v35, v13;
	v36 =	vor.u32 $0x986, v1;
	[tilespmem:s18+$0x60] =	vst v24  }
0x198: {  	v24 =	vmul.f32 v25, v6;
	[tilespmem:v26+s30+$0x0] =	vst.idx.msk $0xffff, v55;
	v26 =	vsub.s32 v36, v13;
	v55 =	vor.u32 $0x983, v1  }
0x199: {  	v36 =	vadd.f32 v16, v22;
	[tilespmem:v28+s30+$0x0] =	vst.idx.msk $0xffff, v5;
	v27 =	vor.u32 v55, v13;
	v55 =	vor.u32 $0x987, v1  }
0x19a: {  	v33 =	vmul.f32 v25, v7;
	[tilespmem:v30+s30+$0x0] =	vst.idx.msk $0xffff, v24;
	v28 =	vxor.u32 v55, v13  }
0x19b: {  	v34 =	vmul.f32 $-4.000000000e+02, v36;
	[tilespmem:v29+s30+$0x0] =	vst.idx.msk $0xffff, v5  }
0x19c: {  	v18 =	vor.u32 v18, v23;
	v19 =	vor.u32 v8, v19;
	v35 =	vor.u32 $0xA00, v1;
	[tilespmem:v31+s30+$0x0] =	vst.idx.msk $0xffff, v33  }
0x19d: {  	v55 =	vor.u32 $0xA04, v1;
	v29 =	vor.u32 v35, v12;
	v30 =	vmul.f32 $1.442695020e+00, v34;
	[tilespmem:v26+s30+$0x0] =	vst.idx.msk $0xffff, v5  }
0x19e: {  	v19 =	vshrl.u32 v19, $0x1;
	v32 =	vor.u32 $0xA01, v1;
	[tilespmem:v27+s30+$0x0] =	vst.idx.msk $0xffff, v25;
	v25 =	vsub.s32 v55, v12  }
0x19f: {  	v24 =	vpop (erf);
	v33 =	vor.u32 $0xA05, v1;
	(erf) = vpow2.f32 v30;
	v27 =	vor.u32 v32, v12;
	[tilespmem:v28+s30+$0x0] =	vst.idx.msk $0xffff, v5  }
0x1a0: {  	v36 =	vmul.f32 v24, v4;
	v34 =	vor.u32 $0xA02, v1;
	[tilespmem:s18+$0x70] =	vst v19;
	v19 =	vsub.s32 v33, v12  }
0x1a1: {  	v35 =	vor.u32 $0xA06, v1;
	v55 =	vadd.f32 v15, v22;
	v28 =	vor.u32 v34, v12  }
0x1a2: {  	v26 =	vsub.s32 v35, v12;
	v33 =	vmul.f32 v24, v6;
	[tilespmem:v29+s30+$0x0] =	vst.idx.msk $0xffff, v36;
	v36 =	vor.u32 $0xA03, v1  }
0x1a3: {  	v34 =	vor.u32 $0xA07, v1;
	v30 =	vmul.f32 $-4.000000000e+02, v55;
	v29 =	vor.u32 v36, v12;
	[tilespmem:v25+s30+$0x0] =	vst.idx.msk $0xffff, v5  }
0x1a4: {  	v18 =	vshll.u32 v18, $0x7;
	v35 =	vmul.f32 v24, v7;
	v25 =	vxor.u32 v34, v12;
	[tilespmem:v27+s30+$0x0] =	vst.idx.msk $0xffff, v33  }
0x1a5: {  	v22 =	vadd.f32 v14, v22;
	v55 =	vor.u32 $0xA80, v1;
	v30 =	vmul.f32 $1.442695020e+00, v30;
	[tilespmem:v19+s30+$0x0] =	vst.idx.msk $0xffff, v5  }
0x1a6: {  	v36 =	vor.u32 v10, v18;
	v27 =	vor.u32 v55, v11;
	v33 =	vor.u32 $0xA84, v1;
	[tilespmem:v28+s30+$0x0] =	vst.idx.msk $0xffff, v35  }
0x1a7: {  	v34 =	vor.u32 $0xA81, v1;
	(erf) = vpow2.f32 v30;
	v28 =	vsub.s32 v33, v11;
	[tilespmem:v26+s30+$0x0] =	vst.idx.msk $0xffff, v5  }
0x1a8: {  	v19 =	vshrl.u32 v36, $0x1;
	v36 =	vor.u32 $0xA85, v1;
	v26 =	vpop (erf);
	[tilespmem:v29+s30+$0x0] =	vst.idx.msk $0xffff, v24;
	v29 =	vor.u32 v34, v11  }
0x1a9: {  	v55 =	vor.u32 $0xA82, v1;
	v35 =	vmul.f32 v26, v4;
	[tilespmem:v25+s30+$0x0] =	vst.idx.msk $0xffff, v5;
	v25 =	vsub.s32 v36, v11  }
0x1aa: {  	v22 =	vmul.f32 $-4.000000000e+02, v22;
	v30 =	vor.u32 v55, v11;
	v34 =	vor.u32 $0xA86, v1;
	[tilespmem:s18+$0x80] =	vst v19  }
0x1ab: {  	v33 =	vmul.f32 v26, v6;
	v24 =	vsub.s32 v34, v11;
	[tilespmem:v27+s30+$0x0] =	vst.idx.msk $0xffff, v35;
	v35 =	vor.u32 $0xA83, v1  }
0x1ac: {  	v36 =	vor.u32 $0xA87, v1;
	[tilespmem:v28+s30+$0x0] =	vst.idx.msk $0xffff, v5;
	v27 =	vor.u32 v35, v11  }
0x1ad: {  	v22 =	vmul.f32 $1.442695020e+00, v22;
	v55 =	vmul.f32 v26, v7;
	v28 =	vxor.u32 v36, v11;
	[tilespmem:v29+s30+$0x0] =	vst.idx.msk $0xffff, v33  }
0x1ae: {  	v20 =	vadd.f32 v20, v21;
	v33 =	vor.u32 $0xB00, v1;
	[tilespmem:v25+s30+$0x0] =	vst.idx.msk $0xffff, v5  }
0x1af: {  	v32 =	vor.u32 v9, v18;
	v34 =	vor.u32 $0xB04, v1;
	v19 =	vor.u32 v33, v13;
	[tilespmem:v30+s30+$0x0] =	vst.idx.msk $0xffff, v55  }
0x1b0: {  	(erf) = vpow2.f32 v22;
	v36 =	vor.u32 $0xB01, v1;
	v25 =	vsub.s32 v34, v13;
	[tilespmem:v24+s30+$0x0] =	vst.idx.msk $0xffff, v5  }
0x1b1: {  	v35 =	vshrl.u32 v32, $0x1;
	v32 =	vor.u32 $0xB05, v1;
	v22 =	vpop (erf);
	[tilespmem:v27+s30+$0x0] =	vst.idx.msk $0xffff, v26;
	v27 =	vor.u32 v36, v13  }
0x1b2: {  	v33 =	vor.u32 $0xB02, v1;
	v55 =	vmul.f32 v22, v4;
	[tilespmem:v28+s30+$0x0] =	vst.idx.msk $0xffff, v5;
	v28 =	vsub.s32 v32, v13  }
0x1b3: {  	v16 =	vadd.f32 v16, v20;
	v24 =	vor.u32 v33, v13;
	[tilespmem:s18+$0x90] =	vst v35;
	v35 =	vor.u32 $0xB06, v1  }
0x1b4: {  	v34 =	vmul.f32 v22, v6;
	v36 =	vor.u32 $0xB03, v1;
	[tilespmem:v19+s30+$0x0] =	vst.idx.msk $0xffff, v55;
	v19 =	vsub.s32 v35, v13  }
0x1b5: {  	v16 =	vmul.f32 $-4.000000000e+02, v16;
	v33 =	vor.u32 $0xB07, v1;
	v32 =	vor.u32 v36, v13;
	[tilespmem:v25+s30+$0x0] =	vst.idx.msk $0xffff, v5  }
0x1b6: {  	v55 =	vmul.f32 v22, v7;
	[tilespmem:v27+s30+$0x0] =	vst.idx.msk $0xffff, v34;
	v34 =	vxor.u32 v33, v13  }
0x1b7: {  	v17 =	vor.u32 v17, v23;
	v16 =	vmul.f32 $1.442695020e+00, v16;
	v35 =	vor.u32 $0xB80, v1;
	[tilespmem:v28+s30+$0x0] =	vst.idx.msk $0xffff, v5  }
0x1b8: {  	v18 =	vor.u32 v8, v18;
	v36 =	vor.u32 $0xB84, v1;
	v26 =	vor.u32 v35, v12;
	[tilespmem:v24+s30+$0x0] =	vst.idx.msk $0xffff, v55  }
0x1b9: {  	v18 =	vshrl.u32 v18, $0x1;
	v27 =	vsub.s32 v36, v12;
	v55 =	vor.u32 $0xB81, v1;
	[tilespmem:v19+s30+$0x0] =	vst.idx.msk $0xffff, v5  }
0x1ba: {  	(erf) = vpow2.f32 v16;
	v24 =	vpop (erf);
	[tilespmem:v32+s30+$0x0] =	vst.idx.msk $0xffff, v22;
	v22 =	vor.u32 v55, v12;
	v32 =	vor.u32 $0xB85, v1  }
0x1bb: {  	v35 =	vor.u32 $0xB82, v1;
	v19 =	vmul.f32 v24, v4;
	[tilespmem:v34+s30+$0x0] =	vst.idx.msk $0xffff, v5;
	v34 =	vsub.s32 v32, v12  }
0x1bc: {  	v15 =	vadd.f32 v20, v15;
	v25 =	vor.u32 v35, v12;
	v55 =	vor.u32 $0xB86, v1;
	[tilespmem:s18+$0xA0] =	vst v18  }
0x1bd: {  	v31 =	vor.u32 $0xB83, v1;
	v33 =	vmul.f32 v24, v6;
	v30 =	vsub.s32 v55, v12;
	[tilespmem:v26+s30+$0x0] =	vst.idx.msk $0xffff, v19  }
0x1be: {  	v17 =	vshll.u32 v17, $0x7;
	v32 =	vor.u32 $0xB87, v1;
	v26 =	vor.u32 v31, v12;
	[tilespmem:v27+s30+$0x0] =	vst.idx.msk $0xffff, v5  }
0x1bf: {  	v15 =	vmul.f32 $-4.000000000e+02, v15;
	v36 =	vmul.f32 v24, v7;
	[tilespmem:v22+s30+$0x0] =	vst.idx.msk $0xffff, v33;
	v33 =	vxor.u32 v32, v12  }
0x1c0: {  	v10 =	vor.u32 v10, v17;
	[tilespmem:v34+s30+$0x0] =	vst.idx.msk $0xffff, v5;
	v34 =	vor.u32 $0xC00, v1  }
0x1c1: {  	v15 =	vmul.f32 $1.442695020e+00, v15;
	[tilespmem:v25+s30+$0x0] =	vst.idx.msk $0xffff, v36;
	v35 =	vor.u32 v34, v11;
	v36 =	vor.u32 $0xC04, v1  }
0x1c2: {  	v10 =	vshrl.u32 v10, $0x1;
	v27 =	vor.u32 $0xC01, v1;
	[tilespmem:v30+s30+$0x0] =	vst.idx.msk $0xffff, v5;
	v55 =	vsub.s32 v36, v11  }
0x1c3: {  	v28 =	vor.u32 $0xC05, v1;
	v22 =	vpop (erf);
	v21 =	vor.u32 v27, v11;
	(erf) = vpow2.f32 v15;
	[tilespmem:v26+s30+$0x0] =	vst.idx.msk $0xffff, v24  }
0x1c4: {  	v31 =	vor.u32 $0xC02, v1;
	v29 =	vmul.f32 v22, v4;
	v30 =	vsub.s32 v28, v11;
	[tilespmem:v33+s30+$0x0] =	vst.idx.msk $0xffff, v5  }
0x1c5: {  	v14 =	vadd.f32 v14, v20;
	v23 =	vor.u32 v31, v11;
	v33 =	vor.u32 $0xC06, v1;
	[tilespmem:s18+$0xB0] =	vst v10  }
0x1c6: {  	v32 =	vmul.f32 v22, v6;
	v34 =	vsub.s32 v33, v11;
	[tilespmem:v35+s30+$0x0] =	vst.idx.msk $0xffff, v29;
	v35 =	vor.u32 $0xC03, v1  }
0x1c7: {  	v36 =	vor.u32 $0xC07, v1;
	[tilespmem:v55+s30+$0x0] =	vst.idx.msk $0xffff, v5;
	v18 =	vor.u32 v35, v11  }
0x1c8: {  	v14 =	vmul.f32 $-4.000000000e+02, v14;
	v55 =	vxor.u32 v36, v11;
	[tilespmem:v21+s30+$0x0] =	vst.idx.msk $0xffff, v32;
	v21 =	vmul.f32 v22, v7  }
0x1c9: {  	v9 =	vor.u32 v9, v17;
	v24 =	vor.u32 $0xC80, v1;
	[tilespmem:v30+s30+$0x0] =	vst.idx.msk $0xffff, v5  }
0x1ca: {  	v14 =	vmul.f32 $1.442695020e+00, v14;
	v26 =	vor.u32 $0xC84, v1;
	v25 =	vor.u32 v24, v13;
	[tilespmem:v23+s30+$0x0] =	vst.idx.msk $0xffff, v21  }
0x1cb: {  	v9 =	vshrl.u32 v9, $0x1;
	v28 =	vor.u32 $0xC81, v1;
	v27 =	vsub.s32 v26, v13;
	[tilespmem:v34+s30+$0x0] =	vst.idx.msk $0xffff, v5  }
0x1cc: {  	v16 =	vor.u32 v28, v13;
	v29 =	vor.u32 $0xC85, v1;
	[tilespmem:v18+s30+$0x0] =	vst.idx.msk $0xffff, v22;
	v18 =	vpop (erf);
	(erf) = vpow2.f32 v14  }
0x1cd: {  	v31 =	vsub.s32 v29, v13;
	v32 =	vor.u32 $0xC82, v1;
	[tilespmem:v55+s30+$0x0] =	vst.idx.msk $0xffff, v5;
	v30 =	vmul.f32 v18, v4  }
0x1ce: {  	v33 =	vor.u32 v32, v13;
	v34 =	vor.u32 $0xC86, v1;
	[tilespmem:s18+$0xC0] =	vst v9  }
0x1cf: {  	v36 =	vsub.s32 v34, v13;
	v35 =	vmul.f32 v18, v6;
	v55 =	vor.u32 $0xC83, v1;
	[tilespmem:v25+s30+$0x0] =	vst.idx.msk $0xffff, v30  }
0x1d0: {  	v22 =	vor.u32 $0xC87, v1;
	v21 =	vor.u32 v55, v13;
	[tilespmem:v27+s30+$0x0] =	vst.idx.msk $0xffff, v5  }
0x1d1: {  	v23 =	vxor.u32 v22, v13;
	v24 =	vmul.f32 v18, v7;
	[tilespmem:v16+s30+$0x0] =	vst.idx.msk $0xffff, v35  }
0x1d2: {  	v25 =	vor.u32 $0xD00, v1;
	[tilespmem:v31+s30+$0x0] =	vst.idx.msk $0xffff, v5  }
0x1d3: {  	v26 =	vor.u32 v25, v12;
	v27 =	vor.u32 $0xD04, v1;
	[tilespmem:v33+s30+$0x0] =	vst.idx.msk $0xffff, v24  }
0x1d4: {  	v8 =	vor.u32 v8, v17;
	v29 =	vor.u32 $0xD01, v1;
	v28 =	vsub.s32 v27, v12;
	[tilespmem:v36+s30+$0x0] =	vst.idx.msk $0xffff, v5  }
0x1d5: {  	v8 =	vshrl.u32 v8, $0x1;
	v13 =	vor.u32 v29, v12;
	v31 =	vor.u32 $0xD05, v1;
	[tilespmem:v21+s30+$0x0] =	vst.idx.msk $0xffff, v18;
	v30 =	vpop (erf)  }
0x1d6: {  	v32 =	vsub.s32 v31, v12;
	v33 =	vor.u32 $0xD02, v1;
	[tilespmem:v23+s30+$0x0] =	vst.idx.msk $0xffff, v5;
	v4 =	vmul.f32 v30, v4  }
0x1d7: {  	v35 =	vor.u32 $0xD06, v1;
	v34 =	vor.u32 v33, v12;
	[tilespmem:s18+$0xD0] =	vst v8  }
0x1d8: {  	v36 =	vor.u32 $0xD03, v1;
	[tilespmem:v26+s30+$0x0] =	vst.idx.msk $0xffff, v4;
	v4 =	vmul.f32 v30, v6;
	v6 =	vsub.s32 v35, v12  }
0x1d9: {  	v55 =	vor.u32 $0xD07, v1;
	v9 =	vor.u32 v36, v12;
	[tilespmem:v28+s30+$0x0] =	vst.idx.msk $0xffff, v5  }
0x1da: {  	v7 =	vmul.f32 v30, v7;
	[tilespmem:v13+s30+$0x0] =	vst.idx.msk $0xffff, v4;
	v4 =	vxor.u32 v55, v12  }
0x1db: {  	[tilespmem:v32+s30+$0x0] =	vst.idx.msk $0xffff, v5  }
0x1dc: {  	[tilespmem:v34+s30+$0x0] =	vst.idx.msk $0xffff, v7  }
0x1dd: {  	[tilespmem:v6+s30+$0x0] =	vst.idx.msk $0xffff, v5  }
0x1de: {  	p0 =	seq.s32 s19, $0x680;
	[tilespmem:v9+s30+$0x0] =	vst.idx.msk $0xffff, v30  }
.Ltmp0:
0x1df: {  	[tilespmem:v4+s30+$0x0] =	vst.idx.msk $0xffff, v5;
	(pc) =	sbr.rel @!p0 .LBB2_2-.Ltmp0, $4  }
0x1e0: {  	[hbm4b:s20+s5] =	stream.linear.scatter [tilespmem:s30], [sflag:$0x6], $0xD80, $0x38;
	[tilespmem:$0x1F3E0] =	vst v63  }
0x1e1: {  	v38 =	vld [tilespmem:$0x1FFD0];
	_ =	swait.ge [sflag:s28], $0xD80  }
0x1e2: {  	s19 =	sadd.s32 $0x40, s19;
	[sflag:s28] =	ssyncset.done $0x0  }
0x1e3: {  	v40 =	vmov v63;
	v39 =	vmov v2;
	s18 =	sadd.s32 $0x1B0, s18;
	s20 =	sadd.s32 $0x1B0, s20;
	[sflag:s28] =	ssyncadd.s32 $0xFFFFF280  }
0x1e4: {  	s2 =	rddreg [dreg:$0x2]  }
0x1e5: {  	s8 =	rddreg [dreg:$0xb]  }
0x1e6: {  	s12 =	sor.u32 $0x1C03, s12;
	s19 =	simm.s32 $0x0;
	s18 =	sadd.s32 s8, s2  }
.LBB2_4:
0x1e7: {  	s2 =	sshrl.u32 s14, $0x3  }
0x1e8: {  	[spmem:s2], [sflag:s12] =	dma.local [hbm:s6], $0x800  }
0x1e9: {  	s2 =	rddreg [dreg:$0x12]  }
0x1ea: {  	[spmem:s2], [sflag:s12] =	dma.local [hbm:s6], $0x800  }
0x1eb: {  	s2 =	rddreg [dreg:$0x13]  }
0x1ec: {  	[spmem:s2], [sflag:s12] =	dma.local [hbm:s6], $0x800  }
0x1ed: {  	s2 =	rddreg [dreg:$0x14]  }
0x1ee: {  	[spmem:s2], [sflag:s12] =	dma.local [hbm:s6], $0x800  }
0x1ef: {  	_ =	swait.ge [sflag:s31], $0x800  }
0x1f0: {  	[sflag:s31] =	ssyncset.done $0x0  }
0x1f1: {  	[sflag:s31] =	ssyncadd.s32 $0xFFFFF800  }
0x1f2: {  	_ =	swait.ge [sflag:s31], $0x800  }
0x1f3: {  	[sflag:s31] =	ssyncset.done $0x0  }
0x1f4: {  	[sflag:s31] =	ssyncadd.s32 $0xFFFFF800  }
0x1f5: {  	_ =	swait.ge [sflag:s31], $0x800  }
0x1f6: {  	[sflag:s31] =	ssyncset.done $0x0  }
0x1f7: {  	[sflag:s31] =	ssyncadd.s32 $0xFFFFF800  }
0x1f8: {  	_ =	swait.ge [sflag:s31], $0x800  }
0x1f9: {  	[sflag:s31] =	ssyncset.done $0x0  }
0x1fa: {  	s2 =	simm.s32 $0x0;
	[sflag:s31] =	ssyncadd.s32 $0xFFFFF800  }
0x1fb: {  	v12 =	vld [tilespmem:s2+$0xA90]  }
0x1fc: {  	v13 =	vld [tilespmem:s2+$0xA20]  }
0x1fd: {  	v14 =	vld [tilespmem:s2+$0xA30]  }
0x1fe: {  	s8 =	sshll.u32 s19, $0x11;
	v11 =	vor.u32 $0x20000, v0;
	v10 =	vor.u32 $0x20010, v0;
	v16 =	vld [tilespmem:s2+$0xA40]  }
0x1ff: {  	v9 =	vor.u32 $0x20020, v0;
	v8 =	vor.u32 $0x20030, v0;
	v4 =	vmov s8;
	v17 =	vld [tilespmem:s2+$0xA50]  }
0x200: {  	v7 =	vor.u32 $0x20040, v0;
	v6 =	vor.u32 $0x20050, v0;
	v19 =	vld [tilespmem:s2+$0xA60];
	v18 =	vsub.s32 v12, v4  }
0x201: {  	v15 =	vld [tilespmem:s2+$0xA70];
	v13 =	vsub.s32 v13, v4;
	v12 =	vor.u32 $0x20070, v0;
	vm0 =	vlt.u32 v18, $0x20000  }
0x202: {  	v20 =	vsub.s32 v14, v4;
	v14 =	vld [tilespmem:s2+$0xA80];
	vm1 =	vlt.u32 v13, $0x20000;
	v18 =	vsel vm0, v18, v12  }
0x203: {  	v21 =	vsub.s32 v16, v4;
	v13 =	vsel vm1, v13, v11;
	vm0 =	vlt.u32 v20, $0x20000;
	[tilespmem:s2+$0xA810] =	vst v18  }
0x204: {  	v16 =	vsub.s32 v17, v4;
	[tilespmem:s2+$0xA7A0] =	vst v13;
	v13 =	vsel vm0, v20, v10;
	vm0 =	vlt.u32 v21, $0x20000  }
0x205: {  	s11 =	simm.s32 $0x400;
	s8 =	simm.s32 $0x80;
	v17 =	vsub.s32 v19, v4;
	[tilespmem:s2+$0xA7B0] =	vst v13;
	v18 =	vsel vm0, v21, v9;
	vm0 =	vlt.u32 v16, $0x20000  }
.LBB2_5:
0x206: {  	p0 =	sne.s32 s11, $0xBE00;
	v19 =	vld [tilespmem:s8+$0xA90];
	[tilespmem:s2+$0xA7C0] =	vst v18;
	v13 =	vsel vm0, v16, v8;
	vm0 =	vlt.u32 v17, $0x20000;
	v15 =	vsub.s32 v15, v4  }
0x207: {  	v16 =	vld [tilespmem:s8+$0xA20];
	[tilespmem:s2+$0xA7D0] =	vst v13;
	v13 =	vsel vm0, v17, v7;
	vm0 =	vlt.u32 v15, $0x20000;
	v14 =	vsub.s32 v14, v4  }
0x208: {  	v17 =	vld [tilespmem:s8+$0xA30];
	[tilespmem:s2+$0xA7E0] =	vst v13;
	v15 =	vsel vm0, v15, v6;
	vm0 =	vlt.u32 v14, $0x20000;
	v13 =	vor.u32 $0x20060, v0  }
0x209: {  	v18 =	vld [tilespmem:s8+$0xA40];
	[tilespmem:s2+$0xA7F0] =	vst v15;
	v14 =	vsel vm0, v14, v13  }
0x20a: {  	v20 =	vld [tilespmem:s8+$0xA50];
	[tilespmem:s2+$0xA800] =	vst v14;
	s2 =	smov.u32 s8  }
0x20b: {  	v21 =	vld [tilespmem:s2+$0xA60];
	v19 =	vsub.s32 v19, v4  }
.Ltmp1:
0x20c: {  	v16 =	vsub.s32 v16, v4;
	v15 =	vld [tilespmem:s2+$0xA70];
	vm0 =	vlt.u32 v19, $0x20000;
	(pc) =	sbr.rel @p0 .LBB2_5-.Ltmp1, $4  }
0x20d: {  	vm1 =	vlt.u32 v16, $0x20000;
	v17 =	vsub.s32 v17, v4;
	v14 =	vld [tilespmem:s2+$0xA80];
	v19 =	vsel vm0, v19, v12  }
0x20e: {  	v16 =	vsel vm1, v16, v11;
	vm0 =	vlt.u32 v17, $0x20000;
	v18 =	vsub.s32 v18, v4;
	[tilespmem:s2+$0xA810] =	vst v19  }
0x20f: {  	[tilespmem:s2+$0xA7A0] =	vst v16;
	v17 =	vsel vm0, v17, v10;
	vm0 =	vlt.u32 v18, $0x20000;
	v16 =	vsub.s32 v20, v4  }
0x210: {  	s8 =	sshra.s32 s11, $0x2;
	s11 =	sadd.s32 $0x200, s11;
	[tilespmem:s2+$0xA7B0] =	vst v17;
	v18 =	vsel vm0, v18, v9;
	vm0 =	vlt.u32 v16, $0x20000;
	v17 =	vsub.s32 v21, v4  }
0x211: {  	v19 =	vld [tilespmem:s8+$0xA90];
	[tilespmem:s2+$0xA7C0] =	vst v18;
	v16 =	vsel vm0, v16, v8;
	vm6 =	vlt.u32 v17, $0x20000;
	v15 =	vsub.s32 v15, v4  }
0x212: {  	v18 =	vld [tilespmem:s8+$0xA20];
	[tilespmem:s2+$0xA7D0] =	vst v16;
	v57 =	vsel vm6, v17, v7;
	vm7 =	vlt.u32 v15, $0x20000;
	v14 =	vsub.s32 v14, v4  }
0x213: {  	v58 =	vld [tilespmem:s8+$0xA30];
	[tilespmem:s2+$0xA7E0] =	vst v57;
	v15 =	vsel vm7, v15, v6;
	vm8 =	vlt.u32 v14, $0x20000  }
0x214: {  	v16 =	vld [tilespmem:s8+$0xA40];
	[tilespmem:s2+$0xA7F0] =	vst v15;
	v14 =	vsel vm8, v14, v13  }
0x215: {  	v15 =	vld [tilespmem:s8+$0xA50];
	[tilespmem:s2+$0xA800] =	vst v14  }
0x216: {  	v14 =	vld [tilespmem:s8+$0xA60];
	v19 =	vsub.s32 v19, v4  }
0x217: {  	v20 =	vld [tilespmem:s8+$0xA70];
	v18 =	vsub.s32 v18, v4;
	vm9 =	vlt.u32 v19, $0x20000  }
0x218: {  	v21 =	vld [tilespmem:s8+$0xA80];
	vm1 =	vlt.u32 v18, $0x20000;
	v17 =	vsub.s32 v58, v4;
	v12 =	vsel vm9, v19, v12  }
0x219: {  	v11 =	vsel vm1, v18, v11;
	vm10 =	vlt.u32 v17, $0x20000;
	v16 =	vsub.s32 v16, v4;
	[tilespmem:s8+$0xA810] =	vst v12  }
0x21a: {  	[tilespmem:s8+$0xA7A0] =	vst v11;
	v10 =	vsel vm10, v17, v10;
	vm11 =	vlt.u32 v16, $0x20000;
	v59 =	vsub.s32 v15, v4  }
0x21b: {  	[tilespmem:s8+$0xA7B0] =	vst v10;
	v9 =	vsel vm11, v16, v9;
	vm12 =	vlt.u32 v59, $0x20000;
	v60 =	vsub.s32 v14, v4  }
0x21c: {  	v62 =	vsub.s32 v20, v4;
	[tilespmem:s8+$0xA7C0] =	vst v9;
	v61 =	vsel vm12, v59, v8;
	vm13 =	vlt.u32 v60, $0x20000  }
0x21d: {  	v4 =	vsub.s32 v21, v4;
	vm14 =	vlt.u32 v62, $0x20000;
	[tilespmem:s8+$0xA7D0] =	vst v61;
	v7 =	vsel vm13, v60, v7  }
0x21e: {  	vm15 =	vlt.u32 v4, $0x20000;
	v6 =	vsel vm14, v62, v6;
	[tilespmem:s8+$0xA7E0] =	vst v7  }
0x21f: {  	v4 =	vsel vm15, v4, v13;
	[tilespmem:s8+$0xA7F0] =	vst v6  }
0x220: {  	[tilespmem:s8+$0xA800] =	vst v4  }
0x221: {  	s25 =	simm.s32 $0x47A0;
	s2 =	simm.s32 $0x0;
	[bflag:$0x0] =	sbarrier.arrive $0xFFFF  }
0x222: {  	[tilespmem:s25], [sflag:$0x1] =	stream.linear.gather [hbm4b:s18+s2], $0x2000, $0x38;
	[tilespmem:$0x1F3E0] =	vst v63  }
0x223: {  	s11 =	simm.s32 $0x67A0;
	s29 =	rddreg [dreg:$0x10]  }
0x224: {  	[tilespmem:s11], [sflag:$0x1] =	stream.linear.gather [hbm4b:s29+s2], $0x2000, $0x38;
	[tilespmem:$0x1F3E0] =	vst v63  }
0x225: {  	s8 =	rddreg [dreg:$0x11];
	s11 =	simm.s32 $0x0  }
.LBB2_7:
0x226: {  	s13 =	smul.u32 $0xAB, s11;
	_ =	sdelay $0x1  }
0x227: {  	s13 =	sshrl.u32 s13, $0x9  }
0x228: {  	s13 =	sand.u32 $0x7F, s13  }
0x229: {  	s13 =	smul.u32 $0x3, s13;
	_ =	sdelay $0x1  }
0x22a: {  	s13 =	ssub.s32 s11, s13  }
0x22b: {  	_ =	swait.ge [sflag:s3], $0x2000;
	s13 =	sand.u32 $0xFF, s13  }
0x22c: {  	s16 =	sshra.s32 s2, $0x2;
	[sflag:s3] =	ssyncset.done $0x0;
	s13 =	sshll.u32 s13, $0xD  }
0x22d: {  	s21 =	sadd.s32 $0xA7A0, s16;
	[sflag:s3] =	ssyncadd.s32 $0xFFFFE000;
	s20 =	sadd.s32 $0x47A0, s13  }
0x22e: {  	[spmem:s4] =	stream.indirect.scatter.add.f32 [tilespmem:s20], [sflag:$0x2], $0x8, s21, s0, $0xb8;
	[tilespmem:$0x1F3E0] =	vst v63  }
0x22f: {  	s22 =	sadd.s32 $0xA820, s16;
	s21 =	sadd.s32 $0x4BA0, s13  }
0x230: {  	[spmem:s4] =	stream.indirect.scatter.add.f32 [tilespmem:s21], [sflag:$0x2], $0x8, s22, s0, $0xb8;
	[tilespmem:$0x1F3E0] =	vst v63  }
0x231: {  	s24 =	sadd.s32 $0xA8A0, s16;
	s23 =	sadd.s32 $0x4FA0, s13  }
0x232: {  	[spmem:s4] =	stream.indirect.scatter.add.f32 [tilespmem:s23], [sflag:$0x2], $0x8, s24, s0, $0xb8;
	[tilespmem:$0x1F3E0] =	vst v63  }
0x233: {  	s29 =	sadd.s32 $0xA920, s16;
	s25 =	sadd.s32 $0x53A0, s13  }
0x234: {  	[spmem:s4] =	stream.indirect.scatter.add.f32 [tilespmem:s25], [sflag:$0x2], $0x8, s29, s0, $0xb8;
	[tilespmem:$0x1F3E0] =	vst v63  }
0x235: {  	s21 =	sadd.s32 $0x57A0, s13;
	s22 =	sadd.s32 $0xA9A0, s16  }
0x236: {  	[spmem:s4] =	stream.indirect.scatter.add.f32 [tilespmem:s21], [sflag:$0x2], $0x8, s22, s0, $0xb8;
	[tilespmem:$0x1F3E0] =	vst v63  }
0x237: {  	s23 =	sadd.s32 $0x5BA0, s13;
	s24 =	sadd.s32 $0xAA20, s16  }
0x238: {  	[spmem:s4] =	stream.indirect.scatter.add.f32 [tilespmem:s23], [sflag:$0x2], $0x8, s24, s0, $0xb8;
	[tilespmem:$0x1F3E0] =	vst v63  }
0x239: {  	s25 =	sadd.s32 $0x5FA0, s13;
	s29 =	sadd.s32 $0xAAA0, s16  }
0x23a: {  	[spmem:s4] =	stream.indirect.scatter.add.f32 [tilespmem:s25], [sflag:$0x2], $0x8, s29, s0, $0xb8;
	[tilespmem:$0x1F3E0] =	vst v63  }
0x23b: {  	p0 =	seq.s32 s2, $0x0;
	s13 =	sadd.s32 $0x63A0, s13;
	s16 =	sadd.s32 $0xAB20, s16  }
0x23c: {  	[spmem:s4] =	stream.indirect.scatter.add.f32 [tilespmem:s13], [sflag:$0x2], $0x8, s16, s0, $0xb8;
	[tilespmem:$0x1F3E0] =	vst v63  }
0x23d: {  	s13 =	simm.s32 @!p0 $0x2  }
0x23e: {  	_ =	swait.ge @!p0 [sflag:s13], $0x400  }
0x23f: {  	[sflag:s13] =	ssyncset.done @!p0 $0x0  }
0x240: {  	[sflag:s13] =	ssyncadd.s32 @!p0 $0xFFFFFC00  }
0x241: {  	_ =	swait.ge @!p0 [sflag:s13], $0x400  }
0x242: {  	[sflag:s13] =	ssyncset.done @!p0 $0x0  }
0x243: {  	[sflag:s13] =	ssyncadd.s32 @!p0 $0xFFFFFC00  }
0x244: {  	_ =	swait.ge @!p0 [sflag:s13], $0x400  }
0x245: {  	[sflag:s13] =	ssyncset.done @!p0 $0x0  }
0x246: {  	[sflag:s13] =	ssyncadd.s32 @!p0 $0xFFFFFC00  }
0x247: {  	_ =	swait.ge @!p0 [sflag:s13], $0x400  }
0x248: {  	[sflag:s13] =	ssyncset.done @!p0 $0x0  }
0x249: {  	[sflag:s13] =	ssyncadd.s32 @!p0 $0xFFFFFC00  }
0x24a: {  	_ =	swait.ge @!p0 [sflag:s13], $0x400  }
0x24b: {  	[sflag:s13] =	ssyncset.done @!p0 $0x0  }
0x24c: {  	[sflag:s13] =	ssyncadd.s32 @!p0 $0xFFFFFC00  }
0x24d: {  	_ =	swait.ge @!p0 [sflag:s13], $0x400  }
0x24e: {  	[sflag:s13] =	ssyncset.done @!p0 $0x0  }
0x24f: {  	[sflag:s13] =	ssyncadd.s32 @!p0 $0xFFFFFC00  }
0x250: {  	_ =	swait.ge @!p0 [sflag:s13], $0x400  }
0x251: {  	[sflag:s13] =	ssyncset.done @!p0 $0x0  }
0x252: {  	[sflag:s13] =	ssyncadd.s32 @!p0 $0xFFFFFC00  }
0x253: {  	p1 =	sgt.u32 @!p0 s11, $0x9;
	_ =	swait.ge @!p0 [sflag:s13], $0x400  }
0x254: {  	p1 =	por p0, !p1;
	[sflag:s13] =	ssyncset.done @!p0 $0x0  }
0x255: {  	[sflag:s13] =	ssyncadd.s32 @!p0 $0xFFFFFC00;
	s13 =	sadd.s32 @p1 $0x2, s11  }
0x256: {  	s16 =	smul.u32 @p1 $0xAB, s13;
	_ =	sdelay $0x1  }
0x257: {  	s16 =	sshrl.u32 @p1 s16, $0x9  }
0x258: {  	s16 =	sand.u32 @p1 $0x7F, s16  }
0x259: {  	s16 =	smul.u32 @p1 $0x3, s16  }
0x25a: {  	s2 =	sadd.s32 $0x1000, s2  }
0x25b: {  	p0 =	sne.s32 s2, $0xC000;
	s13 =	ssub.s32 @p1 s13, s16  }
.Ltmp2:
0x25c: {  	s13 =	sand.u32 @p1 $0xFF, s13;
	(pc) =	sbr.rel @p0 .LBB2_7-.Ltmp2, $4  }
0x25d: {  	s13 =	sshll.u32 @p1 s13, $0xD  }
0x25e: {  	s13 =	sadd.s32 @p1 $0x47A0, s13  }
0x25f: {  	[tilespmem:s13], [sflag:$0x1] =	stream.linear.gather @p1 [hbm4b:s8+s5], $0x2000, $0x38;
	[tilespmem:$0x1F3E0] =	vst v63  }
0x260: {  	s11 =	sadd.s32 $0x1, s11;
	s8 =	sadd.s32 $0x400, s8  }
0x261: {  	_ =	swait.ge [sflag:s7], $0x400  }
0x262: {  	[sflag:s7] =	ssyncset.done $0x0  }
0x263: {  	[sflag:s7] =	ssyncadd.s32 $0xFFFFFC00  }
0x264: {  	_ =	swait.ge [sflag:s7], $0x400  }
0x265: {  	[sflag:s7] =	ssyncset.done $0x0  }
0x266: {  	[sflag:s7] =	ssyncadd.s32 $0xFFFFFC00  }
0x267: {  	_ =	swait.ge [sflag:s7], $0x400  }
0x268: {  	[sflag:s7] =	ssyncset.done $0x0  }
0x269: {  	[sflag:s7] =	ssyncadd.s32 $0xFFFFFC00  }
0x26a: {  	_ =	swait.ge [sflag:s7], $0x400  }
0x26b: {  	[sflag:s7] =	ssyncset.done $0x0  }
0x26c: {  	[sflag:s7] =	ssyncadd.s32 $0xFFFFFC00  }
0x26d: {  	_ =	swait.ge [sflag:s7], $0x400  }
0x26e: {  	[sflag:s7] =	ssyncset.done $0x0  }
0x26f: {  	[sflag:s7] =	ssyncadd.s32 $0xFFFFFC00  }
0x270: {  	_ =	swait.ge [sflag:s7], $0x400  }
0x271: {  	[sflag:s7] =	ssyncset.done $0x0  }
0x272: {  	[sflag:s7] =	ssyncadd.s32 $0xFFFFFC00  }
0x273: {  	_ =	swait.ge [sflag:s7], $0x400  }
0x274: {  	[sflag:s7] =	ssyncset.done $0x0  }
0x275: {  	[sflag:s7] =	ssyncadd.s32 $0xFFFFFC00  }
0x276: {  	_ =	swait.ge [sflag:s7], $0x400  }
0x277: {  	[sflag:s7] =	ssyncset.done $0x0  }
0x278: {  	[sflag:s7] =	ssyncadd.s32 $0xFFFFFC00  }
0x279: {  	s2 =	simm.s32 $0xD7A0;
	[bflag:$0x0] =	sbarrier.arrive $0xFFFF  }
0x27a: {  	v3 =	vmov v53;
	v62 =	vmov v52;
	[tilespmem:s2], [sflag:$0x4] =	stream.linear.gather [spmem:s14], $0x800, $0x38;
	[tilespmem:$0x1F3E0] =	vst v63  }
0x27b: {  	v61 =	vmovc v51;
	v60 =	vmovc v50;
	v59 =	vmov v48;
	v58 =	vmov v47;
	v57 =	vmov v46;
	s29 =	sshll.u32 s19, $0x12;
	s8 =	rddreg [dreg:$0xc]  }
0x27c: {  	v56 =	vmovc v45;
	v55 =	vmovc v37;
	v54 =	vmov v44;
	v53 =	vmov v49;
	v52 =	vmov v43;
	s13 =	simm.s32 $0x0;
	p0 =	por $0x0, $0x0;
	s20 =	sor.u32 s8, s29  }
.LBB2_9:
0x27d: {  	s11 =	sadd.s32 $0x1, s13;
	p1 =	seq.s32 s13, $0x1F;
	_ =	swait.ge [sflag:s9], $0x800  }
0x27e: {  	s2 =	sshll.u32 @!p1 s11, $0xB;
	[sflag:s9] =	ssyncset.done $0x0  }
0x27f: {  	p2 =	slt.u32 @!p1 s13, $0x2;
	s8 =	sand.u32 @!p1 $0x800, s2;
	s2 =	sand.u32 @!p1 $0x3FFFF800, s2  }
0x280: {  	[sflag:s9] =	ssyncadd.s32 $0xFFFFF800;
	s8 =	sor.u32 @!p1 $0xD7A0, s8;
	s2 =	sadd.s32 @!p1 s2, s14  }
0x281: {  	[tilespmem:s8], [sflag:$0x4] =	stream.linear.gather @!p1 [spmem:s2], $0x800, $0x38;
	[tilespmem:$0x1F3E0] =	vst v63  }
0x282: {  	p1 =	por p1, !p2  }
0x283: {  	s16 =	simm.s32 $0x0;
	v4 =	vshrl.u32 v0, $0x1;
	v6 =	vand.u32 $0x1, v0;
	_ =	swait.ge @p1 [sflag:s10], $0x200  }
0x284: {  	s21 =	simm.s32 $0x10;
	v7 =	vmov s16;
	v8 =	vmul.u32 $0x8, v4;
	v4 =	vmul.u32 $0x4, v6;
	[sflag:s10] =	ssyncset.done @p1 $0x0  }
0x285: {  	v6 =	vmov s21;
	v7 =	vshll.u32 v7, $0x3;
	[sflag:s10] =	ssyncadd.s32 @p1 $0xFFFFFE00  }
0x286: {  	s22 =	simm.s32 $0x8;
	v6 =	vshll.u32 v6, $0x3;
	v7 =	vor.u32 v8, v7;
	v9 =	vor.u32 $0x3, v4;
	_ =	swait.ge @p1 [sflag:s10], $0x200  }
0x287: {  	v11 =	vmov s22;
	v10 =	vor.u32 v8, v6;
	v6 =	vor.u32 v9, v7;
	[sflag:s10] =	ssyncset.done @p1 $0x0  }
0x288: {  	s23 =	simm.s32 $0x18;
	v11 =	vshll.u32 v11, $0x3;
	v12 =	vor.u32 v9, v10;
	[sflag:s10] =	ssyncadd.s32 @p1 $0xFFFFFE00  }
0x289: {  	v13 =	vmov s23;
	v11 =	vor.u32 v8, v11;
	s8 =	sand.u32 $0x1, s13;
	_ =	swait.ge @p1 [sflag:s10], $0x200  }
0x28a: {  	v13 =	vshll.u32 v13, $0x3;
	v14 =	vor.u32 v9, v11;
	s16 =	sshll.u32 s8, $0xB;
	[sflag:s10] =	ssyncset.done @p1 $0x0  }
0x28b: {  	v13 =	vor.u32 v8, v13;
	s2 =	sor.u32 $0xD7A0, s16;
	[sflag:s10] =	ssyncadd.s32 @p1 $0xFFFFFE00  }
0x28c: {  	v15 =	vor.u32 v9, v13;
	v6 =	vld.idx.msk [tilespmem:v6+s2+$0x0], $0xffff  }
0x28d: {  	v12 =	vld.idx.msk [tilespmem:v12+s2+$0x0], $0xffff;
	_ =	sdelay $0x1  }
0x28e: {  	v14 =	vld.idx.msk [tilespmem:v14+s2+$0x0], $0xffff;
	_ =	sdelay $0x1  }
0x28f: {  	s24 =	simm.s32 $0x20;
	v15 =	vld.idx.msk [tilespmem:v15+s2+$0x0], $0xffff;
	v6 =	vadd.f32 $1.000000050e-03, v6  }
0x290: {  	s23 =	simm.s32 $0x38;
	v21 =	vmov s24;
	v12 =	vadd.f32 $1.000000050e-03, v12  }
0x291: {  	v20 =	vmov s23;
	v21 =	vshll.u32 v21, $0x3;
	(erf) = vrcp.f32 v6  }
0x292: {  	v17 =	vor.u32 v4, v7;
	(erf) = vrcp.f32 v12;
	v12 =	vadd.f32 $1.000000050e-03, v14  }
0x293: {  	s21 =	simm.s32 $0x30;
	v16 =	vor.u32 v4, v10;
	v18 =	vor.u32 v4, v11;
	v19 =	vor.u32 v4, v13  }
0x294: {  	v15 =	vadd.f32 $1.000000050e-03, v15;
	v14 =	vmov s21;
	(erf) = vrcp.f32 v12  }
0x295: {  	s25 =	simm.s32 $0x28;
	v12 =	vshll.u32 v14, $0x3;
	v14 =	vshll.u32 v20, $0x3;
	v20 =	vor.u32 v8, v21  }
0x296: {  	v21 =	vor.u32 v9, v20;
	(erf) = vrcp.f32 v15;
	v15 =	vmov s25  }
0x297: {  	s22 =	simm.s32 $0x48;
	v26 =	vor.u32 v8, v12;
	v12 =	vor.u32 v8, v14;
	v14 =	vshll.u32 v15, $0x3;
	v15 =	vld.idx.msk [tilespmem:v17+s2+$0x0], $0xffff  }
0x298: {  	v39 =	vmov s22;
	v31 =	vor.u32 $0x1, v4;
	v16 =	vld.idx.msk [tilespmem:v16+s2+$0x0], $0xffff;
	s21 =	simm.s32 $0x1;
	v24 =	vor.u32 v9, v26  }
0x299: {  	v25 =	vor.u32 v31, v10;
	v18 =	vld.idx.msk [tilespmem:v18+s2+$0x0], $0xffff;
	s21 =	simm.s32 @!p0 $0x0;
	v17 =	vor.u32 v9, v12;
	v23 =	vor.u32 v8, v14  }
0x29a: {  	v37 =	vor.u32 v31, v11;
	v29 =	vld.idx.msk [tilespmem:v19+s2+$0x0], $0xffff;
	v6 =	vor.u32 $0x2, v4;
	s21 =	smul.u32 $0x1800, s21;
	v30 =	vor.u32 v9, v23  }
0x29b: {  	v40 =	vor.u32 v31, v13;
	v28 =	vor.u32 v6, v10;
	v38 =	vor.u32 v6, v11;
	v14 =	vpop (erf);
	v34 =	vld.idx.msk [tilespmem:v21+s2+$0x0], $0xffff  }
0x29c: {  	v27 =	vor.u32 v6, v7;
	v7 =	vor.u32 v31, v7;
	s16 =	sshrl.u32 s21, $0x2;
	v19 =	vpop (erf);
	v15 =	vmul.f32 v14, v15  }
0x29d: {  	s24 =	simm.s32 $0x58;
	v22 =	vor.u32 v6, v13;
	v33 =	vor.u32 v4, v20;
	s16 =	sor.u32 $0xE9C0, s16;
	v36 =	vld.idx.msk [tilespmem:v24+s2+$0x0], $0xffff;
	v16 =	vmul.f32 v19, v16;
	v24 =	vpop (erf)  }
0x29e: {  	v42 =	vmov s24;
	v11 =	vor.u32 v6, v20;
	v17 =	vld.idx.msk [tilespmem:v17+s2+$0x0], $0xffff;
	[tilespmem:s16+$0xFFFFFDE0] =	vst v15;
	v18 =	vmul.f32 v24, v18  }
0x29f: {  	v39 =	vshll.u32 v39, $0x3;
	s25 =	simm.s32 $0x40;
	v32 =	vor.u32 v4, v26;
	v35 =	vor.u32 v4, v12;
	v30 =	vld.idx.msk [tilespmem:v30+s2+$0x0], $0xffff;
	[tilespmem:s16+$0xFFFFFE00] =	vst v16;
	v21 =	vpop (erf)  }
0x2a0: {  	v47 =	vmov s25;
	v25 =	vld.idx.msk [tilespmem:v25+s2+$0x0], $0xffff;
	[tilespmem:s16+$0xFFFFFDF0] =	vst v18;
	v18 =	vmul.f32 v21, v29;
	v29 =	vadd.f32 $1.000000050e-03, v34  }
0x2a1: {  	s23 =	simm.s32 $0x50;
	v10 =	vor.u32 v6, v26;
	v41 =	vor.u32 v4, v23;
	v15 =	vshll.u32 v47, $0x3;
	v7 =	vld.idx.msk [tilespmem:v7+s2+$0x0], $0xffff  }
0x2a2: {  	v16 =	vmov s23;
	v36 =	vadd.f32 $1.000000050e-03, v36;
	v37 =	vld.idx.msk [tilespmem:v37+s2+$0x0], $0xffff;
	(erf) = vrcp.f32 v29  }
0x2a3: {  	v13 =	vor.u32 v6, v23;
	v15 =	vor.u32 v8, v15;
	v16 =	vshll.u32 v16, $0x3  }
0x2a4: {  	v34 =	vld.idx.msk [tilespmem:v32+s2+$0x0], $0xffff;
	v32 =	vor.u32 v4, v15;
	[tilespmem:s16+$0xFFFFFE10] =	vst v18;
	v51 =	vadd.f32 $1.000000050e-03, v30;
	(erf) = vrcp.f32 v36  }
0x2a5: {  	v29 =	vadd.f32 $1.000000050e-03, v17;
	v17 =	vor.u32 v8, v39;
	v49 =	vld.idx.msk [tilespmem:v40+s2+$0x0], $0xffff;
	v50 =	vmul.f32 v25, v19  }
0x2a6: {  	v18 =	vor.u32 v8, v16;
	v30 =	vld.idx.msk [tilespmem:v35+s2+$0x0], $0xffff;
	v7 =	vmul.f32 v7, v14;
	(erf) = vrcp.f32 v51  }
0x2a7: {  	v48 =	vshll.u32 v42, $0x3;
	s8 =	smul.u32 $0x1800, s8;
	v39 =	vor.u32 v9, v15;
	v25 =	vld.idx.msk [tilespmem:v33+s2+$0x0], $0xffff;
	[tilespmem:s16+$0x0] =	vst v50;
	v43 =	vmul.f32 v37, v24  }
0x2a8: {  	v16 =	vor.u32 v8, v48;
	v36 =	vor.u32 v9, v17;
	v40 =	vor.u32 v9, v18;
	v35 =	vld.idx.msk [tilespmem:v28+s2+$0x0], $0xffff  }
0x2a9: {  	s24 =	simm.s32 $0x60;
	s29 =	sshrl.u32 s8, $0x2;
	v33 =	vld.idx.msk [tilespmem:v41+s2+$0x0], $0xffff;
	(erf) = vrcp.f32 v29;
	v29 =	vor.u32 v4, v17;
	v37 =	vor.u32 v9, v16;
	[tilespmem:s16+$0xFFFFFFF0] =	vst v43  }
0x2aa: {  	s8 =	sadd.s32 $0xE7A0, s29;
	s21 =	smov.u32 s16;
	s23 =	simm.s32 $0x8;
	[tilespmem:s16+$0xFFFFFFE0] =	vst v7;
	v28 =	vor.u32 v4, v18;
	v7 =	vmov v31;
	v41 =	vmul.f32 v49, v21;
	v38 =	vld.idx.msk [tilespmem:v38+s2+$0x0], $0xffff  }
.LBB2_10:
0x2ab: {  	s25 =	sadd.s32 $0x8, s24;
	s23 =	sadd.s32 $0x4, s23;
	v42 =	vor.u32 v4, v16;
	v43 =	vor.u32 v6, v12;
	v6 =	vor.u32 $0x2, v4;
	v44 =	vpop (erf);
	v27 =	vld.idx.msk [tilespmem:v27+s2+$0x0], $0xffff;
	s16 =	sadd.s32 $0x40, s16  }
0x2ac: {  	s22 =	sadd.s32 $0x18, s24;
	v26 =	vor.u32 v7, v26;
	v45 =	vmov s25;
	s25 =	sadd.s32 $0x10, s24;
	p1 =	slt.u32 s23, $0x1C;
	v39 =	vld.idx.msk [tilespmem:v39+s2+$0x0], $0xffff;
	[tilespmem:s21+$0x10] =	vst v41;
	v41 =	vmovc v10;
	v10 =	vor.u32 v6, v18  }
0x2ad: {  	v47 =	vmov s22;
	v35 =	vmul.f32 v35, v19;
	v46 =	vmov s25;
	v40 =	vld.idx.msk [tilespmem:v40+s2+$0x0], $0xffff;
	v19 =	vpop (erf)  }
0x2ae: {  	v23 =	vor.u32 v7, v23;
	v48 =	vor.u32 v6, v17;
	v34 =	vmul.f32 v19, v34;
	v49 =	vld.idx.msk [tilespmem:v22+s2+$0x0], $0xffff  }
0x2af: {  	v20 =	vor.u32 v7, v20;
	v50 =	vor.u32 v6, v15;
	v22 =	vmov v43;
	v36 =	vld.idx.msk [tilespmem:v36+s2+$0x0], $0xffff;
	v51 =	vpop (erf);
	[tilespmem:s21+$0x200] =	vst v35  }
0x2b0: {  	v24 =	vmul.f32 v38, v24;
	v38 =	vmov v13;
	v35 =	vld.idx.msk [tilespmem:v37+s2+$0x0], $0xffff;
	v33 =	vmul.f32 v51, v33;
	[tilespmem:s16+$0xFFFFFE00] =	vst v34  }
0x2b1: {  	v7 =	vor.u32 v7, v12;
	v34 =	vmul.f32 v44, v25;
	v12 =	vmul.f32 v27, v14;
	v26 =	vld.idx.msk [tilespmem:v26+s2+$0x0], $0xffff  }
0x2b2: {  	v43 =	vshll.u32 v46, $0x3;
	v37 =	vshll.u32 v45, $0x3;
	v39 =	vadd.f32 $1.000000050e-03, v39;
	v25 =	vld.idx.msk [tilespmem:v32+s2+$0x0], $0xffff;
	[tilespmem:s16+$0xFFFFFDF0] =	vst v33;
	v32 =	vpop (erf)  }
0x2b3: {  	v33 =	vadd.f32 $1.000000050e-03, v40;
	v40 =	vld.idx.msk [tilespmem:v23+s2+$0x0], $0xffff;
	v23 =	vmul.f32 v32, v30  }
0x2b4: {  	v13 =	vmov v48;
	v45 =	vmov s24;
	v14 =	vmov v44;
	[tilespmem:s21+$0x1F0] =	vst v24  }
0x2b5: {  	v44 =	vshll.u32 v47, $0x3;
	v27 =	vmovc v11;
	v11 =	vmovc v50;
	v30 =	vshll.u32 v45, $0x3;
	[tilespmem:s16+$0xFFFFFDE0] =	vst v34;
	v34 =	vmul.f32 v49, v21  }
0x2b6: {  	v24 =	vmov v51;
	v21 =	vmov v32;
	(erf) = vrcp.f32 v39;
	v45 =	vld.idx.msk [tilespmem:v20+s2+$0x0], $0xffff;
	[tilespmem:s16+$0xFFFFFE10] =	vst v23  }
0x2b7: {  	v32 =	vadd.f32 $1.000000050e-03, v35;
	v20 =	vmov v15;
	v46 =	vld.idx.msk [tilespmem:v7+s2+$0x0], $0xffff;
	[tilespmem:s21+$0x210] =	vst v34;
	v23 =	vmov v17  }
0x2b8: {  	v34 =	vadd.f32 $1.000000050e-03, v36;
	(erf) = vrcp.f32 v33;
	v33 =	vmul.f32 v26, v19;
	[tilespmem:s21+$0x1E0] =	vst v12;
	v26 =	vmovc v18;
	v12 =	vmovc v16;
	s21 =	smov.u32 s16  }
0x2b9: {  	v15 =	vor.u32 v8, v30;
	v7 =	vmovc v31;
	v17 =	vor.u32 v8, v37;
	v18 =	vor.u32 v8, v43  }
.Ltmp3:
0x2ba: {  	v16 =	vor.u32 v8, v44;
	v30 =	vld.idx.msk [tilespmem:v42+s2+$0x0], $0xffff;
	(erf) = vrcp.f32 v34;
	[tilespmem:s16+$0x0] =	vst v33;
	(pc) =	sbr.rel @p1 .LBB2_10-.Ltmp3, $4  }
0x2bb: {  	v39 =	vor.u32 v9, v15;
	v36 =	vor.u32 v9, v17;
	v42 =	vmul.f32 v40, v24;
	v35 =	vld.idx.msk [tilespmem:v41+s2+$0x0], $0xffff  }
0x2bc: {  	v37 =	vor.u32 v9, v16;
	v40 =	vor.u32 v9, v18;
	v43 =	vmul.f32 v45, v14;
	v34 =	vld.idx.msk [tilespmem:v28+s2+$0x0], $0xffff  }
0x2bd: {  	v41 =	vmul.f32 v46, v21;
	v28 =	vor.u32 v4, v18;
	v33 =	vld.idx.msk [tilespmem:v29+s2+$0x0], $0xffff;
	(erf) = vrcp.f32 v32;
	[tilespmem:s16+$0xFFFFFFF0] =	vst v42  }
0x2be: {  	s24 =	sadd.s32 $0x20, s24;
	v32 =	vor.u32 v4, v15;
	v29 =	vor.u32 v4, v17;
	[tilespmem:s16+$0xFFFFFFE0] =	vst v43;
	v38 =	vld.idx.msk [tilespmem:v38+s2+$0x0], $0xffff  }
0x2bf: {  	_ =	sdelay $0x3  }
0x2c0: {  	v8 =	vld.idx.msk [tilespmem:v39+s2+$0x0], $0xffff  }
0x2c1: {  	v9 =	vld.idx.msk [tilespmem:v40+s2+$0x0], $0xffff;
	_ =	sdelay $0x1  }
0x2c2: {  	v36 =	vld.idx.msk [tilespmem:v36+s2+$0x0], $0xffff  }
0x2c3: {  	v37 =	vld.idx.msk [tilespmem:v37+s2+$0x0], $0xffff;
	_ =	sdelay $0x1  }
0x2c4: {  	v8 =	vadd.f32 $1.000000050e-03, v8;
	v9 =	vadd.f32 $1.000000050e-03, v9  }
0x2c5: {  	[tilespmem:s21+$0x10] =	vst v41;
	v27 =	vld.idx.msk [tilespmem:v27+s2+$0x0], $0xffff  }
0x2c6: {  	v22 =	vld.idx.msk [tilespmem:v22+s2+$0x0], $0xffff;
	v51 =	vadd.f32 $1.000000050e-03, v36;
	(erf) = vrcp.f32 v8  }
0x2c7: {  	v40 =	vadd.f32 $1.000000050e-03, v37;
	(erf) = vrcp.f32 v9  }
0x2c8: {  	v19 =	vmul.f32 v35, v19;
	v9 =	vpop (erf);
	(erf) = vrcp.f32 v51  }
0x2c9: {  	v42 =	vor.u32 v4, v16;
	v24 =	vmul.f32 v38, v24;
	v37 =	vpop (erf);
	(erf) = vrcp.f32 v40  }
0x2ca: {  	v23 =	vor.u32 v7, v23;
	[tilespmem:s21+$0x200] =	vst v19;
	v14 =	vmul.f32 v27, v14  }
0x2cb: {  	v26 =	vor.u32 v7, v26;
	v47 =	vld.idx.msk [tilespmem:v32+s2+$0x0], $0xffff;
	[tilespmem:s21+$0x1F0] =	vst v24;
	v21 =	vmul.f32 v22, v21;
	v35 =	vpop (erf)  }
0x2cc: {  	v28 =	vld.idx.msk [tilespmem:v28+s2+$0x0], $0xffff;
	v44 =	vor.u32 v7, v12;
	[tilespmem:s21+$0x1E0] =	vst v14;
	v43 =	vmul.f32 v35, v33  }
0x2cd: {  	s16 =	sadd.s32 $0x40, s16;
	v45 =	vld.idx.msk [tilespmem:v29+s2+$0x0], $0xffff;
	v7 =	vor.u32 v7, v20;
	[tilespmem:s21+$0x210] =	vst v21;
	v34 =	vmul.f32 v37, v34;
	v33 =	vpop (erf)  }
0x2ce: {  	v36 =	vor.u32 v31, v15;
	v8 =	vld.idx.msk [tilespmem:v42+s2+$0x0], $0xffff;
	v46 =	vmul.f32 v33, v30;
	[tilespmem:s16+$0xFFFFFDF0] =	vst v43  }
0x2cf: {  	v48 =	vor.u32 v31, v18;
	v25 =	vmul.f32 v9, v25;
	[tilespmem:s16+$0xFFFFFE00] =	vst v34;
	v23 =	vld.idx.msk [tilespmem:v23+s2+$0x0], $0xffff;
	v22 =	vpop (erf)  }
0x2d0: {  	v49 =	vor.u32 v31, v17;
	v26 =	vld.idx.msk [tilespmem:v26+s2+$0x0], $0xffff;
	[tilespmem:s16+$0xFFFFFE10] =	vst v46;
	v20 =	vpop (erf);
	v39 =	vmul.f32 v22, v47  }
0x2d1: {  	s25 =	sadd.s32 $0x40, s16;
	v51 =	vor.u32 v31, v16;
	[tilespmem:s16+$0xFFFFFDE0] =	vst v25;
	v34 =	vld.idx.msk [tilespmem:v44+s2+$0x0], $0xffff;
	v50 =	vmul.f32 v20, v28;
	v28 =	vpop (erf)  }
0x2d2: {  	v6 =	vor.u32 v6, v12;
	v4 =	vor.u32 $0x2, v4;
	v7 =	vld.idx.msk [tilespmem:v7+s2+$0x0], $0xffff;
	v19 =	vmul.f32 v28, v45;
	v38 =	vpop (erf);
	[tilespmem:s25+$0xFFFFFDE0] =	vst v39  }
0x2d3: {  	v46 =	vor.u32 v4, v17;
	[tilespmem:s25+$0xFFFFFE00] =	vst v50;
	v8 =	vmul.f32 v38, v8;
	v14 =	vld.idx.msk [tilespmem:v36+s2+$0x0], $0xffff  }
0x2d4: {  	v44 =	vor.u32 v4, v18;
	v42 =	vmul.f32 v23, v35;
	v40 =	vld.idx.msk [tilespmem:v48+s2+$0x0], $0xffff;
	[tilespmem:s25+$0xFFFFFDF0] =	vst v19  }
0x2d5: {  	v47 =	vor.u32 v4, v16;
	v41 =	vmul.f32 v26, v37;
	v19 =	vld.idx.msk [tilespmem:v49+s2+$0x0], $0xffff;
	[tilespmem:s25+$0xFFFFFE10] =	vst v8  }
0x2d6: {  	v4 =	vor.u32 v4, v15;
	v45 =	vmul.f32 v34, v33;
	[tilespmem:s16+$0xFFFFFFF0] =	vst v42;
	v43 =	vld.idx.msk [tilespmem:v51+s2+$0x0], $0xffff  }
0x2d7: {  	v7 =	vmul.f32 v7, v9;
	[tilespmem:s16+$0x0] =	vst v41;
	v8 =	vld.idx.msk [tilespmem:v13+s2+$0x0], $0xffff  }
0x2d8: {  	v10 =	vld.idx.msk [tilespmem:v10+s2+$0x0], $0xffff;
	[tilespmem:s16+$0x10] =	vst v45;
	v14 =	vmul.f32 v14, v22  }
0x2d9: {  	[tilespmem:s16+$0xFFFFFFE0] =	vst v7;
	v6 =	vld.idx.msk [tilespmem:v6+s2+$0x0], $0xffff;
	v48 =	vmul.f32 v40, v20  }
0x2da: {  	v11 =	vld.idx.msk [tilespmem:v11+s2+$0x0], $0xffff;
	v7 =	vmul.f32 v19, v28;
	[tilespmem:s25+$0xFFFFFFE0] =	vst v14  }
0x2db: {  	[tilespmem:s25+$0x0] =	vst v48;
	v49 =	vmul.f32 v43, v38;
	v4 =	vld.idx.msk [tilespmem:v4+s2+$0x0], $0xffff  }
0x2dc: {  	v8 =	vmul.f32 v8, v35;
	v50 =	vld.idx.msk [tilespmem:v44+s2+$0x0], $0xffff;
	[tilespmem:s25+$0xFFFFFFF0] =	vst v7  }
0x2dd: {  	v7 =	vmul.f32 v10, v37;
	v51 =	vld.idx.msk [tilespmem:v46+s2+$0x0], $0xffff;
	[tilespmem:s25+$0x10] =	vst v49  }
0x2de: {  	v6 =	vmul.f32 v6, v33;
	[tilespmem:s16+$0x1F0] =	vst v8;
	v12 =	vld.idx.msk [tilespmem:v47+s2+$0x0], $0xffff  }
0x2df: {  	[tilespmem:s16+$0x200] =	vst v7;
	v7 =	vmul.f32 v11, v9  }
0x2e0: {  	[tilespmem:s16+$0x210] =	vst v6;
	v4 =	vmul.f32 v4, v22  }
0x2e1: {  	s22 =	sshll.u32 s13, $0x9;
	[tilespmem:s16+$0x1E0] =	vst v7;
	v6 =	vmul.f32 v50, v20  }
0x2e2: {  	s2 =	sadd.s32 s20, s22;
	v7 =	vmul.f32 v51, v28;
	[tilespmem:s25+$0x1E0] =	vst v4  }
0x2e3: {  	s23 =	sor.u32 s15, s2;
	[tilespmem:s25+$0x200] =	vst v6;
	v6 =	vmul.f32 v12, v38  }
0x2e4: {  	p1 =	sne.s32 s11, $0x20;
	s13 =	sshrl.u32 s23, $0x3;
	[tilespmem:s25+$0x1F0] =	vst v7  }
0x2e5: {  	p0 =	por !p0, !p0;
	s24 =	sadd.s32 s17, s2;
	s13 =	sadd.s32 s1, s13;
	[tilespmem:s25+$0x210] =	vst v6  }
0x2e6: {  	[hbm4b:s13+s5] =	stream.linear.scatter [tilespmem:s8], [sflag:$0x5], $0x200, $0x38;
	[tilespmem:$0x1F3E0] =	vst v63  }
.Ltmp4:
0x2e7: {  	s2 =	sadd.s32 s26, s2;
	s8 =	sshrl.u32 s24, $0x3;
	(pc) =	sbr.rel @p1 .LBB2_9-.Ltmp4, $4  }
0x2e8: {  	s2 =	sshrl.u32 s2, $0x3;
	s25 =	sadd.s32 $0xE9A0, s29;
	s8 =	sadd.s32 s1, s8  }
0x2e9: {  	[hbm4b:s8+s5] =	stream.linear.scatter [tilespmem:s25], [sflag:$0x5], $0x200, $0x38;
	[tilespmem:$0x1F3E0] =	vst v63  }
0x2ea: {  	s2 =	sadd.s32 s1, s2;
	s29 =	sadd.s32 $0xEBA0, s29;
	s13 =	smov.u32 s11  }
0x2eb: {  	[hbm4b:s2+s5] =	stream.linear.scatter [tilespmem:s29], [sflag:$0x5], $0x200, $0x38;
	[tilespmem:$0x1F3E0] =	vst v63  }
0x2ec: {  	_ =	swait.ge [sflag:s10], $0x200  }
0x2ed: {  	[sflag:s10] =	ssyncset.done $0x0  }
0x2ee: {  	[sflag:s10] =	ssyncadd.s32 $0xFFFFFE00  }
0x2ef: {  	_ =	swait.ge [sflag:s10], $0x200  }
0x2f0: {  	[sflag:s10] =	ssyncset.done $0x0  }
0x2f1: {  	[sflag:s10] =	ssyncadd.s32 $0xFFFFFE00  }
0x2f2: {  	_ =	swait.ge [sflag:s10], $0x200  }
0x2f3: {  	[sflag:s10] =	ssyncset.done $0x0  }
0x2f4: {  	[sflag:s10] =	ssyncadd.s32 $0xFFFFFE00  }
0x2f5: {  	_ =	swait.ge [sflag:s10], $0x200  }
0x2f6: {  	[sflag:s10] =	ssyncset.done $0x0  }
0x2f7: {  	[sflag:s10] =	ssyncadd.s32 $0xFFFFFE00  }
0x2f8: {  	_ =	swait.ge [sflag:s10], $0x200  }
0x2f9: {  	[sflag:s10] =	ssyncset.done $0x0  }
0x2fa: {  	[sflag:s10] =	ssyncadd.s32 $0xFFFFFE00  }
0x2fb: {  	_ =	swait.ge [sflag:s10], $0x200  }
0x2fc: {  	[sflag:s10] =	ssyncset.done $0x0  }
0x2fd: {  	[sflag:s10] =	ssyncadd.s32 $0xFFFFFE00  }
0x2fe: {  	[bflag:$0x0] =	sbarrier.arrive $0xFFFF  }
0x2ff: {  	v41 =	vld [tilespmem:$0x1FFF0]  }
0x300: {  	v44 =	vmov v54;
	v54 =	vld [tilespmem:$0x1FFE0]  }
0x301: {  	v45 =	vmov v56;
	v56 =	vld [tilespmem:$0x1FF30]  }
0x302: {  	v46 =	vmov v57;
	v57 =	vld [tilespmem:$0x1FF60]  }
0x303: {  	s19 =	sadd.s32 $0x1, s19;
	v47 =	vmov v58;
	v58 =	vld [tilespmem:$0x1FF70]  }
0x304: {  	v48 =	vmov v59;
	p0 =	sne.s32 s19, $0x8;
	v59 =	vld [tilespmem:$0x1FF80]  }
.Ltmp5:
0x305: {  	v50 =	vmov v60;
	v60 =	vld [tilespmem:$0x1FF90];
	(pc) =	sbr.rel @p0 .LBB2_4-.Ltmp5, $4  }
0x306: {  	v51 =	vmov v61;
	v61 =	vld [tilespmem:$0x1FFA0]  }
0x307: {  	v43 =	vmov v52;
	v52 =	vmov v62;
	v62 =	vld [tilespmem:$0x1FFB0]  }
0x308: {  	v42 =	vld [tilespmem:$0x1FFC0]  }
0x309: {  	v49 =	vmovc v53;
	v37 =	vmov v55;
	v53 =	vmov v3;
	v3 =	vimm.s32 $0x0;
	v38 =	vld [tilespmem:$0x1FFD0]  }
0x30a: {  	s8 =	rddreg [dreg:$0x15]  }
0x30b: {  	s2 =	rddreg [dreg:$0xd];
	s8 =	sadd.s32 $0x1, s8  }
0x30c: {  	p0 =	sne.s32 s8, s2  }
.Ltmp6:
0x30d: {  	_ = 	snop;
	(pc) =	sbr.rel @p0 .LBB2_1-.Ltmp6, $2  }
0x30e: {  	_ =	sdelay $0x2  }
0x30f: {  	v39 =	vmov v2;
	v40 =	vmov v63  }
0x310: {  	_ =	sfence.sel $0x180000  }
0x311: {  	[bflag:$0x0] =	sbarrier.arrive $0xFFFF  }
0x312: {  	_ =	strace $0x90000047  }
0x313: {  	s0 =	stileid.u32;
	[bflag:$0x2] =	sbarrier.arrive $0xFFFF  }
0x314: {  	p0 =	sne.s32 s0, $0x0;
	s0 =	rddreg [dreg:$0x4]  }
0x315: {  	s0 =	sadd.s32 @!p0 $0x100000, s0  }
0x316: {  	[sflag:s0] =	ssyncadd.tile.s32 @!p0 $0x1;
	_ =	shalt  }
.Lfunc_end2:
_tile_overlayer_lowered:
.L_overlay_start_2:
0x317: {  	(tag) =	ssettag $0x2  }
0x318: {  	s0 =	rddreg [dreg:$0x0];
	s2 =	stileid.u32  }
0x319: {  	s1 =	rddreg [dreg:$0x1];
	p0 =	sne.s32 s2, $0x0  }
0x31a: {  	s3 =	rddreg [dreg:$0x2];
	[bflag:$0x3] =	sbarrier.arrive $0xFFFF;
	s2 =	simm.s32 @!p0 $0x1C06  }
0x31b: {  	[timem:s3], [sflag:s2] =	dma.local @!p0 [hbm:s0], s1  }
0x31c: {  	s0 =	simm.s32 @!p0 $0x6  }
0x31d: {  	_ =	swait.ge @!p0 [sflag:s0], s1  }
0x31e: {  	s1 =	ssub.s32 @!p0 $0x0, s1;
	[sflag:s0] =	ssyncset.done @!p0 $0x0  }
0x31f: {  	[sflag:s0] =	ssyncadd.s32 @!p0 s1  }
0x320: {  	[bflag:$0x3] =	sbarrier.arrive $0xFFFF  }
0x321: {  	_ =	shalt  }

</sc_bundles>
